<compile_context>
chip_gen: v7x
topology: tpu7x:2x2x1
jax: 0.10.2.dev20260603
libtpu: 0.0.44.dev20260713+nightly
codegen_flags: <defaults>
</compile_context>

<pallas_src>
import functools

import jax
import jax.numpy as jnp
from jax import lax
from jax.experimental import pallas as pl
from jax.experimental.pallas import tpu as pltpu
from jax.experimental.pallas import tpu_sc as plsc

NC = 2
NS = 16
L = 16
NW = NC * NS
ALIGN = NW * 1024

F32 = jnp.float32
I32 = jnp.int32

_SC_PARAMS = pltpu.CompilerParams(needs_layout_passes=False)


def _mesh():
    return plsc.VectorSubcoreMesh(core_axis_name="c", subcore_axis_name="s",
                                  num_cores=NC, num_subcores=NS)


def _fill(buf, n, val):
    vv = jnp.full((L,), val, F32)
    un = 8 if n % (8 * L) == 0 else 1

    def body(i, _):
        for j in range(un):
            buf[pl.ds((i * un + j) * L, L)] = vv
        return 0

    lax.fori_loop(0, n // (un * L), body, 0)


def _zero_fill(buf, n):
    _fill(buf, n, 0.0)


def _sc_deg(dst_flat, n_pad):
    e_pad = dst_flat.shape[0]
    er = e_pad // NW
    n_sl = n_pad // NS

    @functools.partial(
        pl.kernel,
        out_type=jax.ShapeDtypeStruct((NC * n_pad,), F32),
        mesh=_mesh(),
        compiler_params=_SC_PARAMS,
        scratch_types=[
            pltpu.VMEM((er,), I32),
            pltpu.VMEM((er,), F32),
            pltpu.VMEM((n_sl,), F32),
            pltpu.VMEM_SHARED((n_pad,), F32),
        ],
    )
    def k(dst_hbm, deg_out, dst_v, ones_v, zrb_v, acc):
        cid = lax.axis_index("c")
        sid = lax.axis_index("s")
        wid = cid * NS + sid
        _zero_fill(zrb_v, n_sl)
        _fill(ones_v, er, 1.0)
        pltpu.sync_copy(zrb_v, acc.at[pl.ds(sid * n_sl, n_sl)])
        plsc.subcore_barrier()
        pltpu.sync_copy(dst_hbm.at[pl.ds(wid * er, er)], dst_v)
        pltpu.sync_copy(ones_v, acc.at[dst_v], add=True)
        plsc.subcore_barrier()
        pltpu.sync_copy(acc.at[pl.ds(sid * n_sl, n_sl)], zrb_v)
        pltpu.sync_copy(zrb_v, deg_out.at[pl.ds(cid * n_pad + sid * n_sl,
                                                n_sl)])

    return k(dst_flat)


def _tc_matvec(x, W1, W2):
    n, d_in = x.shape
    blk = 400
    grid = n // blk

    def body(x_ref, w1_ref, w2_ref, y_ref):
        w = w1_ref[...] @ w2_ref[...]
        y_ref[...] = x_ref[...] @ w

    return pl.pallas_call(
        body,
        grid=(grid,),
        in_specs=[
            pl.BlockSpec((blk, d_in), lambda i: (i, 0)),
            pl.BlockSpec(W1.shape, lambda i: (0, 0)),
            pl.BlockSpec(W2.shape, lambda i: (0, 0)),
        ],
        out_specs=pl.BlockSpec((blk, 1), lambda i: (i, 0)),
        out_shape=jax.ShapeDtypeStruct((n, 1), F32),
    )(x, W1, W2)


def _tc_dis_u0(deg_p, y_pad):
    n_pad = y_pad.shape[0]
    r = n_pad // 128
    deg3 = deg_p.reshape(NC, r, 128)
    y2 = y_pad.reshape(r, 128)

    def body(deg_ref, y_ref, dis_ref, u0_ref):
        d = deg_ref[0] + deg_ref[1] + jnp.float32(1.0)
        dis = lax.rsqrt(d)
        dis_ref[...] = dis
        u0_ref[...] = dis * y_ref[...]

    dis, u0 = pl.pallas_call(
        body,
        out_shape=(jax.ShapeDtypeStruct((r, 128), F32),
                   jax.ShapeDtypeStruct((r, 128), F32)),
    )(deg3, y2)
    return dis.reshape(n_pad), u0.reshape(n_pad)


def _sc_hop(src_flat, dst_flat, u):
    n_pad = u.shape[0]
    e_pad = src_flat.shape[0]
    er = e_pad // NW
    nblk = 4
    cb = er // nblk
    n_sl = n_pad // NS

    @functools.partial(
        pl.kernel,
        out_type=jax.ShapeDtypeStruct((NC * n_pad,), F32),
        mesh=_mesh(),
        compiler_params=_SC_PARAMS,
        scratch_types=[
            pltpu.VMEM((n_pad,), F32),
            pltpu.VMEM((cb,), I32),
            pltpu.VMEM((cb,), I32), pltpu.VMEM((cb,), I32),
            pltpu.VMEM((cb,), F32), pltpu.VMEM((cb,), F32),
            pltpu.VMEM((n_sl,), F32),
            pltpu.VMEM_SHARED((n_pad,), F32),
            pltpu.SemaphoreType.DMA,
            pltpu.SemaphoreType.DMA,
            pltpu.SemaphoreType.DMA,
        ],
    )
    def k(src_hbm, dst_hbm, u_hbm, t_out, u_v, src_v, dst_v0, dst_v1,
          msg_v0, msg_v1, zrb_v, acc, usem, ssem0, ssem1):
        cid = lax.axis_index("c")
        sid = lax.axis_index("s")
        wid = cid * NS + sid
        ucp = pltpu.async_copy(u_hbm, u_v, usem)
        _zero_fill(zrb_v, n_sl)
        pltpu.sync_copy(zrb_v, acc.at[pl.ds(sid * n_sl, n_sl)])
        ucp.wait()
        plsc.subcore_barrier()
        dst_bufs = (dst_v0, dst_v1)
        msg_bufs = (msg_v0, msg_v1)
        sems = (ssem0, ssem1)
        scat = [None, None]
        for b in range(nblk):
            base = wid * er + b * cb
            dst_v = dst_bufs[b % 2]
            msg_v = msg_bufs[b % 2]
            if scat[b % 2] is not None:
                scat[b % 2].wait()
            pltpu.sync_copy(src_hbm.at[pl.ds(base, cb)], src_v)
            pltpu.sync_copy(dst_hbm.at[pl.ds(base, cb)], dst_v)

            def gath(i, _):
                for j in range(8):
                    s = pl.ds((i * 8 + j) * L, L)
                    msg_v[s] = plsc.load_gather(u_v, [src_v[s]])
                return 0

            lax.fori_loop(0, cb // (8 * L), gath, 0)
            scat[b % 2] = pltpu.async_copy(msg_v, acc.at[dst_v], sems[b % 2],
                                           add=True)
        scat[(nblk - 2) % 2].wait()
        scat[(nblk - 1) % 2].wait()
        plsc.subcore_barrier()
        pltpu.sync_copy(acc.at[pl.ds(sid * n_sl, n_sl)], zrb_v)
        pltpu.sync_copy(zrb_v, t_out.at[pl.ds(cid * n_pad + sid * n_sl,
                                              n_sl)])

    return k(src_flat, dst_flat, u)


def _tc_u_next(t_p, u, dis):
    n_pad = u.shape[0]
    r = n_pad // 128
    t3 = t_p.reshape(NC, r, 128)

    def body(t_ref, u_ref, dis_ref, un_ref):
        d = dis_ref[...]
        un_ref[...] = d * d * (t_ref[0] + t_ref[1] + u_ref[...])

    un = pl.pallas_call(
        body,
        out_shape=jax.ShapeDtypeStruct((r, 128), F32),
    )(t3, u.reshape(r, 128), dis.reshape(r, 128))
    return un.reshape(n_pad)


def _sc_pool(t_p, u, dis, batch_pad, g_pad):
    n_pad = u.shape[0]
    ch = n_pad // NW
    g_sl = g_pad // NS

    @functools.partial(
        pl.kernel,
        out_type=(jax.ShapeDtypeStruct((NC * g_pad,), F32),
                  jax.ShapeDtypeStruct((NC * g_pad,), F32)),
        mesh=_mesh(),
        compiler_params=_SC_PARAMS,
        scratch_types=[
            pltpu.VMEM((ch,), F32), pltpu.VMEM((ch,), F32),
            pltpu.VMEM((ch,), F32), pltpu.VMEM((ch,), F32),
            pltpu.VMEM((ch,), I32),
            pltpu.VMEM((g_pad,), F32), pltpu.VMEM((g_pad,), F32),
            pltpu.VMEM((g_sl,), F32), pltpu.VMEM((g_sl,), F32),
            pltpu.VMEM((g_sl,), F32),
            pltpu.VMEM_SHARED((NS * g_pad,), F32),
            pltpu.VMEM_SHARED((NS * g_pad,), F32),
        ],
    )
    def k(tp_hbm, u_hbm, dis_hbm, bat_hbm, pool_out, cnt_out, t0_v, t1_v,
          u_v, dis_v, bat_v, locp_v, locc_v, sump_v, sumc_v, tmp_v,
          stage_p, stage_c):
        cid = lax.axis_index("c")
        sid = lax.axis_index("s")
        wid = cid * NS + sid
        base = wid * ch
        _zero_fill(locp_v, g_pad)
        _zero_fill(locc_v, g_pad)
        pltpu.sync_copy(tp_hbm.at[pl.ds(base, ch)], t0_v)
        pltpu.sync_copy(tp_hbm.at[pl.ds(n_pad + base, ch)], t1_v)
        pltpu.sync_copy(u_hbm.at[pl.ds(base, ch)], u_v)
        pltpu.sync_copy(dis_hbm.at[pl.ds(base, ch)], dis_v)
        pltpu.sync_copy(bat_hbm.at[pl.ds(base, ch)], bat_v)
        ov = jnp.ones((L,), F32)

        def zbody(i, _):
            s = pl.ds(i * L, L)
            z = dis_v[s] * (t0_v[s] + t1_v[s] + u_v[s])
            idx = bat_v[s]
            plsc.addupdate_scatter(locp_v, [idx], z)
            plsc.addupdate_scatter(locc_v, [idx], ov)
            return 0

        lax.fori_loop(0, ch // L, zbody, 0)
        pltpu.sync_copy(locp_v, stage_p.at[pl.ds(sid * g_pad, g_pad)])
        pltpu.sync_copy(locc_v, stage_c.at[pl.ds(sid * g_pad, g_pad)])
        plsc.subcore_barrier()
        _zero_fill(sump_v, g_sl)
        _zero_fill(sumc_v, g_sl)
        for j in range(NS):
            pltpu.sync_copy(stage_p.at[pl.ds(j * g_pad + sid * g_sl, g_sl)],
                            tmp_v)
            for i in range(g_sl // L):
                s = pl.ds(i * L, L)
                sump_v[s] = sump_v[s] + tmp_v[s]
            pltpu.sync_copy(stage_c.at[pl.ds(j * g_pad + sid * g_sl, g_sl)],
                            tmp_v)
            for i in range(g_sl // L):
                s = pl.ds(i * L, L)
                sumc_v[s] = sumc_v[s] + tmp_v[s]
        pltpu.sync_copy(sump_v, pool_out.at[pl.ds(cid * g_pad + sid * g_sl,
                                                  g_sl)])
        pltpu.sync_copy(sumc_v, cnt_out.at[pl.ds(cid * g_pad + sid * g_sl,
                                                 g_sl)])

    return k(t_p, u, dis, batch_pad)


def _tc_final(pool_p, cnt_p, b1, W2, b2, g_pad):
    gr = g_pad // 128

    def body(pool_ref, cnt_ref, b1_ref, w2_ref, b2_ref, o_ref):
        c1s = jnp.sum(b1_ref[...] * w2_ref[...])
        pooled = pool_ref[0] + pool_ref[1]
        cnt = cnt_ref[0] + cnt_ref[1]
        o_ref[...] = pooled + cnt * c1s + b2_ref[0, 0]

    out = pl.pallas_call(
        body,
        out_shape=jax.ShapeDtypeStruct((gr, 128), F32),
    )(pool_p.reshape(NC, gr, 128), cnt_p.reshape(NC, gr, 128),
      b1.reshape(1, -1), W2.reshape(1, -1), b2.reshape(1, 1))
    return out.reshape(g_pad)


def kernel(x, edge_index, batch, W1, b1, W2, b2):
    n = x.shape[0]
    e = edge_index.shape[1]
    g = 512
    g_pad = 1024
    n_pad = ((n + 1 + ALIGN - 1) // ALIGN) * ALIGN
    e_pad = ((e + ALIGN - 1) // ALIGN) * ALIGN

    src_flat = jnp.concatenate([edge_index[0], jnp.zeros((e_pad - e,), I32)])
    dst_flat = jnp.concatenate([edge_index[1], jnp.full((e_pad - e,), n, I32)])
    batch_pad = jnp.concatenate([batch, jnp.full((n_pad - n,), g, I32)])

    deg_p = _sc_deg(dst_flat, n_pad)
    y = _tc_matvec(x, W1, W2)
    y_pad = jnp.concatenate([y[:, 0], jnp.zeros((n_pad - n,), F32)])
    dis, u0 = _tc_dis_u0(deg_p, y_pad)
    t1_p = _sc_hop(src_flat, dst_flat, u0)
    u1 = _tc_u_next(t1_p, u0, dis)
    t2_p = _sc_hop(src_flat, dst_flat, u1)
    pool_p, cnt_p = _sc_pool(t2_p, u1, dis, batch_pad, g_pad)
    out = _tc_final(pool_p, cnt_p, b1, W2, b2, g_pad)
    return out[:g].reshape(g, 1)

# --- scband reference (transcript-rebuilt; emitter-appended) ---
"""Pipeline reference for scband-sgc-7103875907621 (READ-ONLY COPY).

The authoritative reference and input builder live on the scoring server;
editing this copy changes nothing except your own understanding.
"""

import jax, jax.numpy as jnp
import numpy as np

N = 50000
E = 800000
G = 512
D_IN = 75
D_HID = 128
K_HOPS = 2


def setup_inputs(seed: int = 0) -> dict:
    key = jax.random.key(seed)
    k1, k2, k3, k4, k5, k6, k7 = jax.random.split(key, 7)
    x = jax.random.normal(k1, (N, D_IN), dtype=jnp.float32)
    edge_index = jax.random.randint(k2, (2, E), 0, N, dtype=jnp.int32)
    batch = jnp.sort(jax.random.randint(k3, (N,), 0, G, dtype=jnp.int32))
    # SGConv linear (applied after K propagations): in=75, out=128
    W1 = jax.random.normal(k4, (D_IN, D_HID), dtype=jnp.float32) * (1.0 / np.sqrt(D_IN))
    b1 = jnp.zeros((D_HID,), dtype=jnp.float32)
    # gather_layer: Linear(128, 1)
    W2 = jax.random.normal(k5, (D_HID, 1), dtype=jnp.float32) * (1.0 / np.sqrt(D_HID))
    b2 = jnp.zeros((1,), dtype=jnp.float32)
    return {"x": x, "edge_index": edge_index, "batch": batch, "W1": W1, "b1": b1, "W2": W2, "b2": b2}


def reference(x, edge_index, batch, W1, b1, W2, b2):
    n = x.shape[0]
    loop = jnp.arange(n, dtype=edge_index.dtype)
    # gcn_norm with added self-loops (PyG default for SGConv)
    src = jnp.concatenate([edge_index[0], loop])
    dst = jnp.concatenate([edge_index[1], loop])
    deg = jnp.zeros((n,), dtype=x.dtype).at[dst].add(1.0)
    dis = jnp.where(deg > 0, jax.lax.rsqrt(jnp.maximum(deg, 1e-12)), 0.0)
    norm = dis[src] * dis[dst]
    # K=2 propagation hops: h <- A_hat @ h (gather + scatter-add)
    h = x
    for _ in range(K_HOPS):
        msgs = h[src] * norm[:, None]
        h = jnp.zeros_like(h).at[dst].add(msgs)
    # SGConv linear
    h = h @ W1 + b1
    # global_add_pool over graph ids
    pooled = jax.ops.segment_sum(h, batch, num_segments=G)
    # gather_layer
    out = pooled @ W2 + b2
    return out

if __name__ == "__main__":
    import jax
    _d = setup_inputs()
    print(jax.jit(kernel)(*tuple(_d.values())))

</pallas_src>

<mosaic_0001>
#map = affine_map<(d0, d1) -> (0)>
module attributes {stable_mosaic.version = 14 : i64} {
  func.func @k(%arg0: i32, %arg1: i32, %arg2: memref<819200xi32, #tpu.memory_space<hbm>>, %arg3: memref<819200xi32, #tpu.memory_space<hbm>>, %arg4: memref<65536xf32, #tpu.memory_space<hbm>>, %arg5: memref<131072xf32, #tpu.memory_space<hbm>>, %arg6: memref<65536xf32, #tpu.memory_space<vmem>>, %arg7: memref<6400xi32, #tpu.memory_space<vmem>>, %arg8: memref<6400xi32, #tpu.memory_space<vmem>>, %arg9: memref<6400xi32, #tpu.memory_space<vmem>>, %arg10: memref<6400xf32, #tpu.memory_space<vmem>>, %arg11: memref<6400xf32, #tpu.memory_space<vmem>>, %arg12: memref<4096xf32, #tpu.memory_space<vmem>>, %arg13: memref<65536xf32, #tpu.memory_space<vmem_shared>>, %arg14: memref<!tpu.dma_semaphore, #tpu.memory_space<semaphore_mem>>, %arg15: memref<!tpu.dma_semaphore, #tpu.memory_space<semaphore_mem>>, %arg16: memref<!tpu.dma_semaphore, #tpu.memory_space<semaphore_mem>>) attributes {dimension_semantics = [#tpu.dimension_semantics<core_parallel>, #tpu.dimension_semantics<subcore_parallel>], iteration_bounds = array<i64: 2, 16>, scalar_prefetch = 0 : i64, scratch_operands = 11 : i64, tpu.core_type = #tpu.core_type<sc_vector_subcore>, window_params = [{transform_indices = #map}, {transform_indices = #map}, {transform_indices = #map}, {transform_indices = #map}]} {
    %mul3A = arith.constant 16 : i32
    %mul3A_0 = arith.muli %arg0, %mul3A : i32
    %add3A = arith.addi %mul3A_0, %arg1 : i32
    tpu.enqueue_dma source(%arg4 : memref<65536xf32, #tpu.memory_space<hbm>>) target(%arg6 : memref<65536xf32, #tpu.memory_space<vmem>>) target_semaphore(%arg14 : memref<!tpu.dma_semaphore, #tpu.memory_space<semaphore_mem>>)
    %broadcast_in_dim3A = arith.constant 0.000000e+00 : f32
    %broadcast_in_dim3A_1 = vector.broadcast %broadcast_in_dim3A : f32 to vector<16xf32>
    %scan3A = arith.constant 0 : i32
    %scan3A_2 = arith.constant 0 : i32
    %scan3A_3 = arith.constant 32 : i32
    %scan3A_4 = arith.addi %scan3A_2, %scan3A_3 : i32
    %scan3A_5 = arith.constant 1 : i32
    %scan3A_6 = scf.for %scan3A_76 = %scan3A_2 to %scan3A_4 step %scan3A_5 iter_args(%scan3A_77 = %scan3A) -> (i32)  : i32 {
      %mul3A_78 = arith.constant 8 : i32
      %mul3A_79 = arith.muli %scan3A_76, %mul3A_78 : i32
      %add3A_80 = arith.constant 0 : i32
      %add3A_81 = arith.addi %mul3A_79, %add3A_80 : i32
      %mul3A_82 = arith.constant 16 : i32
      %mul3A_83 = arith.muli %add3A_81, %mul3A_82 : i32
      %swap3A = arith.index_cast %mul3A_83 : i32 to index
      %swap3A_84 = tpu.vector_load %arg12[%swap3A] {strides = array<i32>} : memref<4096xf32, #tpu.memory_space<vmem>>, vector<16xf32>,
      tpu.vector_store %arg12[%swap3A], %broadcast_in_dim3A_1 {strides = array<i32>} : memref<4096xf32, #tpu.memory_space<vmem>>, vector<16xf32>,
      %mul3A_85 = arith.constant 8 : i32
      %mul3A_86 = arith.muli %scan3A_76, %mul3A_85 : i32
      %add3A_87 = arith.constant 1 : i32
      %add3A_88 = arith.addi %mul3A_86, %add3A_87 : i32
      %mul3A_89 = arith.constant 16 : i32
      %mul3A_90 = arith.muli %add3A_88, %mul3A_89 : i32
      %swap3A_91 = arith.index_cast %mul3A_90 : i32 to index
      %swap3A_92 = tpu.vector_load %arg12[%swap3A_91] {strides = array<i32>} : memref<4096xf32, #tpu.memory_space<vmem>>, vector<16xf32>,
      tpu.vector_store %arg12[%swap3A_91], %broadcast_in_dim3A_1 {strides = array<i32>} : memref<4096xf32, #tpu.memory_space<vmem>>, vector<16xf32>,
      %mul3A_93 = arith.constant 8 : i32
      %mul3A_94 = arith.muli %scan3A_76, %mul3A_93 : i32
      %add3A_95 = arith.constant 2 : i32
      %add3A_96 = arith.addi %mul3A_94, %add3A_95 : i32
      %mul3A_97 = arith.constant 16 : i32
      %mul3A_98 = arith.muli %add3A_96, %mul3A_97 : i32
      %swap3A_99 = arith.index_cast %mul3A_98 : i32 to index
      %swap3A_100 = tpu.vector_load %arg12[%swap3A_99] {strides = array<i32>} : memref<4096xf32, #tpu.memory_space<vmem>>, vector<16xf32>,
      tpu.vector_store %arg12[%swap3A_99], %broadcast_in_dim3A_1 {strides = array<i32>} : memref<4096xf32, #tpu.memory_space<vmem>>, vector<16xf32>,
      %mul3A_101 = arith.constant 8 : i32
      %mul3A_102 = arith.muli %scan3A_76, %mul3A_101 : i32
      %add3A_103 = arith.constant 3 : i32
      %add3A_104 = arith.addi %mul3A_102, %add3A_103 : i32
      %mul3A_105 = arith.constant 16 : i32
      %mul3A_106 = arith.muli %add3A_104, %mul3A_105 : i32
      %swap3A_107 = arith.index_cast %mul3A_106 : i32 to index
      %swap3A_108 = tpu.vector_load %arg12[%swap3A_107] {strides = array<i32>} : memref<4096xf32, #tpu.memory_space<vmem>>, vector<16xf32>,
      tpu.vector_store %arg12[%swap3A_107], %broadcast_in_dim3A_1 {strides = array<i32>} : memref<4096xf32, #tpu.memory_space<vmem>>, vector<16xf32>,
      %mul3A_109 = arith.constant 8 : i32
      %mul3A_110 = arith.muli %scan3A_76, %mul3A_109 : i32
      %add3A_111 = arith.constant 4 : i32
      %add3A_112 = arith.addi %mul3A_110, %add3A_111 : i32
      %mul3A_113 = arith.constant 16 : i32
      %mul3A_114 = arith.muli %add3A_112, %mul3A_113 : i32
      %swap3A_115 = arith.index_cast %mul3A_114 : i32 to index
      %swap3A_116 = tpu.vector_load %arg12[%swap3A_115] {strides = array<i32>} : memref<4096xf32, #tpu.memory_space<vmem>>, vector<16xf32>,
      tpu.vector_store %arg12[%swap3A_115], %broadcast_in_dim3A_1 {strides = array<i32>} : memref<4096xf32, #tpu.memory_space<vmem>>, vector<16xf32>,
      %mul3A_117 = arith.constant 8 : i32
      %mul3A_118 = arith.muli %scan3A_76, %mul3A_117 : i32
      %add3A_119 = arith.constant 5 : i32
      %add3A_120 = arith.addi %mul3A_118, %add3A_119 : i32
      %mul3A_121 = arith.constant 16 : i32
      %mul3A_122 = arith.muli %add3A_120, %mul3A_121 : i32
      %swap3A_123 = arith.index_cast %mul3A_122 : i32 to index
      %swap3A_124 = tpu.vector_load %arg12[%swap3A_123] {strides = array<i32>} : memref<4096xf32, #tpu.memory_space<vmem>>, vector<16xf32>,
      tpu.vector_store %arg12[%swap3A_123], %broadcast_in_dim3A_1 {strides = array<i32>} : memref<4096xf32, #tpu.memory_space<vmem>>, vector<16xf32>,
      %mul3A_125 = arith.constant 8 : i32
      %mul3A_126 = arith.muli %scan3A_76, %mul3A_125 : i32
      %add3A_127 = arith.constant 6 : i32
      %add3A_128 = arith.addi %mul3A_126, %add3A_127 : i32
      %mul3A_129 = arith.constant 16 : i32
      %mul3A_130 = arith.muli %add3A_128, %mul3A_129 : i32
      %swap3A_131 = arith.index_cast %mul3A_130 : i32 to index
      %swap3A_132 = tpu.vector_load %arg12[%swap3A_131] {strides = array<i32>} : memref<4096xf32, #tpu.memory_space<vmem>>, vector<16xf32>,
      tpu.vector_store %arg12[%swap3A_131], %broadcast_in_dim3A_1 {strides = array<i32>} : memref<4096xf32, #tpu.memory_space<vmem>>, vector<16xf32>,
      %mul3A_133 = arith.constant 8 : i32
      %mul3A_134 = arith.muli %scan3A_76, %mul3A_133 : i32
      %add3A_135 = arith.constant 7 : i32
      %add3A_136 = arith.addi %mul3A_134, %add3A_135 : i32
      %mul3A_137 = arith.constant 16 : i32
      %mul3A_138 = arith.muli %add3A_136, %mul3A_137 : i32
      %swap3A_139 = arith.index_cast %mul3A_138 : i32 to index
      %swap3A_140 = tpu.vector_load %arg12[%swap3A_139] {strides = array<i32>} : memref<4096xf32, #tpu.memory_space<vmem>>, vector<16xf32>,
      tpu.vector_store %arg12[%swap3A_139], %broadcast_in_dim3A_1 {strides = array<i32>} : memref<4096xf32, #tpu.memory_space<vmem>>, vector<16xf32>,
      %scan3A_141 = arith.constant 0 : i32
      scf.yield %scan3A_141 : i32
    }
    %scan3A_7 = arith.constant 32 : i32
    %mul3A_8 = arith.constant 4096 : i32
    %mul3A_9 = arith.muli %arg1, %mul3A_8 : i32
    "tpu.region"() ({
      %run_scoped3A = tpu.sem_alloc : memref<!tpu.dma_semaphore, #tpu.memory_space<semaphore_mem>>
      %dma_start3A_76 = tpu.memref_slice %arg13[%mul3A_9] : memref<65536xf32, #tpu.memory_space<vmem_shared>> -> memref<4096xf32, #tpu.memory_space<vmem_shared>>
      %dma_start3A_77 = tpu.memref_slice %arg13[%mul3A_9] : memref<65536xf32, #tpu.memory_space<vmem_shared>> -> memref<4096xf32, #tpu.memory_space<vmem_shared>>
      tpu.enqueue_dma source(%arg12 : memref<4096xf32, #tpu.memory_space<vmem>>) target(%dma_start3A_77 : memref<4096xf32, #tpu.memory_space<vmem_shared>>) target_semaphore(%run_scoped3A : memref<!tpu.dma_semaphore, #tpu.memory_space<semaphore_mem>>)
      %dma_wait3A_78 = tpu.memref_slice %arg13[%mul3A_9] : memref<65536xf32, #tpu.memory_space<vmem_shared>> -> memref<4096xf32, #tpu.memory_space<vmem_shared>>
      %dma_wait3A_79 = tpu.memref_slice %arg13[%mul3A_9] : memref<65536xf32, #tpu.memory_space<vmem_shared>> -> memref<4096xf32, #tpu.memory_space<vmem_shared>>
      tpu.wait_dma2 semaphore(%run_scoped3A : memref<!tpu.dma_semaphore, #tpu.memory_space<semaphore_mem>>) src(%arg12 : memref<4096xf32, #tpu.memory_space<vmem>>) dst(%dma_wait3A_79 : memref<4096xf32, #tpu.memory_space<vmem_shared>>)
      tpu.yield
    }) : () -> ()
    tpu.wait_dma2 semaphore(%arg14 : memref<!tpu.dma_semaphore, #tpu.memory_space<semaphore_mem>>) src(%arg4 : memref<65536xf32, #tpu.memory_space<hbm>>) dst(%arg6 : memref<65536xf32, #tpu.memory_space<vmem>>)
    %barrier3A = arith.constant 0 : index
    tpu.barrier barrier_id(%barrier3A)
    %mul3A_10 = arith.constant 25600 : i32
    %mul3A_11 = arith.muli %add3A, %mul3A_10 : i32
    %add3A_12 = arith.constant 0 : i32
    %add3A_13 = arith.addi %mul3A_11, %add3A_12 : i32
    "tpu.region"() ({
      %run_scoped3A = tpu.sem_alloc : memref<!tpu.dma_semaphore, #tpu.memory_space<semaphore_mem>>
      %dma_start3A_76 = tpu.memref_slice %arg2[%add3A_13] : memref<819200xi32, #tpu.memory_space<hbm>> -> memref<6400xi32, #tpu.memory_space<hbm>>
      %dma_start3A_77 = tpu.memref_slice %arg2[%add3A_13] : memref<819200xi32, #tpu.memory_space<hbm>> -> memref<6400xi32, #tpu.memory_space<hbm>>
      tpu.enqueue_dma source(%dma_start3A_77 : memref<6400xi32, #tpu.memory_space<hbm>>) target(%arg7 : memref<6400xi32, #tpu.memory_space<vmem>>) target_semaphore(%run_scoped3A : memref<!tpu.dma_semaphore, #tpu.memory_space<semaphore_mem>>)
      %dma_wait3A_78 = tpu.memref_slice %arg2[%add3A_13] : memref<819200xi32, #tpu.memory_space<hbm>> -> memref<6400xi32, #tpu.memory_space<hbm>>
      %dma_wait3A_79 = tpu.memref_slice %arg2[%add3A_13] : memref<819200xi32, #tpu.memory_space<hbm>> -> memref<6400xi32, #tpu.memory_space<hbm>>
      tpu.wait_dma2 semaphore(%run_scoped3A : memref<!tpu.dma_semaphore, #tpu.memory_space<semaphore_mem>>) src(%dma_wait3A_79 : memref<6400xi32, #tpu.memory_space<hbm>>) dst(%arg7 : memref<6400xi32, #tpu.memory_space<vmem>>)
      tpu.yield
    }) : () -> ()
    "tpu.region"() ({
      %run_scoped3A = tpu.sem_alloc : memref<!tpu.dma_semaphore, #tpu.memory_space<semaphore_mem>>
      %dma_start3A_76 = tpu.memref_slice %arg3[%add3A_13] : memref<819200xi32, #tpu.memory_space<hbm>> -> memref<6400xi32, #tpu.memory_space<hbm>>
      %dma_start3A_77 = tpu.memref_slice %arg3[%add3A_13] : memref<819200xi32, #tpu.memory_space<hbm>> -> memref<6400xi32, #tpu.memory_space<hbm>>
      tpu.enqueue_dma source(%dma_start3A_77 : memref<6400xi32, #tpu.memory_space<hbm>>) target(%arg8 : memref<6400xi32, #tpu.memory_space<vmem>>) target_semaphore(%run_scoped3A : memref<!tpu.dma_semaphore, #tpu.memory_space<semaphore_mem>>)
      %dma_wait3A_78 = tpu.memref_slice %arg3[%add3A_13] : memref<819200xi32, #tpu.memory_space<hbm>> -> memref<6400xi32, #tpu.memory_space<hbm>>
      %dma_wait3A_79 = tpu.memref_slice %arg3[%add3A_13] : memref<819200xi32, #tpu.memory_space<hbm>> -> memref<6400xi32, #tpu.memory_space<hbm>>
      tpu.wait_dma2 semaphore(%run_scoped3A : memref<!tpu.dma_semaphore, #tpu.memory_space<semaphore_mem>>) src(%dma_wait3A_79 : memref<6400xi32, #tpu.memory_space<hbm>>) dst(%arg8 : memref<6400xi32, #tpu.memory_space<vmem>>)
      tpu.yield
    }) : () -> ()
    %scan3A_14 = arith.constant 0 : i32
    %scan3A_15 = arith.constant 0 : i32
    %scan3A_16 = arith.constant 50 : i32
    %scan3A_17 = arith.addi %scan3A_15, %scan3A_16 : i32
    %scan3A_18 = arith.constant 1 : i32
    %scan3A_19 = scf.for %scan3A_76 = %scan3A_15 to %scan3A_17 step %scan3A_18 iter_args(%scan3A_77 = %scan3A_14) -> (i32)  : i32 {
      %mul3A_78 = arith.constant 8 : i32
      %mul3A_79 = arith.muli %scan3A_76, %mul3A_78 : i32
      %add3A_80 = arith.constant 0 : i32
      %add3A_81 = arith.addi %mul3A_79, %add3A_80 : i32
      %mul3A_82 = arith.constant 16 : i32
      %mul3A_83 = arith.muli %add3A_81, %mul3A_82 : i32
      %get3A = arith.index_cast %mul3A_83 : i32 to index
      %get3A_84 = tpu.vector_load %arg7[%get3A] {strides = array<i32>} : memref<6400xi32, #tpu.memory_space<vmem>>, vector<16xi32>,
      %gather3A = tpu.vector_load_idx %arg6[%get3A_84] : memref<65536xf32, #tpu.memory_space<vmem>>[vector<16xi32>], vector<16xf32>,
      %swap3A = arith.index_cast %mul3A_83 : i32 to index
      %swap3A_85 = tpu.vector_load %arg10[%swap3A] {strides = array<i32>} : memref<6400xf32, #tpu.memory_space<vmem>>, vector<16xf32>,
      tpu.vector_store %arg10[%swap3A], %gather3A {strides = array<i32>} : memref<6400xf32, #tpu.memory_space<vmem>>, vector<16xf32>,
      %mul3A_86 = arith.constant 8 : i32
      %mul3A_87 = arith.muli %scan3A_76, %mul3A_86 : i32
      %add3A_88 = arith.constant 1 : i32
      %add3A_89 = arith.addi %mul3A_87, %add3A_88 : i32
      %mul3A_90 = arith.constant 16 : i32
      %mul3A_91 = arith.muli %add3A_89, %mul3A_90 : i32
      %get3A_92 = arith.index_cast %mul3A_91 : i32 to index
      %get3A_93 = tpu.vector_load %arg7[%get3A_92] {strides = array<i32>} : memref<6400xi32, #tpu.memory_space<vmem>>, vector<16xi32>,
      %gather3A_94 = tpu.vector_load_idx %arg6[%get3A_93] : memref<65536xf32, #tpu.memory_space<vmem>>[vector<16xi32>], vector<16xf32>,
      %swap3A_95 = arith.index_cast %mul3A_91 : i32 to index
      %swap3A_96 = tpu.vector_load %arg10[%swap3A_95] {strides = array<i32>} : memref<6400xf32, #tpu.memory_space<vmem>>, vector<16xf32>,
      tpu.vector_store %arg10[%swap3A_95], %gather3A_94 {strides = array<i32>} : memref<6400xf32, #tpu.memory_space<vmem>>, vector<16xf32>,
      %mul3A_97 = arith.constant 8 : i32
      %mul3A_98 = arith.muli %scan3A_76, %mul3A_97 : i32
      %add3A_99 = arith.constant 2 : i32
      %add3A_100 = arith.addi %mul3A_98, %add3A_99 : i32
      %mul3A_101 = arith.constant 16 : i32
      %mul3A_102 = arith.muli %add3A_100, %mul3A_101 : i32
      %get3A_103 = arith.index_cast %mul3A_102 : i32 to index
      %get3A_104 = tpu.vector_load %arg7[%get3A_103] {strides = array<i32>} : memref<6400xi32, #tpu.memory_space<vmem>>, vector<16xi32>,
      %gather3A_105 = tpu.vector_load_idx %arg6[%get3A_104] : memref<65536xf32, #tpu.memory_space<vmem>>[vector<16xi32>], vector<16xf32>,
      %swap3A_106 = arith.index_cast %mul3A_102 : i32 to index
      %swap3A_107 = tpu.vector_load %arg10[%swap3A_106] {strides = array<i32>} : memref<6400xf32, #tpu.memory_space<vmem>>, vector<16xf32>,
      tpu.vector_store %arg10[%swap3A_106], %gather3A_105 {strides = array<i32>} : memref<6400xf32, #tpu.memory_space<vmem>>, vector<16xf32>,
      %mul3A_108 = arith.constant 8 : i32
      %mul3A_109 = arith.muli %scan3A_76, %mul3A_108 : i32
      %add3A_110 = arith.constant 3 : i32
      %add3A_111 = arith.addi %mul3A_109, %add3A_110 : i32
      %mul3A_112 = arith.constant 16 : i32
      %mul3A_113 = arith.muli %add3A_111, %mul3A_112 : i32
      %get3A_114 = arith.index_cast %mul3A_113 : i32 to index
      %get3A_115 = tpu.vector_load %arg7[%get3A_114] {strides = array<i32>} : memref<6400xi32, #tpu.memory_space<vmem>>, vector<16xi32>,
      %gather3A_116 = tpu.vector_load_idx %arg6[%get3A_115] : memref<65536xf32, #tpu.memory_space<vmem>>[vector<16xi32>], vector<16xf32>,
      %swap3A_117 = arith.index_cast %mul3A_113 : i32 to index
      %swap3A_118 = tpu.vector_load %arg10[%swap3A_117] {strides = array<i32>} : memref<6400xf32, #tpu.memory_space<vmem>>, vector<16xf32>,
      tpu.vector_store %arg10[%swap3A_117], %gather3A_116 {strides = array<i32>} : memref<6400xf32, #tpu.memory_space<vmem>>, vector<16xf32>,
      %mul3A_119 = arith.constant 8 : i32
      %mul3A_120 = arith.muli %scan3A_76, %mul3A_119 : i32
      %add3A_121 = arith.constant 4 : i32
      %add3A_122 = arith.addi %mul3A_120, %add3A_121 : i32
      %mul3A_123 = arith.constant 16 : i32
      %mul3A_124 = arith.muli %add3A_122, %mul3A_123 : i32
      %get3A_125 = arith.index_cast %mul3A_124 : i32 to index
      %get3A_126 = tpu.vector_load %arg7[%get3A_125] {strides = array<i32>} : memref<6400xi32, #tpu.memory_space<vmem>>, vector<16xi32>,
      %gather3A_127 = tpu.vector_load_idx %arg6[%get3A_126] : memref<65536xf32, #tpu.memory_space<vmem>>[vector<16xi32>], vector<16xf32>,
      %swap3A_128 = arith.index_cast %mul3A_124 : i32 to index
      %swap3A_129 = tpu.vector_load %arg10[%swap3A_128] {strides = array<i32>} : memref<6400xf32, #tpu.memory_space<vmem>>, vector<16xf32>,
      tpu.vector_store %arg10[%swap3A_128], %gather3A_127 {strides = array<i32>} : memref<6400xf32, #tpu.memory_space<vmem>>, vector<16xf32>,
      %mul3A_130 = arith.constant 8 : i32
      %mul3A_131 = arith.muli %scan3A_76, %mul3A_130 : i32
      %add3A_132 = arith.constant 5 : i32
      %add3A_133 = arith.addi %mul3A_131, %add3A_132 : i32
      %mul3A_134 = arith.constant 16 : i32
      %mul3A_135 = arith.muli %add3A_133, %mul3A_134 : i32
      %get3A_136 = arith.index_cast %mul3A_135 : i32 to index
      %get3A_137 = tpu.vector_load %arg7[%get3A_136] {strides = array<i32>} : memref<6400xi32, #tpu.memory_space<vmem>>, vector<16xi32>,
      %gather3A_138 = tpu.vector_load_idx %arg6[%get3A_137] : memref<65536xf32, #tpu.memory_space<vmem>>[vector<16xi32>], vector<16xf32>,
      %swap3A_139 = arith.index_cast %mul3A_135 : i32 to index
      %swap3A_140 = tpu.vector_load %arg10[%swap3A_139] {strides = array<i32>} : memref<6400xf32, #tpu.memory_space<vmem>>, vector<16xf32>,
      tpu.vector_store %arg10[%swap3A_139], %gather3A_138 {strides = array<i32>} : memref<6400xf32, #tpu.memory_space<vmem>>, vector<16xf32>,
      %mul3A_141 = arith.constant 8 : i32
      %mul3A_142 = arith.muli %scan3A_76, %mul3A_141 : i32
      %add3A_143 = arith.constant 6 : i32
      %add3A_144 = arith.addi %mul3A_142, %add3A_143 : i32
      %mul3A_145 = arith.constant 16 : i32
      %mul3A_146 = arith.muli %add3A_144, %mul3A_145 : i32
      %get3A_147 = arith.index_cast %mul3A_146 : i32 to index
      %get3A_148 = tpu.vector_load %arg7[%get3A_147] {strides = array<i32>} : memref<6400xi32, #tpu.memory_space<vmem>>, vector<16xi32>,
      %gather3A_149 = tpu.vector_load_idx %arg6[%get3A_148] : memref<65536xf32, #tpu.memory_space<vmem>>[vector<16xi32>], vector<16xf32>,
      %swap3A_150 = arith.index_cast %mul3A_146 : i32 to index
      %swap3A_151 = tpu.vector_load %arg10[%swap3A_150] {strides = array<i32>} : memref<6400xf32, #tpu.memory_space<vmem>>, vector<16xf32>,
      tpu.vector_store %arg10[%swap3A_150], %gather3A_149 {strides = array<i32>} : memref<6400xf32, #tpu.memory_space<vmem>>, vector<16xf32>,
      %mul3A_152 = arith.constant 8 : i32
      %mul3A_153 = arith.muli %scan3A_76, %mul3A_152 : i32
      %add3A_154 = arith.constant 7 : i32
      %add3A_155 = arith.addi %mul3A_153, %add3A_154 : i32
      %mul3A_156 = arith.constant 16 : i32
      %mul3A_157 = arith.muli %add3A_155, %mul3A_156 : i32
      %get3A_158 = arith.index_cast %mul3A_157 : i32 to index
      %get3A_159 = tpu.vector_load %arg7[%get3A_158] {strides = array<i32>} : memref<6400xi32, #tpu.memory_space<vmem>>, vector<16xi32>,
      %gather3A_160 = tpu.vector_load_idx %arg6[%get3A_159] : memref<65536xf32, #tpu.memory_space<vmem>>[vector<16xi32>], vector<16xf32>,
      %swap3A_161 = arith.index_cast %mul3A_157 : i32 to index
      %swap3A_162 = tpu.vector_load %arg10[%swap3A_161] {strides = array<i32>} : memref<6400xf32, #tpu.memory_space<vmem>>, vector<16xf32>,
      tpu.vector_store %arg10[%swap3A_161], %gather3A_160 {strides = array<i32>} : memref<6400xf32, #tpu.memory_space<vmem>>, vector<16xf32>,
      %scan3A_163 = arith.constant 0 : i32
      scf.yield %scan3A_163 : i32
    }
    %scan3A_20 = arith.constant 50 : i32
    %dma_start3A = arith.constant 0 : i32
    %dma_start3A_21 = tpu.memref_slice %arg13[%dma_start3A] : memref<65536xf32, #tpu.memory_space<vmem_shared>> -> memref<65536xf32, #tpu.memory_space<vmem_shared>>
    tpu.enqueue_indirect_dma source(%arg10 : memref<6400xf32, #tpu.memory_space<vmem>>) target(%dma_start3A_21 : memref<65536xf32, #tpu.memory_space<vmem_shared>>) offsets(%arg8 : memref<6400xi32, #tpu.memory_space<vmem>>) semaphore(%arg15 : memref<!tpu.dma_semaphore, #tpu.memory_space<semaphore_mem>>) {add = true}
    %mul3A_22 = arith.constant 25600 : i32
    %mul3A_23 = arith.muli %add3A, %mul3A_22 : i32
    %add3A_24 = arith.constant 6400 : i32
    %add3A_25 = arith.addi %mul3A_23, %add3A_24 : i32
    "tpu.region"() ({
      %run_scoped3A = tpu.sem_alloc : memref<!tpu.dma_semaphore, #tpu.memory_space<semaphore_mem>>
      %dma_start3A_76 = tpu.memref_slice %arg2[%add3A_25] : memref<819200xi32, #tpu.memory_space<hbm>> -> memref<6400xi32, #tpu.memory_space<hbm>>
      %dma_start3A_77 = tpu.memref_slice %arg2[%add3A_25] : memref<819200xi32, #tpu.memory_space<hbm>> -> memref<6400xi32, #tpu.memory_space<hbm>>
      tpu.enqueue_dma source(%dma_start3A_77 : memref<6400xi32, #tpu.memory_space<hbm>>) target(%arg7 : memref<6400xi32, #tpu.memory_space<vmem>>) target_semaphore(%run_scoped3A : memref<!tpu.dma_semaphore, #tpu.memory_space<semaphore_mem>>)
      %dma_wait3A_78 = tpu.memref_slice %arg2[%add3A_25] : memref<819200xi32, #tpu.memory_space<hbm>> -> memref<6400xi32, #tpu.memory_space<hbm>>
      %dma_wait3A_79 = tpu.memref_slice %arg2[%add3A_25] : memref<819200xi32, #tpu.memory_space<hbm>> -> memref<6400xi32, #tpu.memory_space<hbm>>
      tpu.wait_dma2 semaphore(%run_scoped3A : memref<!tpu.dma_semaphore, #tpu.memory_space<semaphore_mem>>) src(%dma_wait3A_79 : memref<6400xi32, #tpu.memory_space<hbm>>) dst(%arg7 : memref<6400xi32, #tpu.memory_space<vmem>>)
      tpu.yield
    }) : () -> ()
    "tpu.region"() ({
      %run_scoped3A = tpu.sem_alloc : memref<!tpu.dma_semaphore, #tpu.memory_space<semaphore_mem>>
      %dma_start3A_76 = tpu.memref_slice %arg3[%add3A_25] : memref<819200xi32, #tpu.memory_space<hbm>> -> memref<6400xi32, #tpu.memory_space<hbm>>
      %dma_start3A_77 = tpu.memref_slice %arg3[%add3A_25] : memref<819200xi32, #tpu.memory_space<hbm>> -> memref<6400xi32, #tpu.memory_space<hbm>>
      tpu.enqueue_dma source(%dma_start3A_77 : memref<6400xi32, #tpu.memory_space<hbm>>) target(%arg9 : memref<6400xi32, #tpu.memory_space<vmem>>) target_semaphore(%run_scoped3A : memref<!tpu.dma_semaphore, #tpu.memory_space<semaphore_mem>>)
      %dma_wait3A_78 = tpu.memref_slice %arg3[%add3A_25] : memref<819200xi32, #tpu.memory_space<hbm>> -> memref<6400xi32, #tpu.memory_space<hbm>>
      %dma_wait3A_79 = tpu.memref_slice %arg3[%add3A_25] : memref<819200xi32, #tpu.memory_space<hbm>> -> memref<6400xi32, #tpu.memory_space<hbm>>
      tpu.wait_dma2 semaphore(%run_scoped3A : memref<!tpu.dma_semaphore, #tpu.memory_space<semaphore_mem>>) src(%dma_wait3A_79 : memref<6400xi32, #tpu.memory_space<hbm>>) dst(%arg9 : memref<6400xi32, #tpu.memory_space<vmem>>)
      tpu.yield
    }) : () -> ()
    %scan3A_26 = arith.constant 0 : i32
    %scan3A_27 = arith.constant 0 : i32
    %scan3A_28 = arith.constant 50 : i32
    %scan3A_29 = arith.addi %scan3A_27, %scan3A_28 : i32
    %scan3A_30 = arith.constant 1 : i32
    %scan3A_31 = scf.for %scan3A_76 = %scan3A_27 to %scan3A_29 step %scan3A_30 iter_args(%scan3A_77 = %scan3A_26) -> (i32)  : i32 {
      %mul3A_78 = arith.constant 8 : i32
      %mul3A_79 = arith.muli %scan3A_76, %mul3A_78 : i32
      %add3A_80 = arith.constant 0 : i32
      %add3A_81 = arith.addi %mul3A_79, %add3A_80 : i32
      %mul3A_82 = arith.constant 16 : i32
      %mul3A_83 = arith.muli %add3A_81, %mul3A_82 : i32
      %get3A = arith.index_cast %mul3A_83 : i32 to index
      %get3A_84 = tpu.vector_load %arg7[%get3A] {strides = array<i32>} : memref<6400xi32, #tpu.memory_space<vmem>>, vector<16xi32>,
      %gather3A = tpu.vector_load_idx %arg6[%get3A_84] : memref<65536xf32, #tpu.memory_space<vmem>>[vector<16xi32>], vector<16xf32>,
      %swap3A = arith.index_cast %mul3A_83 : i32 to index
      %swap3A_85 = tpu.vector_load %arg11[%swap3A] {strides = array<i32>} : memref<6400xf32, #tpu.memory_space<vmem>>, vector<16xf32>,
      tpu.vector_store %arg11[%swap3A], %gather3A {strides = array<i32>} : memref<6400xf32, #tpu.memory_space<vmem>>, vector<16xf32>,
      %mul3A_86 = arith.constant 8 : i32
      %mul3A_87 = arith.muli %scan3A_76, %mul3A_86 : i32
      %add3A_88 = arith.constant 1 : i32
      %add3A_89 = arith.addi %mul3A_87, %add3A_88 : i32
      %mul3A_90 = arith.constant 16 : i32
      %mul3A_91 = arith.muli %add3A_89, %mul3A_90 : i32
      %get3A_92 = arith.index_cast %mul3A_91 : i32 to index
      %get3A_93 = tpu.vector_load %arg7[%get3A_92] {strides = array<i32>} : memref<6400xi32, #tpu.memory_space<vmem>>, vector<16xi32>,
      %gather3A_94 = tpu.vector_load_idx %arg6[%get3A_93] : memref<65536xf32, #tpu.memory_space<vmem>>[vector<16xi32>], vector<16xf32>,
      %swap3A_95 = arith.index_cast %mul3A_91 : i32 to index
      %swap3A_96 = tpu.vector_load %arg11[%swap3A_95] {strides = array<i32>} : memref<6400xf32, #tpu.memory_space<vmem>>, vector<16xf32>,
      tpu.vector_store %arg11[%swap3A_95], %gather3A_94 {strides = array<i32>} : memref<6400xf32, #tpu.memory_space<vmem>>, vector<16xf32>,
      %mul3A_97 = arith.constant 8 : i32
      %mul3A_98 = arith.muli %scan3A_76, %mul3A_97 : i32
      %add3A_99 = arith.constant 2 : i32
      %add3A_100 = arith.addi %mul3A_98, %add3A_99 : i32
      %mul3A_101 = arith.constant 16 : i32
      %mul3A_102 = arith.muli %add3A_100, %mul3A_101 : i32
      %get3A_103 = arith.index_cast %mul3A_102 : i32 to index
      %get3A_104 = tpu.vector_load %arg7[%get3A_103] {strides = array<i32>} : memref<6400xi32, #tpu.memory_space<vmem>>, vector<16xi32>,
      %gather3A_105 = tpu.vector_load_idx %arg6[%get3A_104] : memref<65536xf32, #tpu.memory_space<vmem>>[vector<16xi32>], vector<16xf32>,
      %swap3A_106 = arith.index_cast %mul3A_102 : i32 to index
      %swap3A_107 = tpu.vector_load %arg11[%swap3A_106] {strides = array<i32>} : memref<6400xf32, #tpu.memory_space<vmem>>, vector<16xf32>,
      tpu.vector_store %arg11[%swap3A_106], %gather3A_105 {strides = array<i32>} : memref<6400xf32, #tpu.memory_space<vmem>>, vector<16xf32>,
      %mul3A_108 = arith.constant 8 : i32
      %mul3A_109 = arith.muli %scan3A_76, %mul3A_108 : i32
      %add3A_110 = arith.constant 3 : i32
      %add3A_111 = arith.addi %mul3A_109, %add3A_110 : i32
      %mul3A_112 = arith.constant 16 : i32
      %mul3A_113 = arith.muli %add3A_111, %mul3A_112 : i32
      %get3A_114 = arith.index_cast %mul3A_113 : i32 to index
      %get3A_115 = tpu.vector_load %arg7[%get3A_114] {strides = array<i32>} : memref<6400xi32, #tpu.memory_space<vmem>>, vector<16xi32>,
      %gather3A_116 = tpu.vector_load_idx %arg6[%get3A_115] : memref<65536xf32, #tpu.memory_space<vmem>>[vector<16xi32>], vector<16xf32>,
      %swap3A_117 = arith.index_cast %mul3A_113 : i32 to index
      %swap3A_118 = tpu.vector_load %arg11[%swap3A_117] {strides = array<i32>} : memref<6400xf32, #tpu.memory_space<vmem>>, vector<16xf32>,
      tpu.vector_store %arg11[%swap3A_117], %gather3A_116 {strides = array<i32>} : memref<6400xf32, #tpu.memory_space<vmem>>, vector<16xf32>,
      %mul3A_119 = arith.constant 8 : i32
      %mul3A_120 = arith.muli %scan3A_76, %mul3A_119 : i32
      %add3A_121 = arith.constant 4 : i32
      %add3A_122 = arith.addi %mul3A_120, %add3A_121 : i32
      %mul3A_123 = arith.constant 16 : i32
      %mul3A_124 = arith.muli %add3A_122, %mul3A_123 : i32
      %get3A_125 = arith.index_cast %mul3A_124 : i32 to index
      %get3A_126 = tpu.vector_load %arg7[%get3A_125] {strides = array<i32>} : memref<6400xi32, #tpu.memory_space<vmem>>, vector<16xi32>,
      %gather3A_127 = tpu.vector_load_idx %arg6[%get3A_126] : memref<65536xf32, #tpu.memory_space<vmem>>[vector<16xi32>], vector<16xf32>,
      %swap3A_128 = arith.index_cast %mul3A_124 : i32 to index
      %swap3A_129 = tpu.vector_load %arg11[%swap3A_128] {strides = array<i32>} : memref<6400xf32, #tpu.memory_space<vmem>>, vector<16xf32>,
      tpu.vector_store %arg11[%swap3A_128], %gather3A_127 {strides = array<i32>} : memref<6400xf32, #tpu.memory_space<vmem>>, vector<16xf32>,
      %mul3A_130 = arith.constant 8 : i32
      %mul3A_131 = arith.muli %scan3A_76, %mul3A_130 : i32
      %add3A_132 = arith.constant 5 : i32
      %add3A_133 = arith.addi %mul3A_131, %add3A_132 : i32
      %mul3A_134 = arith.constant 16 : i32
      %mul3A_135 = arith.muli %add3A_133, %mul3A_134 : i32
      %get3A_136 = arith.index_cast %mul3A_135 : i32 to index
      %get3A_137 = tpu.vector_load %arg7[%get3A_136] {strides = array<i32>} : memref<6400xi32, #tpu.memory_space<vmem>>, vector<16xi32>,
      %gather3A_138 = tpu.vector_load_idx %arg6[%get3A_137] : memref<65536xf32, #tpu.memory_space<vmem>>[vector<16xi32>], vector<16xf32>,
      %swap3A_139 = arith.index_cast %mul3A_135 : i32 to index
      %swap3A_140 = tpu.vector_load %arg11[%swap3A_139] {strides = array<i32>} : memref<6400xf32, #tpu.memory_space<vmem>>, vector<16xf32>,
      tpu.vector_store %arg11[%swap3A_139], %gather3A_138 {strides = array<i32>} : memref<6400xf32, #tpu.memory_space<vmem>>, vector<16xf32>,
      %mul3A_141 = arith.constant 8 : i32
      %mul3A_142 = arith.muli %scan3A_76, %mul3A_141 : i32
      %add3A_143 = arith.constant 6 : i32
      %add3A_144 = arith.addi %mul3A_142, %add3A_143 : i32
      %mul3A_145 = arith.constant 16 : i32
      %mul3A_146 = arith.muli %add3A_144, %mul3A_145 : i32
      %get3A_147 = arith.index_cast %mul3A_146 : i32 to index
      %get3A_148 = tpu.vector_load %arg7[%get3A_147] {strides = array<i32>} : memref<6400xi32, #tpu.memory_space<vmem>>, vector<16xi32>,
      %gather3A_149 = tpu.vector_load_idx %arg6[%get3A_148] : memref<65536xf32, #tpu.memory_space<vmem>>[vector<16xi32>], vector<16xf32>,
      %swap3A_150 = arith.index_cast %mul3A_146 : i32 to index
      %swap3A_151 = tpu.vector_load %arg11[%swap3A_150] {strides = array<i32>} : memref<6400xf32, #tpu.memory_space<vmem>>, vector<16xf32>,
      tpu.vector_store %arg11[%swap3A_150], %gather3A_149 {strides = array<i32>} : memref<6400xf32, #tpu.memory_space<vmem>>, vector<16xf32>,
      %mul3A_152 = arith.constant 8 : i32
      %mul3A_153 = arith.muli %scan3A_76, %mul3A_152 : i32
      %add3A_154 = arith.constant 7 : i32
      %add3A_155 = arith.addi %mul3A_153, %add3A_154 : i32
      %mul3A_156 = arith.constant 16 : i32
      %mul3A_157 = arith.muli %add3A_155, %mul3A_156 : i32
      %get3A_158 = arith.index_cast %mul3A_157 : i32 to index
      %get3A_159 = tpu.vector_load %arg7[%get3A_158] {strides = array<i32>} : memref<6400xi32, #tpu.memory_space<vmem>>, vector<16xi32>,
      %gather3A_160 = tpu.vector_load_idx %arg6[%get3A_159] : memref<65536xf32, #tpu.memory_space<vmem>>[vector<16xi32>], vector<16xf32>,
      %swap3A_161 = arith.index_cast %mul3A_157 : i32 to index
      %swap3A_162 = tpu.vector_load %arg11[%swap3A_161] {strides = array<i32>} : memref<6400xf32, #tpu.memory_space<vmem>>, vector<16xf32>,
      tpu.vector_store %arg11[%swap3A_161], %gather3A_160 {strides = array<i32>} : memref<6400xf32, #tpu.memory_space<vmem>>, vector<16xf32>,
      %scan3A_163 = arith.constant 0 : i32
      scf.yield %scan3A_163 : i32
    }
    %scan3A_32 = arith.constant 50 : i32
    %dma_start3A_33 = arith.constant 0 : i32
    %dma_start3A_34 = tpu.memref_slice %arg13[%dma_start3A_33] : memref<65536xf32, #tpu.memory_space<vmem_shared>> -> memref<65536xf32, #tpu.memory_space<vmem_shared>>
    tpu.enqueue_indirect_dma source(%arg11 : memref<6400xf32, #tpu.memory_space<vmem>>) target(%dma_start3A_34 : memref<65536xf32, #tpu.memory_space<vmem_shared>>) offsets(%arg9 : memref<6400xi32, #tpu.memory_space<vmem>>) semaphore(%arg16 : memref<!tpu.dma_semaphore, #tpu.memory_space<semaphore_mem>>) {add = true}
    %mul3A_35 = arith.constant 25600 : i32
    %mul3A_36 = arith.muli %add3A, %mul3A_35 : i32
    %add3A_37 = arith.constant 12800 : i32
    %add3A_38 = arith.addi %mul3A_36, %add3A_37 : i32
    %dma_wait3A = arith.constant 0 : i32
    %dma_wait3A_39 = tpu.memref_slice %arg13[%dma_wait3A] : memref<65536xf32, #tpu.memory_space<vmem_shared>> -> memref<65536xf32, #tpu.memory_space<vmem_shared>>
    tpu.wait_indirect_dma semaphore(%arg15 : memref<!tpu.dma_semaphore, #tpu.memory_space<semaphore_mem>>) src(%arg10 : memref<6400xf32, #tpu.memory_space<vmem>>) dst(%dma_wait3A_39 : memref<65536xf32, #tpu.memory_space<vmem_shared>>)
    "tpu.region"() ({
      %run_scoped3A = tpu.sem_alloc : memref<!tpu.dma_semaphore, #tpu.memory_space<semaphore_mem>>
      %dma_start3A_76 = tpu.memref_slice %arg2[%add3A_38] : memref<819200xi32, #tpu.memory_space<hbm>> -> memref<6400xi32, #tpu.memory_space<hbm>>
      %dma_start3A_77 = tpu.memref_slice %arg2[%add3A_38] : memref<819200xi32, #tpu.memory_space<hbm>> -> memref<6400xi32, #tpu.memory_space<hbm>>
      tpu.enqueue_dma source(%dma_start3A_77 : memref<6400xi32, #tpu.memory_space<hbm>>) target(%arg7 : memref<6400xi32, #tpu.memory_space<vmem>>) target_semaphore(%run_scoped3A : memref<!tpu.dma_semaphore, #tpu.memory_space<semaphore_mem>>)
      %dma_wait3A_78 = tpu.memref_slice %arg2[%add3A_38] : memref<819200xi32, #tpu.memory_space<hbm>> -> memref<6400xi32, #tpu.memory_space<hbm>>
      %dma_wait3A_79 = tpu.memref_slice %arg2[%add3A_38] : memref<819200xi32, #tpu.memory_space<hbm>> -> memref<6400xi32, #tpu.memory_space<hbm>>
      tpu.wait_dma2 semaphore(%run_scoped3A : memref<!tpu.dma_semaphore, #tpu.memory_space<semaphore_mem>>) src(%dma_wait3A_79 : memref<6400xi32, #tpu.memory_space<hbm>>) dst(%arg7 : memref<6400xi32, #tpu.memory_space<vmem>>)
      tpu.yield
    }) : () -> ()
    "tpu.region"() ({
      %run_scoped3A = tpu.sem_alloc : memref<!tpu.dma_semaphore, #tpu.memory_space<semaphore_mem>>
      %dma_start3A_76 = tpu.memref_slice %arg3[%add3A_38] : memref<819200xi32, #tpu.memory_space<hbm>> -> memref<6400xi32, #tpu.memory_space<hbm>>
      %dma_start3A_77 = tpu.memref_slice %arg3[%add3A_38] : memref<819200xi32, #tpu.memory_space<hbm>> -> memref<6400xi32, #tpu.memory_space<hbm>>
      tpu.enqueue_dma source(%dma_start3A_77 : memref<6400xi32, #tpu.memory_space<hbm>>) target(%arg8 : memref<6400xi32, #tpu.memory_space<vmem>>) target_semaphore(%run_scoped3A : memref<!tpu.dma_semaphore, #tpu.memory_space<semaphore_mem>>)
      %dma_wait3A_78 = tpu.memref_slice %arg3[%add3A_38] : memref<819200xi32, #tpu.memory_space<hbm>> -> memref<6400xi32, #tpu.memory_space<hbm>>
      %dma_wait3A_79 = tpu.memref_slice %arg3[%add3A_38] : memref<819200xi32, #tpu.memory_space<hbm>> -> memref<6400xi32, #tpu.memory_space<hbm>>
      tpu.wait_dma2 semaphore(%run_scoped3A : memref<!tpu.dma_semaphore, #tpu.memory_space<semaphore_mem>>) src(%dma_wait3A_79 : memref<6400xi32, #tpu.memory_space<hbm>>) dst(%arg8 : memref<6400xi32, #tpu.memory_space<vmem>>)
      tpu.yield
    }) : () -> ()
    %scan3A_40 = arith.constant 0 : i32
    %scan3A_41 = arith.constant 0 : i32
    %scan3A_42 = arith.constant 50 : i32
    %scan3A_43 = arith.addi %scan3A_41, %scan3A_42 : i32
    %scan3A_44 = arith.constant 1 : i32
    %scan3A_45 = scf.for %scan3A_76 = %scan3A_41 to %scan3A_43 step %scan3A_44 iter_args(%scan3A_77 = %scan3A_40) -> (i32)  : i32 {
      %mul3A_78 = arith.constant 8 : i32
      %mul3A_79 = arith.muli %scan3A_76, %mul3A_78 : i32
      %add3A_80 = arith.constant 0 : i32
      %add3A_81 = arith.addi %mul3A_79, %add3A_80 : i32
      %mul3A_82 = arith.constant 16 : i32
      %mul3A_83 = arith.muli %add3A_81, %mul3A_82 : i32
      %get3A = arith.index_cast %mul3A_83 : i32 to index
      %get3A_84 = tpu.vector_load %arg7[%get3A] {strides = array<i32>} : memref<6400xi32, #tpu.memory_space<vmem>>, vector<16xi32>,
      %gather3A = tpu.vector_load_idx %arg6[%get3A_84] : memref<65536xf32, #tpu.memory_space<vmem>>[vector<16xi32>], vector<16xf32>,
      %swap3A = arith.index_cast %mul3A_83 : i32 to index
      %swap3A_85 = tpu.vector_load %arg10[%swap3A] {strides = array<i32>} : memref<6400xf32, #tpu.memory_space<vmem>>, vector<16xf32>,
      tpu.vector_store %arg10[%swap3A], %gather3A {strides = array<i32>} : memref<6400xf32, #tpu.memory_space<vmem>>, vector<16xf32>,
      %mul3A_86 = arith.constant 8 : i32
      %mul3A_87 = arith.muli %scan3A_76, %mul3A_86 : i32
      %add3A_88 = arith.constant 1 : i32
      %add3A_89 = arith.addi %mul3A_87, %add3A_88 : i32
      %mul3A_90 = arith.constant 16 : i32
      %mul3A_91 = arith.muli %add3A_89, %mul3A_90 : i32
      %get3A_92 = arith.index_cast %mul3A_91 : i32 to index
      %get3A_93 = tpu.vector_load %arg7[%get3A_92] {strides = array<i32>} : memref<6400xi32, #tpu.memory_space<vmem>>, vector<16xi32>,
      %gather3A_94 = tpu.vector_load_idx %arg6[%get3A_93] : memref<65536xf32, #tpu.memory_space<vmem>>[vector<16xi32>], vector<16xf32>,
      %swap3A_95 = arith.index_cast %mul3A_91 : i32 to index
      %swap3A_96 = tpu.vector_load %arg10[%swap3A_95] {strides = array<i32>} : memref<6400xf32, #tpu.memory_space<vmem>>, vector<16xf32>,
      tpu.vector_store %arg10[%swap3A_95], %gather3A_94 {strides = array<i32>} : memref<6400xf32, #tpu.memory_space<vmem>>, vector<16xf32>,
      %mul3A_97 = arith.constant 8 : i32
      %mul3A_98 = arith.muli %scan3A_76, %mul3A_97 : i32
      %add3A_99 = arith.constant 2 : i32
      %add3A_100 = arith.addi %mul3A_98, %add3A_99 : i32
      %mul3A_101 = arith.constant 16 : i32
      %mul3A_102 = arith.muli %add3A_100, %mul3A_101 : i32
      %get3A_103 = arith.index_cast %mul3A_102 : i32 to index
      %get3A_104 = tpu.vector_load %arg7[%get3A_103] {strides = array<i32>} : memref<6400xi32, #tpu.memory_space<vmem>>, vector<16xi32>,
      %gather3A_105 = tpu.vector_load_idx %arg6[%get3A_104] : memref<65536xf32, #tpu.memory_space<vmem>>[vector<16xi32>], vector<16xf32>,
      %swap3A_106 = arith.index_cast %mul3A_102 : i32 to index
      %swap3A_107 = tpu.vector_load %arg10[%swap3A_106] {strides = array<i32>} : memref<6400xf32, #tpu.memory_space<vmem>>, vector<16xf32>,
      tpu.vector_store %arg10[%swap3A_106], %gather3A_105 {strides = array<i32>} : memref<6400xf32, #tpu.memory_space<vmem>>, vector<16xf32>,
      %mul3A_108 = arith.constant 8 : i32
      %mul3A_109 = arith.muli %scan3A_76, %mul3A_108 : i32
      %add3A_110 = arith.constant 3 : i32
      %add3A_111 = arith.addi %mul3A_109, %add3A_110 : i32
      %mul3A_112 = arith.constant 16 : i32
      %mul3A_113 = arith.muli %add3A_111, %mul3A_112 : i32
      %get3A_114 = arith.index_cast %mul3A_113 : i32 to index
      %get3A_115 = tpu.vector_load %arg7[%get3A_114] {strides = array<i32>} : memref<6400xi32, #tpu.memory_space<vmem>>, vector<16xi32>,
      %gather3A_116 = tpu.vector_load_idx %arg6[%get3A_115] : memref<65536xf32, #tpu.memory_space<vmem>>[vector<16xi32>], vector<16xf32>,
      %swap3A_117 = arith.index_cast %mul3A_113 : i32 to index
      %swap3A_118 = tpu.vector_load %arg10[%swap3A_117] {strides = array<i32>} : memref<6400xf32, #tpu.memory_space<vmem>>, vector<16xf32>,
      tpu.vector_store %arg10[%swap3A_117], %gather3A_116 {strides = array<i32>} : memref<6400xf32, #tpu.memory_space<vmem>>, vector<16xf32>,
      %mul3A_119 = arith.constant 8 : i32
      %mul3A_120 = arith.muli %scan3A_76, %mul3A_119 : i32
      %add3A_121 = arith.constant 4 : i32
      %add3A_122 = arith.addi %mul3A_120, %add3A_121 : i32
      %mul3A_123 = arith.constant 16 : i32
      %mul3A_124 = arith.muli %add3A_122, %mul3A_123 : i32
      %get3A_125 = arith.index_cast %mul3A_124 : i32 to index
      %get3A_126 = tpu.vector_load %arg7[%get3A_125] {strides = array<i32>} : memref<6400xi32, #tpu.memory_space<vmem>>, vector<16xi32>,
      %gather3A_127 = tpu.vector_load_idx %arg6[%get3A_126] : memref<65536xf32, #tpu.memory_space<vmem>>[vector<16xi32>], vector<16xf32>,
      %swap3A_128 = arith.index_cast %mul3A_124 : i32 to index
      %swap3A_129 = tpu.vector_load %arg10[%swap3A_128] {strides = array<i32>} : memref<6400xf32, #tpu.memory_space<vmem>>, vector<16xf32>,
      tpu.vector_store %arg10[%swap3A_128], %gather3A_127 {strides = array<i32>} : memref<6400xf32, #tpu.memory_space<vmem>>, vector<16xf32>,
      %mul3A_130 = arith.constant 8 : i32
      %mul3A_131 = arith.muli %scan3A_76, %mul3A_130 : i32
      %add3A_132 = arith.constant 5 : i32
      %add3A_133 = arith.addi %mul3A_131, %add3A_132 : i32
      %mul3A_134 = arith.constant 16 : i32
      %mul3A_135 = arith.muli %add3A_133, %mul3A_134 : i32
      %get3A_136 = arith.index_cast %mul3A_135 : i32 to index
      %get3A_137 = tpu.vector_load %arg7[%get3A_136] {strides = array<i32>} : memref<6400xi32, #tpu.memory_space<vmem>>, vector<16xi32>,
      %gather3A_138 = tpu.vector_load_idx %arg6[%get3A_137] : memref<65536xf32, #tpu.memory_space<vmem>>[vector<16xi32>], vector<16xf32>,
      %swap3A_139 = arith.index_cast %mul3A_135 : i32 to index
      %swap3A_140 = tpu.vector_load %arg10[%swap3A_139] {strides = array<i32>} : memref<6400xf32, #tpu.memory_space<vmem>>, vector<16xf32>,
      tpu.vector_store %arg10[%swap3A_139], %gather3A_138 {strides = array<i32>} : memref<6400xf32, #tpu.memory_space<vmem>>, vector<16xf32>,
      %mul3A_141 = arith.constant 8 : i32
      %mul3A_142 = arith.muli %scan3A_76, %mul3A_141 : i32
      %add3A_143 = arith.constant 6 : i32
      %add3A_144 = arith.addi %mul3A_142, %add3A_143 : i32
      %mul3A_145 = arith.constant 16 : i32
      %mul3A_146 = arith.muli %add3A_144, %mul3A_145 : i32
      %get3A_147 = arith.index_cast %mul3A_146 : i32 to index
      %get3A_148 = tpu.vector_load %arg7[%get3A_147] {strides = array<i32>} : memref<6400xi32, #tpu.memory_space<vmem>>, vector<16xi32>,
      %gather3A_149 = tpu.vector_load_idx %arg6[%get3A_148] : memref<65536xf32, #tpu.memory_space<vmem>>[vector<16xi32>], vector<16xf32>,
      %swap3A_150 = arith.index_cast %mul3A_146 : i32 to index
      %swap3A_151 = tpu.vector_load %arg10[%swap3A_150] {strides = array<i32>} : memref<6400xf32, #tpu.memory_space<vmem>>, vector<16xf32>,
      tpu.vector_store %arg10[%swap3A_150], %gather3A_149 {strides = array<i32>} : memref<6400xf32, #tpu.memory_space<vmem>>, vector<16xf32>,
      %mul3A_152 = arith.constant 8 : i32
      %mul3A_153 = arith.muli %scan3A_76, %mul3A_152 : i32
      %add3A_154 = arith.constant 7 : i32
      %add3A_155 = arith.addi %mul3A_153, %add3A_154 : i32
      %mul3A_156 = arith.constant 16 : i32
      %mul3A_157 = arith.muli %add3A_155, %mul3A_156 : i32
      %get3A_158 = arith.index_cast %mul3A_157 : i32 to index
      %get3A_159 = tpu.vector_load %arg7[%get3A_158] {strides = array<i32>} : memref<6400xi32, #tpu.memory_space<vmem>>, vector<16xi32>,
      %gather3A_160 = tpu.vector_load_idx %arg6[%get3A_159] : memref<65536xf32, #tpu.memory_space<vmem>>[vector<16xi32>], vector<16xf32>,
      %swap3A_161 = arith.index_cast %mul3A_157 : i32 to index
      %swap3A_162 = tpu.vector_load %arg10[%swap3A_161] {strides = array<i32>} : memref<6400xf32, #tpu.memory_space<vmem>>, vector<16xf32>,
      tpu.vector_store %arg10[%swap3A_161], %gather3A_160 {strides = array<i32>} : memref<6400xf32, #tpu.memory_space<vmem>>, vector<16xf32>,
      %scan3A_163 = arith.constant 0 : i32
      scf.yield %scan3A_163 : i32
    }
    %scan3A_46 = arith.constant 50 : i32
    %dma_start3A_47 = arith.constant 0 : i32
    %dma_start3A_48 = tpu.memref_slice %arg13[%dma_start3A_47] : memref<65536xf32, #tpu.memory_space<vmem_shared>> -> memref<65536xf32, #tpu.memory_space<vmem_shared>>
    tpu.enqueue_indirect_dma source(%arg10 : memref<6400xf32, #tpu.memory_space<vmem>>) target(%dma_start3A_48 : memref<65536xf32, #tpu.memory_space<vmem_shared>>) offsets(%arg8 : memref<6400xi32, #tpu.memory_space<vmem>>) semaphore(%arg15 : memref<!tpu.dma_semaphore, #tpu.memory_space<semaphore_mem>>) {add = true}
    %mul3A_49 = arith.constant 25600 : i32
    %mul3A_50 = arith.muli %add3A, %mul3A_49 : i32
    %add3A_51 = arith.constant 19200 : i32
    %add3A_52 = arith.addi %mul3A_50, %add3A_51 : i32
    %dma_wait3A_53 = arith.constant 0 : i32
    %dma_wait3A_54 = tpu.memref_slice %arg13[%dma_wait3A_53] : memref<65536xf32, #tpu.memory_space<vmem_shared>> -> memref<65536xf32, #tpu.memory_space<vmem_shared>>
    tpu.wait_indirect_dma semaphore(%arg16 : memref<!tpu.dma_semaphore, #tpu.memory_space<semaphore_mem>>) src(%arg11 : memref<6400xf32, #tpu.memory_space<vmem>>) dst(%dma_wait3A_54 : memref<65536xf32, #tpu.memory_space<vmem_shared>>)
    "tpu.region"() ({
      %run_scoped3A = tpu.sem_alloc : memref<!tpu.dma_semaphore, #tpu.memory_space<semaphore_mem>>
      %dma_start3A_76 = tpu.memref_slice %arg2[%add3A_52] : memref<819200xi32, #tpu.memory_space<hbm>> -> memref<6400xi32, #tpu.memory_space<hbm>>
      %dma_start3A_77 = tpu.memref_slice %arg2[%add3A_52] : memref<819200xi32, #tpu.memory_space<hbm>> -> memref<6400xi32, #tpu.memory_space<hbm>>
      tpu.enqueue_dma source(%dma_start3A_77 : memref<6400xi32, #tpu.memory_space<hbm>>) target(%arg7 : memref<6400xi32, #tpu.memory_space<vmem>>) target_semaphore(%run_scoped3A : memref<!tpu.dma_semaphore, #tpu.memory_space<semaphore_mem>>)
      %dma_wait3A_78 = tpu.memref_slice %arg2[%add3A_52] : memref<819200xi32, #tpu.memory_space<hbm>> -> memref<6400xi32, #tpu.memory_space<hbm>>
      %dma_wait3A_79 = tpu.memref_slice %arg2[%add3A_52] : memref<819200xi32, #tpu.memory_space<hbm>> -> memref<6400xi32, #tpu.memory_space<hbm>>
      tpu.wait_dma2 semaphore(%run_scoped3A : memref<!tpu.dma_semaphore, #tpu.memory_space<semaphore_mem>>) src(%dma_wait3A_79 : memref<6400xi32, #tpu.memory_space<hbm>>) dst(%arg7 : memref<6400xi32, #tpu.memory_space<vmem>>)
      tpu.yield
    }) : () -> ()
    "tpu.region"() ({
      %run_scoped3A = tpu.sem_alloc : memref<!tpu.dma_semaphore, #tpu.memory_space<semaphore_mem>>
      %dma_start3A_76 = tpu.memref_slice %arg3[%add3A_52] : memref<819200xi32, #tpu.memory_space<hbm>> -> memref<6400xi32, #tpu.memory_space<hbm>>
      %dma_start3A_77 = tpu.memref_slice %arg3[%add3A_52] : memref<819200xi32, #tpu.memory_space<hbm>> -> memref<6400xi32, #tpu.memory_space<hbm>>
      tpu.enqueue_dma source(%dma_start3A_77 : memref<6400xi32, #tpu.memory_space<hbm>>) target(%arg9 : memref<6400xi32, #tpu.memory_space<vmem>>) target_semaphore(%run_scoped3A : memref<!tpu.dma_semaphore, #tpu.memory_space<semaphore_mem>>)
      %dma_wait3A_78 = tpu.memref_slice %arg3[%add3A_52] : memref<819200xi32, #tpu.memory_space<hbm>> -> memref<6400xi32, #tpu.memory_space<hbm>>
      %dma_wait3A_79 = tpu.memref_slice %arg3[%add3A_52] : memref<819200xi32, #tpu.memory_space<hbm>> -> memref<6400xi32, #tpu.memory_space<hbm>>
      tpu.wait_dma2 semaphore(%run_scoped3A : memref<!tpu.dma_semaphore, #tpu.memory_space<semaphore_mem>>) src(%dma_wait3A_79 : memref<6400xi32, #tpu.memory_space<hbm>>) dst(%arg9 : memref<6400xi32, #tpu.memory_space<vmem>>)
      tpu.yield
    }) : () -> ()
    %scan3A_55 = arith.constant 0 : i32
    %scan3A_56 = arith.constant 0 : i32
    %scan3A_57 = arith.constant 50 : i32
    %scan3A_58 = arith.addi %scan3A_56, %scan3A_57 : i32
    %scan3A_59 = arith.constant 1 : i32
    %scan3A_60 = scf.for %scan3A_76 = %scan3A_56 to %scan3A_58 step %scan3A_59 iter_args(%scan3A_77 = %scan3A_55) -> (i32)  : i32 {
      %mul3A_78 = arith.constant 8 : i32
      %mul3A_79 = arith.muli %scan3A_76, %mul3A_78 : i32
      %add3A_80 = arith.constant 0 : i32
      %add3A_81 = arith.addi %mul3A_79, %add3A_80 : i32
      %mul3A_82 = arith.constant 16 : i32
      %mul3A_83 = arith.muli %add3A_81, %mul3A_82 : i32
      %get3A = arith.index_cast %mul3A_83 : i32 to index
      %get3A_84 = tpu.vector_load %arg7[%get3A] {strides = array<i32>} : memref<6400xi32, #tpu.memory_space<vmem>>, vector<16xi32>,
      %gather3A = tpu.vector_load_idx %arg6[%get3A_84] : memref<65536xf32, #tpu.memory_space<vmem>>[vector<16xi32>], vector<16xf32>,
      %swap3A = arith.index_cast %mul3A_83 : i32 to index
      %swap3A_85 = tpu.vector_load %arg11[%swap3A] {strides = array<i32>} : memref<6400xf32, #tpu.memory_space<vmem>>, vector<16xf32>,
      tpu.vector_store %arg11[%swap3A], %gather3A {strides = array<i32>} : memref<6400xf32, #tpu.memory_space<vmem>>, vector<16xf32>,
      %mul3A_86 = arith.constant 8 : i32
      %mul3A_87 = arith.muli %scan3A_76, %mul3A_86 : i32
      %add3A_88 = arith.constant 1 : i32
      %add3A_89 = arith.addi %mul3A_87, %add3A_88 : i32
      %mul3A_90 = arith.constant 16 : i32
      %mul3A_91 = arith.muli %add3A_89, %mul3A_90 : i32
      %get3A_92 = arith.index_cast %mul3A_91 : i32 to index
      %get3A_93 = tpu.vector_load %arg7[%get3A_92] {strides = array<i32>} : memref<6400xi32, #tpu.memory_space<vmem>>, vector<16xi32>,
      %gather3A_94 = tpu.vector_load_idx %arg6[%get3A_93] : memref<65536xf32, #tpu.memory_space<vmem>>[vector<16xi32>], vector<16xf32>,
      %swap3A_95 = arith.index_cast %mul3A_91 : i32 to index
      %swap3A_96 = tpu.vector_load %arg11[%swap3A_95] {strides = array<i32>} : memref<6400xf32, #tpu.memory_space<vmem>>, vector<16xf32>,
      tpu.vector_store %arg11[%swap3A_95], %gather3A_94 {strides = array<i32>} : memref<6400xf32, #tpu.memory_space<vmem>>, vector<16xf32>,
      %mul3A_97 = arith.constant 8 : i32
      %mul3A_98 = arith.muli %scan3A_76, %mul3A_97 : i32
      %add3A_99 = arith.constant 2 : i32
      %add3A_100 = arith.addi %mul3A_98, %add3A_99 : i32
      %mul3A_101 = arith.constant 16 : i32
      %mul3A_102 = arith.muli %add3A_100, %mul3A_101 : i32
      %get3A_103 = arith.index_cast %mul3A_102 : i32 to index
      %get3A_104 = tpu.vector_load %arg7[%get3A_103] {strides = array<i32>} : memref<6400xi32, #tpu.memory_space<vmem>>, vector<16xi32>,
      %gather3A_105 = tpu.vector_load_idx %arg6[%get3A_104] : memref<65536xf32, #tpu.memory_space<vmem>>[vector<16xi32>], vector<16xf32>,
      %swap3A_106 = arith.index_cast %mul3A_102 : i32 to index
      %swap3A_107 = tpu.vector_load %arg11[%swap3A_106] {strides = array<i32>} : memref<6400xf32, #tpu.memory_space<vmem>>, vector<16xf32>,
      tpu.vector_store %arg11[%swap3A_106], %gather3A_105 {strides = array<i32>} : memref<6400xf32, #tpu.memory_space<vmem>>, vector<16xf32>,
      %mul3A_108 = arith.constant 8 : i32
      %mul3A_109 = arith.muli %scan3A_76, %mul3A_108 : i32
      %add3A_110 = arith.constant 3 : i32
      %add3A_111 = arith.addi %mul3A_109, %add3A_110 : i32
      %mul3A_112 = arith.constant 16 : i32
      %mul3A_113 = arith.muli %add3A_111, %mul3A_112 : i32
      %get3A_114 = arith.index_cast %mul3A_113 : i32 to index
      %get3A_115 = tpu.vector_load %arg7[%get3A_114] {strides = array<i32>} : memref<6400xi32, #tpu.memory_space<vmem>>, vector<16xi32>,
      %gather3A_116 = tpu.vector_load_idx %arg6[%get3A_115] : memref<65536xf32, #tpu.memory_space<vmem>>[vector<16xi32>], vector<16xf32>,
      %swap3A_117 = arith.index_cast %mul3A_113 : i32 to index
      %swap3A_118 = tpu.vector_load %arg11[%swap3A_117] {strides = array<i32>} : memref<6400xf32, #tpu.memory_space<vmem>>, vector<16xf32>,
      tpu.vector_store %arg11[%swap3A_117], %gather3A_116 {strides = array<i32>} : memref<6400xf32, #tpu.memory_space<vmem>>, vector<16xf32>,
      %mul3A_119 = arith.constant 8 : i32
      %mul3A_120 = arith.muli %scan3A_76, %mul3A_119 : i32
      %add3A_121 = arith.constant 4 : i32
      %add3A_122 = arith.addi %mul3A_120, %add3A_121 : i32
      %mul3A_123 = arith.constant 16 : i32
      %mul3A_124 = arith.muli %add3A_122, %mul3A_123 : i32
      %get3A_125 = arith.index_cast %mul3A_124 : i32 to index
      %get3A_126 = tpu.vector_load %arg7[%get3A_125] {strides = array<i32>} : memref<6400xi32, #tpu.memory_space<vmem>>, vector<16xi32>,
      %gather3A_127 = tpu.vector_load_idx %arg6[%get3A_126] : memref<65536xf32, #tpu.memory_space<vmem>>[vector<16xi32>], vector<16xf32>,
      %swap3A_128 = arith.index_cast %mul3A_124 : i32 to index
      %swap3A_129 = tpu.vector_load %arg11[%swap3A_128] {strides = array<i32>} : memref<6400xf32, #tpu.memory_space<vmem>>, vector<16xf32>,
      tpu.vector_store %arg11[%swap3A_128], %gather3A_127 {strides = array<i32>} : memref<6400xf32, #tpu.memory_space<vmem>>, vector<16xf32>,
      %mul3A_130 = arith.constant 8 : i32
      %mul3A_131 = arith.muli %scan3A_76, %mul3A_130 : i32
      %add3A_132 = arith.constant 5 : i32
      %add3A_133 = arith.addi %mul3A_131, %add3A_132 : i32
      %mul3A_134 = arith.constant 16 : i32
      %mul3A_135 = arith.muli %add3A_133, %mul3A_134 : i32
      %get3A_136 = arith.index_cast %mul3A_135 : i32 to index
      %get3A_137 = tpu.vector_load %arg7[%get3A_136] {strides = array<i32>} : memref<6400xi32, #tpu.memory_space<vmem>>, vector<16xi32>,
      %gather3A_138 = tpu.vector_load_idx %arg6[%get3A_137] : memref<65536xf32, #tpu.memory_space<vmem>>[vector<16xi32>], vector<16xf32>,
      %swap3A_139 = arith.index_cast %mul3A_135 : i32 to index
      %swap3A_140 = tpu.vector_load %arg11[%swap3A_139] {strides = array<i32>} : memref<6400xf32, #tpu.memory_space<vmem>>, vector<16xf32>,
      tpu.vector_store %arg11[%swap3A_139], %gather3A_138 {strides = array<i32>} : memref<6400xf32, #tpu.memory_space<vmem>>, vector<16xf32>,
      %mul3A_141 = arith.constant 8 : i32
      %mul3A_142 = arith.muli %scan3A_76, %mul3A_141 : i32
      %add3A_143 = arith.constant 6 : i32
      %add3A_144 = arith.addi %mul3A_142, %add3A_143 : i32
      %mul3A_145 = arith.constant 16 : i32
      %mul3A_146 = arith.muli %add3A_144, %mul3A_145 : i32
      %get3A_147 = arith.index_cast %mul3A_146 : i32 to index
      %get3A_148 = tpu.vector_load %arg7[%get3A_147] {strides = array<i32>} : memref<6400xi32, #tpu.memory_space<vmem>>, vector<16xi32>,
      %gather3A_149 = tpu.vector_load_idx %arg6[%get3A_148] : memref<65536xf32, #tpu.memory_space<vmem>>[vector<16xi32>], vector<16xf32>,
      %swap3A_150 = arith.index_cast %mul3A_146 : i32 to index
      %swap3A_151 = tpu.vector_load %arg11[%swap3A_150] {strides = array<i32>} : memref<6400xf32, #tpu.memory_space<vmem>>, vector<16xf32>,
      tpu.vector_store %arg11[%swap3A_150], %gather3A_149 {strides = array<i32>} : memref<6400xf32, #tpu.memory_space<vmem>>, vector<16xf32>,
      %mul3A_152 = arith.constant 8 : i32
      %mul3A_153 = arith.muli %scan3A_76, %mul3A_152 : i32
      %add3A_154 = arith.constant 7 : i32
      %add3A_155 = arith.addi %mul3A_153, %add3A_154 : i32
      %mul3A_156 = arith.constant 16 : i32
      %mul3A_157 = arith.muli %add3A_155, %mul3A_156 : i32
      %get3A_158 = arith.index_cast %mul3A_157 : i32 to index
      %get3A_159 = tpu.vector_load %arg7[%get3A_158] {strides = array<i32>} : memref<6400xi32, #tpu.memory_space<vmem>>, vector<16xi32>,
      %gather3A_160 = tpu.vector_load_idx %arg6[%get3A_159] : memref<65536xf32, #tpu.memory_space<vmem>>[vector<16xi32>], vector<16xf32>,
      %swap3A_161 = arith.index_cast %mul3A_157 : i32 to index
      %swap3A_162 = tpu.vector_load %arg11[%swap3A_161] {strides = array<i32>} : memref<6400xf32, #tpu.memory_space<vmem>>, vector<16xf32>,
      tpu.vector_store %arg11[%swap3A_161], %gather3A_160 {strides = array<i32>} : memref<6400xf32, #tpu.memory_space<vmem>>, vector<16xf32>,
      %scan3A_163 = arith.constant 0 : i32
      scf.yield %scan3A_163 : i32
    }
    %scan3A_61 = arith.constant 50 : i32
    %dma_start3A_62 = arith.constant 0 : i32
    %dma_start3A_63 = tpu.memref_slice %arg13[%dma_start3A_62] : memref<65536xf32, #tpu.memory_space<vmem_shared>> -> memref<65536xf32, #tpu.memory_space<vmem_shared>>
    tpu.enqueue_indirect_dma source(%arg11 : memref<6400xf32, #tpu.memory_space<vmem>>) target(%dma_start3A_63 : memref<65536xf32, #tpu.memory_space<vmem_shared>>) offsets(%arg9 : memref<6400xi32, #tpu.memory_space<vmem>>) semaphore(%arg16 : memref<!tpu.dma_semaphore, #tpu.memory_space<semaphore_mem>>) {add = true}
    %dma_wait3A_64 = arith.constant 0 : i32
    %dma_wait3A_65 = tpu.memref_slice %arg13[%dma_wait3A_64] : memref<65536xf32, #tpu.memory_space<vmem_shared>> -> memref<65536xf32, #tpu.memory_space<vmem_shared>>
    tpu.wait_indirect_dma semaphore(%arg15 : memref<!tpu.dma_semaphore, #tpu.memory_space<semaphore_mem>>) src(%arg10 : memref<6400xf32, #tpu.memory_space<vmem>>) dst(%dma_wait3A_65 : memref<65536xf32, #tpu.memory_space<vmem_shared>>)
    %dma_wait3A_66 = arith.constant 0 : i32
    %dma_wait3A_67 = tpu.memref_slice %arg13[%dma_wait3A_66] : memref<65536xf32, #tpu.memory_space<vmem_shared>> -> memref<65536xf32, #tpu.memory_space<vmem_shared>>
    tpu.wait_indirect_dma semaphore(%arg16 : memref<!tpu.dma_semaphore, #tpu.memory_space<semaphore_mem>>) src(%arg11 : memref<6400xf32, #tpu.memory_space<vmem>>) dst(%dma_wait3A_67 : memref<65536xf32, #tpu.memory_space<vmem_shared>>)
    %barrier3A_68 = arith.constant 0 : index
    tpu.barrier barrier_id(%barrier3A_68)
    %mul3A_69 = arith.constant 4096 : i32
    %mul3A_70 = arith.muli %arg1, %mul3A_69 : i32
    "tpu.region"() ({
      %run_scoped3A = tpu.sem_alloc : memref<!tpu.dma_semaphore, #tpu.memory_space<semaphore_mem>>
      %dma_start3A_76 = tpu.memref_slice %arg13[%mul3A_70] : memref<65536xf32, #tpu.memory_space<vmem_shared>> -> memref<4096xf32, #tpu.memory_space<vmem_shared>>
      %dma_start3A_77 = tpu.memref_slice %arg13[%mul3A_70] : memref<65536xf32, #tpu.memory_space<vmem_shared>> -> memref<4096xf32, #tpu.memory_space<vmem_shared>>
      tpu.enqueue_dma source(%dma_start3A_77 : memref<4096xf32, #tpu.memory_space<vmem_shared>>) target(%arg12 : memref<4096xf32, #tpu.memory_space<vmem>>) target_semaphore(%run_scoped3A : memref<!tpu.dma_semaphore, #tpu.memory_space<semaphore_mem>>)
      %dma_wait3A_78 = tpu.memref_slice %arg13[%mul3A_70] : memref<65536xf32, #tpu.memory_space<vmem_shared>> -> memref<4096xf32, #tpu.memory_space<vmem_shared>>
      %dma_wait3A_79 = tpu.memref_slice %arg13[%mul3A_70] : memref<65536xf32, #tpu.memory_space<vmem_shared>> -> memref<4096xf32, #tpu.memory_space<vmem_shared>>
      tpu.wait_dma2 semaphore(%run_scoped3A : memref<!tpu.dma_semaphore, #tpu.memory_space<semaphore_mem>>) src(%dma_wait3A_79 : memref<4096xf32, #tpu.memory_space<vmem_shared>>) dst(%arg12 : memref<4096xf32, #tpu.memory_space<vmem>>)
      tpu.yield
    }) : () -> ()
    %mul3A_71 = arith.constant 65536 : i32
    %mul3A_72 = arith.muli %arg0, %mul3A_71 : i32
    %mul3A_73 = arith.constant 4096 : i32
    %mul3A_74 = arith.muli %arg1, %mul3A_73 : i32
    %add3A_75 = arith.addi %mul3A_72, %mul3A_74 : i32
    "tpu.region"() ({
      %run_scoped3A = tpu.sem_alloc : memref<!tpu.dma_semaphore, #tpu.memory_space<semaphore_mem>>
      %dma_start3A_76 = tpu.memref_slice %arg5[%add3A_75] : memref<131072xf32, #tpu.memory_space<hbm>> -> memref<4096xf32, #tpu.memory_space<hbm>>
      %dma_start3A_77 = tpu.memref_slice %arg5[%add3A_75] : memref<131072xf32, #tpu.memory_space<hbm>> -> memref<4096xf32, #tpu.memory_space<hbm>>
      tpu.enqueue_dma source(%arg12 : memref<4096xf32, #tpu.memory_space<vmem>>) target(%dma_start3A_77 : memref<4096xf32, #tpu.memory_space<hbm>>) target_semaphore(%run_scoped3A : memref<!tpu.dma_semaphore, #tpu.memory_space<semaphore_mem>>)
      %dma_wait3A_78 = tpu.memref_slice %arg5[%add3A_75] : memref<131072xf32, #tpu.memory_space<hbm>> -> memref<4096xf32, #tpu.memory_space<hbm>>
      %dma_wait3A_79 = tpu.memref_slice %arg5[%add3A_75] : memref<131072xf32, #tpu.memory_space<hbm>> -> memref<4096xf32, #tpu.memory_space<hbm>>
      tpu.wait_dma2 semaphore(%run_scoped3A : memref<!tpu.dma_semaphore, #tpu.memory_space<semaphore_mem>>) src(%arg12 : memref<4096xf32, #tpu.memory_space<vmem>>) dst(%dma_wait3A_79 : memref<4096xf32, #tpu.memory_space<hbm>>)
      tpu.yield
    }) : () -> ()
    return
  }
}

#map = affine_map<(d0, d1) -> (0)>
module attributes {stable_mosaic.version = 14 : i64} {
  func.func @k(%arg0: i32, %arg1: i32, %arg2: memref<819200xi32, #tpu.memory_space<hbm>>, %arg3: memref<819200xi32, #tpu.memory_space<hbm>>, %arg4: memref<65536xf32, #tpu.memory_space<hbm>>, %arg5: memref<131072xf32, #tpu.memory_space<hbm>>, %arg6: memref<65536xf32, #tpu.memory_space<vmem>>, %arg7: memref<6400xi32, #tpu.memory_space<vmem>>, %arg8: memref<6400xi32, #tpu.memory_space<vmem>>, %arg9: memref<6400xi32, #tpu.memory_space<vmem>>, %arg10: memref<6400xf32, #tpu.memory_space<vmem>>, %arg11: memref<6400xf32, #tpu.memory_space<vmem>>, %arg12: memref<4096xf32, #tpu.memory_space<vmem>>, %arg13: memref<65536xf32, #tpu.memory_space<vmem_shared>>, %arg14: memref<!tpu.dma_semaphore, #tpu.memory_space<semaphore_mem>>, %arg15: memref<!tpu.dma_semaphore, #tpu.memory_space<semaphore_mem>>, %arg16: memref<!tpu.dma_semaphore, #tpu.memory_space<semaphore_mem>>) attributes {dimension_semantics = [#tpu.dimension_semantics<core_parallel>, #tpu.dimension_semantics<subcore_parallel>], iteration_bounds = array<i64: 2, 16>, scalar_prefetch = 0 : i64, scratch_operands = 11 : i64, tpu.core_type = #tpu.core_type<sc_vector_subcore>, window_params = [{transform_indices = #map}, {transform_indices = #map}, {transform_indices = #map}, {transform_indices = #map}]} {
    %mul3A = arith.constant 16 : i32
    %mul3A_0 = arith.muli %arg0, %mul3A : i32
    %add3A = arith.addi %mul3A_0, %arg1 : i32
    tpu.enqueue_dma source(%arg4 : memref<65536xf32, #tpu.memory_space<hbm>>) target(%arg6 : memref<65536xf32, #tpu.memory_space<vmem>>) target_semaphore(%arg14 : memref<!tpu.dma_semaphore, #tpu.memory_space<semaphore_mem>>)
    %broadcast_in_dim3A = arith.constant 0.000000e+00 : f32
    %broadcast_in_dim3A_1 = vector.broadcast %broadcast_in_dim3A : f32 to vector<16xf32>
    %scan3A = arith.constant 0 : i32
    %scan3A_2 = arith.constant 0 : i32
    %scan3A_3 = arith.constant 32 : i32
    %scan3A_4 = arith.addi %scan3A_2, %scan3A_3 : i32
    %scan3A_5 = arith.constant 1 : i32
    %scan3A_6 = scf.for %scan3A_76 = %scan3A_2 to %scan3A_4 step %scan3A_5 iter_args(%scan3A_77 = %scan3A) -> (i32)  : i32 {
      %mul3A_78 = arith.constant 8 : i32
      %mul3A_79 = arith.muli %scan3A_76, %mul3A_78 : i32
      %add3A_80 = arith.constant 0 : i32
      %add3A_81 = arith.addi %mul3A_79, %add3A_80 : i32
      %mul3A_82 = arith.constant 16 : i32
      %mul3A_83 = arith.muli %add3A_81, %mul3A_82 : i32
      %swap3A = arith.index_cast %mul3A_83 : i32 to index
      %swap3A_84 = tpu.vector_load %arg12[%swap3A] {strides = array<i32>} : memref<4096xf32, #tpu.memory_space<vmem>>, vector<16xf32>,
      tpu.vector_store %arg12[%swap3A], %broadcast_in_dim3A_1 {strides = array<i32>} : memref<4096xf32, #tpu.memory_space<vmem>>, vector<16xf32>,
      %mul3A_85 = arith.constant 8 : i32
      %mul3A_86 = arith.muli %scan3A_76, %mul3A_85 : i32
      %add3A_87 = arith.constant 1 : i32
      %add3A_88 = arith.addi %mul3A_86, %add3A_87 : i32
      %mul3A_89 = arith.constant 16 : i32
      %mul3A_90 = arith.muli %add3A_88, %mul3A_89 : i32
      %swap3A_91 = arith.index_cast %mul3A_90 : i32 to index
      %swap3A_92 = tpu.vector_load %arg12[%swap3A_91] {strides = array<i32>} : memref<4096xf32, #tpu.memory_space<vmem>>, vector<16xf32>,
      tpu.vector_store %arg12[%swap3A_91], %broadcast_in_dim3A_1 {strides = array<i32>} : memref<4096xf32, #tpu.memory_space<vmem>>, vector<16xf32>,
      %mul3A_93 = arith.constant 8 : i32
      %mul3A_94 = arith.muli %scan3A_76, %mul3A_93 : i32
      %add3A_95 = arith.constant 2 : i32
      %add3A_96 = arith.addi %mul3A_94, %add3A_95 : i32
      %mul3A_97 = arith.constant 16 : i32
      %mul3A_98 = arith.muli %add3A_96, %mul3A_97 : i32
      %swap3A_99 = arith.index_cast %mul3A_98 : i32 to index
      %swap3A_100 = tpu.vector_load %arg12[%swap3A_99] {strides = array<i32>} : memref<4096xf32, #tpu.memory_space<vmem>>, vector<16xf32>,
      tpu.vector_store %arg12[%swap3A_99], %broadcast_in_dim3A_1 {strides = array<i32>} : memref<4096xf32, #tpu.memory_space<vmem>>, vector<16xf32>,
      %mul3A_101 = arith.constant 8 : i32
      %mul3A_102 = arith.muli %scan3A_76, %mul3A_101 : i32
      %add3A_103 = arith.constant 3 : i32
      %add3A_104 = arith.addi %mul3A_102, %add3A_103 : i32
      %mul3A_105 = arith.constant 16 : i32
      %mul3A_106 = arith.muli %add3A_104, %mul3A_105 : i32
      %swap3A_107 = arith.index_cast %mul3A_106 : i32 to index
      %swap3A_108 = tpu.vector_load %arg12[%swap3A_107] {strides = array<i32>} : memref<4096xf32, #tpu.memory_space<vmem>>, vector<16xf32>,
      tpu.vector_store %arg12[%swap3A_107], %broadcast_in_dim3A_1 {strides = array<i32>} : memref<4096xf32, #tpu.memory_space<vmem>>, vector<16xf32>,
      %mul3A_109 = arith.constant 8 : i32
      %mul3A_110 = arith.muli %scan3A_76, %mul3A_109 : i32
      %add3A_111 = arith.constant 4 : i32
      %add3A_112 = arith.addi %mul3A_110, %add3A_111 : i32
      %mul3A_113 = arith.constant 16 : i32
      %mul3A_114 = arith.muli %add3A_112, %mul3A_113 : i32
      %swap3A_115 = arith.index_cast %mul3A_114 : i32 to index
      %swap3A_116 = tpu.vector_load %arg12[%swap3A_115] {strides = array<i32>} : memref<4096xf32, #tpu.memory_space<vmem>>, vector<16xf32>,
      tpu.vector_store %arg12[%swap3A_115], %broadcast_in_dim3A_1 {strides = array<i32>} : memref<4096xf32, #tpu.memory_space<vmem>>, vector<16xf32>,
      %mul3A_117 = arith.constant 8 : i32
      %mul3A_118 = arith.muli %scan3A_76, %mul3A_117 : i32
      %add3A_119 = arith.constant 5 : i32
      %add3A_120 = arith.addi %mul3A_118, %add3A_119 : i32
      %mul3A_121 = arith.constant 16 : i32
      %mul3A_122 = arith.muli %add3A_120, %mul3A_121 : i32
      %swap3A_123 = arith.index_cast %mul3A_122 : i32 to index
      %swap3A_124 = tpu.vector_load %arg12[%swap3A_123] {strides = array<i32>} : memref<4096xf32, #tpu.memory_space<vmem>>, vector<16xf32>,
      tpu.vector_store %arg12[%swap3A_123], %broadcast_in_dim3A_1 {strides = array<i32>} : memref<4096xf32, #tpu.memory_space<vmem>>, vector<16xf32>,
      %mul3A_125 = arith.constant 8 : i32
      %mul3A_126 = arith.muli %scan3A_76, %mul3A_125 : i32
      %add3A_127 = arith.constant 6 : i32
      %add3A_128 = arith.addi %mul3A_126, %add3A_127 : i32
      %mul3A_129 = arith.constant 16 : i32
      %mul3A_130 = arith.muli %add3A_128, %mul3A_129 : i32
      %swap3A_131 = arith.index_cast %mul3A_130 : i32 to index
      %swap3A_132 = tpu.vector_load %arg12[%swap3A_131] {strides = array<i32>} : memref<4096xf32, #tpu.memory_space<vmem>>, vector<16xf32>,
      tpu.vector_store %arg12[%swap3A_131], %broadcast_in_dim3A_1 {strides = array<i32>} : memref<4096xf32, #tpu.memory_space<vmem>>, vector<16xf32>,
      %mul3A_133 = arith.constant 8 : i32
      %mul3A_134 = arith.muli %scan3A_76, %mul3A_133 : i32
      %add3A_135 = arith.constant 7 : i32
      %add3A_136 = arith.addi %mul3A_134, %add3A_135 : i32
      %mul3A_137 = arith.constant 16 : i32
      %mul3A_138 = arith.muli %add3A_136, %mul3A_137 : i32
      %swap3A_139 = arith.index_cast %mul3A_138 : i32 to index
      %swap3A_140 = tpu.vector_load %arg12[%swap3A_139] {strides = array<i32>} : memref<4096xf32, #tpu.memory_space<vmem>>, vector<16xf32>,
      tpu.vector_store %arg12[%swap3A_139], %broadcast_in_dim3A_1 {strides = array<i32>} : memref<4096xf32, #tpu.memory_space<vmem>>, vector<16xf32>,
      %scan3A_141 = arith.constant 0 : i32
      scf.yield %scan3A_141 : i32
    }
    %scan3A_7 = arith.constant 32 : i32
    %mul3A_8 = arith.constant 4096 : i32
    %mul3A_9 = arith.muli %arg1, %mul3A_8 : i32
    "tpu.region"() ({
      %run_scoped3A = tpu.sem_alloc : memref<!tpu.dma_semaphore, #tpu.memory_space<semaphore_mem>>
      %dma_start3A_76 = tpu.memref_slice %arg13[%mul3A_9] : memref<65536xf32, #tpu.memory_space<vmem_shared>> -> memref<4096xf32, #tpu.memory_space<vmem_shared>>
      %dma_start3A_77 = tpu.memref_slice %arg13[%mul3A_9] : memref<65536xf32, #tpu.memory_space<vmem_shared>> -> memref<4096xf32, #tpu.memory_space<vmem_shared>>
      tpu.enqueue_dma source(%arg12 : memref<4096xf32, #tpu.memory_space<vmem>>) target(%dma_start3A_77 : memref<4096xf32, #tpu.memory_space<vmem_shared>>) target_semaphore(%run_scoped3A : memref<!tpu.dma_semaphore, #tpu.memory_space<semaphore_mem>>)
      %dma_wait3A_78 = tpu.memref_slice %arg13[%mul3A_9] : memref<65536xf32, #tpu.memory_space<vmem_shared>> -> memref<4096xf32, #tpu.memory_space<vmem_shared>>
      %dma_wait3A_79 = tpu.memref_slice %arg13[%mul3A_9] : memref<65536xf32, #tpu.memory_space<vmem_shared>> -> memref<4096xf32, #tpu.memory_space<vmem_shared>>
      tpu.wait_dma2 semaphore(%run_scoped3A : memref<!tpu.dma_semaphore, #tpu.memory_space<semaphore_mem>>) src(%arg12 : memref<4096xf32, #tpu.memory_space<vmem>>) dst(%dma_wait3A_79 : memref<4096xf32, #tpu.memory_space<vmem_shared>>)
      tpu.yield
    }) : () -> ()
    tpu.wait_dma2 semaphore(%arg14 : memref<!tpu.dma_semaphore, #tpu.memory_space<semaphore_mem>>) src(%arg4 : memref<65536xf32, #tpu.memory_space<hbm>>) dst(%arg6 : memref<65536xf32, #tpu.memory_space<vmem>>)
    %barrier3A = arith.constant 0 : index
    tpu.barrier barrier_id(%barrier3A)
    %mul3A_10 = arith.constant 25600 : i32
    %mul3A_11 = arith.muli %add3A, %mul3A_10 : i32
    %add3A_12 = arith.constant 0 : i32
    %add3A_13 = arith.addi %mul3A_11, %add3A_12 : i32
    "tpu.region"() ({
      %run_scoped3A = tpu.sem_alloc : memref<!tpu.dma_semaphore, #tpu.memory_space<semaphore_mem>>
      %dma_start3A_76 = tpu.memref_slice %arg2[%add3A_13] : memref<819200xi32, #tpu.memory_space<hbm>> -> memref<6400xi32, #tpu.memory_space<hbm>>
      %dma_start3A_77 = tpu.memref_slice %arg2[%add3A_13] : memref<819200xi32, #tpu.memory_space<hbm>> -> memref<6400xi32, #tpu.memory_space<hbm>>
      tpu.enqueue_dma source(%dma_start3A_77 : memref<6400xi32, #tpu.memory_space<hbm>>) target(%arg7 : memref<6400xi32, #tpu.memory_space<vmem>>) target_semaphore(%run_scoped3A : memref<!tpu.dma_semaphore, #tpu.memory_space<semaphore_mem>>)
      %dma_wait3A_78 = tpu.memref_slice %arg2[%add3A_13] : memref<819200xi32, #tpu.memory_space<hbm>> -> memref<6400xi32, #tpu.memory_space<hbm>>
      %dma_wait3A_79 = tpu.memref_slice %arg2[%add3A_13] : memref<819200xi32, #tpu.memory_space<hbm>> -> memref<6400xi32, #tpu.memory_space<hbm>>
      tpu.wait_dma2 semaphore(%run_scoped3A : memref<!tpu.dma_semaphore, #tpu.memory_space<semaphore_mem>>) src(%dma_wait3A_79 : memref<6400xi32, #tpu.memory_space<hbm>>) dst(%arg7 : memref<6400xi32, #tpu.memory_space<vmem>>)
      tpu.yield
    }) : () -> ()
    "tpu.region"() ({
      %run_scoped3A = tpu.sem_alloc : memref<!tpu.dma_semaphore, #tpu.memory_space<semaphore_mem>>
      %dma_start3A_76 = tpu.memref_slice %arg3[%add3A_13] : memref<819200xi32, #tpu.memory_space<hbm>> -> memref<6400xi32, #tpu.memory_space<hbm>>
      %dma_start3A_77 = tpu.memref_slice %arg3[%add3A_13] : memref<819200xi32, #tpu.memory_space<hbm>> -> memref<6400xi32, #tpu.memory_space<hbm>>
      tpu.enqueue_dma source(%dma_start3A_77 : memref<6400xi32, #tpu.memory_space<hbm>>) target(%arg8 : memref<6400xi32, #tpu.memory_space<vmem>>) target_semaphore(%run_scoped3A : memref<!tpu.dma_semaphore, #tpu.memory_space<semaphore_mem>>)
      %dma_wait3A_78 = tpu.memref_slice %arg3[%add3A_13] : memref<819200xi32, #tpu.memory_space<hbm>> -> memref<6400xi32, #tpu.memory_space<hbm>>
      %dma_wait3A_79 = tpu.memref_slice %arg3[%add3A_13] : memref<819200xi32, #tpu.memory_space<hbm>> -> memref<6400xi32, #tpu.memory_space<hbm>>
      tpu.wait_dma2 semaphore(%run_scoped3A : memref<!tpu.dma_semaphore, #tpu.memory_space<semaphore_mem>>) src(%dma_wait3A_79 : memref<6400xi32, #tpu.memory_space<hbm>>) dst(%arg8 : memref<6400xi32, #tpu.memory_space<vmem>>)
      tpu.yield
    }) : () -> ()
    %scan3A_14 = arith.constant 0 : i32
    %scan3A_15 = arith.constant 0 : i32
    %scan3A_16 = arith.constant 50 : i32
    %scan3A_17 = arith.addi %scan3A_15, %scan3A_16 : i32
    %scan3A_18 = arith.constant 1 : i32
    %scan3A_19 = scf.for %scan3A_76 = %scan3A_15 to %scan3A_17 step %scan3A_18 iter_args(%scan3A_77 = %scan3A_14) -> (i32)  : i32 {
      %mul3A_78 = arith.constant 8 : i32
      %mul3A_79 = arith.muli %scan3A_76, %mul3A_78 : i32
      %add3A_80 = arith.constant 0 : i32
      %add3A_81 = arith.addi %mul3A_79, %add3A_80 : i32
      %mul3A_82 = arith.constant 16 : i32
      %mul3A_83 = arith.muli %add3A_81, %mul3A_82 : i32
      %get3A = arith.index_cast %mul3A_83 : i32 to index
      %get3A_84 = tpu.vector_load %arg7[%get3A] {strides = array<i32>} : memref<6400xi32, #tpu.memory_space<vmem>>, vector<16xi32>,
      %gather3A = tpu.vector_load_idx %arg6[%get3A_84] : memref<65536xf32, #tpu.memory_space<vmem>>[vector<16xi32>], vector<16xf32>,
      %swap3A = arith.index_cast %mul3A_83 : i32 to index
      %swap3A_85 = tpu.vector_load %arg10[%swap3A] {strides = array<i32>} : memref<6400xf32, #tpu.memory_space<vmem>>, vector<16xf32>,
      tpu.vector_store %arg10[%swap3A], %gather3A {strides = array<i32>} : memref<6400xf32, #tpu.memory_space<vmem>>, vector<16xf32>,
      %mul3A_86 = arith.constant 8 : i32
      %mul3A_87 = arith.muli %scan3A_76, %mul3A_86 : i32
      %add3A_88 = arith.constant 1 : i32
      %add3A_89 = arith.addi %mul3A_87, %add3A_88 : i32
      %mul3A_90 = arith.constant 16 : i32
      %mul3A_91 = arith.muli %add3A_89, %mul3A_90 : i32
      %get3A_92 = arith.index_cast %mul3A_91 : i32 to index
      %get3A_93 = tpu.vector_load %arg7[%get3A_92] {strides = array<i32>} : memref<6400xi32, #tpu.memory_space<vmem>>, vector<16xi32>,
      %gather3A_94 = tpu.vector_load_idx %arg6[%get3A_93] : memref<65536xf32, #tpu.memory_space<vmem>>[vector<16xi32>], vector<16xf32>,
      %swap3A_95 = arith.index_cast %mul3A_91 : i32 to index
      %swap3A_96 = tpu.vector_load %arg10[%swap3A_95] {strides = array<i32>} : memref<6400xf32, #tpu.memory_space<vmem>>, vector<16xf32>,
      tpu.vector_store %arg10[%swap3A_95], %gather3A_94 {strides = array<i32>} : memref<6400xf32, #tpu.memory_space<vmem>>, vector<16xf32>,
      %mul3A_97 = arith.constant 8 : i32
      %mul3A_98 = arith.muli %scan3A_76, %mul3A_97 : i32
      %add3A_99 = arith.constant 2 : i32
      %add3A_100 = arith.addi %mul3A_98, %add3A_99 : i32
      %mul3A_101 = arith.constant 16 : i32
      %mul3A_102 = arith.muli %add3A_100, %mul3A_101 : i32
      %get3A_103 = arith.index_cast %mul3A_102 : i32 to index
      %get3A_104 = tpu.vector_load %arg7[%get3A_103] {strides = array<i32>} : memref<6400xi32, #tpu.memory_space<vmem>>, vector<16xi32>,
      %gather3A_105 = tpu.vector_load_idx %arg6[%get3A_104] : memref<65536xf32, #tpu.memory_space<vmem>>[vector<16xi32>], vector<16xf32>,
      %swap3A_106 = arith.index_cast %mul3A_102 : i32 to index
      %swap3A_107 = tpu.vector_load %arg10[%swap3A_106] {strides = array<i32>} : memref<6400xf32, #tpu.memory_space<vmem>>, vector<16xf32>,
      tpu.vector_store %arg10[%swap3A_106], %gather3A_105 {strides = array<i32>} : memref<6400xf32, #tpu.memory_space<vmem>>, vector<16xf32>,
      %mul3A_108 = arith.constant 8 : i32
      %mul3A_109 = arith.muli %scan3A_76, %mul3A_108 : i32
      %add3A_110 = arith.constant 3 : i32
      %add3A_111 = arith.addi %mul3A_109, %add3A_110 : i32
      %mul3A_112 = arith.constant 16 : i32
      %mul3A_113 = arith.muli %add3A_111, %mul3A_112 : i32
      %get3A_114 = arith.index_cast %mul3A_113 : i32 to index
      %get3A_115 = tpu.vector_load %arg7[%get3A_114] {strides = array<i32>} : memref<6400xi32, #tpu.memory_space<vmem>>, vector<16xi32>,
      %gather3A_116 = tpu.vector_load_idx %arg6[%get3A_115] : memref<65536xf32, #tpu.memory_space<vmem>>[vector<16xi32>], vector<16xf32>,
      %swap3A_117 = arith.index_cast %mul3A_113 : i32 to index
      %swap3A_118 = tpu.vector_load %arg10[%swap3A_117] {strides = array<i32>} : memref<6400xf32, #tpu.memory_space<vmem>>, vector<16xf32>,
      tpu.vector_store %arg10[%swap3A_117], %gather3A_116 {strides = array<i32>} : memref<6400xf32, #tpu.memory_space<vmem>>, vector<16xf32>,
      %mul3A_119 = arith.constant 8 : i32
      %mul3A_120 = arith.muli %scan3A_76, %mul3A_119 : i32
      %add3A_121 = arith.constant 4 : i32
      %add3A_122 = arith.addi %mul3A_120, %add3A_121 : i32
      %mul3A_123 = arith.constant 16 : i32
      %mul3A_124 = arith.muli %add3A_122, %mul3A_123 : i32
      %get3A_125 = arith.index_cast %mul3A_124 : i32 to index
      %get3A_126 = tpu.vector_load %arg7[%get3A_125] {strides = array<i32>} : memref<6400xi32, #tpu.memory_space<vmem>>, vector<16xi32>,
      %gather3A_127 = tpu.vector_load_idx %arg6[%get3A_126] : memref<65536xf32, #tpu.memory_space<vmem>>[vector<16xi32>], vector<16xf32>,
      %swap3A_128 = arith.index_cast %mul3A_124 : i32 to index
      %swap3A_129 = tpu.vector_load %arg10[%swap3A_128] {strides = array<i32>} : memref<6400xf32, #tpu.memory_space<vmem>>, vector<16xf32>,
      tpu.vector_store %arg10[%swap3A_128], %gather3A_127 {strides = array<i32>} : memref<6400xf32, #tpu.memory_space<vmem>>, vector<16xf32>,
      %mul3A_130 = arith.constant 8 : i32
      %mul3A_131 = arith.muli %scan3A_76, %mul3A_130 : i32
      %add3A_132 = arith.constant 5 : i32
      %add3A_133 = arith.addi %mul3A_131, %add3A_132 : i32
      %mul3A_134 = arith.constant 16 : i32
      %mul3A_135 = arith.muli %add3A_133, %mul3A_134 : i32
      %get3A_136 = arith.index_cast %mul3A_135 : i32 to index
      %get3A_137 = tpu.vector_load %arg7[%get3A_136] {strides = array<i32>} : memref<6400xi32, #tpu.memory_space<vmem>>, vector<16xi32>,
      %gather3A_138 = tpu.vector_load_idx %arg6[%get3A_137] : memref<65536xf32, #tpu.memory_space<vmem>>[vector<16xi32>], vector<16xf32>,
      %swap3A_139 = arith.index_cast %mul3A_135 : i32 to index
      %swap3A_140 = tpu.vector_load %arg10[%swap3A_139] {strides = array<i32>} : memref<6400xf32, #tpu.memory_space<vmem>>, vector<16xf32>,
      tpu.vector_store %arg10[%swap3A_139], %gather3A_138 {strides = array<i32>} : memref<6400xf32, #tpu.memory_space<vmem>>, vector<16xf32>,
      %mul3A_141 = arith.constant 8 : i32
      %mul3A_142 = arith.muli %scan3A_76, %mul3A_141 : i32
      %add3A_143 = arith.constant 6 : i32
      %add3A_144 = arith.addi %mul3A_142, %add3A_143 : i32
      %mul3A_145 = arith.constant 16 : i32
      %mul3A_146 = arith.muli %add3A_144, %mul3A_145 : i32
      %get3A_147 = arith.index_cast %mul3A_146 : i32 to index
      %get3A_148 = tpu.vector_load %arg7[%get3A_147] {strides = array<i32>} : memref<6400xi32, #tpu.memory_space<vmem>>, vector<16xi32>,
      %gather3A_149 = tpu.vector_load_idx %arg6[%get3A_148] : memref<65536xf32, #tpu.memory_space<vmem>>[vector<16xi32>], vector<16xf32>,
      %swap3A_150 = arith.index_cast %mul3A_146 : i32 to index
      %swap3A_151 = tpu.vector_load %arg10[%swap3A_150] {strides = array<i32>} : memref<6400xf32, #tpu.memory_space<vmem>>, vector<16xf32>,
      tpu.vector_store %arg10[%swap3A_150], %gather3A_149 {strides = array<i32>} : memref<6400xf32, #tpu.memory_space<vmem>>, vector<16xf32>,
      %mul3A_152 = arith.constant 8 : i32
      %mul3A_153 = arith.muli %scan3A_76, %mul3A_152 : i32
      %add3A_154 = arith.constant 7 : i32
      %add3A_155 = arith.addi %mul3A_153, %add3A_154 : i32
      %mul3A_156 = arith.constant 16 : i32
      %mul3A_157 = arith.muli %add3A_155, %mul3A_156 : i32
      %get3A_158 = arith.index_cast %mul3A_157 : i32 to index
      %get3A_159 = tpu.vector_load %arg7[%get3A_158] {strides = array<i32>} : memref<6400xi32, #tpu.memory_space<vmem>>, vector<16xi32>,
      %gather3A_160 = tpu.vector_load_idx %arg6[%get3A_159] : memref<65536xf32, #tpu.memory_space<vmem>>[vector<16xi32>], vector<16xf32>,
      %swap3A_161 = arith.index_cast %mul3A_157 : i32 to index
      %swap3A_162 = tpu.vector_load %arg10[%swap3A_161] {strides = array<i32>} : memref<6400xf32, #tpu.memory_space<vmem>>, vector<16xf32>,
      tpu.vector_store %arg10[%swap3A_161], %gather3A_160 {strides = array<i32>} : memref<6400xf32, #tpu.memory_space<vmem>>, vector<16xf32>,
      %scan3A_163 = arith.constant 0 : i32
      scf.yield %scan3A_163 : i32
    }
    %scan3A_20 = arith.constant 50 : i32
    %dma_start3A = arith.constant 0 : i32
    %dma_start3A_21 = tpu.memref_slice %arg13[%dma_start3A] : memref<65536xf32, #tpu.memory_space<vmem_shared>> -> memref<65536xf32, #tpu.memory_space<vmem_shared>>
    tpu.enqueue_indirect_dma source(%arg10 : memref<6400xf32, #tpu.memory_space<vmem>>) target(%dma_start3A_21 : memref<65536xf32, #tpu.memory_space<vmem_shared>>) offsets(%arg8 : memref<6400xi32, #tpu.memory_space<vmem>>) semaphore(%arg15 : memref<!tpu.dma_semaphore, #tpu.memory_space<semaphore_mem>>) {add = true}
    %mul3A_22 = arith.constant 25600 : i32
    %mul3A_23 = arith.muli %add3A, %mul3A_22 : i32
    %add3A_24 = arith.constant 6400 : i32
    %add3A_25 = arith.addi %mul3A_23, %add3A_24 : i32
    "tpu.region"() ({
      %run_scoped3A = tpu.sem_alloc : memref<!tpu.dma_semaphore, #tpu.memory_space<semaphore_mem>>
      %dma_start3A_76 = tpu.memref_slice %arg2[%add3A_25] : memref<819200xi32, #tpu.memory_space<hbm>> -> memref<6400xi32, #tpu.memory_space<hbm>>
      %dma_start3A_77 = tpu.memref_slice %arg2[%add3A_25] : memref<819200xi32, #tpu.memory_space<hbm>> -> memref<6400xi32, #tpu.memory_space<hbm>>
      tpu.enqueue_dma source(%dma_start3A_77 : memref<6400xi32, #tpu.memory_space<hbm>>) target(%arg7 : memref<6400xi32, #tpu.memory_space<vmem>>) target_semaphore(%run_scoped3A : memref<!tpu.dma_semaphore, #tpu.memory_space<semaphore_mem>>)
      %dma_wait3A_78 = tpu.memref_slice %arg2[%add3A_25] : memref<819200xi32, #tpu.memory_space<hbm>> -> memref<6400xi32, #tpu.memory_space<hbm>>
      %dma_wait3A_79 = tpu.memref_slice %arg2[%add3A_25] : memref<819200xi32, #tpu.memory_space<hbm>> -> memref<6400xi32, #tpu.memory_space<hbm>>
      tpu.wait_dma2 semaphore(%run_scoped3A : memref<!tpu.dma_semaphore, #tpu.memory_space<semaphore_mem>>) src(%dma_wait3A_79 : memref<6400xi32, #tpu.memory_space<hbm>>) dst(%arg7 : memref<6400xi32, #tpu.memory_space<vmem>>)
      tpu.yield
    }) : () -> ()
    "tpu.region"() ({
      %run_scoped3A = tpu.sem_alloc : memref<!tpu.dma_semaphore, #tpu.memory_space<semaphore_mem>>
      %dma_start3A_76 = tpu.memref_slice %arg3[%add3A_25] : memref<819200xi32, #tpu.memory_space<hbm>> -> memref<6400xi32, #tpu.memory_space<hbm>>
      %dma_start3A_77 = tpu.memref_slice %arg3[%add3A_25] : memref<819200xi32, #tpu.memory_space<hbm>> -> memref<6400xi32, #tpu.memory_space<hbm>>
      tpu.enqueue_dma source(%dma_start3A_77 : memref<6400xi32, #tpu.memory_space<hbm>>) target(%arg9 : memref<6400xi32, #tpu.memory_space<vmem>>) target_semaphore(%run_scoped3A : memref<!tpu.dma_semaphore, #tpu.memory_space<semaphore_mem>>)
      %dma_wait3A_78 = tpu.memref_slice %arg3[%add3A_25] : memref<819200xi32, #tpu.memory_space<hbm>> -> memref<6400xi32, #tpu.memory_space<hbm>>
      %dma_wait3A_79 = tpu.memref_slice %arg3[%add3A_25] : memref<819200xi32, #tpu.memory_space<hbm>> -> memref<6400xi32, #tpu.memory_space<hbm>>
      tpu.wait_dma2 semaphore(%run_scoped3A : memref<!tpu.dma_semaphore, #tpu.memory_space<semaphore_mem>>) src(%dma_wait3A_79 : memref<6400xi32, #tpu.memory_space<hbm>>) dst(%arg9 : memref<6400xi32, #tpu.memory_space<vmem>>)
      tpu.yield
    }) : () -> ()
    %scan3A_26 = arith.constant 0 : i32
    %scan3A_27 = arith.constant 0 : i32
    %scan3A_28 = arith.constant 50 : i32
    %scan3A_29 = arith.addi %scan3A_27, %scan3A_28 : i32
    %scan3A_30 = arith.constant 1 : i32
    %scan3A_31 = scf.for %scan3A_76 = %scan3A_27 to %scan3A_29 step %scan3A_30 iter_args(%scan3A_77 = %scan3A_26) -> (i32)  : i32 {
      %mul3A_78 = arith.constant 8 : i32
      %mul3A_79 = arith.muli %scan3A_76, %mul3A_78 : i32
      %add3A_80 = arith.constant 0 : i32
      %add3A_81 = arith.addi %mul3A_79, %add3A_80 : i32
      %mul3A_82 = arith.constant 16 : i32
      %mul3A_83 = arith.muli %add3A_81, %mul3A_82 : i32
      %get3A = arith.index_cast %mul3A_83 : i32 to index
      %get3A_84 = tpu.vector_load %arg7[%get3A] {strides = array<i32>} : memref<6400xi32, #tpu.memory_space<vmem>>, vector<16xi32>,
      %gather3A = tpu.vector_load_idx %arg6[%get3A_84] : memref<65536xf32, #tpu.memory_space<vmem>>[vector<16xi32>], vector<16xf32>,
      %swap3A = arith.index_cast %mul3A_83 : i32 to index
      %swap3A_85 = tpu.vector_load %arg11[%swap3A] {strides = array<i32>} : memref<6400xf32, #tpu.memory_space<vmem>>, vector<16xf32>,
      tpu.vector_store %arg11[%swap3A], %gather3A {strides = array<i32>} : memref<6400xf32, #tpu.memory_space<vmem>>, vector<16xf32>,
      %mul3A_86 = arith.constant 8 : i32
      %mul3A_87 = arith.muli %scan3A_76, %mul3A_86 : i32
      %add3A_88 = arith.constant 1 : i32
      %add3A_89 = arith.addi %mul3A_87, %add3A_88 : i32
      %mul3A_90 = arith.constant 16 : i32
      %mul3A_91 = arith.muli %add3A_89, %mul3A_90 : i32
      %get3A_92 = arith.index_cast %mul3A_91 : i32 to index
      %get3A_93 = tpu.vector_load %arg7[%get3A_92] {strides = array<i32>} : memref<6400xi32, #tpu.memory_space<vmem>>, vector<16xi32>,
      %gather3A_94 = tpu.vector_load_idx %arg6[%get3A_93] : memref<65536xf32, #tpu.memory_space<vmem>>[vector<16xi32>], vector<16xf32>,
      %swap3A_95 = arith.index_cast %mul3A_91 : i32 to index
      %swap3A_96 = tpu.vector_load %arg11[%swap3A_95] {strides = array<i32>} : memref<6400xf32, #tpu.memory_space<vmem>>, vector<16xf32>,
      tpu.vector_store %arg11[%swap3A_95], %gather3A_94 {strides = array<i32>} : memref<6400xf32, #tpu.memory_space<vmem>>, vector<16xf32>,
      %mul3A_97 = arith.constant 8 : i32
      %mul3A_98 = arith.muli %scan3A_76, %mul3A_97 : i32
      %add3A_99 = arith.constant 2 : i32
      %add3A_100 = arith.addi %mul3A_98, %add3A_99 : i32
      %mul3A_101 = arith.constant 16 : i32
      %mul3A_102 = arith.muli %add3A_100, %mul3A_101 : i32
      %get3A_103 = arith.index_cast %mul3A_102 : i32 to index
      %get3A_104 = tpu.vector_load %arg7[%get3A_103] {strides = array<i32>} : memref<6400xi32, #tpu.memory_space<vmem>>, vector<16xi32>,
      %gather3A_105 = tpu.vector_load_idx %arg6[%get3A_104] : memref<65536xf32, #tpu.memory_space<vmem>>[vector<16xi32>], vector<16xf32>,
      %swap3A_106 = arith.index_cast %mul3A_102 : i32 to index
      %swap3A_107 = tpu.vector_load %arg11[%swap3A_106] {strides = array<i32>} : memref<6400xf32, #tpu.memory_space<vmem>>, vector<16xf32>,
      tpu.vector_store %arg11[%swap3A_106], %gather3A_105 {strides = array<i32>} : memref<6400xf32, #tpu.memory_space<vmem>>, vector<16xf32>,
      %mul3A_108 = arith.constant 8 : i32
      %mul3A_109 = arith.muli %scan3A_76, %mul3A_108 : i32
      %add3A_110 = arith.constant 3 : i32
      %add3A_111 = arith.addi %mul3A_109, %add3A_110 : i32
      %mul3A_112 = arith.constant 16 : i32
      %mul3A_113 = arith.muli %add3A_111, %mul3A_112 : i32
      %get3A_114 = arith.index_cast %mul3A_113 : i32 to index
      %get3A_115 = tpu.vector_load %arg7[%get3A_114] {strides = array<i32>} : memref<6400xi32, #tpu.memory_space<vmem>>, vector<16xi32>,
      %gather3A_116 = tpu.vector_load_idx %arg6[%get3A_115] : memref<65536xf32, #tpu.memory_space<vmem>>[vector<16xi32>], vector<16xf32>,
      %swap3A_117 = arith.index_cast %mul3A_113 : i32 to index
      %swap3A_118 = tpu.vector_load %arg11[%swap3A_117] {strides = array<i32>} : memref<6400xf32, #tpu.memory_space<vmem>>, vector<16xf32>,
      tpu.vector_store %arg11[%swap3A_117], %gather3A_116 {strides = array<i32>} : memref<6400xf32, #tpu.memory_space<vmem>>, vector<16xf32>,
      %mul3A_119 = arith.constant 8 : i32
      %mul3A_120 = arith.muli %scan3A_76, %mul3A_119 : i32
      %add3A_121 = arith.constant 4 : i32
      %add3A_122 = arith.addi %mul3A_120, %add3A_121 : i32
      %mul3A_123 = arith.constant 16 : i32
      %mul3A_124 = arith.muli %add3A_122, %mul3A_123 : i32
      %get3A_125 = arith.index_cast %mul3A_124 : i32 to index
      %get3A_126 = tpu.vector_load %arg7[%get3A_125] {strides = array<i32>} : memref<6400xi32, #tpu.memory_space<vmem>>, vector<16xi32>,
      %gather3A_127 = tpu.vector_load_idx %arg6[%get3A_126] : memref<65536xf32, #tpu.memory_space<vmem>>[vector<16xi32>], vector<16xf32>,
      %swap3A_128 = arith.index_cast %mul3A_124 : i32 to index
      %swap3A_129 = tpu.vector_load %arg11[%swap3A_128] {strides = array<i32>} : memref<6400xf32, #tpu.memory_space<vmem>>, vector<16xf32>,
      tpu.vector_store %arg11[%swap3A_128], %gather3A_127 {strides = array<i32>} : memref<6400xf32, #tpu.memory_space<vmem>>, vector<16xf32>,
      %mul3A_130 = arith.constant 8 : i32
      %mul3A_131 = arith.muli %scan3A_76, %mul3A_130 : i32
      %add3A_132 = arith.constant 5 : i32
      %add3A_133 = arith.addi %mul3A_131, %add3A_132 : i32
      %mul3A_134 = arith.constant 16 : i32
      %mul3A_135 = arith.muli %add3A_133, %mul3A_134 : i32
      %get3A_136 = arith.index_cast %mul3A_135 : i32 to index
      %get3A_137 = tpu.vector_load %arg7[%get3A_136] {strides = array<i32>} : memref<6400xi32, #tpu.memory_space<vmem>>, vector<16xi32>,
      %gather3A_138 = tpu.vector_load_idx %arg6[%get3A_137] : memref<65536xf32, #tpu.memory_space<vmem>>[vector<16xi32>], vector<16xf32>,
      %swap3A_139 = arith.index_cast %mul3A_135 : i32 to index
      %swap3A_140 = tpu.vector_load %arg11[%swap3A_139] {strides = array<i32>} : memref<6400xf32, #tpu.memory_space<vmem>>, vector<16xf32>,
      tpu.vector_store %arg11[%swap3A_139], %gather3A_138 {strides = array<i32>} : memref<6400xf32, #tpu.memory_space<vmem>>, vector<16xf32>,
      %mul3A_141 = arith.constant 8 : i32
      %mul3A_142 = arith.muli %scan3A_76, %mul3A_141 : i32
      %add3A_143 = arith.constant 6 : i32
      %add3A_144 = arith.addi %mul3A_142, %add3A_143 : i32
      %mul3A_145 = arith.constant 16 : i32
      %mul3A_146 = arith.muli %add3A_144, %mul3A_145 : i32
      %get3A_147 = arith.index_cast %mul3A_146 : i32 to index
      %get3A_148 = tpu.vector_load %arg7[%get3A_147] {strides = array<i32>} : memref<6400xi32, #tpu.memory_space<vmem>>, vector<16xi32>,
      %gather3A_149 = tpu.vector_load_idx %arg6[%get3A_148] : memref<65536xf32, #tpu.memory_space<vmem>>[vector<16xi32>], vector<16xf32>,
      %swap3A_150 = arith.index_cast %mul3A_146 : i32 to index
      %swap3A_151 = tpu.vector_load %arg11[%swap3A_150] {strides = array<i32>} : memref<6400xf32, #tpu.memory_space<vmem>>, vector<16xf32>,
      tpu.vector_store %arg11[%swap3A_150], %gather3A_149 {strides = array<i32>} : memref<6400xf32, #tpu.memory_space<vmem>>, vector<16xf32>,
      %mul3A_152 = arith.constant 8 : i32
      %mul3A_153 = arith.muli %scan3A_76, %mul3A_152 : i32
      %add3A_154 = arith.constant 7 : i32
      %add3A_155 = arith.addi %mul3A_153, %add3A_154 : i32
      %mul3A_156 = arith.constant 16 : i32
      %mul3A_157 = arith.muli %add3A_155, %mul3A_156 : i32
      %get3A_158 = arith.index_cast %mul3A_157 : i32 to index
      %get3A_159 = tpu.vector_load %arg7[%get3A_158] {strides = array<i32>} : memref<6400xi32, #tpu.memory_space<vmem>>, vector<16xi32>,
      %gather3A_160 = tpu.vector_load_idx %arg6[%get3A_159] : memref<65536xf32, #tpu.memory_space<vmem>>[vector<16xi32>], vector<16xf32>,
      %swap3A_161 = arith.index_cast %mul3A_157 : i32 to index
      %swap3A_162 = tpu.vector_load %arg11[%swap3A_161] {strides = array<i32>} : memref<6400xf32, #tpu.memory_space<vmem>>, vector<16xf32>,
      tpu.vector_store %arg11[%swap3A_161], %gather3A_160 {strides = array<i32>} : memref<6400xf32, #tpu.memory_space<vmem>>, vector<16xf32>,
      %scan3A_163 = arith.constant 0 : i32
      scf.yield %scan3A_163 : i32
    }
    %scan3A_32 = arith.constant 50 : i32
    %dma_start3A_33 = arith.constant 0 : i32
    %dma_start3A_34 = tpu.memref_slice %arg13[%dma_start3A_33] : memref<65536xf32, #tpu.memory_space<vmem_shared>> -> memref<65536xf32, #tpu.memory_space<vmem_shared>>
    tpu.enqueue_indirect_dma source(%arg11 : memref<6400xf32, #tpu.memory_space<vmem>>) target(%dma_start3A_34 : memref<65536xf32, #tpu.memory_space<vmem_shared>>) offsets(%arg9 : memref<6400xi32, #tpu.memory_space<vmem>>) semaphore(%arg16 : memref<!tpu.dma_semaphore, #tpu.memory_space<semaphore_mem>>) {add = true}
    %mul3A_35 = arith.constant 25600 : i32
    %mul3A_36 = arith.muli %add3A, %mul3A_35 : i32
    %add3A_37 = arith.constant 12800 : i32
    %add3A_38 = arith.addi %mul3A_36, %add3A_37 : i32
    %dma_wait3A = arith.constant 0 : i32
    %dma_wait3A_39 = tpu.memref_slice %arg13[%dma_wait3A] : memref<65536xf32, #tpu.memory_space<vmem_shared>> -> memref<65536xf32, #tpu.memory_space<vmem_shared>>
    tpu.wait_indirect_dma semaphore(%arg15 : memref<!tpu.dma_semaphore, #tpu.memory_space<semaphore_mem>>) src(%arg10 : memref<6400xf32, #tpu.memory_space<vmem>>) dst(%dma_wait3A_39 : memref<65536xf32, #tpu.memory_space<vmem_shared>>)
    "tpu.region"() ({
      %run_scoped3A = tpu.sem_alloc : memref<!tpu.dma_semaphore, #tpu.memory_space<semaphore_mem>>
      %dma_start3A_76 = tpu.memref_slice %arg2[%add3A_38] : memref<819200xi32, #tpu.memory_space<hbm>> -> memref<6400xi32, #tpu.memory_space<hbm>>
      %dma_start3A_77 = tpu.memref_slice %arg2[%add3A_38] : memref<819200xi32, #tpu.memory_space<hbm>> -> memref<6400xi32, #tpu.memory_space<hbm>>
      tpu.enqueue_dma source(%dma_start3A_77 : memref<6400xi32, #tpu.memory_space<hbm>>) target(%arg7 : memref<6400xi32, #tpu.memory_space<vmem>>) target_semaphore(%run_scoped3A : memref<!tpu.dma_semaphore, #tpu.memory_space<semaphore_mem>>)
      %dma_wait3A_78 = tpu.memref_slice %arg2[%add3A_38] : memref<819200xi32, #tpu.memory_space<hbm>> -> memref<6400xi32, #tpu.memory_space<hbm>>
      %dma_wait3A_79 = tpu.memref_slice %arg2[%add3A_38] : memref<819200xi32, #tpu.memory_space<hbm>> -> memref<6400xi32, #tpu.memory_space<hbm>>
      tpu.wait_dma2 semaphore(%run_scoped3A : memref<!tpu.dma_semaphore, #tpu.memory_space<semaphore_mem>>) src(%dma_wait3A_79 : memref<6400xi32, #tpu.memory_space<hbm>>) dst(%arg7 : memref<6400xi32, #tpu.memory_space<vmem>>)
      tpu.yield
    }) : () -> ()
    "tpu.region"() ({
      %run_scoped3A = tpu.sem_alloc : memref<!tpu.dma_semaphore, #tpu.memory_space<semaphore_mem>>
      %dma_start3A_76 = tpu.memref_slice %arg3[%add3A_38] : memref<819200xi32, #tpu.memory_space<hbm>> -> memref<6400xi32, #tpu.memory_space<hbm>>
      %dma_start3A_77 = tpu.memref_slice %arg3[%add3A_38] : memref<819200xi32, #tpu.memory_space<hbm>> -> memref<6400xi32, #tpu.memory_space<hbm>>
      tpu.enqueue_dma source(%dma_start3A_77 : memref<6400xi32, #tpu.memory_space<hbm>>) target(%arg8 : memref<6400xi32, #tpu.memory_space<vmem>>) target_semaphore(%run_scoped3A : memref<!tpu.dma_semaphore, #tpu.memory_space<semaphore_mem>>)
      %dma_wait3A_78 = tpu.memref_slice %arg3[%add3A_38] : memref<819200xi32, #tpu.memory_space<hbm>> -> memref<6400xi32, #tpu.memory_space<hbm>>
      %dma_wait3A_79 = tpu.memref_slice %arg3[%add3A_38] : memref<819200xi32, #tpu.memory_space<hbm>> -> memref<6400xi32, #tpu.memory_space<hbm>>
      tpu.wait_dma2 semaphore(%run_scoped3A : memref<!tpu.dma_semaphore, #tpu.memory_space<semaphore_mem>>) src(%dma_wait3A_79 : memref<6400xi32, #tpu.memory_space<hbm>>) dst(%arg8 : memref<6400xi32, #tpu.memory_space<vmem>>)
      tpu.yield
    }) : () -> ()
    %scan3A_40 = arith.constant 0 : i32
    %scan3A_41 = arith.constant 0 : i32
    %scan3A_42 = arith.constant 50 : i32
    %scan3A_43 = arith.addi %scan3A_41, %scan3A_42 : i32
    %scan3A_44 = arith.constant 1 : i32
    %scan3A_45 = scf.for %scan3A_76 = %scan3A_41 to %scan3A_43 step %scan3A_44 iter_args(%scan3A_77 = %scan3A_40) -> (i32)  : i32 {
      %mul3A_78 = arith.constant 8 : i32
      %mul3A_79 = arith.muli %scan3A_76, %mul3A_78 : i32
      %add3A_80 = arith.constant 0 : i32
      %add3A_81 = arith.addi %mul3A_79, %add3A_80 : i32
      %mul3A_82 = arith.constant 16 : i32
      %mul3A_83 = arith.muli %add3A_81, %mul3A_82 : i32
      %get3A = arith.index_cast %mul3A_83 : i32 to index
      %get3A_84 = tpu.vector_load %arg7[%get3A] {strides = array<i32>} : memref<6400xi32, #tpu.memory_space<vmem>>, vector<16xi32>,
      %gather3A = tpu.vector_load_idx %arg6[%get3A_84] : memref<65536xf32, #tpu.memory_space<vmem>>[vector<16xi32>], vector<16xf32>,
      %swap3A = arith.index_cast %mul3A_83 : i32 to index
      %swap3A_85 = tpu.vector_load %arg10[%swap3A] {strides = array<i32>} : memref<6400xf32, #tpu.memory_space<vmem>>, vector<16xf32>,
      tpu.vector_store %arg10[%swap3A], %gather3A {strides = array<i32>} : memref<6400xf32, #tpu.memory_space<vmem>>, vector<16xf32>,
      %mul3A_86 = arith.constant 8 : i32
      %mul3A_87 = arith.muli %scan3A_76, %mul3A_86 : i32
      %add3A_88 = arith.constant 1 : i32
      %add3A_89 = arith.addi %mul3A_87, %add3A_88 : i32
      %mul3A_90 = arith.constant 16 : i32
      %mul3A_91 = arith.muli %add3A_89, %mul3A_90 : i32
      %get3A_92 = arith.index_cast %mul3A_91 : i32 to index
      %get3A_93 = tpu.vector_load %arg7[%get3A_92] {strides = array<i32>} : memref<6400xi32, #tpu.memory_space<vmem>>, vector<16xi32>,
      %gather3A_94 = tpu.vector_load_idx %arg6[%get3A_93] : memref<65536xf32, #tpu.memory_space<vmem>>[vector<16xi32>], vector<16xf32>,
      %swap3A_95 = arith.index_cast %mul3A_91 : i32 to index
      %swap3A_96 = tpu.vector_load %arg10[%swap3A_95] {strides = array<i32>} : memref<6400xf32, #tpu.memory_space<vmem>>, vector<16xf32>,
      tpu.vector_store %arg10[%swap3A_95], %gather3A_94 {strides = array<i32>} : memref<6400xf32, #tpu.memory_space<vmem>>, vector<16xf32>,
      %mul3A_97 = arith.constant 8 : i32
      %mul3A_98 = arith.muli %scan3A_76, %mul3A_97 : i32
      %add3A_99 = arith.constant 2 : i32
      %add3A_100 = arith.addi %mul3A_98, %add3A_99 : i32
      %mul3A_101 = arith.constant 16 : i32
      %mul3A_102 = arith.muli %add3A_100, %mul3A_101 : i32
      %get3A_103 = arith.index_cast %mul3A_102 : i32 to index
      %get3A_104 = tpu.vector_load %arg7[%get3A_103] {strides = array<i32>} : memref<6400xi32, #tpu.memory_space<vmem>>, vector<16xi32>,
      %gather3A_105 = tpu.vector_load_idx %arg6[%get3A_104] : memref<65536xf32, #tpu.memory_space<vmem>>[vector<16xi32>], vector<16xf32>,
      %swap3A_106 = arith.index_cast %mul3A_102 : i32 to index
      %swap3A_107 = tpu.vector_load %arg10[%swap3A_106] {strides = array<i32>} : memref<6400xf32, #tpu.memory_space<vmem>>, vector<16xf32>,
      tpu.vector_store %arg10[%swap3A_106], %gather3A_105 {strides = array<i32>} : memref<6400xf32, #tpu.memory_space<vmem>>, vector<16xf32>,
      %mul3A_108 = arith.constant 8 : i32
      %mul3A_109 = arith.muli %scan3A_76, %mul3A_108 : i32
      %add3A_110 = arith.constant 3 : i32
      %add3A_111 = arith.addi %mul3A_109, %add3A_110 : i32
      %mul3A_112 = arith.constant 16 : i32
      %mul3A_113 = arith.muli %add3A_111, %mul3A_112 : i32
      %get3A_114 = arith.index_cast %mul3A_113 : i32 to index
      %get3A_115 = tpu.vector_load %arg7[%get3A_114] {strides = array<i32>} : memref<6400xi32, #tpu.memory_space<vmem>>, vector<16xi32>,
      %gather3A_116 = tpu.vector_load_idx %arg6[%get3A_115] : memref<65536xf32, #tpu.memory_space<vmem>>[vector<16xi32>], vector<16xf32>,
      %swap3A_117 = arith.index_cast %mul3A_113 : i32 to index
      %swap3A_118 = tpu.vector_load %arg10[%swap3A_117] {strides = array<i32>} : memref<6400xf32, #tpu.memory_space<vmem>>, vector<16xf32>,
      tpu.vector_store %arg10[%swap3A_117], %gather3A_116 {strides = array<i32>} : memref<6400xf32, #tpu.memory_space<vmem>>, vector<16xf32>,
      %mul3A_119 = arith.constant 8 : i32
      %mul3A_120 = arith.muli %scan3A_76, %mul3A_119 : i32
      %add3A_121 = arith.constant 4 : i32
      %add3A_122 = arith.addi %mul3A_120, %add3A_121 : i32
      %mul3A_123 = arith.constant 16 : i32
      %mul3A_124 = arith.muli %add3A_122, %mul3A_123 : i32
      %get3A_125 = arith.index_cast %mul3A_124 : i32 to index
      %get3A_126 = tpu.vector_load %arg7[%get3A_125] {strides = array<i32>} : memref<6400xi32, #tpu.memory_space<vmem>>, vector<16xi32>,
      %gather3A_127 = tpu.vector_load_idx %arg6[%get3A_126] : memref<65536xf32, #tpu.memory_space<vmem>>[vector<16xi32>], vector<16xf32>,
      %swap3A_128 = arith.index_cast %mul3A_124 : i32 to index
      %swap3A_129 = tpu.vector_load %arg10[%swap3A_128] {strides = array<i32>} : memref<6400xf32, #tpu.memory_space<vmem>>, vector<16xf32>,
      tpu.vector_store %arg10[%swap3A_128], %gather3A_127 {strides = array<i32>} : memref<6400xf32, #tpu.memory_space<vmem>>, vector<16xf32>,
      %mul3A_130 = arith.constant 8 : i32
      %mul3A_131 = arith.muli %scan3A_76, %mul3A_130 : i32
      %add3A_132 = arith.constant 5 : i32
      %add3A_133 = arith.addi %mul3A_131, %add3A_132 : i32
      %mul3A_134 = arith.constant 16 : i32
      %mul3A_135 = arith.muli %add3A_133, %mul3A_134 : i32
      %get3A_136 = arith.index_cast %mul3A_135 : i32 to index
      %get3A_137 = tpu.vector_load %arg7[%get3A_136] {strides = array<i32>} : memref<6400xi32, #tpu.memory_space<vmem>>, vector<16xi32>,
      %gather3A_138 = tpu.vector_load_idx %arg6[%get3A_137] : memref<65536xf32, #tpu.memory_space<vmem>>[vector<16xi32>], vector<16xf32>,
      %swap3A_139 = arith.index_cast %mul3A_135 : i32 to index
      %swap3A_140 = tpu.vector_load %arg10[%swap3A_139] {strides = array<i32>} : memref<6400xf32, #tpu.memory_space<vmem>>, vector<16xf32>,
      tpu.vector_store %arg10[%swap3A_139], %gather3A_138 {strides = array<i32>} : memref<6400xf32, #tpu.memory_space<vmem>>, vector<16xf32>,
      %mul3A_141 = arith.constant 8 : i32
      %mul3A_142 = arith.muli %scan3A_76, %mul3A_141 : i32
      %add3A_143 = arith.constant 6 : i32
      %add3A_144 = arith.addi %mul3A_142, %add3A_143 : i32
      %mul3A_145 = arith.constant 16 : i32
      %mul3A_146 = arith.muli %add3A_144, %mul3A_145 : i32
      %get3A_147 = arith.index_cast %mul3A_146 : i32 to index
      %get3A_148 = tpu.vector_load %arg7[%get3A_147] {strides = array<i32>} : memref<6400xi32, #tpu.memory_space<vmem>>, vector<16xi32>,
      %gather3A_149 = tpu.vector_load_idx %arg6[%get3A_148] : memref<65536xf32, #tpu.memory_space<vmem>>[vector<16xi32>], vector<16xf32>,
      %swap3A_150 = arith.index_cast %mul3A_146 : i32 to index
      %swap3A_151 = tpu.vector_load %arg10[%swap3A_150] {strides = array<i32>} : memref<6400xf32, #tpu.memory_space<vmem>>, vector<16xf32>,
      tpu.vector_store %arg10[%swap3A_150], %gather3A_149 {strides = array<i32>} : memref<6400xf32, #tpu.memory_space<vmem>>, vector<16xf32>,
      %mul3A_152 = arith.constant 8 : i32
      %mul3A_153 = arith.muli %scan3A_76, %mul3A_152 : i32
      %add3A_154 = arith.constant 7 : i32
      %add3A_155 = arith.addi %mul3A_153, %add3A_154 : i32
      %mul3A_156 = arith.constant 16 : i32
      %mul3A_157 = arith.muli %add3A_155, %mul3A_156 : i32
      %get3A_158 = arith.index_cast %mul3A_157 : i32 to index
      %get3A_159 = tpu.vector_load %arg7[%get3A_158] {strides = array<i32>} : memref<6400xi32, #tpu.memory_space<vmem>>, vector<16xi32>,
      %gather3A_160 = tpu.vector_load_idx %arg6[%get3A_159] : memref<65536xf32, #tpu.memory_space<vmem>>[vector<16xi32>], vector<16xf32>,
      %swap3A_161 = arith.index_cast %mul3A_157 : i32 to index
      %swap3A_162 = tpu.vector_load %arg10[%swap3A_161] {strides = array<i32>} : memref<6400xf32, #tpu.memory_space<vmem>>, vector<16xf32>,
      tpu.vector_store %arg10[%swap3A_161], %gather3A_160 {strides = array<i32>} : memref<6400xf32, #tpu.memory_space<vmem>>, vector<16xf32>,
      %scan3A_163 = arith.constant 0 : i32
      scf.yield %scan3A_163 : i32
    }
    %scan3A_46 = arith.constant 50 : i32
    %dma_start3A_47 = arith.constant 0 : i32
    %dma_start3A_48 = tpu.memref_slice %arg13[%dma_start3A_47] : memref<65536xf32, #tpu.memory_space<vmem_shared>> -> memref<65536xf32, #tpu.memory_space<vmem_shared>>
    tpu.enqueue_indirect_dma source(%arg10 : memref<6400xf32, #tpu.memory_space<vmem>>) target(%dma_start3A_48 : memref<65536xf32, #tpu.memory_space<vmem_shared>>) offsets(%arg8 : memref<6400xi32, #tpu.memory_space<vmem>>) semaphore(%arg15 : memref<!tpu.dma_semaphore, #tpu.memory_space<semaphore_mem>>) {add = true}
    %mul3A_49 = arith.constant 25600 : i32
    %mul3A_50 = arith.muli %add3A, %mul3A_49 : i32
    %add3A_51 = arith.constant 19200 : i32
    %add3A_52 = arith.addi %mul3A_50, %add3A_51 : i32
    %dma_wait3A_53 = arith.constant 0 : i32
    %dma_wait3A_54 = tpu.memref_slice %arg13[%dma_wait3A_53] : memref<65536xf32, #tpu.memory_space<vmem_shared>> -> memref<65536xf32, #tpu.memory_space<vmem_shared>>
    tpu.wait_indirect_dma semaphore(%arg16 : memref<!tpu.dma_semaphore, #tpu.memory_space<semaphore_mem>>) src(%arg11 : memref<6400xf32, #tpu.memory_space<vmem>>) dst(%dma_wait3A_54 : memref<65536xf32, #tpu.memory_space<vmem_shared>>)
    "tpu.region"() ({
      %run_scoped3A = tpu.sem_alloc : memref<!tpu.dma_semaphore, #tpu.memory_space<semaphore_mem>>
      %dma_start3A_76 = tpu.memref_slice %arg2[%add3A_52] : memref<819200xi32, #tpu.memory_space<hbm>> -> memref<6400xi32, #tpu.memory_space<hbm>>
      %dma_start3A_77 = tpu.memref_slice %arg2[%add3A_52] : memref<819200xi32, #tpu.memory_space<hbm>> -> memref<6400xi32, #tpu.memory_space<hbm>>
      tpu.enqueue_dma source(%dma_start3A_77 : memref<6400xi32, #tpu.memory_space<hbm>>) target(%arg7 : memref<6400xi32, #tpu.memory_space<vmem>>) target_semaphore(%run_scoped3A : memref<!tpu.dma_semaphore, #tpu.memory_space<semaphore_mem>>)
      %dma_wait3A_78 = tpu.memref_slice %arg2[%add3A_52] : memref<819200xi32, #tpu.memory_space<hbm>> -> memref<6400xi32, #tpu.memory_space<hbm>>
      %dma_wait3A_79 = tpu.memref_slice %arg2[%add3A_52] : memref<819200xi32, #tpu.memory_space<hbm>> -> memref<6400xi32, #tpu.memory_space<hbm>>
      tpu.wait_dma2 semaphore(%run_scoped3A : memref<!tpu.dma_semaphore, #tpu.memory_space<semaphore_mem>>) src(%dma_wait3A_79 : memref<6400xi32, #tpu.memory_space<hbm>>) dst(%arg7 : memref<6400xi32, #tpu.memory_space<vmem>>)
      tpu.yield
    }) : () -> ()
    "tpu.region"() ({
      %run_scoped3A = tpu.sem_alloc : memref<!tpu.dma_semaphore, #tpu.memory_space<semaphore_mem>>
      %dma_start3A_76 = tpu.memref_slice %arg3[%add3A_52] : memref<819200xi32, #tpu.memory_space<hbm>> -> memref<6400xi32, #tpu.memory_space<hbm>>
      %dma_start3A_77 = tpu.memref_slice %arg3[%add3A_52] : memref<819200xi32, #tpu.memory_space<hbm>> -> memref<6400xi32, #tpu.memory_space<hbm>>
      tpu.enqueue_dma source(%dma_start3A_77 : memref<6400xi32, #tpu.memory_space<hbm>>) target(%arg9 : memref<6400xi32, #tpu.memory_space<vmem>>) target_semaphore(%run_scoped3A : memref<!tpu.dma_semaphore, #tpu.memory_space<semaphore_mem>>)
      %dma_wait3A_78 = tpu.memref_slice %arg3[%add3A_52] : memref<819200xi32, #tpu.memory_space<hbm>> -> memref<6400xi32, #tpu.memory_space<hbm>>
      %dma_wait3A_79 = tpu.memref_slice %arg3[%add3A_52] : memref<819200xi32, #tpu.memory_space<hbm>> -> memref<6400xi32, #tpu.memory_space<hbm>>
      tpu.wait_dma2 semaphore(%run_scoped3A : memref<!tpu.dma_semaphore, #tpu.memory_space<semaphore_mem>>) src(%dma_wait3A_79 : memref<6400xi32, #tpu.memory_space<hbm>>) dst(%arg9 : memref<6400xi32, #tpu.memory_space<vmem>>)
      tpu.yield
    }) : () -> ()
    %scan3A_55 = arith.constant 0 : i32
    %scan3A_56 = arith.constant 0 : i32
    %scan3A_57 = arith.constant 50 : i32
    %scan3A_58 = arith.addi %scan3A_56, %scan3A_57 : i32
    %scan3A_59 = arith.constant 1 : i32
    %scan3A_60 = scf.for %scan3A_76 = %scan3A_56 to %scan3A_58 step %scan3A_59 iter_args(%scan3A_77 = %scan3A_55) -> (i32)  : i32 {
      %mul3A_78 = arith.constant 8 : i32
      %mul3A_79 = arith.muli %scan3A_76, %mul3A_78 : i32
      %add3A_80 = arith.constant 0 : i32
      %add3A_81 = arith.addi %mul3A_79, %add3A_80 : i32
      %mul3A_82 = arith.constant 16 : i32
      %mul3A_83 = arith.muli %add3A_81, %mul3A_82 : i32
      %get3A = arith.index_cast %mul3A_83 : i32 to index
      %get3A_84 = tpu.vector_load %arg7[%get3A] {strides = array<i32>} : memref<6400xi32, #tpu.memory_space<vmem>>, vector<16xi32>,
      %gather3A = tpu.vector_load_idx %arg6[%get3A_84] : memref<65536xf32, #tpu.memory_space<vmem>>[vector<16xi32>], vector<16xf32>,
      %swap3A = arith.index_cast %mul3A_83 : i32 to index
      %swap3A_85 = tpu.vector_load %arg11[%swap3A] {strides = array<i32>} : memref<6400xf32, #tpu.memory_space<vmem>>, vector<16xf32>,
      tpu.vector_store %arg11[%swap3A], %gather3A {strides = array<i32>} : memref<6400xf32, #tpu.memory_space<vmem>>, vector<16xf32>,
      %mul3A_86 = arith.constant 8 : i32
      %mul3A_87 = arith.muli %scan3A_76, %mul3A_86 : i32
      %add3A_88 = arith.constant 1 : i32
      %add3A_89 = arith.addi %mul3A_87, %add3A_88 : i32
      %mul3A_90 = arith.constant 16 : i32
      %mul3A_91 = arith.muli %add3A_89, %mul3A_90 : i32
      %get3A_92 = arith.index_cast %mul3A_91 : i32 to index
      %get3A_93 = tpu.vector_load %arg7[%get3A_92] {strides = array<i32>} : memref<6400xi32, #tpu.memory_space<vmem>>, vector<16xi32>,
      %gather3A_94 = tpu.vector_load_idx %arg6[%get3A_93] : memref<65536xf32, #tpu.memory_space<vmem>>[vector<16xi32>], vector<16xf32>,
      %swap3A_95 = arith.index_cast %mul3A_91 : i32 to index
      %swap3A_96 = tpu.vector_load %arg11[%swap3A_95] {strides = array<i32>} : memref<6400xf32, #tpu.memory_space<vmem>>, vector<16xf32>,
      tpu.vector_store %arg11[%swap3A_95], %gather3A_94 {strides = array<i32>} : memref<6400xf32, #tpu.memory_space<vmem>>, vector<16xf32>,
      %mul3A_97 = arith.constant 8 : i32
      %mul3A_98 = arith.muli %scan3A_76, %mul3A_97 : i32
      %add3A_99 = arith.constant 2 : i32
      %add3A_100 = arith.addi %mul3A_98, %add3A_99 : i32
      %mul3A_101 = arith.constant 16 : i32
      %mul3A_102 = arith.muli %add3A_100, %mul3A_101 : i32
      %get3A_103 = arith.index_cast %mul3A_102 : i32 to index
      %get3A_104 = tpu.vector_load %arg7[%get3A_103] {strides = array<i32>} : memref<6400xi32, #tpu.memory_space<vmem>>, vector<16xi32>,
      %gather3A_105 = tpu.vector_load_idx %arg6[%get3A_104] : memref<65536xf32, #tpu.memory_space<vmem>>[vector<16xi32>], vector<16xf32>,
      %swap3A_106 = arith.index_cast %mul3A_102 : i32 to index
      %swap3A_107 = tpu.vector_load %arg11[%swap3A_106] {strides = array<i32>} : memref<6400xf32, #tpu.memory_space<vmem>>, vector<16xf32>,
      tpu.vector_store %arg11[%swap3A_106], %gather3A_105 {strides = array<i32>} : memref<6400xf32, #tpu.memory_space<vmem>>, vector<16xf32>,
      %mul3A_108 = arith.constant 8 : i32
      %mul3A_109 = arith.muli %scan3A_76, %mul3A_108 : i32
      %add3A_110 = arith.constant 3 : i32
      %add3A_111 = arith.addi %mul3A_109, %add3A_110 : i32
      %mul3A_112 = arith.constant 16 : i32
      %mul3A_113 = arith.muli %add3A_111, %mul3A_112 : i32
      %get3A_114 = arith.index_cast %mul3A_113 : i32 to index
      %get3A_115 = tpu.vector_load %arg7[%get3A_114] {strides = array<i32>} : memref<6400xi32, #tpu.memory_space<vmem>>, vector<16xi32>,
      %gather3A_116 = tpu.vector_load_idx %arg6[%get3A_115] : memref<65536xf32, #tpu.memory_space<vmem>>[vector<16xi32>], vector<16xf32>,
      %swap3A_117 = arith.index_cast %mul3A_113 : i32 to index
      %swap3A_118 = tpu.vector_load %arg11[%swap3A_117] {strides = array<i32>} : memref<6400xf32, #tpu.memory_space<vmem>>, vector<16xf32>,
      tpu.vector_store %arg11[%swap3A_117], %gather3A_116 {strides = array<i32>} : memref<6400xf32, #tpu.memory_space<vmem>>, vector<16xf32>,
      %mul3A_119 = arith.constant 8 : i32
      %mul3A_120 = arith.muli %scan3A_76, %mul3A_119 : i32
      %add3A_121 = arith.constant 4 : i32
      %add3A_122 = arith.addi %mul3A_120, %add3A_121 : i32
      %mul3A_123 = arith.constant 16 : i32
      %mul3A_124 = arith.muli %add3A_122, %mul3A_123 : i32
      %get3A_125 = arith.index_cast %mul3A_124 : i32 to index
      %get3A_126 = tpu.vector_load %arg7[%get3A_125] {strides = array<i32>} : memref<6400xi32, #tpu.memory_space<vmem>>, vector<16xi32>,
      %gather3A_127 = tpu.vector_load_idx %arg6[%get3A_126] : memref<65536xf32, #tpu.memory_space<vmem>>[vector<16xi32>], vector<16xf32>,
      %swap3A_128 = arith.index_cast %mul3A_124 : i32 to index
      %swap3A_129 = tpu.vector_load %arg11[%swap3A_128] {strides = array<i32>} : memref<6400xf32, #tpu.memory_space<vmem>>, vector<16xf32>,
      tpu.vector_store %arg11[%swap3A_128], %gather3A_127 {strides = array<i32>} : memref<6400xf32, #tpu.memory_space<vmem>>, vector<16xf32>,
      %mul3A_130 = arith.constant 8 : i32
      %mul3A_131 = arith.muli %scan3A_76, %mul3A_130 : i32
      %add3A_132 = arith.constant 5 : i32
      %add3A_133 = arith.addi %mul3A_131, %add3A_132 : i32
      %mul3A_134 = arith.constant 16 : i32
      %mul3A_135 = arith.muli %add3A_133, %mul3A_134 : i32
      %get3A_136 = arith.index_cast %mul3A_135 : i32 to index
      %get3A_137 = tpu.vector_load %arg7[%get3A_136] {strides = array<i32>} : memref<6400xi32, #tpu.memory_space<vmem>>, vector<16xi32>,
      %gather3A_138 = tpu.vector_load_idx %arg6[%get3A_137] : memref<65536xf32, #tpu.memory_space<vmem>>[vector<16xi32>], vector<16xf32>,
      %swap3A_139 = arith.index_cast %mul3A_135 : i32 to index
      %swap3A_140 = tpu.vector_load %arg11[%swap3A_139] {strides = array<i32>} : memref<6400xf32, #tpu.memory_space<vmem>>, vector<16xf32>,
      tpu.vector_store %arg11[%swap3A_139], %gather3A_138 {strides = array<i32>} : memref<6400xf32, #tpu.memory_space<vmem>>, vector<16xf32>,
      %mul3A_141 = arith.constant 8 : i32
      %mul3A_142 = arith.muli %scan3A_76, %mul3A_141 : i32
      %add3A_143 = arith.constant 6 : i32
      %add3A_144 = arith.addi %mul3A_142, %add3A_143 : i32
      %mul3A_145 = arith.constant 16 : i32
      %mul3A_146 = arith.muli %add3A_144, %mul3A_145 : i32
      %get3A_147 = arith.index_cast %mul3A_146 : i32 to index
      %get3A_148 = tpu.vector_load %arg7[%get3A_147] {strides = array<i32>} : memref<6400xi32, #tpu.memory_space<vmem>>, vector<16xi32>,
      %gather3A_149 = tpu.vector_load_idx %arg6[%get3A_148] : memref<65536xf32, #tpu.memory_space<vmem>>[vector<16xi32>], vector<16xf32>,
      %swap3A_150 = arith.index_cast %mul3A_146 : i32 to index
      %swap3A_151 = tpu.vector_load %arg11[%swap3A_150] {strides = array<i32>} : memref<6400xf32, #tpu.memory_space<vmem>>, vector<16xf32>,
      tpu.vector_store %arg11[%swap3A_150], %gather3A_149 {strides = array<i32>} : memref<6400xf32, #tpu.memory_space<vmem>>, vector<16xf32>,
      %mul3A_152 = arith.constant 8 : i32
      %mul3A_153 = arith.muli %scan3A_76, %mul3A_152 : i32
      %add3A_154 = arith.constant 7 : i32
      %add3A_155 = arith.addi %mul3A_153, %add3A_154 : i32
      %mul3A_156 = arith.constant 16 : i32
      %mul3A_157 = arith.muli %add3A_155, %mul3A_156 : i32
      %get3A_158 = arith.index_cast %mul3A_157 : i32 to index
      %get3A_159 = tpu.vector_load %arg7[%get3A_158] {strides = array<i32>} : memref<6400xi32, #tpu.memory_space<vmem>>, vector<16xi32>,
      %gather3A_160 = tpu.vector_load_idx %arg6[%get3A_159] : memref<65536xf32, #tpu.memory_space<vmem>>[vector<16xi32>], vector<16xf32>,
      %swap3A_161 = arith.index_cast %mul3A_157 : i32 to index
      %swap3A_162 = tpu.vector_load %arg11[%swap3A_161] {strides = array<i32>} : memref<6400xf32, #tpu.memory_space<vmem>>, vector<16xf32>,
      tpu.vector_store %arg11[%swap3A_161], %gather3A_160 {strides = array<i32>} : memref<6400xf32, #tpu.memory_space<vmem>>, vector<16xf32>,
      %scan3A_163 = arith.constant 0 : i32
      scf.yield %scan3A_163 : i32
    }
    %scan3A_61 = arith.constant 50 : i32
    %dma_start3A_62 = arith.constant 0 : i32
    %dma_start3A_63 = tpu.memref_slice %arg13[%dma_start3A_62] : memref<65536xf32, #tpu.memory_space<vmem_shared>> -> memref<65536xf32, #tpu.memory_space<vmem_shared>>
    tpu.enqueue_indirect_dma source(%arg11 : memref<6400xf32, #tpu.memory_space<vmem>>) target(%dma_start3A_63 : memref<65536xf32, #tpu.memory_space<vmem_shared>>) offsets(%arg9 : memref<6400xi32, #tpu.memory_space<vmem>>) semaphore(%arg16 : memref<!tpu.dma_semaphore, #tpu.memory_space<semaphore_mem>>) {add = true}
    %dma_wait3A_64 = arith.constant 0 : i32
    %dma_wait3A_65 = tpu.memref_slice %arg13[%dma_wait3A_64] : memref<65536xf32, #tpu.memory_space<vmem_shared>> -> memref<65536xf32, #tpu.memory_space<vmem_shared>>
    tpu.wait_indirect_dma semaphore(%arg15 : memref<!tpu.dma_semaphore, #tpu.memory_space<semaphore_mem>>) src(%arg10 : memref<6400xf32, #tpu.memory_space<vmem>>) dst(%dma_wait3A_65 : memref<65536xf32, #tpu.memory_space<vmem_shared>>)
    %dma_wait3A_66 = arith.constant 0 : i32
    %dma_wait3A_67 = tpu.memref_slice %arg13[%dma_wait3A_66] : memref<65536xf32, #tpu.memory_space<vmem_shared>> -> memref<65536xf32, #tpu.memory_space<vmem_shared>>
    tpu.wait_indirect_dma semaphore(%arg16 : memref<!tpu.dma_semaphore, #tpu.memory_space<semaphore_mem>>) src(%arg11 : memref<6400xf32, #tpu.memory_space<vmem>>) dst(%dma_wait3A_67 : memref<65536xf32, #tpu.memory_space<vmem_shared>>)
    %barrier3A_68 = arith.constant 0 : index
    tpu.barrier barrier_id(%barrier3A_68)
    %mul3A_69 = arith.constant 4096 : i32
    %mul3A_70 = arith.muli %arg1, %mul3A_69 : i32
    "tpu.region"() ({
      %run_scoped3A = tpu.sem_alloc : memref<!tpu.dma_semaphore, #tpu.memory_space<semaphore_mem>>
      %dma_start3A_76 = tpu.memref_slice %arg13[%mul3A_70] : memref<65536xf32, #tpu.memory_space<vmem_shared>> -> memref<4096xf32, #tpu.memory_space<vmem_shared>>
      %dma_start3A_77 = tpu.memref_slice %arg13[%mul3A_70] : memref<65536xf32, #tpu.memory_space<vmem_shared>> -> memref<4096xf32, #tpu.memory_space<vmem_shared>>
      tpu.enqueue_dma source(%dma_start3A_77 : memref<4096xf32, #tpu.memory_space<vmem_shared>>) target(%arg12 : memref<4096xf32, #tpu.memory_space<vmem>>) target_semaphore(%run_scoped3A : memref<!tpu.dma_semaphore, #tpu.memory_space<semaphore_mem>>)
      %dma_wait3A_78 = tpu.memref_slice %arg13[%mul3A_70] : memref<65536xf32, #tpu.memory_space<vmem_shared>> -> memref<4096xf32, #tpu.memory_space<vmem_shared>>
      %dma_wait3A_79 = tpu.memref_slice %arg13[%mul3A_70] : memref<65536xf32, #tpu.memory_space<vmem_shared>> -> memref<4096xf32, #tpu.memory_space<vmem_shared>>
      tpu.wait_dma2 semaphore(%run_scoped3A : memref<!tpu.dma_semaphore, #tpu.memory_space<semaphore_mem>>) src(%dma_wait3A_79 : memref<4096xf32, #tpu.memory_space<vmem_shared>>) dst(%arg12 : memref<4096xf32, #tpu.memory_space<vmem>>)
      tpu.yield
    }) : () -> ()
    %mul3A_71 = arith.constant 65536 : i32
    %mul3A_72 = arith.muli %arg0, %mul3A_71 : i32
    %mul3A_73 = arith.constant 4096 : i32
    %mul3A_74 = arith.muli %arg1, %mul3A_73 : i32
    %add3A_75 = arith.addi %mul3A_72, %mul3A_74 : i32
    "tpu.region"() ({
      %run_scoped3A = tpu.sem_alloc : memref<!tpu.dma_semaphore, #tpu.memory_space<semaphore_mem>>
      %dma_start3A_76 = tpu.memref_slice %arg5[%add3A_75] : memref<131072xf32, #tpu.memory_space<hbm>> -> memref<4096xf32, #tpu.memory_space<hbm>>
      %dma_start3A_77 = tpu.memref_slice %arg5[%add3A_75] : memref<131072xf32, #tpu.memory_space<hbm>> -> memref<4096xf32, #tpu.memory_space<hbm>>
      tpu.enqueue_dma source(%arg12 : memref<4096xf32, #tpu.memory_space<vmem>>) target(%dma_start3A_77 : memref<4096xf32, #tpu.memory_space<hbm>>) target_semaphore(%run_scoped3A : memref<!tpu.dma_semaphore, #tpu.memory_space<semaphore_mem>>)
      %dma_wait3A_78 = tpu.memref_slice %arg5[%add3A_75] : memref<131072xf32, #tpu.memory_space<hbm>> -> memref<4096xf32, #tpu.memory_space<hbm>>
      %dma_wait3A_79 = tpu.memref_slice %arg5[%add3A_75] : memref<131072xf32, #tpu.memory_space<hbm>> -> memref<4096xf32, #tpu.memory_space<hbm>>
      tpu.wait_dma2 semaphore(%run_scoped3A : memref<!tpu.dma_semaphore, #tpu.memory_space<semaphore_mem>>) src(%arg12 : memref<4096xf32, #tpu.memory_space<vmem>>) dst(%dma_wait3A_79 : memref<4096xf32, #tpu.memory_space<hbm>>)
      tpu.yield
    }) : () -> ()
    return
  }
}

#map = affine_map<(d0, d1) -> (0)>
module attributes {stable_mosaic.version = 14 : i64} {
  func.func @k(%arg0: i32, %arg1: i32, %arg2: memref<819200xi32, #tpu.memory_space<hbm>>, %arg3: memref<131072xf32, #tpu.memory_space<hbm>>, %arg4: memref<25600xi32, #tpu.memory_space<vmem>>, %arg5: memref<25600xf32, #tpu.memory_space<vmem>>, %arg6: memref<4096xf32, #tpu.memory_space<vmem>>, %arg7: memref<65536xf32, #tpu.memory_space<vmem_shared>>) attributes {dimension_semantics = [#tpu.dimension_semantics<core_parallel>, #tpu.dimension_semantics<subcore_parallel>], iteration_bounds = array<i64: 2, 16>, scalar_prefetch = 0 : i64, scratch_operands = 4 : i64, tpu.core_type = #tpu.core_type<sc_vector_subcore>, window_params = [{transform_indices = #map}, {transform_indices = #map}]} {
    %mul3A = arith.constant 16 : i32
    %mul3A_0 = arith.muli %arg0, %mul3A : i32
    %add3A = arith.addi %mul3A_0, %arg1 : i32
    %broadcast_in_dim3A = arith.constant 0.000000e+00 : f32
    %broadcast_in_dim3A_1 = vector.broadcast %broadcast_in_dim3A : f32 to vector<16xf32>
    %scan3A = arith.constant 0 : i32
    %scan3A_2 = arith.constant 0 : i32
    %scan3A_3 = arith.constant 32 : i32
    %scan3A_4 = arith.addi %scan3A_2, %scan3A_3 : i32
    %scan3A_5 = arith.constant 1 : i32
    %scan3A_6 = scf.for %scan3A_29 = %scan3A_2 to %scan3A_4 step %scan3A_5 iter_args(%scan3A_30 = %scan3A) -> (i32)  : i32 {
      %mul3A_31 = arith.constant 8 : i32
      %mul3A_32 = arith.muli %scan3A_29, %mul3A_31 : i32
      %add3A_33 = arith.constant 0 : i32
      %add3A_34 = arith.addi %mul3A_32, %add3A_33 : i32
      %mul3A_35 = arith.constant 16 : i32
      %mul3A_36 = arith.muli %add3A_34, %mul3A_35 : i32
      %swap3A = arith.index_cast %mul3A_36 : i32 to index
      %swap3A_37 = tpu.vector_load %arg6[%swap3A] {strides = array<i32>} : memref<4096xf32, #tpu.memory_space<vmem>>, vector<16xf32>,
      tpu.vector_store %arg6[%swap3A], %broadcast_in_dim3A_1 {strides = array<i32>} : memref<4096xf32, #tpu.memory_space<vmem>>, vector<16xf32>,
      %mul3A_38 = arith.constant 8 : i32
      %mul3A_39 = arith.muli %scan3A_29, %mul3A_38 : i32
      %add3A_40 = arith.constant 1 : i32
      %add3A_41 = arith.addi %mul3A_39, %add3A_40 : i32
      %mul3A_42 = arith.constant 16 : i32
      %mul3A_43 = arith.muli %add3A_41, %mul3A_42 : i32
      %swap3A_44 = arith.index_cast %mul3A_43 : i32 to index
      %swap3A_45 = tpu.vector_load %arg6[%swap3A_44] {strides = array<i32>} : memref<4096xf32, #tpu.memory_space<vmem>>, vector<16xf32>,
      tpu.vector_store %arg6[%swap3A_44], %broadcast_in_dim3A_1 {strides = array<i32>} : memref<4096xf32, #tpu.memory_space<vmem>>, vector<16xf32>,
      %mul3A_46 = arith.constant 8 : i32
      %mul3A_47 = arith.muli %scan3A_29, %mul3A_46 : i32
      %add3A_48 = arith.constant 2 : i32
      %add3A_49 = arith.addi %mul3A_47, %add3A_48 : i32
      %mul3A_50 = arith.constant 16 : i32
      %mul3A_51 = arith.muli %add3A_49, %mul3A_50 : i32
      %swap3A_52 = arith.index_cast %mul3A_51 : i32 to index
      %swap3A_53 = tpu.vector_load %arg6[%swap3A_52] {strides = array<i32>} : memref<4096xf32, #tpu.memory_space<vmem>>, vector<16xf32>,
      tpu.vector_store %arg6[%swap3A_52], %broadcast_in_dim3A_1 {strides = array<i32>} : memref<4096xf32, #tpu.memory_space<vmem>>, vector<16xf32>,
      %mul3A_54 = arith.constant 8 : i32
      %mul3A_55 = arith.muli %scan3A_29, %mul3A_54 : i32
      %add3A_56 = arith.constant 3 : i32
      %add3A_57 = arith.addi %mul3A_55, %add3A_56 : i32
      %mul3A_58 = arith.constant 16 : i32
      %mul3A_59 = arith.muli %add3A_57, %mul3A_58 : i32
      %swap3A_60 = arith.index_cast %mul3A_59 : i32 to index
      %swap3A_61 = tpu.vector_load %arg6[%swap3A_60] {strides = array<i32>} : memref<4096xf32, #tpu.memory_space<vmem>>, vector<16xf32>,
      tpu.vector_store %arg6[%swap3A_60], %broadcast_in_dim3A_1 {strides = array<i32>} : memref<4096xf32, #tpu.memory_space<vmem>>, vector<16xf32>,
      %mul3A_62 = arith.constant 8 : i32
      %mul3A_63 = arith.muli %scan3A_29, %mul3A_62 : i32
      %add3A_64 = arith.constant 4 : i32
      %add3A_65 = arith.addi %mul3A_63, %add3A_64 : i32
      %mul3A_66 = arith.constant 16 : i32
      %mul3A_67 = arith.muli %add3A_65, %mul3A_66 : i32
      %swap3A_68 = arith.index_cast %mul3A_67 : i32 to index
      %swap3A_69 = tpu.vector_load %arg6[%swap3A_68] {strides = array<i32>} : memref<4096xf32, #tpu.memory_space<vmem>>, vector<16xf32>,
      tpu.vector_store %arg6[%swap3A_68], %broadcast_in_dim3A_1 {strides = array<i32>} : memref<4096xf32, #tpu.memory_space<vmem>>, vector<16xf32>,
      %mul3A_70 = arith.constant 8 : i32
      %mul3A_71 = arith.muli %scan3A_29, %mul3A_70 : i32
      %add3A_72 = arith.constant 5 : i32
      %add3A_73 = arith.addi %mul3A_71, %add3A_72 : i32
      %mul3A_74 = arith.constant 16 : i32
      %mul3A_75 = arith.muli %add3A_73, %mul3A_74 : i32
      %swap3A_76 = arith.index_cast %mul3A_75 : i32 to index
      %swap3A_77 = tpu.vector_load %arg6[%swap3A_76] {strides = array<i32>} : memref<4096xf32, #tpu.memory_space<vmem>>, vector<16xf32>,
      tpu.vector_store %arg6[%swap3A_76], %broadcast_in_dim3A_1 {strides = array<i32>} : memref<4096xf32, #tpu.memory_space<vmem>>, vector<16xf32>,
      %mul3A_78 = arith.constant 8 : i32
      %mul3A_79 = arith.muli %scan3A_29, %mul3A_78 : i32
      %add3A_80 = arith.constant 6 : i32
      %add3A_81 = arith.addi %mul3A_79, %add3A_80 : i32
      %mul3A_82 = arith.constant 16 : i32
      %mul3A_83 = arith.muli %add3A_81, %mul3A_82 : i32
      %swap3A_84 = arith.index_cast %mul3A_83 : i32 to index
      %swap3A_85 = tpu.vector_load %arg6[%swap3A_84] {strides = array<i32>} : memref<4096xf32, #tpu.memory_space<vmem>>, vector<16xf32>,
      tpu.vector_store %arg6[%swap3A_84], %broadcast_in_dim3A_1 {strides = array<i32>} : memref<4096xf32, #tpu.memory_space<vmem>>, vector<16xf32>,
      %mul3A_86 = arith.constant 8 : i32
      %mul3A_87 = arith.muli %scan3A_29, %mul3A_86 : i32
      %add3A_88 = arith.constant 7 : i32
      %add3A_89 = arith.addi %mul3A_87, %add3A_88 : i32
      %mul3A_90 = arith.constant 16 : i32
      %mul3A_91 = arith.muli %add3A_89, %mul3A_90 : i32
      %swap3A_92 = arith.index_cast %mul3A_91 : i32 to index
      %swap3A_93 = tpu.vector_load %arg6[%swap3A_92] {strides = array<i32>} : memref<4096xf32, #tpu.memory_space<vmem>>, vector<16xf32>,
      tpu.vector_store %arg6[%swap3A_92], %broadcast_in_dim3A_1 {strides = array<i32>} : memref<4096xf32, #tpu.memory_space<vmem>>, vector<16xf32>,
      %scan3A_94 = arith.constant 0 : i32
      scf.yield %scan3A_94 : i32
    }
    %scan3A_7 = arith.constant 32 : i32
    %broadcast_in_dim3A_8 = arith.constant 1.000000e+00 : f32
    %broadcast_in_dim3A_9 = vector.broadcast %broadcast_in_dim3A_8 : f32 to vector<16xf32>
    %scan3A_10 = arith.constant 0 : i32
    %scan3A_11 = arith.constant 0 : i32
    %scan3A_12 = arith.constant 200 : i32
    %scan3A_13 = arith.addi %scan3A_11, %scan3A_12 : i32
    %scan3A_14 = arith.constant 1 : i32
    %scan3A_15 = scf.for %scan3A_29 = %scan3A_11 to %scan3A_13 step %scan3A_14 iter_args(%scan3A_30 = %scan3A_10) -> (i32)  : i32 {
      %mul3A_31 = arith.constant 8 : i32
      %mul3A_32 = arith.muli %scan3A_29, %mul3A_31 : i32
      %add3A_33 = arith.constant 0 : i32
      %add3A_34 = arith.addi %mul3A_32, %add3A_33 : i32
      %mul3A_35 = arith.constant 16 : i32
      %mul3A_36 = arith.muli %add3A_34, %mul3A_35 : i32
      %swap3A = arith.index_cast %mul3A_36 : i32 to index
      %swap3A_37 = tpu.vector_load %arg5[%swap3A] {strides = array<i32>} : memref<25600xf32, #tpu.memory_space<vmem>>, vector<16xf32>,
      tpu.vector_store %arg5[%swap3A], %broadcast_in_dim3A_9 {strides = array<i32>} : memref<25600xf32, #tpu.memory_space<vmem>>, vector<16xf32>,
      %mul3A_38 = arith.constant 8 : i32
      %mul3A_39 = arith.muli %scan3A_29, %mul3A_38 : i32
      %add3A_40 = arith.constant 1 : i32
      %add3A_41 = arith.addi %mul3A_39, %add3A_40 : i32
      %mul3A_42 = arith.constant 16 : i32
      %mul3A_43 = arith.muli %add3A_41, %mul3A_42 : i32
      %swap3A_44 = arith.index_cast %mul3A_43 : i32 to index
      %swap3A_45 = tpu.vector_load %arg5[%swap3A_44] {strides = array<i32>} : memref<25600xf32, #tpu.memory_space<vmem>>, vector<16xf32>,
      tpu.vector_store %arg5[%swap3A_44], %broadcast_in_dim3A_9 {strides = array<i32>} : memref<25600xf32, #tpu.memory_space<vmem>>, vector<16xf32>,
      %mul3A_46 = arith.constant 8 : i32
      %mul3A_47 = arith.muli %scan3A_29, %mul3A_46 : i32
      %add3A_48 = arith.constant 2 : i32
      %add3A_49 = arith.addi %mul3A_47, %add3A_48 : i32
      %mul3A_50 = arith.constant 16 : i32
      %mul3A_51 = arith.muli %add3A_49, %mul3A_50 : i32
      %swap3A_52 = arith.index_cast %mul3A_51 : i32 to index
      %swap3A_53 = tpu.vector_load %arg5[%swap3A_52] {strides = array<i32>} : memref<25600xf32, #tpu.memory_space<vmem>>, vector<16xf32>,
      tpu.vector_store %arg5[%swap3A_52], %broadcast_in_dim3A_9 {strides = array<i32>} : memref<25600xf32, #tpu.memory_space<vmem>>, vector<16xf32>,
      %mul3A_54 = arith.constant 8 : i32
      %mul3A_55 = arith.muli %scan3A_29, %mul3A_54 : i32
      %add3A_56 = arith.constant 3 : i32
      %add3A_57 = arith.addi %mul3A_55, %add3A_56 : i32
      %mul3A_58 = arith.constant 16 : i32
      %mul3A_59 = arith.muli %add3A_57, %mul3A_58 : i32
      %swap3A_60 = arith.index_cast %mul3A_59 : i32 to index
      %swap3A_61 = tpu.vector_load %arg5[%swap3A_60] {strides = array<i32>} : memref<25600xf32, #tpu.memory_space<vmem>>, vector<16xf32>,
      tpu.vector_store %arg5[%swap3A_60], %broadcast_in_dim3A_9 {strides = array<i32>} : memref<25600xf32, #tpu.memory_space<vmem>>, vector<16xf32>,
      %mul3A_62 = arith.constant 8 : i32
      %mul3A_63 = arith.muli %scan3A_29, %mul3A_62 : i32
      %add3A_64 = arith.constant 4 : i32
      %add3A_65 = arith.addi %mul3A_63, %add3A_64 : i32
      %mul3A_66 = arith.constant 16 : i32
      %mul3A_67 = arith.muli %add3A_65, %mul3A_66 : i32
      %swap3A_68 = arith.index_cast %mul3A_67 : i32 to index
      %swap3A_69 = tpu.vector_load %arg5[%swap3A_68] {strides = array<i32>} : memref<25600xf32, #tpu.memory_space<vmem>>, vector<16xf32>,
      tpu.vector_store %arg5[%swap3A_68], %broadcast_in_dim3A_9 {strides = array<i32>} : memref<25600xf32, #tpu.memory_space<vmem>>, vector<16xf32>,
      %mul3A_70 = arith.constant 8 : i32
      %mul3A_71 = arith.muli %scan3A_29, %mul3A_70 : i32
      %add3A_72 = arith.constant 5 : i32
      %add3A_73 = arith.addi %mul3A_71, %add3A_72 : i32
      %mul3A_74 = arith.constant 16 : i32
      %mul3A_75 = arith.muli %add3A_73, %mul3A_74 : i32
      %swap3A_76 = arith.index_cast %mul3A_75 : i32 to index
      %swap3A_77 = tpu.vector_load %arg5[%swap3A_76] {strides = array<i32>} : memref<25600xf32, #tpu.memory_space<vmem>>, vector<16xf32>,
      tpu.vector_store %arg5[%swap3A_76], %broadcast_in_dim3A_9 {strides = array<i32>} : memref<25600xf32, #tpu.memory_space<vmem>>, vector<16xf32>,
      %mul3A_78 = arith.constant 8 : i32
      %mul3A_79 = arith.muli %scan3A_29, %mul3A_78 : i32
      %add3A_80 = arith.constant 6 : i32
      %add3A_81 = arith.addi %mul3A_79, %add3A_80 : i32
      %mul3A_82 = arith.constant 16 : i32
      %mul3A_83 = arith.muli %add3A_81, %mul3A_82 : i32
      %swap3A_84 = arith.index_cast %mul3A_83 : i32 to index
      %swap3A_85 = tpu.vector_load %arg5[%swap3A_84] {strides = array<i32>} : memref<25600xf32, #tpu.memory_space<vmem>>, vector<16xf32>,
      tpu.vector_store %arg5[%swap3A_84], %broadcast_in_dim3A_9 {strides = array<i32>} : memref<25600xf32, #tpu.memory_space<vmem>>, vector<16xf32>,
      %mul3A_86 = arith.constant 8 : i32
      %mul3A_87 = arith.muli %scan3A_29, %mul3A_86 : i32
      %add3A_88 = arith.constant 7 : i32
      %add3A_89 = arith.addi %mul3A_87, %add3A_88 : i32
      %mul3A_90 = arith.constant 16 : i32
      %mul3A_91 = arith.muli %add3A_89, %mul3A_90 : i32
      %swap3A_92 = arith.index_cast %mul3A_91 : i32 to index
      %swap3A_93 = tpu.vector_load %arg5[%swap3A_92] {strides = array<i32>} : memref<25600xf32, #tpu.memory_space<vmem>>, vector<16xf32>,
      tpu.vector_store %arg5[%swap3A_92], %broadcast_in_dim3A_9 {strides = array<i32>} : memref<25600xf32, #tpu.memory_space<vmem>>, vector<16xf32>,
      %scan3A_94 = arith.constant 0 : i32
      scf.yield %scan3A_94 : i32
    }
    %scan3A_16 = arith.constant 200 : i32
    %mul3A_17 = arith.constant 4096 : i32
    %mul3A_18 = arith.muli %arg1, %mul3A_17 : i32
    "tpu.region"() ({
      %run_scoped3A = tpu.sem_alloc : memref<!tpu.dma_semaphore, #tpu.memory_space<semaphore_mem>>
      %dma_start3A = tpu.memref_slice %arg7[%mul3A_18] : memref<65536xf32, #tpu.memory_space<vmem_shared>> -> memref<4096xf32, #tpu.memory_space<vmem_shared>>
      %dma_start3A_29 = tpu.memref_slice %arg7[%mul3A_18] : memref<65536xf32, #tpu.memory_space<vmem_shared>> -> memref<4096xf32, #tpu.memory_space<vmem_shared>>
      tpu.enqueue_dma source(%arg6 : memref<4096xf32, #tpu.memory_space<vmem>>) target(%dma_start3A_29 : memref<4096xf32, #tpu.memory_space<vmem_shared>>) target_semaphore(%run_scoped3A : memref<!tpu.dma_semaphore, #tpu.memory_space<semaphore_mem>>)
      %dma_wait3A = tpu.memref_slice %arg7[%mul3A_18] : memref<65536xf32, #tpu.memory_space<vmem_shared>> -> memref<4096xf32, #tpu.memory_space<vmem_shared>>
      %dma_wait3A_30 = tpu.memref_slice %arg7[%mul3A_18] : memref<65536xf32, #tpu.memory_space<vmem_shared>> -> memref<4096xf32, #tpu.memory_space<vmem_shared>>
      tpu.wait_dma2 semaphore(%run_scoped3A : memref<!tpu.dma_semaphore, #tpu.memory_space<semaphore_mem>>) src(%arg6 : memref<4096xf32, #tpu.memory_space<vmem>>) dst(%dma_wait3A_30 : memref<4096xf32, #tpu.memory_space<vmem_shared>>)
      tpu.yield
    }) : () -> ()
    %barrier3A = arith.constant 0 : index
    tpu.barrier barrier_id(%barrier3A)
    %mul3A_19 = arith.constant 25600 : i32
    %mul3A_20 = arith.muli %add3A, %mul3A_19 : i32
    "tpu.region"() ({
      %run_scoped3A = tpu.sem_alloc : memref<!tpu.dma_semaphore, #tpu.memory_space<semaphore_mem>>
      %dma_start3A = tpu.memref_slice %arg2[%mul3A_20] : memref<819200xi32, #tpu.memory_space<hbm>> -> memref<25600xi32, #tpu.memory_space<hbm>>
      %dma_start3A_29 = tpu.memref_slice %arg2[%mul3A_20] : memref<819200xi32, #tpu.memory_space<hbm>> -> memref<25600xi32, #tpu.memory_space<hbm>>
      tpu.enqueue_dma source(%dma_start3A_29 : memref<25600xi32, #tpu.memory_space<hbm>>) target(%arg4 : memref<25600xi32, #tpu.memory_space<vmem>>) target_semaphore(%run_scoped3A : memref<!tpu.dma_semaphore, #tpu.memory_space<semaphore_mem>>)
      %dma_wait3A = tpu.memref_slice %arg2[%mul3A_20] : memref<819200xi32, #tpu.memory_space<hbm>> -> memref<25600xi32, #tpu.memory_space<hbm>>
      %dma_wait3A_30 = tpu.memref_slice %arg2[%mul3A_20] : memref<819200xi32, #tpu.memory_space<hbm>> -> memref<25600xi32, #tpu.memory_space<hbm>>
      tpu.wait_dma2 semaphore(%run_scoped3A : memref<!tpu.dma_semaphore, #tpu.memory_space<semaphore_mem>>) src(%dma_wait3A_30 : memref<25600xi32, #tpu.memory_space<hbm>>) dst(%arg4 : memref<25600xi32, #tpu.memory_space<vmem>>)
      tpu.yield
    }) : () -> ()
    "tpu.region"() ({
      %run_scoped3A = tpu.sem_alloc : memref<!tpu.dma_semaphore, #tpu.memory_space<semaphore_mem>>
      %dma_start3A = arith.constant 0 : i32
      %dma_start3A_29 = tpu.memref_slice %arg7[%dma_start3A] : memref<65536xf32, #tpu.memory_space<vmem_shared>> -> memref<65536xf32, #tpu.memory_space<vmem_shared>>
      tpu.enqueue_indirect_dma source(%arg5 : memref<25600xf32, #tpu.memory_space<vmem>>) target(%dma_start3A_29 : memref<65536xf32, #tpu.memory_space<vmem_shared>>) offsets(%arg4 : memref<25600xi32, #tpu.memory_space<vmem>>) semaphore(%run_scoped3A : memref<!tpu.dma_semaphore, #tpu.memory_space<semaphore_mem>>) {add = true}
      %dma_wait3A = arith.constant 0 : i32
      %dma_wait3A_30 = tpu.memref_slice %arg7[%dma_wait3A] : memref<65536xf32, #tpu.memory_space<vmem_shared>> -> memref<65536xf32, #tpu.memory_space<vmem_shared>>
      tpu.wait_indirect_dma semaphore(%run_scoped3A : memref<!tpu.dma_semaphore, #tpu.memory_space<semaphore_mem>>) src(%arg5 : memref<25600xf32, #tpu.memory_space<vmem>>) dst(%dma_wait3A_30 : memref<65536xf32, #tpu.memory_space<vmem_shared>>)
      tpu.yield
    }) : () -> ()
    %barrier3A_21 = arith.constant 0 : index
    tpu.barrier barrier_id(%barrier3A_21)
    %mul3A_22 = arith.constant 4096 : i32
    %mul3A_23 = arith.muli %arg1, %mul3A_22 : i32
    "tpu.region"() ({
      %run_scoped3A = tpu.sem_alloc : memref<!tpu.dma_semaphore, #tpu.memory_space<semaphore_mem>>
      %dma_start3A = tpu.memref_slice %arg7[%mul3A_23] : memref<65536xf32, #tpu.memory_space<vmem_shared>> -> memref<4096xf32, #tpu.memory_space<vmem_shared>>
      %dma_start3A_29 = tpu.memref_slice %arg7[%mul3A_23] : memref<65536xf32, #tpu.memory_space<vmem_shared>> -> memref<4096xf32, #tpu.memory_space<vmem_shared>>
      tpu.enqueue_dma source(%dma_start3A_29 : memref<4096xf32, #tpu.memory_space<vmem_shared>>) target(%arg6 : memref<4096xf32, #tpu.memory_space<vmem>>) target_semaphore(%run_scoped3A : memref<!tpu.dma_semaphore, #tpu.memory_space<semaphore_mem>>)
      %dma_wait3A = tpu.memref_slice %arg7[%mul3A_23] : memref<65536xf32, #tpu.memory_space<vmem_shared>> -> memref<4096xf32, #tpu.memory_space<vmem_shared>>
      %dma_wait3A_30 = tpu.memref_slice %arg7[%mul3A_23] : memref<65536xf32, #tpu.memory_space<vmem_shared>> -> memref<4096xf32, #tpu.memory_space<vmem_shared>>
      tpu.wait_dma2 semaphore(%run_scoped3A : memref<!tpu.dma_semaphore, #tpu.memory_space<semaphore_mem>>) src(%dma_wait3A_30 : memref<4096xf32, #tpu.memory_space<vmem_shared>>) dst(%arg6 : memref<4096xf32, #tpu.memory_space<vmem>>)
      tpu.yield
    }) : () -> ()
    %mul3A_24 = arith.constant 65536 : i32
    %mul3A_25 = arith.muli %arg0, %mul3A_24 : i32
    %mul3A_26 = arith.constant 4096 : i32
    %mul3A_27 = arith.muli %arg1, %mul3A_26 : i32
    %add3A_28 = arith.addi %mul3A_25, %mul3A_27 : i32
    "tpu.region"() ({
      %run_scoped3A = tpu.sem_alloc : memref<!tpu.dma_semaphore, #tpu.memory_space<semaphore_mem>>
      %dma_start3A = tpu.memref_slice %arg3[%add3A_28] : memref<131072xf32, #tpu.memory_space<hbm>> -> memref<4096xf32, #tpu.memory_space<hbm>>
      %dma_start3A_29 = tpu.memref_slice %arg3[%add3A_28] : memref<131072xf32, #tpu.memory_space<hbm>> -> memref<4096xf32, #tpu.memory_space<hbm>>
      tpu.enqueue_dma source(%arg6 : memref<4096xf32, #tpu.memory_space<vmem>>) target(%dma_start3A_29 : memref<4096xf32, #tpu.memory_space<hbm>>) target_semaphore(%run_scoped3A : memref<!tpu.dma_semaphore, #tpu.memory_space<semaphore_mem>>)
      %dma_wait3A = tpu.memref_slice %arg3[%add3A_28] : memref<131072xf32, #tpu.memory_space<hbm>> -> memref<4096xf32, #tpu.memory_space<hbm>>
      %dma_wait3A_30 = tpu.memref_slice %arg3[%add3A_28] : memref<131072xf32, #tpu.memory_space<hbm>> -> memref<4096xf32, #tpu.memory_space<hbm>>
      tpu.wait_dma2 semaphore(%run_scoped3A : memref<!tpu.dma_semaphore, #tpu.memory_space<semaphore_mem>>) src(%arg6 : memref<4096xf32, #tpu.memory_space<vmem>>) dst(%dma_wait3A_30 : memref<4096xf32, #tpu.memory_space<hbm>>)
      tpu.yield
    }) : () -> ()
    return
  }
}

#map = affine_map<(d0, d1) -> (0)>
module attributes {stable_mosaic.version = 14 : i64} {
  func.func @k(%arg0: i32, %arg1: i32, %arg2: memref<131072xf32, #tpu.memory_space<hbm>>, %arg3: memref<65536xf32, #tpu.memory_space<hbm>>, %arg4: memref<65536xf32, #tpu.memory_space<hbm>>, %arg5: memref<65536xi32, #tpu.memory_space<hbm>>, %arg6: memref<2048xf32, #tpu.memory_space<hbm>>, %arg7: memref<2048xf32, #tpu.memory_space<hbm>>, %arg8: memref<2048xf32, #tpu.memory_space<vmem>>, %arg9: memref<2048xf32, #tpu.memory_space<vmem>>, %arg10: memref<2048xf32, #tpu.memory_space<vmem>>, %arg11: memref<2048xf32, #tpu.memory_space<vmem>>, %arg12: memref<2048xi32, #tpu.memory_space<vmem>>, %arg13: memref<1024xf32, #tpu.memory_space<vmem>>, %arg14: memref<1024xf32, #tpu.memory_space<vmem>>, %arg15: memref<64xf32, #tpu.memory_space<vmem>>, %arg16: memref<64xf32, #tpu.memory_space<vmem>>, %arg17: memref<64xf32, #tpu.memory_space<vmem>>, %arg18: memref<16384xf32, #tpu.memory_space<vmem_shared>>, %arg19: memref<16384xf32, #tpu.memory_space<vmem_shared>>) attributes {dimension_semantics = [#tpu.dimension_semantics<core_parallel>, #tpu.dimension_semantics<subcore_parallel>], iteration_bounds = array<i64: 2, 16>, scalar_prefetch = 0 : i64, scratch_operands = 12 : i64, tpu.core_type = #tpu.core_type<sc_vector_subcore>, window_params = [{transform_indices = #map}, {transform_indices = #map}, {transform_indices = #map}, {transform_indices = #map}, {transform_indices = #map}, {transform_indices = #map}]} {
    %mul3A = arith.constant 16 : i32
    %mul3A_0 = arith.muli %arg0, %mul3A : i32
    %add3A = arith.addi %mul3A_0, %arg1 : i32
    %mul3A_1 = arith.constant 2048 : i32
    %mul3A_2 = arith.muli %add3A, %mul3A_1 : i32
    %broadcast_in_dim3A = arith.constant 0.000000e+00 : f32
    %broadcast_in_dim3A_3 = vector.broadcast %broadcast_in_dim3A : f32 to vector<16xf32>
    %scan3A = arith.constant 0 : i32
    %scan3A_4 = arith.constant 0 : i32
    %scan3A_5 = arith.constant 8 : i32
    %scan3A_6 = arith.addi %scan3A_4, %scan3A_5 : i32
    %scan3A_7 = arith.constant 1 : i32
    %scan3A_8 = scf.for %scan3A_1084 = %scan3A_4 to %scan3A_6 step %scan3A_7 iter_args(%scan3A_1085 = %scan3A) -> (i32)  : i32 {
      %mul3A_1086 = arith.constant 8 : i32
      %mul3A_1087 = arith.muli %scan3A_1084, %mul3A_1086 : i32
      %add3A_1088 = arith.constant 0 : i32
      %add3A_1089 = arith.addi %mul3A_1087, %add3A_1088 : i32
      %mul3A_1090 = arith.constant 16 : i32
      %mul3A_1091 = arith.muli %add3A_1089, %mul3A_1090 : i32
      %swap3A_1092 = arith.index_cast %mul3A_1091 : i32 to index
      %swap3A_1093 = tpu.vector_load %arg13[%swap3A_1092] {strides = array<i32>} : memref<1024xf32, #tpu.memory_space<vmem>>, vector<16xf32>,
      tpu.vector_store %arg13[%swap3A_1092], %broadcast_in_dim3A_3 {strides = array<i32>} : memref<1024xf32, #tpu.memory_space<vmem>>, vector<16xf32>,
      %mul3A_1094 = arith.constant 8 : i32
      %mul3A_1095 = arith.muli %scan3A_1084, %mul3A_1094 : i32
      %add3A_1096 = arith.constant 1 : i32
      %add3A_1097 = arith.addi %mul3A_1095, %add3A_1096 : i32
      %mul3A_1098 = arith.constant 16 : i32
      %mul3A_1099 = arith.muli %add3A_1097, %mul3A_1098 : i32
      %swap3A_1100 = arith.index_cast %mul3A_1099 : i32 to index
      %swap3A_1101 = tpu.vector_load %arg13[%swap3A_1100] {strides = array<i32>} : memref<1024xf32, #tpu.memory_space<vmem>>, vector<16xf32>,
      tpu.vector_store %arg13[%swap3A_1100], %broadcast_in_dim3A_3 {strides = array<i32>} : memref<1024xf32, #tpu.memory_space<vmem>>, vector<16xf32>,
      %mul3A_1102 = arith.constant 8 : i32
      %mul3A_1103 = arith.muli %scan3A_1084, %mul3A_1102 : i32
      %add3A_1104 = arith.constant 2 : i32
      %add3A_1105 = arith.addi %mul3A_1103, %add3A_1104 : i32
      %mul3A_1106 = arith.constant 16 : i32
      %mul3A_1107 = arith.muli %add3A_1105, %mul3A_1106 : i32
      %swap3A_1108 = arith.index_cast %mul3A_1107 : i32 to index
      %swap3A_1109 = tpu.vector_load %arg13[%swap3A_1108] {strides = array<i32>} : memref<1024xf32, #tpu.memory_space<vmem>>, vector<16xf32>,
      tpu.vector_store %arg13[%swap3A_1108], %broadcast_in_dim3A_3 {strides = array<i32>} : memref<1024xf32, #tpu.memory_space<vmem>>, vector<16xf32>,
      %mul3A_1110 = arith.constant 8 : i32
      %mul3A_1111 = arith.muli %scan3A_1084, %mul3A_1110 : i32
      %add3A_1112 = arith.constant 3 : i32
      %add3A_1113 = arith.addi %mul3A_1111, %add3A_1112 : i32
      %mul3A_1114 = arith.constant 16 : i32
      %mul3A_1115 = arith.muli %add3A_1113, %mul3A_1114 : i32
      %swap3A_1116 = arith.index_cast %mul3A_1115 : i32 to index
      %swap3A_1117 = tpu.vector_load %arg13[%swap3A_1116] {strides = array<i32>} : memref<1024xf32, #tpu.memory_space<vmem>>, vector<16xf32>,
      tpu.vector_store %arg13[%swap3A_1116], %broadcast_in_dim3A_3 {strides = array<i32>} : memref<1024xf32, #tpu.memory_space<vmem>>, vector<16xf32>,
      %mul3A_1118 = arith.constant 8 : i32
      %mul3A_1119 = arith.muli %scan3A_1084, %mul3A_1118 : i32
      %add3A_1120 = arith.constant 4 : i32
      %add3A_1121 = arith.addi %mul3A_1119, %add3A_1120 : i32
      %mul3A_1122 = arith.constant 16 : i32
      %mul3A_1123 = arith.muli %add3A_1121, %mul3A_1122 : i32
      %swap3A_1124 = arith.index_cast %mul3A_1123 : i32 to index
      %swap3A_1125 = tpu.vector_load %arg13[%swap3A_1124] {strides = array<i32>} : memref<1024xf32, #tpu.memory_space<vmem>>, vector<16xf32>,
      tpu.vector_store %arg13[%swap3A_1124], %broadcast_in_dim3A_3 {strides = array<i32>} : memref<1024xf32, #tpu.memory_space<vmem>>, vector<16xf32>,
      %mul3A_1126 = arith.constant 8 : i32
      %mul3A_1127 = arith.muli %scan3A_1084, %mul3A_1126 : i32
      %add3A_1128 = arith.constant 5 : i32
      %add3A_1129 = arith.addi %mul3A_1127, %add3A_1128 : i32
      %mul3A_1130 = arith.constant 16 : i32
      %mul3A_1131 = arith.muli %add3A_1129, %mul3A_1130 : i32
      %swap3A_1132 = arith.index_cast %mul3A_1131 : i32 to index
      %swap3A_1133 = tpu.vector_load %arg13[%swap3A_1132] {strides = array<i32>} : memref<1024xf32, #tpu.memory_space<vmem>>, vector<16xf32>,
      tpu.vector_store %arg13[%swap3A_1132], %broadcast_in_dim3A_3 {strides = array<i32>} : memref<1024xf32, #tpu.memory_space<vmem>>, vector<16xf32>,
      %mul3A_1134 = arith.constant 8 : i32
      %mul3A_1135 = arith.muli %scan3A_1084, %mul3A_1134 : i32
      %add3A_1136 = arith.constant 6 : i32
      %add3A_1137 = arith.addi %mul3A_1135, %add3A_1136 : i32
      %mul3A_1138 = arith.constant 16 : i32
      %mul3A_1139 = arith.muli %add3A_1137, %mul3A_1138 : i32
      %swap3A_1140 = arith.index_cast %mul3A_1139 : i32 to index
      %swap3A_1141 = tpu.vector_load %arg13[%swap3A_1140] {strides = array<i32>} : memref<1024xf32, #tpu.memory_space<vmem>>, vector<16xf32>,
      tpu.vector_store %arg13[%swap3A_1140], %broadcast_in_dim3A_3 {strides = array<i32>} : memref<1024xf32, #tpu.memory_space<vmem>>, vector<16xf32>,
      %mul3A_1142 = arith.constant 8 : i32
      %mul3A_1143 = arith.muli %scan3A_1084, %mul3A_1142 : i32
      %add3A_1144 = arith.constant 7 : i32
      %add3A_1145 = arith.addi %mul3A_1143, %add3A_1144 : i32
      %mul3A_1146 = arith.constant 16 : i32
      %mul3A_1147 = arith.muli %add3A_1145, %mul3A_1146 : i32
      %swap3A_1148 = arith.index_cast %mul3A_1147 : i32 to index
      %swap3A_1149 = tpu.vector_load %arg13[%swap3A_1148] {strides = array<i32>} : memref<1024xf32, #tpu.memory_space<vmem>>, vector<16xf32>,
      tpu.vector_store %arg13[%swap3A_1148], %broadcast_in_dim3A_3 {strides = array<i32>} : memref<1024xf32, #tpu.memory_space<vmem>>, vector<16xf32>,
      %scan3A_1150 = arith.constant 0 : i32
      scf.yield %scan3A_1150 : i32
    }
    %scan3A_9 = arith.constant 8 : i32
    %broadcast_in_dim3A_10 = arith.constant 0.000000e+00 : f32
    %broadcast_in_dim3A_11 = vector.broadcast %broadcast_in_dim3A_10 : f32 to vector<16xf32>
    %scan3A_12 = arith.constant 0 : i32
    %scan3A_13 = arith.constant 0 : i32
    %scan3A_14 = arith.constant 8 : i32
    %scan3A_15 = arith.addi %scan3A_13, %scan3A_14 : i32
    %scan3A_16 = arith.constant 1 : i32
    %scan3A_17 = scf.for %scan3A_1084 = %scan3A_13 to %scan3A_15 step %scan3A_16 iter_args(%scan3A_1085 = %scan3A_12) -> (i32)  : i32 {
      %mul3A_1086 = arith.constant 8 : i32
      %mul3A_1087 = arith.muli %scan3A_1084, %mul3A_1086 : i32
      %add3A_1088 = arith.constant 0 : i32
      %add3A_1089 = arith.addi %mul3A_1087, %add3A_1088 : i32
      %mul3A_1090 = arith.constant 16 : i32
      %mul3A_1091 = arith.muli %add3A_1089, %mul3A_1090 : i32
      %swap3A_1092 = arith.index_cast %mul3A_1091 : i32 to index
      %swap3A_1093 = tpu.vector_load %arg14[%swap3A_1092] {strides = array<i32>} : memref<1024xf32, #tpu.memory_space<vmem>>, vector<16xf32>,
      tpu.vector_store %arg14[%swap3A_1092], %broadcast_in_dim3A_11 {strides = array<i32>} : memref<1024xf32, #tpu.memory_space<vmem>>, vector<16xf32>,
      %mul3A_1094 = arith.constant 8 : i32
      %mul3A_1095 = arith.muli %scan3A_1084, %mul3A_1094 : i32
      %add3A_1096 = arith.constant 1 : i32
      %add3A_1097 = arith.addi %mul3A_1095, %add3A_1096 : i32
      %mul3A_1098 = arith.constant 16 : i32
      %mul3A_1099 = arith.muli %add3A_1097, %mul3A_1098 : i32
      %swap3A_1100 = arith.index_cast %mul3A_1099 : i32 to index
      %swap3A_1101 = tpu.vector_load %arg14[%swap3A_1100] {strides = array<i32>} : memref<1024xf32, #tpu.memory_space<vmem>>, vector<16xf32>,
      tpu.vector_store %arg14[%swap3A_1100], %broadcast_in_dim3A_11 {strides = array<i32>} : memref<1024xf32, #tpu.memory_space<vmem>>, vector<16xf32>,
      %mul3A_1102 = arith.constant 8 : i32
      %mul3A_1103 = arith.muli %scan3A_1084, %mul3A_1102 : i32
      %add3A_1104 = arith.constant 2 : i32
      %add3A_1105 = arith.addi %mul3A_1103, %add3A_1104 : i32
      %mul3A_1106 = arith.constant 16 : i32
      %mul3A_1107 = arith.muli %add3A_1105, %mul3A_1106 : i32
      %swap3A_1108 = arith.index_cast %mul3A_1107 : i32 to index
      %swap3A_1109 = tpu.vector_load %arg14[%swap3A_1108] {strides = array<i32>} : memref<1024xf32, #tpu.memory_space<vmem>>, vector<16xf32>,
      tpu.vector_store %arg14[%swap3A_1108], %broadcast_in_dim3A_11 {strides = array<i32>} : memref<1024xf32, #tpu.memory_space<vmem>>, vector<16xf32>,
      %mul3A_1110 = arith.constant 8 : i32
      %mul3A_1111 = arith.muli %scan3A_1084, %mul3A_1110 : i32
      %add3A_1112 = arith.constant 3 : i32
      %add3A_1113 = arith.addi %mul3A_1111, %add3A_1112 : i32
      %mul3A_1114 = arith.constant 16 : i32
      %mul3A_1115 = arith.muli %add3A_1113, %mul3A_1114 : i32
      %swap3A_1116 = arith.index_cast %mul3A_1115 : i32 to index
      %swap3A_1117 = tpu.vector_load %arg14[%swap3A_1116] {strides = array<i32>} : memref<1024xf32, #tpu.memory_space<vmem>>, vector<16xf32>,
      tpu.vector_store %arg14[%swap3A_1116], %broadcast_in_dim3A_11 {strides = array<i32>} : memref<1024xf32, #tpu.memory_space<vmem>>, vector<16xf32>,
      %mul3A_1118 = arith.constant 8 : i32
      %mul3A_1119 = arith.muli %scan3A_1084, %mul3A_1118 : i32
      %add3A_1120 = arith.constant 4 : i32
      %add3A_1121 = arith.addi %mul3A_1119, %add3A_1120 : i32
      %mul3A_1122 = arith.constant 16 : i32
      %mul3A_1123 = arith.muli %add3A_1121, %mul3A_1122 : i32
      %swap3A_1124 = arith.index_cast %mul3A_1123 : i32 to index
      %swap3A_1125 = tpu.vector_load %arg14[%swap3A_1124] {strides = array<i32>} : memref<1024xf32, #tpu.memory_space<vmem>>, vector<16xf32>,
      tpu.vector_store %arg14[%swap3A_1124], %broadcast_in_dim3A_11 {strides = array<i32>} : memref<1024xf32, #tpu.memory_space<vmem>>, vector<16xf32>,
      %mul3A_1126 = arith.constant 8 : i32
      %mul3A_1127 = arith.muli %scan3A_1084, %mul3A_1126 : i32
      %add3A_1128 = arith.constant 5 : i32
      %add3A_1129 = arith.addi %mul3A_1127, %add3A_1128 : i32
      %mul3A_1130 = arith.constant 16 : i32
      %mul3A_1131 = arith.muli %add3A_1129, %mul3A_1130 : i32
      %swap3A_1132 = arith.index_cast %mul3A_1131 : i32 to index
      %swap3A_1133 = tpu.vector_load %arg14[%swap3A_1132] {strides = array<i32>} : memref<1024xf32, #tpu.memory_space<vmem>>, vector<16xf32>,
      tpu.vector_store %arg14[%swap3A_1132], %broadcast_in_dim3A_11 {strides = array<i32>} : memref<1024xf32, #tpu.memory_space<vmem>>, vector<16xf32>,
      %mul3A_1134 = arith.constant 8 : i32
      %mul3A_1135 = arith.muli %scan3A_1084, %mul3A_1134 : i32
      %add3A_1136 = arith.constant 6 : i32
      %add3A_1137 = arith.addi %mul3A_1135, %add3A_1136 : i32
      %mul3A_1138 = arith.constant 16 : i32
      %mul3A_1139 = arith.muli %add3A_1137, %mul3A_1138 : i32
      %swap3A_1140 = arith.index_cast %mul3A_1139 : i32 to index
      %swap3A_1141 = tpu.vector_load %arg14[%swap3A_1140] {strides = array<i32>} : memref<1024xf32, #tpu.memory_space<vmem>>, vector<16xf32>,
      tpu.vector_store %arg14[%swap3A_1140], %broadcast_in_dim3A_11 {strides = array<i32>} : memref<1024xf32, #tpu.memory_space<vmem>>, vector<16xf32>,
      %mul3A_1142 = arith.constant 8 : i32
      %mul3A_1143 = arith.muli %scan3A_1084, %mul3A_1142 : i32
      %add3A_1144 = arith.constant 7 : i32
      %add3A_1145 = arith.addi %mul3A_1143, %add3A_1144 : i32
      %mul3A_1146 = arith.constant 16 : i32
      %mul3A_1147 = arith.muli %add3A_1145, %mul3A_1146 : i32
      %swap3A_1148 = arith.index_cast %mul3A_1147 : i32 to index
      %swap3A_1149 = tpu.vector_load %arg14[%swap3A_1148] {strides = array<i32>} : memref<1024xf32, #tpu.memory_space<vmem>>, vector<16xf32>,
      tpu.vector_store %arg14[%swap3A_1148], %broadcast_in_dim3A_11 {strides = array<i32>} : memref<1024xf32, #tpu.memory_space<vmem>>, vector<16xf32>,
      %scan3A_1150 = arith.constant 0 : i32
      scf.yield %scan3A_1150 : i32
    }
    %scan3A_18 = arith.constant 8 : i32
    "tpu.region"() ({
      %run_scoped3A = tpu.sem_alloc : memref<!tpu.dma_semaphore, #tpu.memory_space<semaphore_mem>>
      %dma_start3A = tpu.memref_slice %arg2[%mul3A_2] : memref<131072xf32, #tpu.memory_space<hbm>> -> memref<2048xf32, #tpu.memory_space<hbm>>
      %dma_start3A_1084 = tpu.memref_slice %arg2[%mul3A_2] : memref<131072xf32, #tpu.memory_space<hbm>> -> memref<2048xf32, #tpu.memory_space<hbm>>
      tpu.enqueue_dma source(%dma_start3A_1084 : memref<2048xf32, #tpu.memory_space<hbm>>) target(%arg8 : memref<2048xf32, #tpu.memory_space<vmem>>) target_semaphore(%run_scoped3A : memref<!tpu.dma_semaphore, #tpu.memory_space<semaphore_mem>>)
      %dma_wait3A = tpu.memref_slice %arg2[%mul3A_2] : memref<131072xf32, #tpu.memory_space<hbm>> -> memref<2048xf32, #tpu.memory_space<hbm>>
      %dma_wait3A_1085 = tpu.memref_slice %arg2[%mul3A_2] : memref<131072xf32, #tpu.memory_space<hbm>> -> memref<2048xf32, #tpu.memory_space<hbm>>
      tpu.wait_dma2 semaphore(%run_scoped3A : memref<!tpu.dma_semaphore, #tpu.memory_space<semaphore_mem>>) src(%dma_wait3A_1085 : memref<2048xf32, #tpu.memory_space<hbm>>) dst(%arg8 : memref<2048xf32, #tpu.memory_space<vmem>>)
      tpu.yield
    }) : () -> ()
    %add3A_19 = arith.constant 65536 : i32
    %add3A_20 = arith.addi %add3A_19, %mul3A_2 : i32
    "tpu.region"() ({
      %run_scoped3A = tpu.sem_alloc : memref<!tpu.dma_semaphore, #tpu.memory_space<semaphore_mem>>
      %dma_start3A = tpu.memref_slice %arg2[%add3A_20] : memref<131072xf32, #tpu.memory_space<hbm>> -> memref<2048xf32, #tpu.memory_space<hbm>>
      %dma_start3A_1084 = tpu.memref_slice %arg2[%add3A_20] : memref<131072xf32, #tpu.memory_space<hbm>> -> memref<2048xf32, #tpu.memory_space<hbm>>
      tpu.enqueue_dma source(%dma_start3A_1084 : memref<2048xf32, #tpu.memory_space<hbm>>) target(%arg9 : memref<2048xf32, #tpu.memory_space<vmem>>) target_semaphore(%run_scoped3A : memref<!tpu.dma_semaphore, #tpu.memory_space<semaphore_mem>>)
      %dma_wait3A = tpu.memref_slice %arg2[%add3A_20] : memref<131072xf32, #tpu.memory_space<hbm>> -> memref<2048xf32, #tpu.memory_space<hbm>>
      %dma_wait3A_1085 = tpu.memref_slice %arg2[%add3A_20] : memref<131072xf32, #tpu.memory_space<hbm>> -> memref<2048xf32, #tpu.memory_space<hbm>>
      tpu.wait_dma2 semaphore(%run_scoped3A : memref<!tpu.dma_semaphore, #tpu.memory_space<semaphore_mem>>) src(%dma_wait3A_1085 : memref<2048xf32, #tpu.memory_space<hbm>>) dst(%arg9 : memref<2048xf32, #tpu.memory_space<vmem>>)
      tpu.yield
    }) : () -> ()
    "tpu.region"() ({
      %run_scoped3A = tpu.sem_alloc : memref<!tpu.dma_semaphore, #tpu.memory_space<semaphore_mem>>
      %dma_start3A = tpu.memref_slice %arg3[%mul3A_2] : memref<65536xf32, #tpu.memory_space<hbm>> -> memref<2048xf32, #tpu.memory_space<hbm>>
      %dma_start3A_1084 = tpu.memref_slice %arg3[%mul3A_2] : memref<65536xf32, #tpu.memory_space<hbm>> -> memref<2048xf32, #tpu.memory_space<hbm>>
      tpu.enqueue_dma source(%dma_start3A_1084 : memref<2048xf32, #tpu.memory_space<hbm>>) target(%arg10 : memref<2048xf32, #tpu.memory_space<vmem>>) target_semaphore(%run_scoped3A : memref<!tpu.dma_semaphore, #tpu.memory_space<semaphore_mem>>)
      %dma_wait3A = tpu.memref_slice %arg3[%mul3A_2] : memref<65536xf32, #tpu.memory_space<hbm>> -> memref<2048xf32, #tpu.memory_space<hbm>>
      %dma_wait3A_1085 = tpu.memref_slice %arg3[%mul3A_2] : memref<65536xf32, #tpu.memory_space<hbm>> -> memref<2048xf32, #tpu.memory_space<hbm>>
      tpu.wait_dma2 semaphore(%run_scoped3A : memref<!tpu.dma_semaphore, #tpu.memory_space<semaphore_mem>>) src(%dma_wait3A_1085 : memref<2048xf32, #tpu.memory_space<hbm>>) dst(%arg10 : memref<2048xf32, #tpu.memory_space<vmem>>)
      tpu.yield
    }) : () -> ()
    "tpu.region"() ({
      %run_scoped3A = tpu.sem_alloc : memref<!tpu.dma_semaphore, #tpu.memory_space<semaphore_mem>>
      %dma_start3A = tpu.memref_slice %arg4[%mul3A_2] : memref<65536xf32, #tpu.memory_space<hbm>> -> memref<2048xf32, #tpu.memory_space<hbm>>
      %dma_start3A_1084 = tpu.memref_slice %arg4[%mul3A_2] : memref<65536xf32, #tpu.memory_space<hbm>> -> memref<2048xf32, #tpu.memory_space<hbm>>
      tpu.enqueue_dma source(%dma_start3A_1084 : memref<2048xf32, #tpu.memory_space<hbm>>) target(%arg11 : memref<2048xf32, #tpu.memory_space<vmem>>) target_semaphore(%run_scoped3A : memref<!tpu.dma_semaphore, #tpu.memory_space<semaphore_mem>>)
      %dma_wait3A = tpu.memref_slice %arg4[%mul3A_2] : memref<65536xf32, #tpu.memory_space<hbm>> -> memref<2048xf32, #tpu.memory_space<hbm>>
      %dma_wait3A_1085 = tpu.memref_slice %arg4[%mul3A_2] : memref<65536xf32, #tpu.memory_space<hbm>> -> memref<2048xf32, #tpu.memory_space<hbm>>
      tpu.wait_dma2 semaphore(%run_scoped3A : memref<!tpu.dma_semaphore, #tpu.memory_space<semaphore_mem>>) src(%dma_wait3A_1085 : memref<2048xf32, #tpu.memory_space<hbm>>) dst(%arg11 : memref<2048xf32, #tpu.memory_space<vmem>>)
      tpu.yield
    }) : () -> ()
    "tpu.region"() ({
      %run_scoped3A = tpu.sem_alloc : memref<!tpu.dma_semaphore, #tpu.memory_space<semaphore_mem>>
      %dma_start3A = tpu.memref_slice %arg5[%mul3A_2] : memref<65536xi32, #tpu.memory_space<hbm>> -> memref<2048xi32, #tpu.memory_space<hbm>>
      %dma_start3A_1084 = tpu.memref_slice %arg5[%mul3A_2] : memref<65536xi32, #tpu.memory_space<hbm>> -> memref<2048xi32, #tpu.memory_space<hbm>>
      tpu.enqueue_dma source(%dma_start3A_1084 : memref<2048xi32, #tpu.memory_space<hbm>>) target(%arg12 : memref<2048xi32, #tpu.memory_space<vmem>>) target_semaphore(%run_scoped3A : memref<!tpu.dma_semaphore, #tpu.memory_space<semaphore_mem>>)
      %dma_wait3A = tpu.memref_slice %arg5[%mul3A_2] : memref<65536xi32, #tpu.memory_space<hbm>> -> memref<2048xi32, #tpu.memory_space<hbm>>
      %dma_wait3A_1085 = tpu.memref_slice %arg5[%mul3A_2] : memref<65536xi32, #tpu.memory_space<hbm>> -> memref<2048xi32, #tpu.memory_space<hbm>>
      tpu.wait_dma2 semaphore(%run_scoped3A : memref<!tpu.dma_semaphore, #tpu.memory_space<semaphore_mem>>) src(%dma_wait3A_1085 : memref<2048xi32, #tpu.memory_space<hbm>>) dst(%arg12 : memref<2048xi32, #tpu.memory_space<vmem>>)
      tpu.yield
    }) : () -> ()
    %broadcast_in_dim3A_21 = arith.constant 1.000000e+00 : f32
    %broadcast_in_dim3A_22 = vector.broadcast %broadcast_in_dim3A_21 : f32 to vector<16xf32>
    %scan3A_23 = arith.constant 0 : i32
    %scan3A_24 = arith.constant 0 : i32
    %scan3A_25 = arith.constant 128 : i32
    %scan3A_26 = arith.addi %scan3A_24, %scan3A_25 : i32
    %scan3A_27 = arith.constant 1 : i32
    %scan3A_28 = scf.for %scan3A_1084 = %scan3A_24 to %scan3A_26 step %scan3A_27 iter_args(%scan3A_1085 = %scan3A_23) -> (i32)  : i32 {
      %mul3A_1086 = arith.constant 16 : i32
      %mul3A_1087 = arith.muli %scan3A_1084, %mul3A_1086 : i32
      %get3A_1088 = arith.index_cast %mul3A_1087 : i32 to index
      %get3A_1089 = tpu.vector_load %arg11[%get3A_1088] {strides = array<i32>} : memref<2048xf32, #tpu.memory_space<vmem>>, vector<16xf32>,
      %get3A_1090 = arith.index_cast %mul3A_1087 : i32 to index
      %get3A_1091 = tpu.vector_load %arg8[%get3A_1090] {strides = array<i32>} : memref<2048xf32, #tpu.memory_space<vmem>>, vector<16xf32>,
      %get3A_1092 = arith.index_cast %mul3A_1087 : i32 to index
      %get3A_1093 = tpu.vector_load %arg9[%get3A_1092] {strides = array<i32>} : memref<2048xf32, #tpu.memory_space<vmem>>, vector<16xf32>,
      %add3A_1094 = arith.addf %get3A_1091, %get3A_1093 : vector<16xf32>
      %get3A_1095 = arith.index_cast %mul3A_1087 : i32 to index
      %get3A_1096 = tpu.vector_load %arg10[%get3A_1095] {strides = array<i32>} : memref<2048xf32, #tpu.memory_space<vmem>>, vector<16xf32>,
      %add3A_1097 = arith.addf %add3A_1094, %get3A_1096 : vector<16xf32>
      %mul3A_1098 = arith.mulf %get3A_1089, %add3A_1097 : vector<16xf32>
      %get3A_1099 = arith.index_cast %mul3A_1087 : i32 to index
      %get3A_1100 = tpu.vector_load %arg12[%get3A_1099] {strides = array<i32>} : memref<2048xi32, #tpu.memory_space<vmem>>, vector<16xi32>,
      tpu.vector_store_idx %arg13[%get3A_1100], %mul3A_1098 {add = true} : memref<1024xf32, #tpu.memory_space<vmem>>[vector<16xi32>], vector<16xf32>,
      tpu.vector_store_idx %arg14[%get3A_1100], %broadcast_in_dim3A_22 {add = true} : memref<1024xf32, #tpu.memory_space<vmem>>[vector<16xi32>], vector<16xf32>,
      %scan3A_1101 = arith.constant 0 : i32
      scf.yield %scan3A_1101 : i32
    }
    %scan3A_29 = arith.constant 128 : i32
    %mul3A_30 = arith.constant 1024 : i32
    %mul3A_31 = arith.muli %arg1, %mul3A_30 : i32
    "tpu.region"() ({
      %run_scoped3A = tpu.sem_alloc : memref<!tpu.dma_semaphore, #tpu.memory_space<semaphore_mem>>
      %dma_start3A = tpu.memref_slice %arg18[%mul3A_31] : memref<16384xf32, #tpu.memory_space<vmem_shared>> -> memref<1024xf32, #tpu.memory_space<vmem_shared>>
      %dma_start3A_1084 = tpu.memref_slice %arg18[%mul3A_31] : memref<16384xf32, #tpu.memory_space<vmem_shared>> -> memref<1024xf32, #tpu.memory_space<vmem_shared>>
      tpu.enqueue_dma source(%arg13 : memref<1024xf32, #tpu.memory_space<vmem>>) target(%dma_start3A_1084 : memref<1024xf32, #tpu.memory_space<vmem_shared>>) target_semaphore(%run_scoped3A : memref<!tpu.dma_semaphore, #tpu.memory_space<semaphore_mem>>)
      %dma_wait3A = tpu.memref_slice %arg18[%mul3A_31] : memref<16384xf32, #tpu.memory_space<vmem_shared>> -> memref<1024xf32, #tpu.memory_space<vmem_shared>>
      %dma_wait3A_1085 = tpu.memref_slice %arg18[%mul3A_31] : memref<16384xf32, #tpu.memory_space<vmem_shared>> -> memref<1024xf32, #tpu.memory_space<vmem_shared>>
      tpu.wait_dma2 semaphore(%run_scoped3A : memref<!tpu.dma_semaphore, #tpu.memory_space<semaphore_mem>>) src(%arg13 : memref<1024xf32, #tpu.memory_space<vmem>>) dst(%dma_wait3A_1085 : memref<1024xf32, #tpu.memory_space<vmem_shared>>)
      tpu.yield
    }) : () -> ()
    %mul3A_32 = arith.constant 1024 : i32
    %mul3A_33 = arith.muli %arg1, %mul3A_32 : i32
    "tpu.region"() ({
      %run_scoped3A = tpu.sem_alloc : memref<!tpu.dma_semaphore, #tpu.memory_space<semaphore_mem>>
      %dma_start3A = tpu.memref_slice %arg19[%mul3A_33] : memref<16384xf32, #tpu.memory_space<vmem_shared>> -> memref<1024xf32, #tpu.memory_space<vmem_shared>>
      %dma_start3A_1084 = tpu.memref_slice %arg19[%mul3A_33] : memref<16384xf32, #tpu.memory_space<vmem_shared>> -> memref<1024xf32, #tpu.memory_space<vmem_shared>>
      tpu.enqueue_dma source(%arg14 : memref<1024xf32, #tpu.memory_space<vmem>>) target(%dma_start3A_1084 : memref<1024xf32, #tpu.memory_space<vmem_shared>>) target_semaphore(%run_scoped3A : memref<!tpu.dma_semaphore, #tpu.memory_space<semaphore_mem>>)
      %dma_wait3A = tpu.memref_slice %arg19[%mul3A_33] : memref<16384xf32, #tpu.memory_space<vmem_shared>> -> memref<1024xf32, #tpu.memory_space<vmem_shared>>
      %dma_wait3A_1085 = tpu.memref_slice %arg19[%mul3A_33] : memref<16384xf32, #tpu.memory_space<vmem_shared>> -> memref<1024xf32, #tpu.memory_space<vmem_shared>>
      tpu.wait_dma2 semaphore(%run_scoped3A : memref<!tpu.dma_semaphore, #tpu.memory_space<semaphore_mem>>) src(%arg14 : memref<1024xf32, #tpu.memory_space<vmem>>) dst(%dma_wait3A_1085 : memref<1024xf32, #tpu.memory_space<vmem_shared>>)
      tpu.yield
    }) : () -> ()
    %barrier3A = arith.constant 0 : index
    tpu.barrier barrier_id(%barrier3A)
    %broadcast_in_dim3A_34 = arith.constant 0.000000e+00 : f32
    %broadcast_in_dim3A_35 = vector.broadcast %broadcast_in_dim3A_34 : f32 to vector<16xf32>
    %scan3A_36 = arith.constant 0 : i32
    %scan3A_37 = arith.constant 0 : i32
    %scan3A_38 = arith.constant 4 : i32
    %scan3A_39 = arith.addi %scan3A_37, %scan3A_38 : i32
    %scan3A_40 = arith.constant 1 : i32
    %scan3A_41 = scf.for %scan3A_1084 = %scan3A_37 to %scan3A_39 step %scan3A_40 iter_args(%scan3A_1085 = %scan3A_36) -> (i32)  : i32 {
      %mul3A_1086 = arith.constant 1 : i32
      %mul3A_1087 = arith.muli %scan3A_1084, %mul3A_1086 : i32
      %add3A_1088 = arith.constant 0 : i32
      %add3A_1089 = arith.addi %mul3A_1087, %add3A_1088 : i32
      %mul3A_1090 = arith.constant 16 : i32
      %mul3A_1091 = arith.muli %add3A_1089, %mul3A_1090 : i32
      %swap3A_1092 = arith.index_cast %mul3A_1091 : i32 to index
      %swap3A_1093 = tpu.vector_load %arg15[%swap3A_1092] {strides = array<i32>} : memref<64xf32, #tpu.memory_space<vmem>>, vector<16xf32>,
      tpu.vector_store %arg15[%swap3A_1092], %broadcast_in_dim3A_35 {strides = array<i32>} : memref<64xf32, #tpu.memory_space<vmem>>, vector<16xf32>,
      %scan3A_1094 = arith.constant 0 : i32
      scf.yield %scan3A_1094 : i32
    }
    %scan3A_42 = arith.constant 4 : i32
    %broadcast_in_dim3A_43 = arith.constant 0.000000e+00 : f32
    %broadcast_in_dim3A_44 = vector.broadcast %broadcast_in_dim3A_43 : f32 to vector<16xf32>
    %scan3A_45 = arith.constant 0 : i32
    %scan3A_46 = arith.constant 0 : i32
    %scan3A_47 = arith.constant 4 : i32
    %scan3A_48 = arith.addi %scan3A_46, %scan3A_47 : i32
    %scan3A_49 = arith.constant 1 : i32
    %scan3A_50 = scf.for %scan3A_1084 = %scan3A_46 to %scan3A_48 step %scan3A_49 iter_args(%scan3A_1085 = %scan3A_45) -> (i32)  : i32 {
      %mul3A_1086 = arith.constant 1 : i32
      %mul3A_1087 = arith.muli %scan3A_1084, %mul3A_1086 : i32
      %add3A_1088 = arith.constant 0 : i32
      %add3A_1089 = arith.addi %mul3A_1087, %add3A_1088 : i32
      %mul3A_1090 = arith.constant 16 : i32
      %mul3A_1091 = arith.muli %add3A_1089, %mul3A_1090 : i32
      %swap3A_1092 = arith.index_cast %mul3A_1091 : i32 to index
      %swap3A_1093 = tpu.vector_load %arg16[%swap3A_1092] {strides = array<i32>} : memref<64xf32, #tpu.memory_space<vmem>>, vector<16xf32>,
      tpu.vector_store %arg16[%swap3A_1092], %broadcast_in_dim3A_44 {strides = array<i32>} : memref<64xf32, #tpu.memory_space<vmem>>, vector<16xf32>,
      %scan3A_1094 = arith.constant 0 : i32
      scf.yield %scan3A_1094 : i32
    }
    %scan3A_51 = arith.constant 4 : i32
    %mul3A_52 = arith.constant 64 : i32
    %mul3A_53 = arith.muli %arg1, %mul3A_52 : i32
    %add3A_54 = arith.constant 0 : i32
    %add3A_55 = arith.addi %add3A_54, %mul3A_53 : i32
    "tpu.region"() ({
      %run_scoped3A = tpu.sem_alloc : memref<!tpu.dma_semaphore, #tpu.memory_space<semaphore_mem>>
      %dma_start3A = tpu.memref_slice %arg18[%add3A_55] : memref<16384xf32, #tpu.memory_space<vmem_shared>> -> memref<64xf32, #tpu.memory_space<vmem_shared>>
      %dma_start3A_1084 = tpu.memref_slice %arg18[%add3A_55] : memref<16384xf32, #tpu.memory_space<vmem_shared>> -> memref<64xf32, #tpu.memory_space<vmem_shared>>
      tpu.enqueue_dma source(%dma_start3A_1084 : memref<64xf32, #tpu.memory_space<vmem_shared>>) target(%arg17 : memref<64xf32, #tpu.memory_space<vmem>>) target_semaphore(%run_scoped3A : memref<!tpu.dma_semaphore, #tpu.memory_space<semaphore_mem>>)
      %dma_wait3A = tpu.memref_slice %arg18[%add3A_55] : memref<16384xf32, #tpu.memory_space<vmem_shared>> -> memref<64xf32, #tpu.memory_space<vmem_shared>>
      %dma_wait3A_1085 = tpu.memref_slice %arg18[%add3A_55] : memref<16384xf32, #tpu.memory_space<vmem_shared>> -> memref<64xf32, #tpu.memory_space<vmem_shared>>
      tpu.wait_dma2 semaphore(%run_scoped3A : memref<!tpu.dma_semaphore, #tpu.memory_space<semaphore_mem>>) src(%dma_wait3A_1085 : memref<64xf32, #tpu.memory_space<vmem_shared>>) dst(%arg17 : memref<64xf32, #tpu.memory_space<vmem>>)
      tpu.yield
    }) : () -> ()
    %get3A = arith.constant 0 : index
    %get3A_56 = tpu.vector_load %arg15[%get3A] {strides = array<i32>} : memref<64xf32, #tpu.memory_space<vmem>>, vector<16xf32>,
    %get3A_57 = arith.constant 0 : index
    %get3A_58 = tpu.vector_load %arg17[%get3A_57] {strides = array<i32>} : memref<64xf32, #tpu.memory_space<vmem>>, vector<16xf32>,
    %add3A_59 = arith.addf %get3A_56, %get3A_58 : vector<16xf32>
    %swap3A = arith.constant 0 : index
    %swap3A_60 = tpu.vector_load %arg15[%swap3A] {strides = array<i32>} : memref<64xf32, #tpu.memory_space<vmem>>, vector<16xf32>,
    tpu.vector_store %arg15[%swap3A], %add3A_59 {strides = array<i32>} : memref<64xf32, #tpu.memory_space<vmem>>, vector<16xf32>,
    %get3A_61 = arith.constant 16 : index
    %get3A_62 = tpu.vector_load %arg15[%get3A_61] {strides = array<i32>} : memref<64xf32, #tpu.memory_space<vmem>>, vector<16xf32>,
    %get3A_63 = arith.constant 16 : index
    %get3A_64 = tpu.vector_load %arg17[%get3A_63] {strides = array<i32>} : memref<64xf32, #tpu.memory_space<vmem>>, vector<16xf32>,
    %add3A_65 = arith.addf %get3A_62, %get3A_64 : vector<16xf32>
    %swap3A_66 = arith.constant 16 : index
    %swap3A_67 = tpu.vector_load %arg15[%swap3A_66] {strides = array<i32>} : memref<64xf32, #tpu.memory_space<vmem>>, vector<16xf32>,
    tpu.vector_store %arg15[%swap3A_66], %add3A_65 {strides = array<i32>} : memref<64xf32, #tpu.memory_space<vmem>>, vector<16xf32>,
    %get3A_68 = arith.constant 32 : index
    %get3A_69 = tpu.vector_load %arg15[%get3A_68] {strides = array<i32>} : memref<64xf32, #tpu.memory_space<vmem>>, vector<16xf32>,
    %get3A_70 = arith.constant 32 : index
    %get3A_71 = tpu.vector_load %arg17[%get3A_70] {strides = array<i32>} : memref<64xf32, #tpu.memory_space<vmem>>, vector<16xf32>,
    %add3A_72 = arith.addf %get3A_69, %get3A_71 : vector<16xf32>
    %swap3A_73 = arith.constant 32 : index
    %swap3A_74 = tpu.vector_load %arg15[%swap3A_73] {strides = array<i32>} : memref<64xf32, #tpu.memory_space<vmem>>, vector<16xf32>,
    tpu.vector_store %arg15[%swap3A_73], %add3A_72 {strides = array<i32>} : memref<64xf32, #tpu.memory_space<vmem>>, vector<16xf32>,
    %get3A_75 = arith.constant 48 : index
    %get3A_76 = tpu.vector_load %arg15[%get3A_75] {strides = array<i32>} : memref<64xf32, #tpu.memory_space<vmem>>, vector<16xf32>,
    %get3A_77 = arith.constant 48 : index
    %get3A_78 = tpu.vector_load %arg17[%get3A_77] {strides = array<i32>} : memref<64xf32, #tpu.memory_space<vmem>>, vector<16xf32>,
    %add3A_79 = arith.addf %get3A_76, %get3A_78 : vector<16xf32>
    %swap3A_80 = arith.constant 48 : index
    %swap3A_81 = tpu.vector_load %arg15[%swap3A_80] {strides = array<i32>} : memref<64xf32, #tpu.memory_space<vmem>>, vector<16xf32>,
    tpu.vector_store %arg15[%swap3A_80], %add3A_79 {strides = array<i32>} : memref<64xf32, #tpu.memory_space<vmem>>, vector<16xf32>,
    %mul3A_82 = arith.constant 64 : i32
    %mul3A_83 = arith.muli %arg1, %mul3A_82 : i32
    %add3A_84 = arith.constant 0 : i32
    %add3A_85 = arith.addi %add3A_84, %mul3A_83 : i32
    "tpu.region"() ({
      %run_scoped3A = tpu.sem_alloc : memref<!tpu.dma_semaphore, #tpu.memory_space<semaphore_mem>>
      %dma_start3A = tpu.memref_slice %arg19[%add3A_85] : memref<16384xf32, #tpu.memory_space<vmem_shared>> -> memref<64xf32, #tpu.memory_space<vmem_shared>>
      %dma_start3A_1084 = tpu.memref_slice %arg19[%add3A_85] : memref<16384xf32, #tpu.memory_space<vmem_shared>> -> memref<64xf32, #tpu.memory_space<vmem_shared>>
      tpu.enqueue_dma source(%dma_start3A_1084 : memref<64xf32, #tpu.memory_space<vmem_shared>>) target(%arg17 : memref<64xf32, #tpu.memory_space<vmem>>) target_semaphore(%run_scoped3A : memref<!tpu.dma_semaphore, #tpu.memory_space<semaphore_mem>>)
      %dma_wait3A = tpu.memref_slice %arg19[%add3A_85] : memref<16384xf32, #tpu.memory_space<vmem_shared>> -> memref<64xf32, #tpu.memory_space<vmem_shared>>
      %dma_wait3A_1085 = tpu.memref_slice %arg19[%add3A_85] : memref<16384xf32, #tpu.memory_space<vmem_shared>> -> memref<64xf32, #tpu.memory_space<vmem_shared>>
      tpu.wait_dma2 semaphore(%run_scoped3A : memref<!tpu.dma_semaphore, #tpu.memory_space<semaphore_mem>>) src(%dma_wait3A_1085 : memref<64xf32, #tpu.memory_space<vmem_shared>>) dst(%arg17 : memref<64xf32, #tpu.memory_space<vmem>>)
      tpu.yield
    }) : () -> ()
    %get3A_86 = arith.constant 0 : index
    %get3A_87 = tpu.vector_load %arg16[%get3A_86] {strides = array<i32>} : memref<64xf32, #tpu.memory_space<vmem>>, vector<16xf32>,
    %get3A_88 = arith.constant 0 : index
    %get3A_89 = tpu.vector_load %arg17[%get3A_88] {strides = array<i32>} : memref<64xf32, #tpu.memory_space<vmem>>, vector<16xf32>,
    %add3A_90 = arith.addf %get3A_87, %get3A_89 : vector<16xf32>
    %swap3A_91 = arith.constant 0 : index
    %swap3A_92 = tpu.vector_load %arg16[%swap3A_91] {strides = array<i32>} : memref<64xf32, #tpu.memory_space<vmem>>, vector<16xf32>,
    tpu.vector_store %arg16[%swap3A_91], %add3A_90 {strides = array<i32>} : memref<64xf32, #tpu.memory_space<vmem>>, vector<16xf32>,
    %get3A_93 = arith.constant 16 : index
    %get3A_94 = tpu.vector_load %arg16[%get3A_93] {strides = array<i32>} : memref<64xf32, #tpu.memory_space<vmem>>, vector<16xf32>,
    %get3A_95 = arith.constant 16 : index
    %get3A_96 = tpu.vector_load %arg17[%get3A_95] {strides = array<i32>} : memref<64xf32, #tpu.memory_space<vmem>>, vector<16xf32>,
    %add3A_97 = arith.addf %get3A_94, %get3A_96 : vector<16xf32>
    %swap3A_98 = arith.constant 16 : index
    %swap3A_99 = tpu.vector_load %arg16[%swap3A_98] {strides = array<i32>} : memref<64xf32, #tpu.memory_space<vmem>>, vector<16xf32>,
    tpu.vector_store %arg16[%swap3A_98], %add3A_97 {strides = array<i32>} : memref<64xf32, #tpu.memory_space<vmem>>, vector<16xf32>,
    %get3A_100 = arith.constant 32 : index
    %get3A_101 = tpu.vector_load %arg16[%get3A_100] {strides = array<i32>} : memref<64xf32, #tpu.memory_space<vmem>>, vector<16xf32>,
    %get3A_102 = arith.constant 32 : index
    %get3A_103 = tpu.vector_load %arg17[%get3A_102] {strides = array<i32>} : memref<64xf32, #tpu.memory_space<vmem>>, vector<16xf32>,
    %add3A_104 = arith.addf %get3A_101, %get3A_103 : vector<16xf32>
    %swap3A_105 = arith.constant 32 : index
    %swap3A_106 = tpu.vector_load %arg16[%swap3A_105] {strides = array<i32>} : memref<64xf32, #tpu.memory_space<vmem>>, vector<16xf32>,
    tpu.vector_store %arg16[%swap3A_105], %add3A_104 {strides = array<i32>} : memref<64xf32, #tpu.memory_space<vmem>>, vector<16xf32>,
    %get3A_107 = arith.constant 48 : index
    %get3A_108 = tpu.vector_load %arg16[%get3A_107] {strides = array<i32>} : memref<64xf32, #tpu.memory_space<vmem>>, vector<16xf32>,
    %get3A_109 = arith.constant 48 : index
    %get3A_110 = tpu.vector_load %arg17[%get3A_109] {strides = array<i32>} : memref<64xf32, #tpu.memory_space<vmem>>, vector<16xf32>,
    %add3A_111 = arith.addf %get3A_108, %get3A_110 : vector<16xf32>
    %swap3A_112 = arith.constant 48 : index
    %swap3A_113 = tpu.vector_load %arg16[%swap3A_112] {strides = array<i32>} : memref<64xf32, #tpu.memory_space<vmem>>, vector<16xf32>,
    tpu.vector_store %arg16[%swap3A_112], %add3A_111 {strides = array<i32>} : memref<64xf32, #tpu.memory_space<vmem>>, vector<16xf32>,
    %mul3A_114 = arith.constant 64 : i32
    %mul3A_115 = arith.muli %arg1, %mul3A_114 : i32
    %add3A_116 = arith.constant 1024 : i32
    %add3A_117 = arith.addi %add3A_116, %mul3A_115 : i32
    "tpu.region"() ({
      %run_scoped3A = tpu.sem_alloc : memref<!tpu.dma_semaphore, #tpu.memory_space<semaphore_mem>>
      %dma_start3A = tpu.memref_slice %arg18[%add3A_117] : memref<16384xf32, #tpu.memory_space<vmem_shared>> -> memref<64xf32, #tpu.memory_space<vmem_shared>>
      %dma_start3A_1084 = tpu.memref_slice %arg18[%add3A_117] : memref<16384xf32, #tpu.memory_space<vmem_shared>> -> memref<64xf32, #tpu.memory_space<vmem_shared>>
      tpu.enqueue_dma source(%dma_start3A_1084 : memref<64xf32, #tpu.memory_space<vmem_shared>>) target(%arg17 : memref<64xf32, #tpu.memory_space<vmem>>) target_semaphore(%run_scoped3A : memref<!tpu.dma_semaphore, #tpu.memory_space<semaphore_mem>>)
      %dma_wait3A = tpu.memref_slice %arg18[%add3A_117] : memref<16384xf32, #tpu.memory_space<vmem_shared>> -> memref<64xf32, #tpu.memory_space<vmem_shared>>
      %dma_wait3A_1085 = tpu.memref_slice %arg18[%add3A_117] : memref<16384xf32, #tpu.memory_space<vmem_shared>> -> memref<64xf32, #tpu.memory_space<vmem_shared>>
      tpu.wait_dma2 semaphore(%run_scoped3A : memref<!tpu.dma_semaphore, #tpu.memory_space<semaphore_mem>>) src(%dma_wait3A_1085 : memref<64xf32, #tpu.memory_space<vmem_shared>>) dst(%arg17 : memref<64xf32, #tpu.memory_space<vmem>>)
      tpu.yield
    }) : () -> ()
    %get3A_118 = arith.constant 0 : index
    %get3A_119 = tpu.vector_load %arg15[%get3A_118] {strides = array<i32>} : memref<64xf32, #tpu.memory_space<vmem>>, vector<16xf32>,
    %get3A_120 = arith.constant 0 : index
    %get3A_121 = tpu.vector_load %arg17[%get3A_120] {strides = array<i32>} : memref<64xf32, #tpu.memory_space<vmem>>, vector<16xf32>,
    %add3A_122 = arith.addf %get3A_119, %get3A_121 : vector<16xf32>
    %swap3A_123 = arith.constant 0 : index
    %swap3A_124 = tpu.vector_load %arg15[%swap3A_123] {strides = array<i32>} : memref<64xf32, #tpu.memory_space<vmem>>, vector<16xf32>,
    tpu.vector_store %arg15[%swap3A_123], %add3A_122 {strides = array<i32>} : memref<64xf32, #tpu.memory_space<vmem>>, vector<16xf32>,
    %get3A_125 = arith.constant 16 : index
    %get3A_126 = tpu.vector_load %arg15[%get3A_125] {strides = array<i32>} : memref<64xf32, #tpu.memory_space<vmem>>, vector<16xf32>,
    %get3A_127 = arith.constant 16 : index
    %get3A_128 = tpu.vector_load %arg17[%get3A_127] {strides = array<i32>} : memref<64xf32, #tpu.memory_space<vmem>>, vector<16xf32>,
    %add3A_129 = arith.addf %get3A_126, %get3A_128 : vector<16xf32>
    %swap3A_130 = arith.constant 16 : index
    %swap3A_131 = tpu.vector_load %arg15[%swap3A_130] {strides = array<i32>} : memref<64xf32, #tpu.memory_space<vmem>>, vector<16xf32>,
    tpu.vector_store %arg15[%swap3A_130], %add3A_129 {strides = array<i32>} : memref<64xf32, #tpu.memory_space<vmem>>, vector<16xf32>,
    %get3A_132 = arith.constant 32 : index
    %get3A_133 = tpu.vector_load %arg15[%get3A_132] {strides = array<i32>} : memref<64xf32, #tpu.memory_space<vmem>>, vector<16xf32>,
    %get3A_134 = arith.constant 32 : index
    %get3A_135 = tpu.vector_load %arg17[%get3A_134] {strides = array<i32>} : memref<64xf32, #tpu.memory_space<vmem>>, vector<16xf32>,
    %add3A_136 = arith.addf %get3A_133, %get3A_135 : vector<16xf32>
    %swap3A_137 = arith.constant 32 : index
    %swap3A_138 = tpu.vector_load %arg15[%swap3A_137] {strides = array<i32>} : memref<64xf32, #tpu.memory_space<vmem>>, vector<16xf32>,
    tpu.vector_store %arg15[%swap3A_137], %add3A_136 {strides = array<i32>} : memref<64xf32, #tpu.memory_space<vmem>>, vector<16xf32>,
    %get3A_139 = arith.constant 48 : index
    %get3A_140 = tpu.vector_load %arg15[%get3A_139] {strides = array<i32>} : memref<64xf32, #tpu.memory_space<vmem>>, vector<16xf32>,
    %get3A_141 = arith.constant 48 : index
    %get3A_142 = tpu.vector_load %arg17[%get3A_141] {strides = array<i32>} : memref<64xf32, #tpu.memory_space<vmem>>, vector<16xf32>,
    %add3A_143 = arith.addf %get3A_140, %get3A_142 : vector<16xf32>
    %swap3A_144 = arith.constant 48 : index
    %swap3A_145 = tpu.vector_load %arg15[%swap3A_144] {strides = array<i32>} : memref<64xf32, #tpu.memory_space<vmem>>, vector<16xf32>,
    tpu.vector_store %arg15[%swap3A_144], %add3A_143 {strides = array<i32>} : memref<64xf32, #tpu.memory_space<vmem>>, vector<16xf32>,
    %mul3A_146 = arith.constant 64 : i32
    %mul3A_147 = arith.muli %arg1, %mul3A_146 : i32
    %add3A_148 = arith.constant 1024 : i32
    %add3A_149 = arith.addi %add3A_148, %mul3A_147 : i32
    "tpu.region"() ({
      %run_scoped3A = tpu.sem_alloc : memref<!tpu.dma_semaphore, #tpu.memory_space<semaphore_mem>>
      %dma_start3A = tpu.memref_slice %arg19[%add3A_149] : memref<16384xf32, #tpu.memory_space<vmem_shared>> -> memref<64xf32, #tpu.memory_space<vmem_shared>>
      %dma_start3A_1084 = tpu.memref_slice %arg19[%add3A_149] : memref<16384xf32, #tpu.memory_space<vmem_shared>> -> memref<64xf32, #tpu.memory_space<vmem_shared>>
      tpu.enqueue_dma source(%dma_start3A_1084 : memref<64xf32, #tpu.memory_space<vmem_shared>>) target(%arg17 : memref<64xf32, #tpu.memory_space<vmem>>) target_semaphore(%run_scoped3A : memref<!tpu.dma_semaphore, #tpu.memory_space<semaphore_mem>>)
      %dma_wait3A = tpu.memref_slice %arg19[%add3A_149] : memref<16384xf32, #tpu.memory_space<vmem_shared>> -> memref<64xf32, #tpu.memory_space<vmem_shared>>
      %dma_wait3A_1085 = tpu.memref_slice %arg19[%add3A_149] : memref<16384xf32, #tpu.memory_space<vmem_shared>> -> memref<64xf32, #tpu.memory_space<vmem_shared>>
      tpu.wait_dma2 semaphore(%run_scoped3A : memref<!tpu.dma_semaphore, #tpu.memory_space<semaphore_mem>>) src(%dma_wait3A_1085 : memref<64xf32, #tpu.memory_space<vmem_shared>>) dst(%arg17 : memref<64xf32, #tpu.memory_space<vmem>>)
      tpu.yield
    }) : () -> ()
    %get3A_150 = arith.constant 0 : index
    %get3A_151 = tpu.vector_load %arg16[%get3A_150] {strides = array<i32>} : memref<64xf32, #tpu.memory_space<vmem>>, vector<16xf32>,
    %get3A_152 = arith.constant 0 : index
    %get3A_153 = tpu.vector_load %arg17[%get3A_152] {strides = array<i32>} : memref<64xf32, #tpu.memory_space<vmem>>, vector<16xf32>,
    %add3A_154 = arith.addf %get3A_151, %get3A_153 : vector<16xf32>
    %swap3A_155 = arith.constant 0 : index
    %swap3A_156 = tpu.vector_load %arg16[%swap3A_155] {strides = array<i32>} : memref<64xf32, #tpu.memory_space<vmem>>, vector<16xf32>,
    tpu.vector_store %arg16[%swap3A_155], %add3A_154 {strides = array<i32>} : memref<64xf32, #tpu.memory_space<vmem>>, vector<16xf32>,
    %get3A_157 = arith.constant 16 : index
    %get3A_158 = tpu.vector_load %arg16[%get3A_157] {strides = array<i32>} : memref<64xf32, #tpu.memory_space<vmem>>, vector<16xf32>,
    %get3A_159 = arith.constant 16 : index
    %get3A_160 = tpu.vector_load %arg17[%get3A_159] {strides = array<i32>} : memref<64xf32, #tpu.memory_space<vmem>>, vector<16xf32>,
    %add3A_161 = arith.addf %get3A_158, %get3A_160 : vector<16xf32>
    %swap3A_162 = arith.constant 16 : index
    %swap3A_163 = tpu.vector_load %arg16[%swap3A_162] {strides = array<i32>} : memref<64xf32, #tpu.memory_space<vmem>>, vector<16xf32>,
    tpu.vector_store %arg16[%swap3A_162], %add3A_161 {strides = array<i32>} : memref<64xf32, #tpu.memory_space<vmem>>, vector<16xf32>,
    %get3A_164 = arith.constant 32 : index
    %get3A_165 = tpu.vector_load %arg16[%get3A_164] {strides = array<i32>} : memref<64xf32, #tpu.memory_space<vmem>>, vector<16xf32>,
    %get3A_166 = arith.constant 32 : index
    %get3A_167 = tpu.vector_load %arg17[%get3A_166] {strides = array<i32>} : memref<64xf32, #tpu.memory_space<vmem>>, vector<16xf32>,
    %add3A_168 = arith.addf %get3A_165, %get3A_167 : vector<16xf32>
    %swap3A_169 = arith.constant 32 : index
    %swap3A_170 = tpu.vector_load %arg16[%swap3A_169] {strides = array<i32>} : memref<64xf32, #tpu.memory_space<vmem>>, vector<16xf32>,
    tpu.vector_store %arg16[%swap3A_169], %add3A_168 {strides = array<i32>} : memref<64xf32, #tpu.memory_space<vmem>>, vector<16xf32>,
    %get3A_171 = arith.constant 48 : index
    %get3A_172 = tpu.vector_load %arg16[%get3A_171] {strides = array<i32>} : memref<64xf32, #tpu.memory_space<vmem>>, vector<16xf32>,
    %get3A_173 = arith.constant 48 : index
    %get3A_174 = tpu.vector_load %arg17[%get3A_173] {strides = array<i32>} : memref<64xf32, #tpu.memory_space<vmem>>, vector<16xf32>,
    %add3A_175 = arith.addf %get3A_172, %get3A_174 : vector<16xf32>
    %swap3A_176 = arith.constant 48 : index
    %swap3A_177 = tpu.vector_load %arg16[%swap3A_176] {strides = array<i32>} : memref<64xf32, #tpu.memory_space<vmem>>, vector<16xf32>,
    tpu.vector_store %arg16[%swap3A_176], %add3A_175 {strides = array<i32>} : memref<64xf32, #tpu.memory_space<vmem>>, vector<16xf32>,
    %mul3A_178 = arith.constant 64 : i32
    %mul3A_179 = arith.muli %arg1, %mul3A_178 : i32
    %add3A_180 = arith.constant 2048 : i32
    %add3A_181 = arith.addi %add3A_180, %mul3A_179 : i32
    "tpu.region"() ({
      %run_scoped3A = tpu.sem_alloc : memref<!tpu.dma_semaphore, #tpu.memory_space<semaphore_mem>>
      %dma_start3A = tpu.memref_slice %arg18[%add3A_181] : memref<16384xf32, #tpu.memory_space<vmem_shared>> -> memref<64xf32, #tpu.memory_space<vmem_shared>>
      %dma_start3A_1084 = tpu.memref_slice %arg18[%add3A_181] : memref<16384xf32, #tpu.memory_space<vmem_shared>> -> memref<64xf32, #tpu.memory_space<vmem_shared>>
      tpu.enqueue_dma source(%dma_start3A_1084 : memref<64xf32, #tpu.memory_space<vmem_shared>>) target(%arg17 : memref<64xf32, #tpu.memory_space<vmem>>) target_semaphore(%run_scoped3A : memref<!tpu.dma_semaphore, #tpu.memory_space<semaphore_mem>>)
      %dma_wait3A = tpu.memref_slice %arg18[%add3A_181] : memref<16384xf32, #tpu.memory_space<vmem_shared>> -> memref<64xf32, #tpu.memory_space<vmem_shared>>
      %dma_wait3A_1085 = tpu.memref_slice %arg18[%add3A_181] : memref<16384xf32, #tpu.memory_space<vmem_shared>> -> memref<64xf32, #tpu.memory_space<vmem_shared>>
      tpu.wait_dma2 semaphore(%run_scoped3A : memref<!tpu.dma_semaphore, #tpu.memory_space<semaphore_mem>>) src(%dma_wait3A_1085 : memref<64xf32, #tpu.memory_space<vmem_shared>>) dst(%arg17 : memref<64xf32, #tpu.memory_space<vmem>>)
      tpu.yield
    }) : () -> ()
    %get3A_182 = arith.constant 0 : index
    %get3A_183 = tpu.vector_load %arg15[%get3A_182] {strides = array<i32>} : memref<64xf32, #tpu.memory_space<vmem>>, vector<16xf32>,
    %get3A_184 = arith.constant 0 : index
    %get3A_185 = tpu.vector_load %arg17[%get3A_184] {strides = array<i32>} : memref<64xf32, #tpu.memory_space<vmem>>, vector<16xf32>,
    %add3A_186 = arith.addf %get3A_183, %get3A_185 : vector<16xf32>
    %swap3A_187 = arith.constant 0 : index
    %swap3A_188 = tpu.vector_load %arg15[%swap3A_187] {strides = array<i32>} : memref<64xf32, #tpu.memory_space<vmem>>, vector<16xf32>,
    tpu.vector_store %arg15[%swap3A_187], %add3A_186 {strides = array<i32>} : memref<64xf32, #tpu.memory_space<vmem>>, vector<16xf32>,
    %get3A_189 = arith.constant 16 : index
    %get3A_190 = tpu.vector_load %arg15[%get3A_189] {strides = array<i32>} : memref<64xf32, #tpu.memory_space<vmem>>, vector<16xf32>,
    %get3A_191 = arith.constant 16 : index
    %get3A_192 = tpu.vector_load %arg17[%get3A_191] {strides = array<i32>} : memref<64xf32, #tpu.memory_space<vmem>>, vector<16xf32>,
    %add3A_193 = arith.addf %get3A_190, %get3A_192 : vector<16xf32>
    %swap3A_194 = arith.constant 16 : index
    %swap3A_195 = tpu.vector_load %arg15[%swap3A_194] {strides = array<i32>} : memref<64xf32, #tpu.memory_space<vmem>>, vector<16xf32>,
    tpu.vector_store %arg15[%swap3A_194], %add3A_193 {strides = array<i32>} : memref<64xf32, #tpu.memory_space<vmem>>, vector<16xf32>,
    %get3A_196 = arith.constant 32 : index
    %get3A_197 = tpu.vector_load %arg15[%get3A_196] {strides = array<i32>} : memref<64xf32, #tpu.memory_space<vmem>>, vector<16xf32>,
    %get3A_198 = arith.constant 32 : index
    %get3A_199 = tpu.vector_load %arg17[%get3A_198] {strides = array<i32>} : memref<64xf32, #tpu.memory_space<vmem>>, vector<16xf32>,
    %add3A_200 = arith.addf %get3A_197, %get3A_199 : vector<16xf32>
    %swap3A_201 = arith.constant 32 : index
    %swap3A_202 = tpu.vector_load %arg15[%swap3A_201] {strides = array<i32>} : memref<64xf32, #tpu.memory_space<vmem>>, vector<16xf32>,
    tpu.vector_store %arg15[%swap3A_201], %add3A_200 {strides = array<i32>} : memref<64xf32, #tpu.memory_space<vmem>>, vector<16xf32>,
    %get3A_203 = arith.constant 48 : index
    %get3A_204 = tpu.vector_load %arg15[%get3A_203] {strides = array<i32>} : memref<64xf32, #tpu.memory_space<vmem>>, vector<16xf32>,
    %get3A_205 = arith.constant 48 : index
    %get3A_206 = tpu.vector_load %arg17[%get3A_205] {strides = array<i32>} : memref<64xf32, #tpu.memory_space<vmem>>, vector<16xf32>,
    %add3A_207 = arith.addf %get3A_204, %get3A_206 : vector<16xf32>
    %swap3A_208 = arith.constant 48 : index
    %swap3A_209 = tpu.vector_load %arg15[%swap3A_208] {strides = array<i32>} : memref<64xf32, #tpu.memory_space<vmem>>, vector<16xf32>,
    tpu.vector_store %arg15[%swap3A_208], %add3A_207 {strides = array<i32>} : memref<64xf32, #tpu.memory_space<vmem>>, vector<16xf32>,
    %mul3A_210 = arith.constant 64 : i32
    %mul3A_211 = arith.muli %arg1, %mul3A_210 : i32
    %add3A_212 = arith.constant 2048 : i32
    %add3A_213 = arith.addi %add3A_212, %mul3A_211 : i32
    "tpu.region"() ({
      %run_scoped3A = tpu.sem_alloc : memref<!tpu.dma_semaphore, #tpu.memory_space<semaphore_mem>>
      %dma_start3A = tpu.memref_slice %arg19[%add3A_213] : memref<16384xf32, #tpu.memory_space<vmem_shared>> -> memref<64xf32, #tpu.memory_space<vmem_shared>>
      %dma_start3A_1084 = tpu.memref_slice %arg19[%add3A_213] : memref<16384xf32, #tpu.memory_space<vmem_shared>> -> memref<64xf32, #tpu.memory_space<vmem_shared>>
      tpu.enqueue_dma source(%dma_start3A_1084 : memref<64xf32, #tpu.memory_space<vmem_shared>>) target(%arg17 : memref<64xf32, #tpu.memory_space<vmem>>) target_semaphore(%run_scoped3A : memref<!tpu.dma_semaphore, #tpu.memory_space<semaphore_mem>>)
      %dma_wait3A = tpu.memref_slice %arg19[%add3A_213] : memref<16384xf32, #tpu.memory_space<vmem_shared>> -> memref<64xf32, #tpu.memory_space<vmem_shared>>
      %dma_wait3A_1085 = tpu.memref_slice %arg19[%add3A_213] : memref<16384xf32, #tpu.memory_space<vmem_shared>> -> memref<64xf32, #tpu.memory_space<vmem_shared>>
      tpu.wait_dma2 semaphore(%run_scoped3A : memref<!tpu.dma_semaphore, #tpu.memory_space<semaphore_mem>>) src(%dma_wait3A_1085 : memref<64xf32, #tpu.memory_space<vmem_shared>>) dst(%arg17 : memref<64xf32, #tpu.memory_space<vmem>>)
      tpu.yield
    }) : () -> ()
    %get3A_214 = arith.constant 0 : index
    %get3A_215 = tpu.vector_load %arg16[%get3A_214] {strides = array<i32>} : memref<64xf32, #tpu.memory_space<vmem>>, vector<16xf32>,
    %get3A_216 = arith.constant 0 : index
    %get3A_217 = tpu.vector_load %arg17[%get3A_216] {strides = array<i32>} : memref<64xf32, #tpu.memory_space<vmem>>, vector<16xf32>,
    %add3A_218 = arith.addf %get3A_215, %get3A_217 : vector<16xf32>
    %swap3A_219 = arith.constant 0 : index
    %swap3A_220 = tpu.vector_load %arg16[%swap3A_219] {strides = array<i32>} : memref<64xf32, #tpu.memory_space<vmem>>, vector<16xf32>,
    tpu.vector_store %arg16[%swap3A_219], %add3A_218 {strides = array<i32>} : memref<64xf32, #tpu.memory_space<vmem>>, vector<16xf32>,
    %get3A_221 = arith.constant 16 : index
    %get3A_222 = tpu.vector_load %arg16[%get3A_221] {strides = array<i32>} : memref<64xf32, #tpu.memory_space<vmem>>, vector<16xf32>,
    %get3A_223 = arith.constant 16 : index
    %get3A_224 = tpu.vector_load %arg17[%get3A_223] {strides = array<i32>} : memref<64xf32, #tpu.memory_space<vmem>>, vector<16xf32>,
    %add3A_225 = arith.addf %get3A_222, %get3A_224 : vector<16xf32>
    %swap3A_226 = arith.constant 16 : index
    %swap3A_227 = tpu.vector_load %arg16[%swap3A_226] {strides = array<i32>} : memref<64xf32, #tpu.memory_space<vmem>>, vector<16xf32>,
    tpu.vector_store %arg16[%swap3A_226], %add3A_225 {strides = array<i32>} : memref<64xf32, #tpu.memory_space<vmem>>, vector<16xf32>,
    %get3A_228 = arith.constant 32 : index
    %get3A_229 = tpu.vector_load %arg16[%get3A_228] {strides = array<i32>} : memref<64xf32, #tpu.memory_space<vmem>>, vector<16xf32>,
    %get3A_230 = arith.constant 32 : index
    %get3A_231 = tpu.vector_load %arg17[%get3A_230] {strides = array<i32>} : memref<64xf32, #tpu.memory_space<vmem>>, vector<16xf32>,
    %add3A_232 = arith.addf %get3A_229, %get3A_231 : vector<16xf32>
    %swap3A_233 = arith.constant 32 : index
    %swap3A_234 = tpu.vector_load %arg16[%swap3A_233] {strides = array<i32>} : memref<64xf32, #tpu.memory_space<vmem>>, vector<16xf32>,
    tpu.vector_store %arg16[%swap3A_233], %add3A_232 {strides = array<i32>} : memref<64xf32, #tpu.memory_space<vmem>>, vector<16xf32>,
    %get3A_235 = arith.constant 48 : index
    %get3A_236 = tpu.vector_load %arg16[%get3A_235] {strides = array<i32>} : memref<64xf32, #tpu.memory_space<vmem>>, vector<16xf32>,
    %get3A_237 = arith.constant 48 : index
    %get3A_238 = tpu.vector_load %arg17[%get3A_237] {strides = array<i32>} : memref<64xf32, #tpu.memory_space<vmem>>, vector<16xf32>,
    %add3A_239 = arith.addf %get3A_236, %get3A_238 : vector<16xf32>
    %swap3A_240 = arith.constant 48 : index
    %swap3A_241 = tpu.vector_load %arg16[%swap3A_240] {strides = array<i32>} : memref<64xf32, #tpu.memory_space<vmem>>, vector<16xf32>,
    tpu.vector_store %arg16[%swap3A_240], %add3A_239 {strides = array<i32>} : memref<64xf32, #tpu.memory_space<vmem>>, vector<16xf32>,
    %mul3A_242 = arith.constant 64 : i32
    %mul3A_243 = arith.muli %arg1, %mul3A_242 : i32
    %add3A_244 = arith.constant 3072 : i32
    %add3A_245 = arith.addi %add3A_244, %mul3A_243 : i32
    "tpu.region"() ({
      %run_scoped3A = tpu.sem_alloc : memref<!tpu.dma_semaphore, #tpu.memory_space<semaphore_mem>>
      %dma_start3A = tpu.memref_slice %arg18[%add3A_245] : memref<16384xf32, #tpu.memory_space<vmem_shared>> -> memref<64xf32, #tpu.memory_space<vmem_shared>>
      %dma_start3A_1084 = tpu.memref_slice %arg18[%add3A_245] : memref<16384xf32, #tpu.memory_space<vmem_shared>> -> memref<64xf32, #tpu.memory_space<vmem_shared>>
      tpu.enqueue_dma source(%dma_start3A_1084 : memref<64xf32, #tpu.memory_space<vmem_shared>>) target(%arg17 : memref<64xf32, #tpu.memory_space<vmem>>) target_semaphore(%run_scoped3A : memref<!tpu.dma_semaphore, #tpu.memory_space<semaphore_mem>>)
      %dma_wait3A = tpu.memref_slice %arg18[%add3A_245] : memref<16384xf32, #tpu.memory_space<vmem_shared>> -> memref<64xf32, #tpu.memory_space<vmem_shared>>
      %dma_wait3A_1085 = tpu.memref_slice %arg18[%add3A_245] : memref<16384xf32, #tpu.memory_space<vmem_shared>> -> memref<64xf32, #tpu.memory_space<vmem_shared>>
      tpu.wait_dma2 semaphore(%run_scoped3A : memref<!tpu.dma_semaphore, #tpu.memory_space<semaphore_mem>>) src(%dma_wait3A_1085 : memref<64xf32, #tpu.memory_space<vmem_shared>>) dst(%arg17 : memref<64xf32, #tpu.memory_space<vmem>>)
      tpu.yield
    }) : () -> ()
    %get3A_246 = arith.constant 0 : index
    %get3A_247 = tpu.vector_load %arg15[%get3A_246] {strides = array<i32>} : memref<64xf32, #tpu.memory_space<vmem>>, vector<16xf32>,
    %get3A_248 = arith.constant 0 : index
    %get3A_249 = tpu.vector_load %arg17[%get3A_248] {strides = array<i32>} : memref<64xf32, #tpu.memory_space<vmem>>, vector<16xf32>,
    %add3A_250 = arith.addf %get3A_247, %get3A_249 : vector<16xf32>
    %swap3A_251 = arith.constant 0 : index
    %swap3A_252 = tpu.vector_load %arg15[%swap3A_251] {strides = array<i32>} : memref<64xf32, #tpu.memory_space<vmem>>, vector<16xf32>,
    tpu.vector_store %arg15[%swap3A_251], %add3A_250 {strides = array<i32>} : memref<64xf32, #tpu.memory_space<vmem>>, vector<16xf32>,
    %get3A_253 = arith.constant 16 : index
    %get3A_254 = tpu.vector_load %arg15[%get3A_253] {strides = array<i32>} : memref<64xf32, #tpu.memory_space<vmem>>, vector<16xf32>,
    %get3A_255 = arith.constant 16 : index
    %get3A_256 = tpu.vector_load %arg17[%get3A_255] {strides = array<i32>} : memref<64xf32, #tpu.memory_space<vmem>>, vector<16xf32>,
    %add3A_257 = arith.addf %get3A_254, %get3A_256 : vector<16xf32>
    %swap3A_258 = arith.constant 16 : index
    %swap3A_259 = tpu.vector_load %arg15[%swap3A_258] {strides = array<i32>} : memref<64xf32, #tpu.memory_space<vmem>>, vector<16xf32>,
    tpu.vector_store %arg15[%swap3A_258], %add3A_257 {strides = array<i32>} : memref<64xf32, #tpu.memory_space<vmem>>, vector<16xf32>,
    %get3A_260 = arith.constant 32 : index
    %get3A_261 = tpu.vector_load %arg15[%get3A_260] {strides = array<i32>} : memref<64xf32, #tpu.memory_space<vmem>>, vector<16xf32>,
    %get3A_262 = arith.constant 32 : index
    %get3A_263 = tpu.vector_load %arg17[%get3A_262] {strides = array<i32>} : memref<64xf32, #tpu.memory_space<vmem>>, vector<16xf32>,
    %add3A_264 = arith.addf %get3A_261, %get3A_263 : vector<16xf32>
    %swap3A_265 = arith.constant 32 : index
    %swap3A_266 = tpu.vector_load %arg15[%swap3A_265] {strides = array<i32>} : memref<64xf32, #tpu.memory_space<vmem>>, vector<16xf32>,
    tpu.vector_store %arg15[%swap3A_265], %add3A_264 {strides = array<i32>} : memref<64xf32, #tpu.memory_space<vmem>>, vector<16xf32>,
    %get3A_267 = arith.constant 48 : index
    %get3A_268 = tpu.vector_load %arg15[%get3A_267] {strides = array<i32>} : memref<64xf32, #tpu.memory_space<vmem>>, vector<16xf32>,
    %get3A_269 = arith.constant 48 : index
    %get3A_270 = tpu.vector_load %arg17[%get3A_269] {strides = array<i32>} : memref<64xf32, #tpu.memory_space<vmem>>, vector<16xf32>,
    %add3A_271 = arith.addf %get3A_268, %get3A_270 : vector<16xf32>
    %swap3A_272 = arith.constant 48 : index
    %swap3A_273 = tpu.vector_load %arg15[%swap3A_272] {strides = array<i32>} : memref<64xf32, #tpu.memory_space<vmem>>, vector<16xf32>,
    tpu.vector_store %arg15[%swap3A_272], %add3A_271 {strides = array<i32>} : memref<64xf32, #tpu.memory_space<vmem>>, vector<16xf32>,
    %mul3A_274 = arith.constant 64 : i32
    %mul3A_275 = arith.muli %arg1, %mul3A_274 : i32
    %add3A_276 = arith.constant 3072 : i32
    %add3A_277 = arith.addi %add3A_276, %mul3A_275 : i32
    "tpu.region"() ({
      %run_scoped3A = tpu.sem_alloc : memref<!tpu.dma_semaphore, #tpu.memory_space<semaphore_mem>>
      %dma_start3A = tpu.memref_slice %arg19[%add3A_277] : memref<16384xf32, #tpu.memory_space<vmem_shared>> -> memref<64xf32, #tpu.memory_space<vmem_shared>>
      %dma_start3A_1084 = tpu.memref_slice %arg19[%add3A_277] : memref<16384xf32, #tpu.memory_space<vmem_shared>> -> memref<64xf32, #tpu.memory_space<vmem_shared>>
      tpu.enqueue_dma source(%dma_start3A_1084 : memref<64xf32, #tpu.memory_space<vmem_shared>>) target(%arg17 : memref<64xf32, #tpu.memory_space<vmem>>) target_semaphore(%run_scoped3A : memref<!tpu.dma_semaphore, #tpu.memory_space<semaphore_mem>>)
      %dma_wait3A = tpu.memref_slice %arg19[%add3A_277] : memref<16384xf32, #tpu.memory_space<vmem_shared>> -> memref<64xf32, #tpu.memory_space<vmem_shared>>
      %dma_wait3A_1085 = tpu.memref_slice %arg19[%add3A_277] : memref<16384xf32, #tpu.memory_space<vmem_shared>> -> memref<64xf32, #tpu.memory_space<vmem_shared>>
      tpu.wait_dma2 semaphore(%run_scoped3A : memref<!tpu.dma_semaphore, #tpu.memory_space<semaphore_mem>>) src(%dma_wait3A_1085 : memref<64xf32, #tpu.memory_space<vmem_shared>>) dst(%arg17 : memref<64xf32, #tpu.memory_space<vmem>>)
      tpu.yield
    }) : () -> ()
    %get3A_278 = arith.constant 0 : index
    %get3A_279 = tpu.vector_load %arg16[%get3A_278] {strides = array<i32>} : memref<64xf32, #tpu.memory_space<vmem>>, vector<16xf32>,
    %get3A_280 = arith.constant 0 : index
    %get3A_281 = tpu.vector_load %arg17[%get3A_280] {strides = array<i32>} : memref<64xf32, #tpu.memory_space<vmem>>, vector<16xf32>,
    %add3A_282 = arith.addf %get3A_279, %get3A_281 : vector<16xf32>
    %swap3A_283 = arith.constant 0 : index
    %swap3A_284 = tpu.vector_load %arg16[%swap3A_283] {strides = array<i32>} : memref<64xf32, #tpu.memory_space<vmem>>, vector<16xf32>,
    tpu.vector_store %arg16[%swap3A_283], %add3A_282 {strides = array<i32>} : memref<64xf32, #tpu.memory_space<vmem>>, vector<16xf32>,
    %get3A_285 = arith.constant 16 : index
    %get3A_286 = tpu.vector_load %arg16[%get3A_285] {strides = array<i32>} : memref<64xf32, #tpu.memory_space<vmem>>, vector<16xf32>,
    %get3A_287 = arith.constant 16 : index
    %get3A_288 = tpu.vector_load %arg17[%get3A_287] {strides = array<i32>} : memref<64xf32, #tpu.memory_space<vmem>>, vector<16xf32>,
    %add3A_289 = arith.addf %get3A_286, %get3A_288 : vector<16xf32>
    %swap3A_290 = arith.constant 16 : index
    %swap3A_291 = tpu.vector_load %arg16[%swap3A_290] {strides = array<i32>} : memref<64xf32, #tpu.memory_space<vmem>>, vector<16xf32>,
    tpu.vector_store %arg16[%swap3A_290], %add3A_289 {strides = array<i32>} : memref<64xf32, #tpu.memory_space<vmem>>, vector<16xf32>,
    %get3A_292 = arith.constant 32 : index
    %get3A_293 = tpu.vector_load %arg16[%get3A_292] {strides = array<i32>} : memref<64xf32, #tpu.memory_space<vmem>>, vector<16xf32>,
    %get3A_294 = arith.constant 32 : index
    %get3A_295 = tpu.vector_load %arg17[%get3A_294] {strides = array<i32>} : memref<64xf32, #tpu.memory_space<vmem>>, vector<16xf32>,
    %add3A_296 = arith.addf %get3A_293, %get3A_295 : vector<16xf32>
    %swap3A_297 = arith.constant 32 : index
    %swap3A_298 = tpu.vector_load %arg16[%swap3A_297] {strides = array<i32>} : memref<64xf32, #tpu.memory_space<vmem>>, vector<16xf32>,
    tpu.vector_store %arg16[%swap3A_297], %add3A_296 {strides = array<i32>} : memref<64xf32, #tpu.memory_space<vmem>>, vector<16xf32>,
    %get3A_299 = arith.constant 48 : index
    %get3A_300 = tpu.vector_load %arg16[%get3A_299] {strides = array<i32>} : memref<64xf32, #tpu.memory_space<vmem>>, vector<16xf32>,
    %get3A_301 = arith.constant 48 : index
    %get3A_302 = tpu.vector_load %arg17[%get3A_301] {strides = array<i32>} : memref<64xf32, #tpu.memory_space<vmem>>, vector<16xf32>,
    %add3A_303 = arith.addf %get3A_300, %get3A_302 : vector<16xf32>
    %swap3A_304 = arith.constant 48 : index
    %swap3A_305 = tpu.vector_load %arg16[%swap3A_304] {strides = array<i32>} : memref<64xf32, #tpu.memory_space<vmem>>, vector<16xf32>,
    tpu.vector_store %arg16[%swap3A_304], %add3A_303 {strides = array<i32>} : memref<64xf32, #tpu.memory_space<vmem>>, vector<16xf32>,
    %mul3A_306 = arith.constant 64 : i32
    %mul3A_307 = arith.muli %arg1, %mul3A_306 : i32
    %add3A_308 = arith.constant 4096 : i32
    %add3A_309 = arith.addi %add3A_308, %mul3A_307 : i32
    "tpu.region"() ({
      %run_scoped3A = tpu.sem_alloc : memref<!tpu.dma_semaphore, #tpu.memory_space<semaphore_mem>>
      %dma_start3A = tpu.memref_slice %arg18[%add3A_309] : memref<16384xf32, #tpu.memory_space<vmem_shared>> -> memref<64xf32, #tpu.memory_space<vmem_shared>>
      %dma_start3A_1084 = tpu.memref_slice %arg18[%add3A_309] : memref<16384xf32, #tpu.memory_space<vmem_shared>> -> memref<64xf32, #tpu.memory_space<vmem_shared>>
      tpu.enqueue_dma source(%dma_start3A_1084 : memref<64xf32, #tpu.memory_space<vmem_shared>>) target(%arg17 : memref<64xf32, #tpu.memory_space<vmem>>) target_semaphore(%run_scoped3A : memref<!tpu.dma_semaphore, #tpu.memory_space<semaphore_mem>>)
      %dma_wait3A = tpu.memref_slice %arg18[%add3A_309] : memref<16384xf32, #tpu.memory_space<vmem_shared>> -> memref<64xf32, #tpu.memory_space<vmem_shared>>
      %dma_wait3A_1085 = tpu.memref_slice %arg18[%add3A_309] : memref<16384xf32, #tpu.memory_space<vmem_shared>> -> memref<64xf32, #tpu.memory_space<vmem_shared>>
      tpu.wait_dma2 semaphore(%run_scoped3A : memref<!tpu.dma_semaphore, #tpu.memory_space<semaphore_mem>>) src(%dma_wait3A_1085 : memref<64xf32, #tpu.memory_space<vmem_shared>>) dst(%arg17 : memref<64xf32, #tpu.memory_space<vmem>>)
      tpu.yield
    }) : () -> ()
    %get3A_310 = arith.constant 0 : index
    %get3A_311 = tpu.vector_load %arg15[%get3A_310] {strides = array<i32>} : memref<64xf32, #tpu.memory_space<vmem>>, vector<16xf32>,
    %get3A_312 = arith.constant 0 : index
    %get3A_313 = tpu.vector_load %arg17[%get3A_312] {strides = array<i32>} : memref<64xf32, #tpu.memory_space<vmem>>, vector<16xf32>,
    %add3A_314 = arith.addf %get3A_311, %get3A_313 : vector<16xf32>
    %swap3A_315 = arith.constant 0 : index
    %swap3A_316 = tpu.vector_load %arg15[%swap3A_315] {strides = array<i32>} : memref<64xf32, #tpu.memory_space<vmem>>, vector<16xf32>,
    tpu.vector_store %arg15[%swap3A_315], %add3A_314 {strides = array<i32>} : memref<64xf32, #tpu.memory_space<vmem>>, vector<16xf32>,
    %get3A_317 = arith.constant 16 : index
    %get3A_318 = tpu.vector_load %arg15[%get3A_317] {strides = array<i32>} : memref<64xf32, #tpu.memory_space<vmem>>, vector<16xf32>,
    %get3A_319 = arith.constant 16 : index
    %get3A_320 = tpu.vector_load %arg17[%get3A_319] {strides = array<i32>} : memref<64xf32, #tpu.memory_space<vmem>>, vector<16xf32>,
    %add3A_321 = arith.addf %get3A_318, %get3A_320 : vector<16xf32>
    %swap3A_322 = arith.constant 16 : index
    %swap3A_323 = tpu.vector_load %arg15[%swap3A_322] {strides = array<i32>} : memref<64xf32, #tpu.memory_space<vmem>>, vector<16xf32>,
    tpu.vector_store %arg15[%swap3A_322], %add3A_321 {strides = array<i32>} : memref<64xf32, #tpu.memory_space<vmem>>, vector<16xf32>,
    %get3A_324 = arith.constant 32 : index
    %get3A_325 = tpu.vector_load %arg15[%get3A_324] {strides = array<i32>} : memref<64xf32, #tpu.memory_space<vmem>>, vector<16xf32>,
    %get3A_326 = arith.constant 32 : index
    %get3A_327 = tpu.vector_load %arg17[%get3A_326] {strides = array<i32>} : memref<64xf32, #tpu.memory_space<vmem>>, vector<16xf32>,
    %add3A_328 = arith.addf %get3A_325, %get3A_327 : vector<16xf32>
    %swap3A_329 = arith.constant 32 : index
    %swap3A_330 = tpu.vector_load %arg15[%swap3A_329] {strides = array<i32>} : memref<64xf32, #tpu.memory_space<vmem>>, vector<16xf32>,
    tpu.vector_store %arg15[%swap3A_329], %add3A_328 {strides = array<i32>} : memref<64xf32, #tpu.memory_space<vmem>>, vector<16xf32>,
    %get3A_331 = arith.constant 48 : index
    %get3A_332 = tpu.vector_load %arg15[%get3A_331] {strides = array<i32>} : memref<64xf32, #tpu.memory_space<vmem>>, vector<16xf32>,
    %get3A_333 = arith.constant 48 : index
    %get3A_334 = tpu.vector_load %arg17[%get3A_333] {strides = array<i32>} : memref<64xf32, #tpu.memory_space<vmem>>, vector<16xf32>,
    %add3A_335 = arith.addf %get3A_332, %get3A_334 : vector<16xf32>
    %swap3A_336 = arith.constant 48 : index
    %swap3A_337 = tpu.vector_load %arg15[%swap3A_336] {strides = array<i32>} : memref<64xf32, #tpu.memory_space<vmem>>, vector<16xf32>,
    tpu.vector_store %arg15[%swap3A_336], %add3A_335 {strides = array<i32>} : memref<64xf32, #tpu.memory_space<vmem>>, vector<16xf32>,
    %mul3A_338 = arith.constant 64 : i32
    %mul3A_339 = arith.muli %arg1, %mul3A_338 : i32
    %add3A_340 = arith.constant 4096 : i32
    %add3A_341 = arith.addi %add3A_340, %mul3A_339 : i32
    "tpu.region"() ({
      %run_scoped3A = tpu.sem_alloc : memref<!tpu.dma_semaphore, #tpu.memory_space<semaphore_mem>>
      %dma_start3A = tpu.memref_slice %arg19[%add3A_341] : memref<16384xf32, #tpu.memory_space<vmem_shared>> -> memref<64xf32, #tpu.memory_space<vmem_shared>>
      %dma_start3A_1084 = tpu.memref_slice %arg19[%add3A_341] : memref<16384xf32, #tpu.memory_space<vmem_shared>> -> memref<64xf32, #tpu.memory_space<vmem_shared>>
      tpu.enqueue_dma source(%dma_start3A_1084 : memref<64xf32, #tpu.memory_space<vmem_shared>>) target(%arg17 : memref<64xf32, #tpu.memory_space<vmem>>) target_semaphore(%run_scoped3A : memref<!tpu.dma_semaphore, #tpu.memory_space<semaphore_mem>>)
      %dma_wait3A = tpu.memref_slice %arg19[%add3A_341] : memref<16384xf32, #tpu.memory_space<vmem_shared>> -> memref<64xf32, #tpu.memory_space<vmem_shared>>
      %dma_wait3A_1085 = tpu.memref_slice %arg19[%add3A_341] : memref<16384xf32, #tpu.memory_space<vmem_shared>> -> memref<64xf32, #tpu.memory_space<vmem_shared>>
      tpu.wait_dma2 semaphore(%run_scoped3A : memref<!tpu.dma_semaphore, #tpu.memory_space<semaphore_mem>>) src(%dma_wait3A_1085 : memref<64xf32, #tpu.memory_space<vmem_shared>>) dst(%arg17 : memref<64xf32, #tpu.memory_space<vmem>>)
      tpu.yield
    }) : () -> ()
    %get3A_342 = arith.constant 0 : index
    %get3A_343 = tpu.vector_load %arg16[%get3A_342] {strides = array<i32>} : memref<64xf32, #tpu.memory_space<vmem>>, vector<16xf32>,
    %get3A_344 = arith.constant 0 : index
    %get3A_345 = tpu.vector_load %arg17[%get3A_344] {strides = array<i32>} : memref<64xf32, #tpu.memory_space<vmem>>, vector<16xf32>,
    %add3A_346 = arith.addf %get3A_343, %get3A_345 : vector<16xf32>
    %swap3A_347 = arith.constant 0 : index
    %swap3A_348 = tpu.vector_load %arg16[%swap3A_347] {strides = array<i32>} : memref<64xf32, #tpu.memory_space<vmem>>, vector<16xf32>,
    tpu.vector_store %arg16[%swap3A_347], %add3A_346 {strides = array<i32>} : memref<64xf32, #tpu.memory_space<vmem>>, vector<16xf32>,
    %get3A_349 = arith.constant 16 : index
    %get3A_350 = tpu.vector_load %arg16[%get3A_349] {strides = array<i32>} : memref<64xf32, #tpu.memory_space<vmem>>, vector<16xf32>,
    %get3A_351 = arith.constant 16 : index
    %get3A_352 = tpu.vector_load %arg17[%get3A_351] {strides = array<i32>} : memref<64xf32, #tpu.memory_space<vmem>>, vector<16xf32>,
    %add3A_353 = arith.addf %get3A_350, %get3A_352 : vector<16xf32>
    %swap3A_354 = arith.constant 16 : index
    %swap3A_355 = tpu.vector_load %arg16[%swap3A_354] {strides = array<i32>} : memref<64xf32, #tpu.memory_space<vmem>>, vector<16xf32>,
    tpu.vector_store %arg16[%swap3A_354], %add3A_353 {strides = array<i32>} : memref<64xf32, #tpu.memory_space<vmem>>, vector<16xf32>,
    %get3A_356 = arith.constant 32 : index
    %get3A_357 = tpu.vector_load %arg16[%get3A_356] {strides = array<i32>} : memref<64xf32, #tpu.memory_space<vmem>>, vector<16xf32>,
    %get3A_358 = arith.constant 32 : index
    %get3A_359 = tpu.vector_load %arg17[%get3A_358] {strides = array<i32>} : memref<64xf32, #tpu.memory_space<vmem>>, vector<16xf32>,
    %add3A_360 = arith.addf %get3A_357, %get3A_359 : vector<16xf32>
    %swap3A_361 = arith.constant 32 : index
    %swap3A_362 = tpu.vector_load %arg16[%swap3A_361] {strides = array<i32>} : memref<64xf32, #tpu.memory_space<vmem>>, vector<16xf32>,
    tpu.vector_store %arg16[%swap3A_361], %add3A_360 {strides = array<i32>} : memref<64xf32, #tpu.memory_space<vmem>>, vector<16xf32>,
    %get3A_363 = arith.constant 48 : index
    %get3A_364 = tpu.vector_load %arg16[%get3A_363] {strides = array<i32>} : memref<64xf32, #tpu.memory_space<vmem>>, vector<16xf32>,
    %get3A_365 = arith.constant 48 : index
    %get3A_366 = tpu.vector_load %arg17[%get3A_365] {strides = array<i32>} : memref<64xf32, #tpu.memory_space<vmem>>, vector<16xf32>,
    %add3A_367 = arith.addf %get3A_364, %get3A_366 : vector<16xf32>
    %swap3A_368 = arith.constant 48 : index
    %swap3A_369 = tpu.vector_load %arg16[%swap3A_368] {strides = array<i32>} : memref<64xf32, #tpu.memory_space<vmem>>, vector<16xf32>,
    tpu.vector_store %arg16[%swap3A_368], %add3A_367 {strides = array<i32>} : memref<64xf32, #tpu.memory_space<vmem>>, vector<16xf32>,
    %mul3A_370 = arith.constant 64 : i32
    %mul3A_371 = arith.muli %arg1, %mul3A_370 : i32
    %add3A_372 = arith.constant 5120 : i32
    %add3A_373 = arith.addi %add3A_372, %mul3A_371 : i32
    "tpu.region"() ({
      %run_scoped3A = tpu.sem_alloc : memref<!tpu.dma_semaphore, #tpu.memory_space<semaphore_mem>>
      %dma_start3A = tpu.memref_slice %arg18[%add3A_373] : memref<16384xf32, #tpu.memory_space<vmem_shared>> -> memref<64xf32, #tpu.memory_space<vmem_shared>>
      %dma_start3A_1084 = tpu.memref_slice %arg18[%add3A_373] : memref<16384xf32, #tpu.memory_space<vmem_shared>> -> memref<64xf32, #tpu.memory_space<vmem_shared>>
      tpu.enqueue_dma source(%dma_start3A_1084 : memref<64xf32, #tpu.memory_space<vmem_shared>>) target(%arg17 : memref<64xf32, #tpu.memory_space<vmem>>) target_semaphore(%run_scoped3A : memref<!tpu.dma_semaphore, #tpu.memory_space<semaphore_mem>>)
      %dma_wait3A = tpu.memref_slice %arg18[%add3A_373] : memref<16384xf32, #tpu.memory_space<vmem_shared>> -> memref<64xf32, #tpu.memory_space<vmem_shared>>
      %dma_wait3A_1085 = tpu.memref_slice %arg18[%add3A_373] : memref<16384xf32, #tpu.memory_space<vmem_shared>> -> memref<64xf32, #tpu.memory_space<vmem_shared>>
      tpu.wait_dma2 semaphore(%run_scoped3A : memref<!tpu.dma_semaphore, #tpu.memory_space<semaphore_mem>>) src(%dma_wait3A_1085 : memref<64xf32, #tpu.memory_space<vmem_shared>>) dst(%arg17 : memref<64xf32, #tpu.memory_space<vmem>>)
      tpu.yield
    }) : () -> ()
    %get3A_374 = arith.constant 0 : index
    %get3A_375 = tpu.vector_load %arg15[%get3A_374] {strides = array<i32>} : memref<64xf32, #tpu.memory_space<vmem>>, vector<16xf32>,
    %get3A_376 = arith.constant 0 : index
    %get3A_377 = tpu.vector_load %arg17[%get3A_376] {strides = array<i32>} : memref<64xf32, #tpu.memory_space<vmem>>, vector<16xf32>,
    %add3A_378 = arith.addf %get3A_375, %get3A_377 : vector<16xf32>
    %swap3A_379 = arith.constant 0 : index
    %swap3A_380 = tpu.vector_load %arg15[%swap3A_379] {strides = array<i32>} : memref<64xf32, #tpu.memory_space<vmem>>, vector<16xf32>,
    tpu.vector_store %arg15[%swap3A_379], %add3A_378 {strides = array<i32>} : memref<64xf32, #tpu.memory_space<vmem>>, vector<16xf32>,
    %get3A_381 = arith.constant 16 : index
    %get3A_382 = tpu.vector_load %arg15[%get3A_381] {strides = array<i32>} : memref<64xf32, #tpu.memory_space<vmem>>, vector<16xf32>,
    %get3A_383 = arith.constant 16 : index
    %get3A_384 = tpu.vector_load %arg17[%get3A_383] {strides = array<i32>} : memref<64xf32, #tpu.memory_space<vmem>>, vector<16xf32>,
    %add3A_385 = arith.addf %get3A_382, %get3A_384 : vector<16xf32>
    %swap3A_386 = arith.constant 16 : index
    %swap3A_387 = tpu.vector_load %arg15[%swap3A_386] {strides = array<i32>} : memref<64xf32, #tpu.memory_space<vmem>>, vector<16xf32>,
    tpu.vector_store %arg15[%swap3A_386], %add3A_385 {strides = array<i32>} : memref<64xf32, #tpu.memory_space<vmem>>, vector<16xf32>,
    %get3A_388 = arith.constant 32 : index
    %get3A_389 = tpu.vector_load %arg15[%get3A_388] {strides = array<i32>} : memref<64xf32, #tpu.memory_space<vmem>>, vector<16xf32>,
    %get3A_390 = arith.constant 32 : index
    %get3A_391 = tpu.vector_load %arg17[%get3A_390] {strides = array<i32>} : memref<64xf32, #tpu.memory_space<vmem>>, vector<16xf32>,
    %add3A_392 = arith.addf %get3A_389, %get3A_391 : vector<16xf32>
    %swap3A_393 = arith.constant 32 : index
    %swap3A_394 = tpu.vector_load %arg15[%swap3A_393] {strides = array<i32>} : memref<64xf32, #tpu.memory_space<vmem>>, vector<16xf32>,
    tpu.vector_store %arg15[%swap3A_393], %add3A_392 {strides = array<i32>} : memref<64xf32, #tpu.memory_space<vmem>>, vector<16xf32>,
    %get3A_395 = arith.constant 48 : index
    %get3A_396 = tpu.vector_load %arg15[%get3A_395] {strides = array<i32>} : memref<64xf32, #tpu.memory_space<vmem>>, vector<16xf32>,
    %get3A_397 = arith.constant 48 : index
    %get3A_398 = tpu.vector_load %arg17[%get3A_397] {strides = array<i32>} : memref<64xf32, #tpu.memory_space<vmem>>, vector<16xf32>,
    %add3A_399 = arith.addf %get3A_396, %get3A_398 : vector<16xf32>
    %swap3A_400 = arith.constant 48 : index
    %swap3A_401 = tpu.vector_load %arg15[%swap3A_400] {strides = array<i32>} : memref<64xf32, #tpu.memory_space<vmem>>, vector<16xf32>,
    tpu.vector_store %arg15[%swap3A_400], %add3A_399 {strides = array<i32>} : memref<64xf32, #tpu.memory_space<vmem>>, vector<16xf32>,
    %mul3A_402 = arith.constant 64 : i32
    %mul3A_403 = arith.muli %arg1, %mul3A_402 : i32
    %add3A_404 = arith.constant 5120 : i32
    %add3A_405 = arith.addi %add3A_404, %mul3A_403 : i32
    "tpu.region"() ({
      %run_scoped3A = tpu.sem_alloc : memref<!tpu.dma_semaphore, #tpu.memory_space<semaphore_mem>>
      %dma_start3A = tpu.memref_slice %arg19[%add3A_405] : memref<16384xf32, #tpu.memory_space<vmem_shared>> -> memref<64xf32, #tpu.memory_space<vmem_shared>>
      %dma_start3A_1084 = tpu.memref_slice %arg19[%add3A_405] : memref<16384xf32, #tpu.memory_space<vmem_shared>> -> memref<64xf32, #tpu.memory_space<vmem_shared>>
      tpu.enqueue_dma source(%dma_start3A_1084 : memref<64xf32, #tpu.memory_space<vmem_shared>>) target(%arg17 : memref<64xf32, #tpu.memory_space<vmem>>) target_semaphore(%run_scoped3A : memref<!tpu.dma_semaphore, #tpu.memory_space<semaphore_mem>>)
      %dma_wait3A = tpu.memref_slice %arg19[%add3A_405] : memref<16384xf32, #tpu.memory_space<vmem_shared>> -> memref<64xf32, #tpu.memory_space<vmem_shared>>
      %dma_wait3A_1085 = tpu.memref_slice %arg19[%add3A_405] : memref<16384xf32, #tpu.memory_space<vmem_shared>> -> memref<64xf32, #tpu.memory_space<vmem_shared>>
      tpu.wait_dma2 semaphore(%run_scoped3A : memref<!tpu.dma_semaphore, #tpu.memory_space<semaphore_mem>>) src(%dma_wait3A_1085 : memref<64xf32, #tpu.memory_space<vmem_shared>>) dst(%arg17 : memref<64xf32, #tpu.memory_space<vmem>>)
      tpu.yield
    }) : () -> ()
    %get3A_406 = arith.constant 0 : index
    %get3A_407 = tpu.vector_load %arg16[%get3A_406] {strides = array<i32>} : memref<64xf32, #tpu.memory_space<vmem>>, vector<16xf32>,
    %get3A_408 = arith.constant 0 : index
    %get3A_409 = tpu.vector_load %arg17[%get3A_408] {strides = array<i32>} : memref<64xf32, #tpu.memory_space<vmem>>, vector<16xf32>,
    %add3A_410 = arith.addf %get3A_407, %get3A_409 : vector<16xf32>
    %swap3A_411 = arith.constant 0 : index
    %swap3A_412 = tpu.vector_load %arg16[%swap3A_411] {strides = array<i32>} : memref<64xf32, #tpu.memory_space<vmem>>, vector<16xf32>,
    tpu.vector_store %arg16[%swap3A_411], %add3A_410 {strides = array<i32>} : memref<64xf32, #tpu.memory_space<vmem>>, vector<16xf32>,
    %get3A_413 = arith.constant 16 : index
    %get3A_414 = tpu.vector_load %arg16[%get3A_413] {strides = array<i32>} : memref<64xf32, #tpu.memory_space<vmem>>, vector<16xf32>,
    %get3A_415 = arith.constant 16 : index
    %get3A_416 = tpu.vector_load %arg17[%get3A_415] {strides = array<i32>} : memref<64xf32, #tpu.memory_space<vmem>>, vector<16xf32>,
    %add3A_417 = arith.addf %get3A_414, %get3A_416 : vector<16xf32>
    %swap3A_418 = arith.constant 16 : index
    %swap3A_419 = tpu.vector_load %arg16[%swap3A_418] {strides = array<i32>} : memref<64xf32, #tpu.memory_space<vmem>>, vector<16xf32>,
    tpu.vector_store %arg16[%swap3A_418], %add3A_417 {strides = array<i32>} : memref<64xf32, #tpu.memory_space<vmem>>, vector<16xf32>,
    %get3A_420 = arith.constant 32 : index
    %get3A_421 = tpu.vector_load %arg16[%get3A_420] {strides = array<i32>} : memref<64xf32, #tpu.memory_space<vmem>>, vector<16xf32>,
    %get3A_422 = arith.constant 32 : index
    %get3A_423 = tpu.vector_load %arg17[%get3A_422] {strides = array<i32>} : memref<64xf32, #tpu.memory_space<vmem>>, vector<16xf32>,
    %add3A_424 = arith.addf %get3A_421, %get3A_423 : vector<16xf32>
    %swap3A_425 = arith.constant 32 : index
    %swap3A_426 = tpu.vector_load %arg16[%swap3A_425] {strides = array<i32>} : memref<64xf32, #tpu.memory_space<vmem>>, vector<16xf32>,
    tpu.vector_store %arg16[%swap3A_425], %add3A_424 {strides = array<i32>} : memref<64xf32, #tpu.memory_space<vmem>>, vector<16xf32>,
    %get3A_427 = arith.constant 48 : index
    %get3A_428 = tpu.vector_load %arg16[%get3A_427] {strides = array<i32>} : memref<64xf32, #tpu.memory_space<vmem>>, vector<16xf32>,
    %get3A_429 = arith.constant 48 : index
    %get3A_430 = tpu.vector_load %arg17[%get3A_429] {strides = array<i32>} : memref<64xf32, #tpu.memory_space<vmem>>, vector<16xf32>,
    %add3A_431 = arith.addf %get3A_428, %get3A_430 : vector<16xf32>
    %swap3A_432 = arith.constant 48 : index
    %swap3A_433 = tpu.vector_load %arg16[%swap3A_432] {strides = array<i32>} : memref<64xf32, #tpu.memory_space<vmem>>, vector<16xf32>,
    tpu.vector_store %arg16[%swap3A_432], %add3A_431 {strides = array<i32>} : memref<64xf32, #tpu.memory_space<vmem>>, vector<16xf32>,
    %mul3A_434 = arith.constant 64 : i32
    %mul3A_435 = arith.muli %arg1, %mul3A_434 : i32
    %add3A_436 = arith.constant 6144 : i32
    %add3A_437 = arith.addi %add3A_436, %mul3A_435 : i32
    "tpu.region"() ({
      %run_scoped3A = tpu.sem_alloc : memref<!tpu.dma_semaphore, #tpu.memory_space<semaphore_mem>>
      %dma_start3A = tpu.memref_slice %arg18[%add3A_437] : memref<16384xf32, #tpu.memory_space<vmem_shared>> -> memref<64xf32, #tpu.memory_space<vmem_shared>>
      %dma_start3A_1084 = tpu.memref_slice %arg18[%add3A_437] : memref<16384xf32, #tpu.memory_space<vmem_shared>> -> memref<64xf32, #tpu.memory_space<vmem_shared>>
      tpu.enqueue_dma source(%dma_start3A_1084 : memref<64xf32, #tpu.memory_space<vmem_shared>>) target(%arg17 : memref<64xf32, #tpu.memory_space<vmem>>) target_semaphore(%run_scoped3A : memref<!tpu.dma_semaphore, #tpu.memory_space<semaphore_mem>>)
      %dma_wait3A = tpu.memref_slice %arg18[%add3A_437] : memref<16384xf32, #tpu.memory_space<vmem_shared>> -> memref<64xf32, #tpu.memory_space<vmem_shared>>
      %dma_wait3A_1085 = tpu.memref_slice %arg18[%add3A_437] : memref<16384xf32, #tpu.memory_space<vmem_shared>> -> memref<64xf32, #tpu.memory_space<vmem_shared>>
      tpu.wait_dma2 semaphore(%run_scoped3A : memref<!tpu.dma_semaphore, #tpu.memory_space<semaphore_mem>>) src(%dma_wait3A_1085 : memref<64xf32, #tpu.memory_space<vmem_shared>>) dst(%arg17 : memref<64xf32, #tpu.memory_space<vmem>>)
      tpu.yield
    }) : () -> ()
    %get3A_438 = arith.constant 0 : index
    %get3A_439 = tpu.vector_load %arg15[%get3A_438] {strides = array<i32>} : memref<64xf32, #tpu.memory_space<vmem>>, vector<16xf32>,
    %get3A_440 = arith.constant 0 : index
    %get3A_441 = tpu.vector_load %arg17[%get3A_440] {strides = array<i32>} : memref<64xf32, #tpu.memory_space<vmem>>, vector<16xf32>,
    %add3A_442 = arith.addf %get3A_439, %get3A_441 : vector<16xf32>
    %swap3A_443 = arith.constant 0 : index
    %swap3A_444 = tpu.vector_load %arg15[%swap3A_443] {strides = array<i32>} : memref<64xf32, #tpu.memory_space<vmem>>, vector<16xf32>,
    tpu.vector_store %arg15[%swap3A_443], %add3A_442 {strides = array<i32>} : memref<64xf32, #tpu.memory_space<vmem>>, vector<16xf32>,
    %get3A_445 = arith.constant 16 : index
    %get3A_446 = tpu.vector_load %arg15[%get3A_445] {strides = array<i32>} : memref<64xf32, #tpu.memory_space<vmem>>, vector<16xf32>,
    %get3A_447 = arith.constant 16 : index
    %get3A_448 = tpu.vector_load %arg17[%get3A_447] {strides = array<i32>} : memref<64xf32, #tpu.memory_space<vmem>>, vector<16xf32>,
    %add3A_449 = arith.addf %get3A_446, %get3A_448 : vector<16xf32>
    %swap3A_450 = arith.constant 16 : index
    %swap3A_451 = tpu.vector_load %arg15[%swap3A_450] {strides = array<i32>} : memref<64xf32, #tpu.memory_space<vmem>>, vector<16xf32>,
    tpu.vector_store %arg15[%swap3A_450], %add3A_449 {strides = array<i32>} : memref<64xf32, #tpu.memory_space<vmem>>, vector<16xf32>,
    %get3A_452 = arith.constant 32 : index
    %get3A_453 = tpu.vector_load %arg15[%get3A_452] {strides = array<i32>} : memref<64xf32, #tpu.memory_space<vmem>>, vector<16xf32>,
    %get3A_454 = arith.constant 32 : index
    %get3A_455 = tpu.vector_load %arg17[%get3A_454] {strides = array<i32>} : memref<64xf32, #tpu.memory_space<vmem>>, vector<16xf32>,
    %add3A_456 = arith.addf %get3A_453, %get3A_455 : vector<16xf32>
    %swap3A_457 = arith.constant 32 : index
    %swap3A_458 = tpu.vector_load %arg15[%swap3A_457] {strides = array<i32>} : memref<64xf32, #tpu.memory_space<vmem>>, vector<16xf32>,
    tpu.vector_store %arg15[%swap3A_457], %add3A_456 {strides = array<i32>} : memref<64xf32, #tpu.memory_space<vmem>>, vector<16xf32>,
    %get3A_459 = arith.constant 48 : index
    %get3A_460 = tpu.vector_load %arg15[%get3A_459] {strides = array<i32>} : memref<64xf32, #tpu.memory_space<vmem>>, vector<16xf32>,
    %get3A_461 = arith.constant 48 : index
    %get3A_462 = tpu.vector_load %arg17[%get3A_461] {strides = array<i32>} : memref<64xf32, #tpu.memory_space<vmem>>, vector<16xf32>,
    %add3A_463 = arith.addf %get3A_460, %get3A_462 : vector<16xf32>
    %swap3A_464 = arith.constant 48 : index
    %swap3A_465 = tpu.vector_load %arg15[%swap3A_464] {strides = array<i32>} : memref<64xf32, #tpu.memory_space<vmem>>, vector<16xf32>,
    tpu.vector_store %arg15[%swap3A_464], %add3A_463 {strides = array<i32>} : memref<64xf32, #tpu.memory_space<vmem>>, vector<16xf32>,
    %mul3A_466 = arith.constant 64 : i32
    %mul3A_467 = arith.muli %arg1, %mul3A_466 : i32
    %add3A_468 = arith.constant 6144 : i32
    %add3A_469 = arith.addi %add3A_468, %mul3A_467 : i32
    "tpu.region"() ({
      %run_scoped3A = tpu.sem_alloc : memref<!tpu.dma_semaphore, #tpu.memory_space<semaphore_mem>>
      %dma_start3A = tpu.memref_slice %arg19[%add3A_469] : memref<16384xf32, #tpu.memory_space<vmem_shared>> -> memref<64xf32, #tpu.memory_space<vmem_shared>>
      %dma_start3A_1084 = tpu.memref_slice %arg19[%add3A_469] : memref<16384xf32, #tpu.memory_space<vmem_shared>> -> memref<64xf32, #tpu.memory_space<vmem_shared>>
      tpu.enqueue_dma source(%dma_start3A_1084 : memref<64xf32, #tpu.memory_space<vmem_shared>>) target(%arg17 : memref<64xf32, #tpu.memory_space<vmem>>) target_semaphore(%run_scoped3A : memref<!tpu.dma_semaphore, #tpu.memory_space<semaphore_mem>>)
      %dma_wait3A = tpu.memref_slice %arg19[%add3A_469] : memref<16384xf32, #tpu.memory_space<vmem_shared>> -> memref<64xf32, #tpu.memory_space<vmem_shared>>
      %dma_wait3A_1085 = tpu.memref_slice %arg19[%add3A_469] : memref<16384xf32, #tpu.memory_space<vmem_shared>> -> memref<64xf32, #tpu.memory_space<vmem_shared>>
      tpu.wait_dma2 semaphore(%run_scoped3A : memref<!tpu.dma_semaphore, #tpu.memory_space<semaphore_mem>>) src(%dma_wait3A_1085 : memref<64xf32, #tpu.memory_space<vmem_shared>>) dst(%arg17 : memref<64xf32, #tpu.memory_space<vmem>>)
      tpu.yield
    }) : () -> ()
    %get3A_470 = arith.constant 0 : index
    %get3A_471 = tpu.vector_load %arg16[%get3A_470] {strides = array<i32>} : memref<64xf32, #tpu.memory_space<vmem>>, vector<16xf32>,
    %get3A_472 = arith.constant 0 : index
    %get3A_473 = tpu.vector_load %arg17[%get3A_472] {strides = array<i32>} : memref<64xf32, #tpu.memory_space<vmem>>, vector<16xf32>,
    %add3A_474 = arith.addf %get3A_471, %get3A_473 : vector<16xf32>
    %swap3A_475 = arith.constant 0 : index
    %swap3A_476 = tpu.vector_load %arg16[%swap3A_475] {strides = array<i32>} : memref<64xf32, #tpu.memory_space<vmem>>, vector<16xf32>,
    tpu.vector_store %arg16[%swap3A_475], %add3A_474 {strides = array<i32>} : memref<64xf32, #tpu.memory_space<vmem>>, vector<16xf32>,
    %get3A_477 = arith.constant 16 : index
    %get3A_478 = tpu.vector_load %arg16[%get3A_477] {strides = array<i32>} : memref<64xf32, #tpu.memory_space<vmem>>, vector<16xf32>,
    %get3A_479 = arith.constant 16 : index
    %get3A_480 = tpu.vector_load %arg17[%get3A_479] {strides = array<i32>} : memref<64xf32, #tpu.memory_space<vmem>>, vector<16xf32>,
    %add3A_481 = arith.addf %get3A_478, %get3A_480 : vector<16xf32>
    %swap3A_482 = arith.constant 16 : index
    %swap3A_483 = tpu.vector_load %arg16[%swap3A_482] {strides = array<i32>} : memref<64xf32, #tpu.memory_space<vmem>>, vector<16xf32>,
    tpu.vector_store %arg16[%swap3A_482], %add3A_481 {strides = array<i32>} : memref<64xf32, #tpu.memory_space<vmem>>, vector<16xf32>,
    %get3A_484 = arith.constant 32 : index
    %get3A_485 = tpu.vector_load %arg16[%get3A_484] {strides = array<i32>} : memref<64xf32, #tpu.memory_space<vmem>>, vector<16xf32>,
    %get3A_486 = arith.constant 32 : index
    %get3A_487 = tpu.vector_load %arg17[%get3A_486] {strides = array<i32>} : memref<64xf32, #tpu.memory_space<vmem>>, vector<16xf32>,
    %add3A_488 = arith.addf %get3A_485, %get3A_487 : vector<16xf32>
    %swap3A_489 = arith.constant 32 : index
    %swap3A_490 = tpu.vector_load %arg16[%swap3A_489] {strides = array<i32>} : memref<64xf32, #tpu.memory_space<vmem>>, vector<16xf32>,
    tpu.vector_store %arg16[%swap3A_489], %add3A_488 {strides = array<i32>} : memref<64xf32, #tpu.memory_space<vmem>>, vector<16xf32>,
    %get3A_491 = arith.constant 48 : index
    %get3A_492 = tpu.vector_load %arg16[%get3A_491] {strides = array<i32>} : memref<64xf32, #tpu.memory_space<vmem>>, vector<16xf32>,
    %get3A_493 = arith.constant 48 : index
    %get3A_494 = tpu.vector_load %arg17[%get3A_493] {strides = array<i32>} : memref<64xf32, #tpu.memory_space<vmem>>, vector<16xf32>,
    %add3A_495 = arith.addf %get3A_492, %get3A_494 : vector<16xf32>
    %swap3A_496 = arith.constant 48 : index
    %swap3A_497 = tpu.vector_load %arg16[%swap3A_496] {strides = array<i32>} : memref<64xf32, #tpu.memory_space<vmem>>, vector<16xf32>,
    tpu.vector_store %arg16[%swap3A_496], %add3A_495 {strides = array<i32>} : memref<64xf32, #tpu.memory_space<vmem>>, vector<16xf32>,
    %mul3A_498 = arith.constant 64 : i32
    %mul3A_499 = arith.muli %arg1, %mul3A_498 : i32
    %add3A_500 = arith.constant 7168 : i32
    %add3A_501 = arith.addi %add3A_500, %mul3A_499 : i32
    "tpu.region"() ({
      %run_scoped3A = tpu.sem_alloc : memref<!tpu.dma_semaphore, #tpu.memory_space<semaphore_mem>>
      %dma_start3A = tpu.memref_slice %arg18[%add3A_501] : memref<16384xf32, #tpu.memory_space<vmem_shared>> -> memref<64xf32, #tpu.memory_space<vmem_shared>>
      %dma_start3A_1084 = tpu.memref_slice %arg18[%add3A_501] : memref<16384xf32, #tpu.memory_space<vmem_shared>> -> memref<64xf32, #tpu.memory_space<vmem_shared>>
      tpu.enqueue_dma source(%dma_start3A_1084 : memref<64xf32, #tpu.memory_space<vmem_shared>>) target(%arg17 : memref<64xf32, #tpu.memory_space<vmem>>) target_semaphore(%run_scoped3A : memref<!tpu.dma_semaphore, #tpu.memory_space<semaphore_mem>>)
      %dma_wait3A = tpu.memref_slice %arg18[%add3A_501] : memref<16384xf32, #tpu.memory_space<vmem_shared>> -> memref<64xf32, #tpu.memory_space<vmem_shared>>
      %dma_wait3A_1085 = tpu.memref_slice %arg18[%add3A_501] : memref<16384xf32, #tpu.memory_space<vmem_shared>> -> memref<64xf32, #tpu.memory_space<vmem_shared>>
      tpu.wait_dma2 semaphore(%run_scoped3A : memref<!tpu.dma_semaphore, #tpu.memory_space<semaphore_mem>>) src(%dma_wait3A_1085 : memref<64xf32, #tpu.memory_space<vmem_shared>>) dst(%arg17 : memref<64xf32, #tpu.memory_space<vmem>>)
      tpu.yield
    }) : () -> ()
    %get3A_502 = arith.constant 0 : index
    %get3A_503 = tpu.vector_load %arg15[%get3A_502] {strides = array<i32>} : memref<64xf32, #tpu.memory_space<vmem>>, vector<16xf32>,
    %get3A_504 = arith.constant 0 : index
    %get3A_505 = tpu.vector_load %arg17[%get3A_504] {strides = array<i32>} : memref<64xf32, #tpu.memory_space<vmem>>, vector<16xf32>,
    %add3A_506 = arith.addf %get3A_503, %get3A_505 : vector<16xf32>
    %swap3A_507 = arith.constant 0 : index
    %swap3A_508 = tpu.vector_load %arg15[%swap3A_507] {strides = array<i32>} : memref<64xf32, #tpu.memory_space<vmem>>, vector<16xf32>,
    tpu.vector_store %arg15[%swap3A_507], %add3A_506 {strides = array<i32>} : memref<64xf32, #tpu.memory_space<vmem>>, vector<16xf32>,
    %get3A_509 = arith.constant 16 : index
    %get3A_510 = tpu.vector_load %arg15[%get3A_509] {strides = array<i32>} : memref<64xf32, #tpu.memory_space<vmem>>, vector<16xf32>,
    %get3A_511 = arith.constant 16 : index
    %get3A_512 = tpu.vector_load %arg17[%get3A_511] {strides = array<i32>} : memref<64xf32, #tpu.memory_space<vmem>>, vector<16xf32>,
    %add3A_513 = arith.addf %get3A_510, %get3A_512 : vector<16xf32>
    %swap3A_514 = arith.constant 16 : index
    %swap3A_515 = tpu.vector_load %arg15[%swap3A_514] {strides = array<i32>} : memref<64xf32, #tpu.memory_space<vmem>>, vector<16xf32>,
    tpu.vector_store %arg15[%swap3A_514], %add3A_513 {strides = array<i32>} : memref<64xf32, #tpu.memory_space<vmem>>, vector<16xf32>,
    %get3A_516 = arith.constant 32 : index
    %get3A_517 = tpu.vector_load %arg15[%get3A_516] {strides = array<i32>} : memref<64xf32, #tpu.memory_space<vmem>>, vector<16xf32>,
    %get3A_518 = arith.constant 32 : index
    %get3A_519 = tpu.vector_load %arg17[%get3A_518] {strides = array<i32>} : memref<64xf32, #tpu.memory_space<vmem>>, vector<16xf32>,
    %add3A_520 = arith.addf %get3A_517, %get3A_519 : vector<16xf32>
    %swap3A_521 = arith.constant 32 : index
    %swap3A_522 = tpu.vector_load %arg15[%swap3A_521] {strides = array<i32>} : memref<64xf32, #tpu.memory_space<vmem>>, vector<16xf32>,
    tpu.vector_store %arg15[%swap3A_521], %add3A_520 {strides = array<i32>} : memref<64xf32, #tpu.memory_space<vmem>>, vector<16xf32>,
    %get3A_523 = arith.constant 48 : index
    %get3A_524 = tpu.vector_load %arg15[%get3A_523] {strides = array<i32>} : memref<64xf32, #tpu.memory_space<vmem>>, vector<16xf32>,
    %get3A_525 = arith.constant 48 : index
    %get3A_526 = tpu.vector_load %arg17[%get3A_525] {strides = array<i32>} : memref<64xf32, #tpu.memory_space<vmem>>, vector<16xf32>,
    %add3A_527 = arith.addf %get3A_524, %get3A_526 : vector<16xf32>
    %swap3A_528 = arith.constant 48 : index
    %swap3A_529 = tpu.vector_load %arg15[%swap3A_528] {strides = array<i32>} : memref<64xf32, #tpu.memory_space<vmem>>, vector<16xf32>,
    tpu.vector_store %arg15[%swap3A_528], %add3A_527 {strides = array<i32>} : memref<64xf32, #tpu.memory_space<vmem>>, vector<16xf32>,
    %mul3A_530 = arith.constant 64 : i32
    %mul3A_531 = arith.muli %arg1, %mul3A_530 : i32
    %add3A_532 = arith.constant 7168 : i32
    %add3A_533 = arith.addi %add3A_532, %mul3A_531 : i32
    "tpu.region"() ({
      %run_scoped3A = tpu.sem_alloc : memref<!tpu.dma_semaphore, #tpu.memory_space<semaphore_mem>>
      %dma_start3A = tpu.memref_slice %arg19[%add3A_533] : memref<16384xf32, #tpu.memory_space<vmem_shared>> -> memref<64xf32, #tpu.memory_space<vmem_shared>>
      %dma_start3A_1084 = tpu.memref_slice %arg19[%add3A_533] : memref<16384xf32, #tpu.memory_space<vmem_shared>> -> memref<64xf32, #tpu.memory_space<vmem_shared>>
      tpu.enqueue_dma source(%dma_start3A_1084 : memref<64xf32, #tpu.memory_space<vmem_shared>>) target(%arg17 : memref<64xf32, #tpu.memory_space<vmem>>) target_semaphore(%run_scoped3A : memref<!tpu.dma_semaphore, #tpu.memory_space<semaphore_mem>>)
      %dma_wait3A = tpu.memref_slice %arg19[%add3A_533] : memref<16384xf32, #tpu.memory_space<vmem_shared>> -> memref<64xf32, #tpu.memory_space<vmem_shared>>
      %dma_wait3A_1085 = tpu.memref_slice %arg19[%add3A_533] : memref<16384xf32, #tpu.memory_space<vmem_shared>> -> memref<64xf32, #tpu.memory_space<vmem_shared>>
      tpu.wait_dma2 semaphore(%run_scoped3A : memref<!tpu.dma_semaphore, #tpu.memory_space<semaphore_mem>>) src(%dma_wait3A_1085 : memref<64xf32, #tpu.memory_space<vmem_shared>>) dst(%arg17 : memref<64xf32, #tpu.memory_space<vmem>>)
      tpu.yield
    }) : () -> ()
    %get3A_534 = arith.constant 0 : index
    %get3A_535 = tpu.vector_load %arg16[%get3A_534] {strides = array<i32>} : memref<64xf32, #tpu.memory_space<vmem>>, vector<16xf32>,
    %get3A_536 = arith.constant 0 : index
    %get3A_537 = tpu.vector_load %arg17[%get3A_536] {strides = array<i32>} : memref<64xf32, #tpu.memory_space<vmem>>, vector<16xf32>,
    %add3A_538 = arith.addf %get3A_535, %get3A_537 : vector<16xf32>
    %swap3A_539 = arith.constant 0 : index
    %swap3A_540 = tpu.vector_load %arg16[%swap3A_539] {strides = array<i32>} : memref<64xf32, #tpu.memory_space<vmem>>, vector<16xf32>,
    tpu.vector_store %arg16[%swap3A_539], %add3A_538 {strides = array<i32>} : memref<64xf32, #tpu.memory_space<vmem>>, vector<16xf32>,
    %get3A_541 = arith.constant 16 : index
    %get3A_542 = tpu.vector_load %arg16[%get3A_541] {strides = array<i32>} : memref<64xf32, #tpu.memory_space<vmem>>, vector<16xf32>,
    %get3A_543 = arith.constant 16 : index
    %get3A_544 = tpu.vector_load %arg17[%get3A_543] {strides = array<i32>} : memref<64xf32, #tpu.memory_space<vmem>>, vector<16xf32>,
    %add3A_545 = arith.addf %get3A_542, %get3A_544 : vector<16xf32>
    %swap3A_546 = arith.constant 16 : index
    %swap3A_547 = tpu.vector_load %arg16[%swap3A_546] {strides = array<i32>} : memref<64xf32, #tpu.memory_space<vmem>>, vector<16xf32>,
    tpu.vector_store %arg16[%swap3A_546], %add3A_545 {strides = array<i32>} : memref<64xf32, #tpu.memory_space<vmem>>, vector<16xf32>,
    %get3A_548 = arith.constant 32 : index
    %get3A_549 = tpu.vector_load %arg16[%get3A_548] {strides = array<i32>} : memref<64xf32, #tpu.memory_space<vmem>>, vector<16xf32>,
    %get3A_550 = arith.constant 32 : index
    %get3A_551 = tpu.vector_load %arg17[%get3A_550] {strides = array<i32>} : memref<64xf32, #tpu.memory_space<vmem>>, vector<16xf32>,
    %add3A_552 = arith.addf %get3A_549, %get3A_551 : vector<16xf32>
    %swap3A_553 = arith.constant 32 : index
    %swap3A_554 = tpu.vector_load %arg16[%swap3A_553] {strides = array<i32>} : memref<64xf32, #tpu.memory_space<vmem>>, vector<16xf32>,
    tpu.vector_store %arg16[%swap3A_553], %add3A_552 {strides = array<i32>} : memref<64xf32, #tpu.memory_space<vmem>>, vector<16xf32>,
    %get3A_555 = arith.constant 48 : index
    %get3A_556 = tpu.vector_load %arg16[%get3A_555] {strides = array<i32>} : memref<64xf32, #tpu.memory_space<vmem>>, vector<16xf32>,
    %get3A_557 = arith.constant 48 : index
    %get3A_558 = tpu.vector_load %arg17[%get3A_557] {strides = array<i32>} : memref<64xf32, #tpu.memory_space<vmem>>, vector<16xf32>,
    %add3A_559 = arith.addf %get3A_556, %get3A_558 : vector<16xf32>
    %swap3A_560 = arith.constant 48 : index
    %swap3A_561 = tpu.vector_load %arg16[%swap3A_560] {strides = array<i32>} : memref<64xf32, #tpu.memory_space<vmem>>, vector<16xf32>,
    tpu.vector_store %arg16[%swap3A_560], %add3A_559 {strides = array<i32>} : memref<64xf32, #tpu.memory_space<vmem>>, vector<16xf32>,
    %mul3A_562 = arith.constant 64 : i32
    %mul3A_563 = arith.muli %arg1, %mul3A_562 : i32
    %add3A_564 = arith.constant 8192 : i32
    %add3A_565 = arith.addi %add3A_564, %mul3A_563 : i32
    "tpu.region"() ({
      %run_scoped3A = tpu.sem_alloc : memref<!tpu.dma_semaphore, #tpu.memory_space<semaphore_mem>>
      %dma_start3A = tpu.memref_slice %arg18[%add3A_565] : memref<16384xf32, #tpu.memory_space<vmem_shared>> -> memref<64xf32, #tpu.memory_space<vmem_shared>>
      %dma_start3A_1084 = tpu.memref_slice %arg18[%add3A_565] : memref<16384xf32, #tpu.memory_space<vmem_shared>> -> memref<64xf32, #tpu.memory_space<vmem_shared>>
      tpu.enqueue_dma source(%dma_start3A_1084 : memref<64xf32, #tpu.memory_space<vmem_shared>>) target(%arg17 : memref<64xf32, #tpu.memory_space<vmem>>) target_semaphore(%run_scoped3A : memref<!tpu.dma_semaphore, #tpu.memory_space<semaphore_mem>>)
      %dma_wait3A = tpu.memref_slice %arg18[%add3A_565] : memref<16384xf32, #tpu.memory_space<vmem_shared>> -> memref<64xf32, #tpu.memory_space<vmem_shared>>
      %dma_wait3A_1085 = tpu.memref_slice %arg18[%add3A_565] : memref<16384xf32, #tpu.memory_space<vmem_shared>> -> memref<64xf32, #tpu.memory_space<vmem_shared>>
      tpu.wait_dma2 semaphore(%run_scoped3A : memref<!tpu.dma_semaphore, #tpu.memory_space<semaphore_mem>>) src(%dma_wait3A_1085 : memref<64xf32, #tpu.memory_space<vmem_shared>>) dst(%arg17 : memref<64xf32, #tpu.memory_space<vmem>>)
      tpu.yield
    }) : () -> ()
    %get3A_566 = arith.constant 0 : index
    %get3A_567 = tpu.vector_load %arg15[%get3A_566] {strides = array<i32>} : memref<64xf32, #tpu.memory_space<vmem>>, vector<16xf32>,
    %get3A_568 = arith.constant 0 : index
    %get3A_569 = tpu.vector_load %arg17[%get3A_568] {strides = array<i32>} : memref<64xf32, #tpu.memory_space<vmem>>, vector<16xf32>,
    %add3A_570 = arith.addf %get3A_567, %get3A_569 : vector<16xf32>
    %swap3A_571 = arith.constant 0 : index
    %swap3A_572 = tpu.vector_load %arg15[%swap3A_571] {strides = array<i32>} : memref<64xf32, #tpu.memory_space<vmem>>, vector<16xf32>,
    tpu.vector_store %arg15[%swap3A_571], %add3A_570 {strides = array<i32>} : memref<64xf32, #tpu.memory_space<vmem>>, vector<16xf32>,
    %get3A_573 = arith.constant 16 : index
    %get3A_574 = tpu.vector_load %arg15[%get3A_573] {strides = array<i32>} : memref<64xf32, #tpu.memory_space<vmem>>, vector<16xf32>,
    %get3A_575 = arith.constant 16 : index
    %get3A_576 = tpu.vector_load %arg17[%get3A_575] {strides = array<i32>} : memref<64xf32, #tpu.memory_space<vmem>>, vector<16xf32>,
    %add3A_577 = arith.addf %get3A_574, %get3A_576 : vector<16xf32>
    %swap3A_578 = arith.constant 16 : index
    %swap3A_579 = tpu.vector_load %arg15[%swap3A_578] {strides = array<i32>} : memref<64xf32, #tpu.memory_space<vmem>>, vector<16xf32>,
    tpu.vector_store %arg15[%swap3A_578], %add3A_577 {strides = array<i32>} : memref<64xf32, #tpu.memory_space<vmem>>, vector<16xf32>,
    %get3A_580 = arith.constant 32 : index
    %get3A_581 = tpu.vector_load %arg15[%get3A_580] {strides = array<i32>} : memref<64xf32, #tpu.memory_space<vmem>>, vector<16xf32>,
    %get3A_582 = arith.constant 32 : index
    %get3A_583 = tpu.vector_load %arg17[%get3A_582] {strides = array<i32>} : memref<64xf32, #tpu.memory_space<vmem>>, vector<16xf32>,
    %add3A_584 = arith.addf %get3A_581, %get3A_583 : vector<16xf32>
    %swap3A_585 = arith.constant 32 : index
    %swap3A_586 = tpu.vector_load %arg15[%swap3A_585] {strides = array<i32>} : memref<64xf32, #tpu.memory_space<vmem>>, vector<16xf32>,
    tpu.vector_store %arg15[%swap3A_585], %add3A_584 {strides = array<i32>} : memref<64xf32, #tpu.memory_space<vmem>>, vector<16xf32>,
    %get3A_587 = arith.constant 48 : index
    %get3A_588 = tpu.vector_load %arg15[%get3A_587] {strides = array<i32>} : memref<64xf32, #tpu.memory_space<vmem>>, vector<16xf32>,
    %get3A_589 = arith.constant 48 : index
    %get3A_590 = tpu.vector_load %arg17[%get3A_589] {strides = array<i32>} : memref<64xf32, #tpu.memory_space<vmem>>, vector<16xf32>,
    %add3A_591 = arith.addf %get3A_588, %get3A_590 : vector<16xf32>
    %swap3A_592 = arith.constant 48 : index
    %swap3A_593 = tpu.vector_load %arg15[%swap3A_592] {strides = array<i32>} : memref<64xf32, #tpu.memory_space<vmem>>, vector<16xf32>,
    tpu.vector_store %arg15[%swap3A_592], %add3A_591 {strides = array<i32>} : memref<64xf32, #tpu.memory_space<vmem>>, vector<16xf32>,
    %mul3A_594 = arith.constant 64 : i32
    %mul3A_595 = arith.muli %arg1, %mul3A_594 : i32
    %add3A_596 = arith.constant 8192 : i32
    %add3A_597 = arith.addi %add3A_596, %mul3A_595 : i32
    "tpu.region"() ({
      %run_scoped3A = tpu.sem_alloc : memref<!tpu.dma_semaphore, #tpu.memory_space<semaphore_mem>>
      %dma_start3A = tpu.memref_slice %arg19[%add3A_597] : memref<16384xf32, #tpu.memory_space<vmem_shared>> -> memref<64xf32, #tpu.memory_space<vmem_shared>>
      %dma_start3A_1084 = tpu.memref_slice %arg19[%add3A_597] : memref<16384xf32, #tpu.memory_space<vmem_shared>> -> memref<64xf32, #tpu.memory_space<vmem_shared>>
      tpu.enqueue_dma source(%dma_start3A_1084 : memref<64xf32, #tpu.memory_space<vmem_shared>>) target(%arg17 : memref<64xf32, #tpu.memory_space<vmem>>) target_semaphore(%run_scoped3A : memref<!tpu.dma_semaphore, #tpu.memory_space<semaphore_mem>>)
      %dma_wait3A = tpu.memref_slice %arg19[%add3A_597] : memref<16384xf32, #tpu.memory_space<vmem_shared>> -> memref<64xf32, #tpu.memory_space<vmem_shared>>
      %dma_wait3A_1085 = tpu.memref_slice %arg19[%add3A_597] : memref<16384xf32, #tpu.memory_space<vmem_shared>> -> memref<64xf32, #tpu.memory_space<vmem_shared>>
      tpu.wait_dma2 semaphore(%run_scoped3A : memref<!tpu.dma_semaphore, #tpu.memory_space<semaphore_mem>>) src(%dma_wait3A_1085 : memref<64xf32, #tpu.memory_space<vmem_shared>>) dst(%arg17 : memref<64xf32, #tpu.memory_space<vmem>>)
      tpu.yield
    }) : () -> ()
    %get3A_598 = arith.constant 0 : index
    %get3A_599 = tpu.vector_load %arg16[%get3A_598] {strides = array<i32>} : memref<64xf32, #tpu.memory_space<vmem>>, vector<16xf32>,
    %get3A_600 = arith.constant 0 : index
    %get3A_601 = tpu.vector_load %arg17[%get3A_600] {strides = array<i32>} : memref<64xf32, #tpu.memory_space<vmem>>, vector<16xf32>,
    %add3A_602 = arith.addf %get3A_599, %get3A_601 : vector<16xf32>
    %swap3A_603 = arith.constant 0 : index
    %swap3A_604 = tpu.vector_load %arg16[%swap3A_603] {strides = array<i32>} : memref<64xf32, #tpu.memory_space<vmem>>, vector<16xf32>,
    tpu.vector_store %arg16[%swap3A_603], %add3A_602 {strides = array<i32>} : memref<64xf32, #tpu.memory_space<vmem>>, vector<16xf32>,
    %get3A_605 = arith.constant 16 : index
    %get3A_606 = tpu.vector_load %arg16[%get3A_605] {strides = array<i32>} : memref<64xf32, #tpu.memory_space<vmem>>, vector<16xf32>,
    %get3A_607 = arith.constant 16 : index
    %get3A_608 = tpu.vector_load %arg17[%get3A_607] {strides = array<i32>} : memref<64xf32, #tpu.memory_space<vmem>>, vector<16xf32>,
    %add3A_609 = arith.addf %get3A_606, %get3A_608 : vector<16xf32>
    %swap3A_610 = arith.constant 16 : index
    %swap3A_611 = tpu.vector_load %arg16[%swap3A_610] {strides = array<i32>} : memref<64xf32, #tpu.memory_space<vmem>>, vector<16xf32>,
    tpu.vector_store %arg16[%swap3A_610], %add3A_609 {strides = array<i32>} : memref<64xf32, #tpu.memory_space<vmem>>, vector<16xf32>,
    %get3A_612 = arith.constant 32 : index
    %get3A_613 = tpu.vector_load %arg16[%get3A_612] {strides = array<i32>} : memref<64xf32, #tpu.memory_space<vmem>>, vector<16xf32>,
    %get3A_614 = arith.constant 32 : index
    %get3A_615 = tpu.vector_load %arg17[%get3A_614] {strides = array<i32>} : memref<64xf32, #tpu.memory_space<vmem>>, vector<16xf32>,
    %add3A_616 = arith.addf %get3A_613, %get3A_615 : vector<16xf32>
    %swap3A_617 = arith.constant 32 : index
    %swap3A_618 = tpu.vector_load %arg16[%swap3A_617] {strides = array<i32>} : memref<64xf32, #tpu.memory_space<vmem>>, vector<16xf32>,
    tpu.vector_store %arg16[%swap3A_617], %add3A_616 {strides = array<i32>} : memref<64xf32, #tpu.memory_space<vmem>>, vector<16xf32>,
    %get3A_619 = arith.constant 48 : index
    %get3A_620 = tpu.vector_load %arg16[%get3A_619] {strides = array<i32>} : memref<64xf32, #tpu.memory_space<vmem>>, vector<16xf32>,
    %get3A_621 = arith.constant 48 : index
    %get3A_622 = tpu.vector_load %arg17[%get3A_621] {strides = array<i32>} : memref<64xf32, #tpu.memory_space<vmem>>, vector<16xf32>,
    %add3A_623 = arith.addf %get3A_620, %get3A_622 : vector<16xf32>
    %swap3A_624 = arith.constant 48 : index
    %swap3A_625 = tpu.vector_load %arg16[%swap3A_624] {strides = array<i32>} : memref<64xf32, #tpu.memory_space<vmem>>, vector<16xf32>,
    tpu.vector_store %arg16[%swap3A_624], %add3A_623 {strides = array<i32>} : memref<64xf32, #tpu.memory_space<vmem>>, vector<16xf32>,
    %mul3A_626 = arith.constant 64 : i32
    %mul3A_627 = arith.muli %arg1, %mul3A_626 : i32
    %add3A_628 = arith.constant 9216 : i32
    %add3A_629 = arith.addi %add3A_628, %mul3A_627 : i32
    "tpu.region"() ({
      %run_scoped3A = tpu.sem_alloc : memref<!tpu.dma_semaphore, #tpu.memory_space<semaphore_mem>>
      %dma_start3A = tpu.memref_slice %arg18[%add3A_629] : memref<16384xf32, #tpu.memory_space<vmem_shared>> -> memref<64xf32, #tpu.memory_space<vmem_shared>>
      %dma_start3A_1084 = tpu.memref_slice %arg18[%add3A_629] : memref<16384xf32, #tpu.memory_space<vmem_shared>> -> memref<64xf32, #tpu.memory_space<vmem_shared>>
      tpu.enqueue_dma source(%dma_start3A_1084 : memref<64xf32, #tpu.memory_space<vmem_shared>>) target(%arg17 : memref<64xf32, #tpu.memory_space<vmem>>) target_semaphore(%run_scoped3A : memref<!tpu.dma_semaphore, #tpu.memory_space<semaphore_mem>>)
      %dma_wait3A = tpu.memref_slice %arg18[%add3A_629] : memref<16384xf32, #tpu.memory_space<vmem_shared>> -> memref<64xf32, #tpu.memory_space<vmem_shared>>
      %dma_wait3A_1085 = tpu.memref_slice %arg18[%add3A_629] : memref<16384xf32, #tpu.memory_space<vmem_shared>> -> memref<64xf32, #tpu.memory_space<vmem_shared>>
      tpu.wait_dma2 semaphore(%run_scoped3A : memref<!tpu.dma_semaphore, #tpu.memory_space<semaphore_mem>>) src(%dma_wait3A_1085 : memref<64xf32, #tpu.memory_space<vmem_shared>>) dst(%arg17 : memref<64xf32, #tpu.memory_space<vmem>>)
      tpu.yield
    }) : () -> ()
    %get3A_630 = arith.constant 0 : index
    %get3A_631 = tpu.vector_load %arg15[%get3A_630] {strides = array<i32>} : memref<64xf32, #tpu.memory_space<vmem>>, vector<16xf32>,
    %get3A_632 = arith.constant 0 : index
    %get3A_633 = tpu.vector_load %arg17[%get3A_632] {strides = array<i32>} : memref<64xf32, #tpu.memory_space<vmem>>, vector<16xf32>,
    %add3A_634 = arith.addf %get3A_631, %get3A_633 : vector<16xf32>
    %swap3A_635 = arith.constant 0 : index
    %swap3A_636 = tpu.vector_load %arg15[%swap3A_635] {strides = array<i32>} : memref<64xf32, #tpu.memory_space<vmem>>, vector<16xf32>,
    tpu.vector_store %arg15[%swap3A_635], %add3A_634 {strides = array<i32>} : memref<64xf32, #tpu.memory_space<vmem>>, vector<16xf32>,
    %get3A_637 = arith.constant 16 : index
    %get3A_638 = tpu.vector_load %arg15[%get3A_637] {strides = array<i32>} : memref<64xf32, #tpu.memory_space<vmem>>, vector<16xf32>,
    %get3A_639 = arith.constant 16 : index
    %get3A_640 = tpu.vector_load %arg17[%get3A_639] {strides = array<i32>} : memref<64xf32, #tpu.memory_space<vmem>>, vector<16xf32>,
    %add3A_641 = arith.addf %get3A_638, %get3A_640 : vector<16xf32>
    %swap3A_642 = arith.constant 16 : index
    %swap3A_643 = tpu.vector_load %arg15[%swap3A_642] {strides = array<i32>} : memref<64xf32, #tpu.memory_space<vmem>>, vector<16xf32>,
    tpu.vector_store %arg15[%swap3A_642], %add3A_641 {strides = array<i32>} : memref<64xf32, #tpu.memory_space<vmem>>, vector<16xf32>,
    %get3A_644 = arith.constant 32 : index
    %get3A_645 = tpu.vector_load %arg15[%get3A_644] {strides = array<i32>} : memref<64xf32, #tpu.memory_space<vmem>>, vector<16xf32>,
    %get3A_646 = arith.constant 32 : index
    %get3A_647 = tpu.vector_load %arg17[%get3A_646] {strides = array<i32>} : memref<64xf32, #tpu.memory_space<vmem>>, vector<16xf32>,
    %add3A_648 = arith.addf %get3A_645, %get3A_647 : vector<16xf32>
    %swap3A_649 = arith.constant 32 : index
    %swap3A_650 = tpu.vector_load %arg15[%swap3A_649] {strides = array<i32>} : memref<64xf32, #tpu.memory_space<vmem>>, vector<16xf32>,
    tpu.vector_store %arg15[%swap3A_649], %add3A_648 {strides = array<i32>} : memref<64xf32, #tpu.memory_space<vmem>>, vector<16xf32>,
    %get3A_651 = arith.constant 48 : index
    %get3A_652 = tpu.vector_load %arg15[%get3A_651] {strides = array<i32>} : memref<64xf32, #tpu.memory_space<vmem>>, vector<16xf32>,
    %get3A_653 = arith.constant 48 : index
    %get3A_654 = tpu.vector_load %arg17[%get3A_653] {strides = array<i32>} : memref<64xf32, #tpu.memory_space<vmem>>, vector<16xf32>,
    %add3A_655 = arith.addf %get3A_652, %get3A_654 : vector<16xf32>
    %swap3A_656 = arith.constant 48 : index
    %swap3A_657 = tpu.vector_load %arg15[%swap3A_656] {strides = array<i32>} : memref<64xf32, #tpu.memory_space<vmem>>, vector<16xf32>,
    tpu.vector_store %arg15[%swap3A_656], %add3A_655 {strides = array<i32>} : memref<64xf32, #tpu.memory_space<vmem>>, vector<16xf32>,
    %mul3A_658 = arith.constant 64 : i32
    %mul3A_659 = arith.muli %arg1, %mul3A_658 : i32
    %add3A_660 = arith.constant 9216 : i32
    %add3A_661 = arith.addi %add3A_660, %mul3A_659 : i32
    "tpu.region"() ({
      %run_scoped3A = tpu.sem_alloc : memref<!tpu.dma_semaphore, #tpu.memory_space<semaphore_mem>>
      %dma_start3A = tpu.memref_slice %arg19[%add3A_661] : memref<16384xf32, #tpu.memory_space<vmem_shared>> -> memref<64xf32, #tpu.memory_space<vmem_shared>>
      %dma_start3A_1084 = tpu.memref_slice %arg19[%add3A_661] : memref<16384xf32, #tpu.memory_space<vmem_shared>> -> memref<64xf32, #tpu.memory_space<vmem_shared>>
      tpu.enqueue_dma source(%dma_start3A_1084 : memref<64xf32, #tpu.memory_space<vmem_shared>>) target(%arg17 : memref<64xf32, #tpu.memory_space<vmem>>) target_semaphore(%run_scoped3A : memref<!tpu.dma_semaphore, #tpu.memory_space<semaphore_mem>>)
      %dma_wait3A = tpu.memref_slice %arg19[%add3A_661] : memref<16384xf32, #tpu.memory_space<vmem_shared>> -> memref<64xf32, #tpu.memory_space<vmem_shared>>
      %dma_wait3A_1085 = tpu.memref_slice %arg19[%add3A_661] : memref<16384xf32, #tpu.memory_space<vmem_shared>> -> memref<64xf32, #tpu.memory_space<vmem_shared>>
      tpu.wait_dma2 semaphore(%run_scoped3A : memref<!tpu.dma_semaphore, #tpu.memory_space<semaphore_mem>>) src(%dma_wait3A_1085 : memref<64xf32, #tpu.memory_space<vmem_shared>>) dst(%arg17 : memref<64xf32, #tpu.memory_space<vmem>>)
      tpu.yield
    }) : () -> ()
    %get3A_662 = arith.constant 0 : index
    %get3A_663 = tpu.vector_load %arg16[%get3A_662] {strides = array<i32>} : memref<64xf32, #tpu.memory_space<vmem>>, vector<16xf32>,
    %get3A_664 = arith.constant 0 : index
    %get3A_665 = tpu.vector_load %arg17[%get3A_664] {strides = array<i32>} : memref<64xf32, #tpu.memory_space<vmem>>, vector<16xf32>,
    %add3A_666 = arith.addf %get3A_663, %get3A_665 : vector<16xf32>
    %swap3A_667 = arith.constant 0 : index
    %swap3A_668 = tpu.vector_load %arg16[%swap3A_667] {strides = array<i32>} : memref<64xf32, #tpu.memory_space<vmem>>, vector<16xf32>,
    tpu.vector_store %arg16[%swap3A_667], %add3A_666 {strides = array<i32>} : memref<64xf32, #tpu.memory_space<vmem>>, vector<16xf32>,
    %get3A_669 = arith.constant 16 : index
    %get3A_670 = tpu.vector_load %arg16[%get3A_669] {strides = array<i32>} : memref<64xf32, #tpu.memory_space<vmem>>, vector<16xf32>,
    %get3A_671 = arith.constant 16 : index
    %get3A_672 = tpu.vector_load %arg17[%get3A_671] {strides = array<i32>} : memref<64xf32, #tpu.memory_space<vmem>>, vector<16xf32>,
    %add3A_673 = arith.addf %get3A_670, %get3A_672 : vector<16xf32>
    %swap3A_674 = arith.constant 16 : index
    %swap3A_675 = tpu.vector_load %arg16[%swap3A_674] {strides = array<i32>} : memref<64xf32, #tpu.memory_space<vmem>>, vector<16xf32>,
    tpu.vector_store %arg16[%swap3A_674], %add3A_673 {strides = array<i32>} : memref<64xf32, #tpu.memory_space<vmem>>, vector<16xf32>,
    %get3A_676 = arith.constant 32 : index
    %get3A_677 = tpu.vector_load %arg16[%get3A_676] {strides = array<i32>} : memref<64xf32, #tpu.memory_space<vmem>>, vector<16xf32>,
    %get3A_678 = arith.constant 32 : index
    %get3A_679 = tpu.vector_load %arg17[%get3A_678] {strides = array<i32>} : memref<64xf32, #tpu.memory_space<vmem>>, vector<16xf32>,
    %add3A_680 = arith.addf %get3A_677, %get3A_679 : vector<16xf32>
    %swap3A_681 = arith.constant 32 : index
    %swap3A_682 = tpu.vector_load %arg16[%swap3A_681] {strides = array<i32>} : memref<64xf32, #tpu.memory_space<vmem>>, vector<16xf32>,
    tpu.vector_store %arg16[%swap3A_681], %add3A_680 {strides = array<i32>} : memref<64xf32, #tpu.memory_space<vmem>>, vector<16xf32>,
    %get3A_683 = arith.constant 48 : index
    %get3A_684 = tpu.vector_load %arg16[%get3A_683] {strides = array<i32>} : memref<64xf32, #tpu.memory_space<vmem>>, vector<16xf32>,
    %get3A_685 = arith.constant 48 : index
    %get3A_686 = tpu.vector_load %arg17[%get3A_685] {strides = array<i32>} : memref<64xf32, #tpu.memory_space<vmem>>, vector<16xf32>,
    %add3A_687 = arith.addf %get3A_684, %get3A_686 : vector<16xf32>
    %swap3A_688 = arith.constant 48 : index
    %swap3A_689 = tpu.vector_load %arg16[%swap3A_688] {strides = array<i32>} : memref<64xf32, #tpu.memory_space<vmem>>, vector<16xf32>,
    tpu.vector_store %arg16[%swap3A_688], %add3A_687 {strides = array<i32>} : memref<64xf32, #tpu.memory_space<vmem>>, vector<16xf32>,
    %mul3A_690 = arith.constant 64 : i32
    %mul3A_691 = arith.muli %arg1, %mul3A_690 : i32
    %add3A_692 = arith.constant 10240 : i32
    %add3A_693 = arith.addi %add3A_692, %mul3A_691 : i32
    "tpu.region"() ({
      %run_scoped3A = tpu.sem_alloc : memref<!tpu.dma_semaphore, #tpu.memory_space<semaphore_mem>>
      %dma_start3A = tpu.memref_slice %arg18[%add3A_693] : memref<16384xf32, #tpu.memory_space<vmem_shared>> -> memref<64xf32, #tpu.memory_space<vmem_shared>>
      %dma_start3A_1084 = tpu.memref_slice %arg18[%add3A_693] : memref<16384xf32, #tpu.memory_space<vmem_shared>> -> memref<64xf32, #tpu.memory_space<vmem_shared>>
      tpu.enqueue_dma source(%dma_start3A_1084 : memref<64xf32, #tpu.memory_space<vmem_shared>>) target(%arg17 : memref<64xf32, #tpu.memory_space<vmem>>) target_semaphore(%run_scoped3A : memref<!tpu.dma_semaphore, #tpu.memory_space<semaphore_mem>>)
      %dma_wait3A = tpu.memref_slice %arg18[%add3A_693] : memref<16384xf32, #tpu.memory_space<vmem_shared>> -> memref<64xf32, #tpu.memory_space<vmem_shared>>
      %dma_wait3A_1085 = tpu.memref_slice %arg18[%add3A_693] : memref<16384xf32, #tpu.memory_space<vmem_shared>> -> memref<64xf32, #tpu.memory_space<vmem_shared>>
      tpu.wait_dma2 semaphore(%run_scoped3A : memref<!tpu.dma_semaphore, #tpu.memory_space<semaphore_mem>>) src(%dma_wait3A_1085 : memref<64xf32, #tpu.memory_space<vmem_shared>>) dst(%arg17 : memref<64xf32, #tpu.memory_space<vmem>>)
      tpu.yield
    }) : () -> ()
    %get3A_694 = arith.constant 0 : index
    %get3A_695 = tpu.vector_load %arg15[%get3A_694] {strides = array<i32>} : memref<64xf32, #tpu.memory_space<vmem>>, vector<16xf32>,
    %get3A_696 = arith.constant 0 : index
    %get3A_697 = tpu.vector_load %arg17[%get3A_696] {strides = array<i32>} : memref<64xf32, #tpu.memory_space<vmem>>, vector<16xf32>,
    %add3A_698 = arith.addf %get3A_695, %get3A_697 : vector<16xf32>
    %swap3A_699 = arith.constant 0 : index
    %swap3A_700 = tpu.vector_load %arg15[%swap3A_699] {strides = array<i32>} : memref<64xf32, #tpu.memory_space<vmem>>, vector<16xf32>,
    tpu.vector_store %arg15[%swap3A_699], %add3A_698 {strides = array<i32>} : memref<64xf32, #tpu.memory_space<vmem>>, vector<16xf32>,
    %get3A_701 = arith.constant 16 : index
    %get3A_702 = tpu.vector_load %arg15[%get3A_701] {strides = array<i32>} : memref<64xf32, #tpu.memory_space<vmem>>, vector<16xf32>,
    %get3A_703 = arith.constant 16 : index
    %get3A_704 = tpu.vector_load %arg17[%get3A_703] {strides = array<i32>} : memref<64xf32, #tpu.memory_space<vmem>>, vector<16xf32>,
    %add3A_705 = arith.addf %get3A_702, %get3A_704 : vector<16xf32>
    %swap3A_706 = arith.constant 16 : index
    %swap3A_707 = tpu.vector_load %arg15[%swap3A_706] {strides = array<i32>} : memref<64xf32, #tpu.memory_space<vmem>>, vector<16xf32>,
    tpu.vector_store %arg15[%swap3A_706], %add3A_705 {strides = array<i32>} : memref<64xf32, #tpu.memory_space<vmem>>, vector<16xf32>,
    %get3A_708 = arith.constant 32 : index
    %get3A_709 = tpu.vector_load %arg15[%get3A_708] {strides = array<i32>} : memref<64xf32, #tpu.memory_space<vmem>>, vector<16xf32>,
    %get3A_710 = arith.constant 32 : index
    %get3A_711 = tpu.vector_load %arg17[%get3A_710] {strides = array<i32>} : memref<64xf32, #tpu.memory_space<vmem>>, vector<16xf32>,
    %add3A_712 = arith.addf %get3A_709, %get3A_711 : vector<16xf32>
    %swap3A_713 = arith.constant 32 : index
    %swap3A_714 = tpu.vector_load %arg15[%swap3A_713] {strides = array<i32>} : memref<64xf32, #tpu.memory_space<vmem>>, vector<16xf32>,
    tpu.vector_store %arg15[%swap3A_713], %add3A_712 {strides = array<i32>} : memref<64xf32, #tpu.memory_space<vmem>>, vector<16xf32>,
    %get3A_715 = arith.constant 48 : index
    %get3A_716 = tpu.vector_load %arg15[%get3A_715] {strides = array<i32>} : memref<64xf32, #tpu.memory_space<vmem>>, vector<16xf32>,
    %get3A_717 = arith.constant 48 : index
    %get3A_718 = tpu.vector_load %arg17[%get3A_717] {strides = array<i32>} : memref<64xf32, #tpu.memory_space<vmem>>, vector<16xf32>,
    %add3A_719 = arith.addf %get3A_716, %get3A_718 : vector<16xf32>
    %swap3A_720 = arith.constant 48 : index
    %swap3A_721 = tpu.vector_load %arg15[%swap3A_720] {strides = array<i32>} : memref<64xf32, #tpu.memory_space<vmem>>, vector<16xf32>,
    tpu.vector_store %arg15[%swap3A_720], %add3A_719 {strides = array<i32>} : memref<64xf32, #tpu.memory_space<vmem>>, vector<16xf32>,
    %mul3A_722 = arith.constant 64 : i32
    %mul3A_723 = arith.muli %arg1, %mul3A_722 : i32
    %add3A_724 = arith.constant 10240 : i32
    %add3A_725 = arith.addi %add3A_724, %mul3A_723 : i32
    "tpu.region"() ({
      %run_scoped3A = tpu.sem_alloc : memref<!tpu.dma_semaphore, #tpu.memory_space<semaphore_mem>>
      %dma_start3A = tpu.memref_slice %arg19[%add3A_725] : memref<16384xf32, #tpu.memory_space<vmem_shared>> -> memref<64xf32, #tpu.memory_space<vmem_shared>>
      %dma_start3A_1084 = tpu.memref_slice %arg19[%add3A_725] : memref<16384xf32, #tpu.memory_space<vmem_shared>> -> memref<64xf32, #tpu.memory_space<vmem_shared>>
      tpu.enqueue_dma source(%dma_start3A_1084 : memref<64xf32, #tpu.memory_space<vmem_shared>>) target(%arg17 : memref<64xf32, #tpu.memory_space<vmem>>) target_semaphore(%run_scoped3A : memref<!tpu.dma_semaphore, #tpu.memory_space<semaphore_mem>>)
      %dma_wait3A = tpu.memref_slice %arg19[%add3A_725] : memref<16384xf32, #tpu.memory_space<vmem_shared>> -> memref<64xf32, #tpu.memory_space<vmem_shared>>
      %dma_wait3A_1085 = tpu.memref_slice %arg19[%add3A_725] : memref<16384xf32, #tpu.memory_space<vmem_shared>> -> memref<64xf32, #tpu.memory_space<vmem_shared>>
      tpu.wait_dma2 semaphore(%run_scoped3A : memref<!tpu.dma_semaphore, #tpu.memory_space<semaphore_mem>>) src(%dma_wait3A_1085 : memref<64xf32, #tpu.memory_space<vmem_shared>>) dst(%arg17 : memref<64xf32, #tpu.memory_space<vmem>>)
      tpu.yield
    }) : () -> ()
    %get3A_726 = arith.constant 0 : index
    %get3A_727 = tpu.vector_load %arg16[%get3A_726] {strides = array<i32>} : memref<64xf32, #tpu.memory_space<vmem>>, vector<16xf32>,
    %get3A_728 = arith.constant 0 : index
    %get3A_729 = tpu.vector_load %arg17[%get3A_728] {strides = array<i32>} : memref<64xf32, #tpu.memory_space<vmem>>, vector<16xf32>,
    %add3A_730 = arith.addf %get3A_727, %get3A_729 : vector<16xf32>
    %swap3A_731 = arith.constant 0 : index
    %swap3A_732 = tpu.vector_load %arg16[%swap3A_731] {strides = array<i32>} : memref<64xf32, #tpu.memory_space<vmem>>, vector<16xf32>,
    tpu.vector_store %arg16[%swap3A_731], %add3A_730 {strides = array<i32>} : memref<64xf32, #tpu.memory_space<vmem>>, vector<16xf32>,
    %get3A_733 = arith.constant 16 : index
    %get3A_734 = tpu.vector_load %arg16[%get3A_733] {strides = array<i32>} : memref<64xf32, #tpu.memory_space<vmem>>, vector<16xf32>,
    %get3A_735 = arith.constant 16 : index
    %get3A_736 = tpu.vector_load %arg17[%get3A_735] {strides = array<i32>} : memref<64xf32, #tpu.memory_space<vmem>>, vector<16xf32>,
    %add3A_737 = arith.addf %get3A_734, %get3A_736 : vector<16xf32>
    %swap3A_738 = arith.constant 16 : index
    %swap3A_739 = tpu.vector_load %arg16[%swap3A_738] {strides = array<i32>} : memref<64xf32, #tpu.memory_space<vmem>>, vector<16xf32>,
    tpu.vector_store %arg16[%swap3A_738], %add3A_737 {strides = array<i32>} : memref<64xf32, #tpu.memory_space<vmem>>, vector<16xf32>,
    %get3A_740 = arith.constant 32 : index
    %get3A_741 = tpu.vector_load %arg16[%get3A_740] {strides = array<i32>} : memref<64xf32, #tpu.memory_space<vmem>>, vector<16xf32>,
    %get3A_742 = arith.constant 32 : index
    %get3A_743 = tpu.vector_load %arg17[%get3A_742] {strides = array<i32>} : memref<64xf32, #tpu.memory_space<vmem>>, vector<16xf32>,
    %add3A_744 = arith.addf %get3A_741, %get3A_743 : vector<16xf32>
    %swap3A_745 = arith.constant 32 : index
    %swap3A_746 = tpu.vector_load %arg16[%swap3A_745] {strides = array<i32>} : memref<64xf32, #tpu.memory_space<vmem>>, vector<16xf32>,
    tpu.vector_store %arg16[%swap3A_745], %add3A_744 {strides = array<i32>} : memref<64xf32, #tpu.memory_space<vmem>>, vector<16xf32>,
    %get3A_747 = arith.constant 48 : index
    %get3A_748 = tpu.vector_load %arg16[%get3A_747] {strides = array<i32>} : memref<64xf32, #tpu.memory_space<vmem>>, vector<16xf32>,
    %get3A_749 = arith.constant 48 : index
    %get3A_750 = tpu.vector_load %arg17[%get3A_749] {strides = array<i32>} : memref<64xf32, #tpu.memory_space<vmem>>, vector<16xf32>,
    %add3A_751 = arith.addf %get3A_748, %get3A_750 : vector<16xf32>
    %swap3A_752 = arith.constant 48 : index
    %swap3A_753 = tpu.vector_load %arg16[%swap3A_752] {strides = array<i32>} : memref<64xf32, #tpu.memory_space<vmem>>, vector<16xf32>,
    tpu.vector_store %arg16[%swap3A_752], %add3A_751 {strides = array<i32>} : memref<64xf32, #tpu.memory_space<vmem>>, vector<16xf32>,
    %mul3A_754 = arith.constant 64 : i32
    %mul3A_755 = arith.muli %arg1, %mul3A_754 : i32
    %add3A_756 = arith.constant 11264 : i32
    %add3A_757 = arith.addi %add3A_756, %mul3A_755 : i32
    "tpu.region"() ({
      %run_scoped3A = tpu.sem_alloc : memref<!tpu.dma_semaphore, #tpu.memory_space<semaphore_mem>>
      %dma_start3A = tpu.memref_slice %arg18[%add3A_757] : memref<16384xf32, #tpu.memory_space<vmem_shared>> -> memref<64xf32, #tpu.memory_space<vmem_shared>>
      %dma_start3A_1084 = tpu.memref_slice %arg18[%add3A_757] : memref<16384xf32, #tpu.memory_space<vmem_shared>> -> memref<64xf32, #tpu.memory_space<vmem_shared>>
      tpu.enqueue_dma source(%dma_start3A_1084 : memref<64xf32, #tpu.memory_space<vmem_shared>>) target(%arg17 : memref<64xf32, #tpu.memory_space<vmem>>) target_semaphore(%run_scoped3A : memref<!tpu.dma_semaphore, #tpu.memory_space<semaphore_mem>>)
      %dma_wait3A = tpu.memref_slice %arg18[%add3A_757] : memref<16384xf32, #tpu.memory_space<vmem_shared>> -> memref<64xf32, #tpu.memory_space<vmem_shared>>
      %dma_wait3A_1085 = tpu.memref_slice %arg18[%add3A_757] : memref<16384xf32, #tpu.memory_space<vmem_shared>> -> memref<64xf32, #tpu.memory_space<vmem_shared>>
      tpu.wait_dma2 semaphore(%run_scoped3A : memref<!tpu.dma_semaphore, #tpu.memory_space<semaphore_mem>>) src(%dma_wait3A_1085 : memref<64xf32, #tpu.memory_space<vmem_shared>>) dst(%arg17 : memref<64xf32, #tpu.memory_space<vmem>>)
      tpu.yield
    }) : () -> ()
    %get3A_758 = arith.constant 0 : index
    %get3A_759 = tpu.vector_load %arg15[%get3A_758] {strides = array<i32>} : memref<64xf32, #tpu.memory_space<vmem>>, vector<16xf32>,
    %get3A_760 = arith.constant 0 : index
    %get3A_761 = tpu.vector_load %arg17[%get3A_760] {strides = array<i32>} : memref<64xf32, #tpu.memory_space<vmem>>, vector<16xf32>,
    %add3A_762 = arith.addf %get3A_759, %get3A_761 : vector<16xf32>
    %swap3A_763 = arith.constant 0 : index
    %swap3A_764 = tpu.vector_load %arg15[%swap3A_763] {strides = array<i32>} : memref<64xf32, #tpu.memory_space<vmem>>, vector<16xf32>,
    tpu.vector_store %arg15[%swap3A_763], %add3A_762 {strides = array<i32>} : memref<64xf32, #tpu.memory_space<vmem>>, vector<16xf32>,
    %get3A_765 = arith.constant 16 : index
    %get3A_766 = tpu.vector_load %arg15[%get3A_765] {strides = array<i32>} : memref<64xf32, #tpu.memory_space<vmem>>, vector<16xf32>,
    %get3A_767 = arith.constant 16 : index
    %get3A_768 = tpu.vector_load %arg17[%get3A_767] {strides = array<i32>} : memref<64xf32, #tpu.memory_space<vmem>>, vector<16xf32>,
    %add3A_769 = arith.addf %get3A_766, %get3A_768 : vector<16xf32>
    %swap3A_770 = arith.constant 16 : index
    %swap3A_771 = tpu.vector_load %arg15[%swap3A_770] {strides = array<i32>} : memref<64xf32, #tpu.memory_space<vmem>>, vector<16xf32>,
    tpu.vector_store %arg15[%swap3A_770], %add3A_769 {strides = array<i32>} : memref<64xf32, #tpu.memory_space<vmem>>, vector<16xf32>,
    %get3A_772 = arith.constant 32 : index
    %get3A_773 = tpu.vector_load %arg15[%get3A_772] {strides = array<i32>} : memref<64xf32, #tpu.memory_space<vmem>>, vector<16xf32>,
    %get3A_774 = arith.constant 32 : index
    %get3A_775 = tpu.vector_load %arg17[%get3A_774] {strides = array<i32>} : memref<64xf32, #tpu.memory_space<vmem>>, vector<16xf32>,
    %add3A_776 = arith.addf %get3A_773, %get3A_775 : vector<16xf32>
    %swap3A_777 = arith.constant 32 : index
    %swap3A_778 = tpu.vector_load %arg15[%swap3A_777] {strides = array<i32>} : memref<64xf32, #tpu.memory_space<vmem>>, vector<16xf32>,
    tpu.vector_store %arg15[%swap3A_777], %add3A_776 {strides = array<i32>} : memref<64xf32, #tpu.memory_space<vmem>>, vector<16xf32>,
    %get3A_779 = arith.constant 48 : index
    %get3A_780 = tpu.vector_load %arg15[%get3A_779] {strides = array<i32>} : memref<64xf32, #tpu.memory_space<vmem>>, vector<16xf32>,
    %get3A_781 = arith.constant 48 : index
    %get3A_782 = tpu.vector_load %arg17[%get3A_781] {strides = array<i32>} : memref<64xf32, #tpu.memory_space<vmem>>, vector<16xf32>,
    %add3A_783 = arith.addf %get3A_780, %get3A_782 : vector<16xf32>
    %swap3A_784 = arith.constant 48 : index
    %swap3A_785 = tpu.vector_load %arg15[%swap3A_784] {strides = array<i32>} : memref<64xf32, #tpu.memory_space<vmem>>, vector<16xf32>,
    tpu.vector_store %arg15[%swap3A_784], %add3A_783 {strides = array<i32>} : memref<64xf32, #tpu.memory_space<vmem>>, vector<16xf32>,
    %mul3A_786 = arith.constant 64 : i32
    %mul3A_787 = arith.muli %arg1, %mul3A_786 : i32
    %add3A_788 = arith.constant 11264 : i32
    %add3A_789 = arith.addi %add3A_788, %mul3A_787 : i32
    "tpu.region"() ({
      %run_scoped3A = tpu.sem_alloc : memref<!tpu.dma_semaphore, #tpu.memory_space<semaphore_mem>>
      %dma_start3A = tpu.memref_slice %arg19[%add3A_789] : memref<16384xf32, #tpu.memory_space<vmem_shared>> -> memref<64xf32, #tpu.memory_space<vmem_shared>>
      %dma_start3A_1084 = tpu.memref_slice %arg19[%add3A_789] : memref<16384xf32, #tpu.memory_space<vmem_shared>> -> memref<64xf32, #tpu.memory_space<vmem_shared>>
      tpu.enqueue_dma source(%dma_start3A_1084 : memref<64xf32, #tpu.memory_space<vmem_shared>>) target(%arg17 : memref<64xf32, #tpu.memory_space<vmem>>) target_semaphore(%run_scoped3A : memref<!tpu.dma_semaphore, #tpu.memory_space<semaphore_mem>>)
      %dma_wait3A = tpu.memref_slice %arg19[%add3A_789] : memref<16384xf32, #tpu.memory_space<vmem_shared>> -> memref<64xf32, #tpu.memory_space<vmem_shared>>
      %dma_wait3A_1085 = tpu.memref_slice %arg19[%add3A_789] : memref<16384xf32, #tpu.memory_space<vmem_shared>> -> memref<64xf32, #tpu.memory_space<vmem_shared>>
      tpu.wait_dma2 semaphore(%run_scoped3A : memref<!tpu.dma_semaphore, #tpu.memory_space<semaphore_mem>>) src(%dma_wait3A_1085 : memref<64xf32, #tpu.memory_space<vmem_shared>>) dst(%arg17 : memref<64xf32, #tpu.memory_space<vmem>>)
      tpu.yield
    }) : () -> ()
    %get3A_790 = arith.constant 0 : index
    %get3A_791 = tpu.vector_load %arg16[%get3A_790] {strides = array<i32>} : memref<64xf32, #tpu.memory_space<vmem>>, vector<16xf32>,
    %get3A_792 = arith.constant 0 : index
    %get3A_793 = tpu.vector_load %arg17[%get3A_792] {strides = array<i32>} : memref<64xf32, #tpu.memory_space<vmem>>, vector<16xf32>,
    %add3A_794 = arith.addf %get3A_791, %get3A_793 : vector<16xf32>
    %swap3A_795 = arith.constant 0 : index
    %swap3A_796 = tpu.vector_load %arg16[%swap3A_795] {strides = array<i32>} : memref<64xf32, #tpu.memory_space<vmem>>, vector<16xf32>,
    tpu.vector_store %arg16[%swap3A_795], %add3A_794 {strides = array<i32>} : memref<64xf32, #tpu.memory_space<vmem>>, vector<16xf32>,
    %get3A_797 = arith.constant 16 : index
    %get3A_798 = tpu.vector_load %arg16[%get3A_797] {strides = array<i32>} : memref<64xf32, #tpu.memory_space<vmem>>, vector<16xf32>,
    %get3A_799 = arith.constant 16 : index
    %get3A_800 = tpu.vector_load %arg17[%get3A_799] {strides = array<i32>} : memref<64xf32, #tpu.memory_space<vmem>>, vector<16xf32>,
    %add3A_801 = arith.addf %get3A_798, %get3A_800 : vector<16xf32>
    %swap3A_802 = arith.constant 16 : index
    %swap3A_803 = tpu.vector_load %arg16[%swap3A_802] {strides = array<i32>} : memref<64xf32, #tpu.memory_space<vmem>>, vector<16xf32>,
    tpu.vector_store %arg16[%swap3A_802], %add3A_801 {strides = array<i32>} : memref<64xf32, #tpu.memory_space<vmem>>, vector<16xf32>,
    %get3A_804 = arith.constant 32 : index
    %get3A_805 = tpu.vector_load %arg16[%get3A_804] {strides = array<i32>} : memref<64xf32, #tpu.memory_space<vmem>>, vector<16xf32>,
    %get3A_806 = arith.constant 32 : index
    %get3A_807 = tpu.vector_load %arg17[%get3A_806] {strides = array<i32>} : memref<64xf32, #tpu.memory_space<vmem>>, vector<16xf32>,
    %add3A_808 = arith.addf %get3A_805, %get3A_807 : vector<16xf32>
    %swap3A_809 = arith.constant 32 : index
    %swap3A_810 = tpu.vector_load %arg16[%swap3A_809] {strides = array<i32>} : memref<64xf32, #tpu.memory_space<vmem>>, vector<16xf32>,
    tpu.vector_store %arg16[%swap3A_809], %add3A_808 {strides = array<i32>} : memref<64xf32, #tpu.memory_space<vmem>>, vector<16xf32>,
    %get3A_811 = arith.constant 48 : index
    %get3A_812 = tpu.vector_load %arg16[%get3A_811] {strides = array<i32>} : memref<64xf32, #tpu.memory_space<vmem>>, vector<16xf32>,
    %get3A_813 = arith.constant 48 : index
    %get3A_814 = tpu.vector_load %arg17[%get3A_813] {strides = array<i32>} : memref<64xf32, #tpu.memory_space<vmem>>, vector<16xf32>,
    %add3A_815 = arith.addf %get3A_812, %get3A_814 : vector<16xf32>
    %swap3A_816 = arith.constant 48 : index
    %swap3A_817 = tpu.vector_load %arg16[%swap3A_816] {strides = array<i32>} : memref<64xf32, #tpu.memory_space<vmem>>, vector<16xf32>,
    tpu.vector_store %arg16[%swap3A_816], %add3A_815 {strides = array<i32>} : memref<64xf32, #tpu.memory_space<vmem>>, vector<16xf32>,
    %mul3A_818 = arith.constant 64 : i32
    %mul3A_819 = arith.muli %arg1, %mul3A_818 : i32
    %add3A_820 = arith.constant 12288 : i32
    %add3A_821 = arith.addi %add3A_820, %mul3A_819 : i32
    "tpu.region"() ({
      %run_scoped3A = tpu.sem_alloc : memref<!tpu.dma_semaphore, #tpu.memory_space<semaphore_mem>>
      %dma_start3A = tpu.memref_slice %arg18[%add3A_821] : memref<16384xf32, #tpu.memory_space<vmem_shared>> -> memref<64xf32, #tpu.memory_space<vmem_shared>>
      %dma_start3A_1084 = tpu.memref_slice %arg18[%add3A_821] : memref<16384xf32, #tpu.memory_space<vmem_shared>> -> memref<64xf32, #tpu.memory_space<vmem_shared>>
      tpu.enqueue_dma source(%dma_start3A_1084 : memref<64xf32, #tpu.memory_space<vmem_shared>>) target(%arg17 : memref<64xf32, #tpu.memory_space<vmem>>) target_semaphore(%run_scoped3A : memref<!tpu.dma_semaphore, #tpu.memory_space<semaphore_mem>>)
      %dma_wait3A = tpu.memref_slice %arg18[%add3A_821] : memref<16384xf32, #tpu.memory_space<vmem_shared>> -> memref<64xf32, #tpu.memory_space<vmem_shared>>
      %dma_wait3A_1085 = tpu.memref_slice %arg18[%add3A_821] : memref<16384xf32, #tpu.memory_space<vmem_shared>> -> memref<64xf32, #tpu.memory_space<vmem_shared>>
      tpu.wait_dma2 semaphore(%run_scoped3A : memref<!tpu.dma_semaphore, #tpu.memory_space<semaphore_mem>>) src(%dma_wait3A_1085 : memref<64xf32, #tpu.memory_space<vmem_shared>>) dst(%arg17 : memref<64xf32, #tpu.memory_space<vmem>>)
      tpu.yield
    }) : () -> ()
    %get3A_822 = arith.constant 0 : index
    %get3A_823 = tpu.vector_load %arg15[%get3A_822] {strides = array<i32>} : memref<64xf32, #tpu.memory_space<vmem>>, vector<16xf32>,
    %get3A_824 = arith.constant 0 : index
    %get3A_825 = tpu.vector_load %arg17[%get3A_824] {strides = array<i32>} : memref<64xf32, #tpu.memory_space<vmem>>, vector<16xf32>,
    %add3A_826 = arith.addf %get3A_823, %get3A_825 : vector<16xf32>
    %swap3A_827 = arith.constant 0 : index
    %swap3A_828 = tpu.vector_load %arg15[%swap3A_827] {strides = array<i32>} : memref<64xf32, #tpu.memory_space<vmem>>, vector<16xf32>,
    tpu.vector_store %arg15[%swap3A_827], %add3A_826 {strides = array<i32>} : memref<64xf32, #tpu.memory_space<vmem>>, vector<16xf32>,
    %get3A_829 = arith.constant 16 : index
    %get3A_830 = tpu.vector_load %arg15[%get3A_829] {strides = array<i32>} : memref<64xf32, #tpu.memory_space<vmem>>, vector<16xf32>,
    %get3A_831 = arith.constant 16 : index
    %get3A_832 = tpu.vector_load %arg17[%get3A_831] {strides = array<i32>} : memref<64xf32, #tpu.memory_space<vmem>>, vector<16xf32>,
    %add3A_833 = arith.addf %get3A_830, %get3A_832 : vector<16xf32>
    %swap3A_834 = arith.constant 16 : index
    %swap3A_835 = tpu.vector_load %arg15[%swap3A_834] {strides = array<i32>} : memref<64xf32, #tpu.memory_space<vmem>>, vector<16xf32>,
    tpu.vector_store %arg15[%swap3A_834], %add3A_833 {strides = array<i32>} : memref<64xf32, #tpu.memory_space<vmem>>, vector<16xf32>,
    %get3A_836 = arith.constant 32 : index
    %get3A_837 = tpu.vector_load %arg15[%get3A_836] {strides = array<i32>} : memref<64xf32, #tpu.memory_space<vmem>>, vector<16xf32>,
    %get3A_838 = arith.constant 32 : index
    %get3A_839 = tpu.vector_load %arg17[%get3A_838] {strides = array<i32>} : memref<64xf32, #tpu.memory_space<vmem>>, vector<16xf32>,
    %add3A_840 = arith.addf %get3A_837, %get3A_839 : vector<16xf32>
    %swap3A_841 = arith.constant 32 : index
    %swap3A_842 = tpu.vector_load %arg15[%swap3A_841] {strides = array<i32>} : memref<64xf32, #tpu.memory_space<vmem>>, vector<16xf32>,
    tpu.vector_store %arg15[%swap3A_841], %add3A_840 {strides = array<i32>} : memref<64xf32, #tpu.memory_space<vmem>>, vector<16xf32>,
    %get3A_843 = arith.constant 48 : index
    %get3A_844 = tpu.vector_load %arg15[%get3A_843] {strides = array<i32>} : memref<64xf32, #tpu.memory_space<vmem>>, vector<16xf32>,
    %get3A_845 = arith.constant 48 : index
    %get3A_846 = tpu.vector_load %arg17[%get3A_845] {strides = array<i32>} : memref<64xf32, #tpu.memory_space<vmem>>, vector<16xf32>,
    %add3A_847 = arith.addf %get3A_844, %get3A_846 : vector<16xf32>
    %swap3A_848 = arith.constant 48 : index
    %swap3A_849 = tpu.vector_load %arg15[%swap3A_848] {strides = array<i32>} : memref<64xf32, #tpu.memory_space<vmem>>, vector<16xf32>,
    tpu.vector_store %arg15[%swap3A_848], %add3A_847 {strides = array<i32>} : memref<64xf32, #tpu.memory_space<vmem>>, vector<16xf32>,
    %mul3A_850 = arith.constant 64 : i32
    %mul3A_851 = arith.muli %arg1, %mul3A_850 : i32
    %add3A_852 = arith.constant 12288 : i32
    %add3A_853 = arith.addi %add3A_852, %mul3A_851 : i32
    "tpu.region"() ({
      %run_scoped3A = tpu.sem_alloc : memref<!tpu.dma_semaphore, #tpu.memory_space<semaphore_mem>>
      %dma_start3A = tpu.memref_slice %arg19[%add3A_853] : memref<16384xf32, #tpu.memory_space<vmem_shared>> -> memref<64xf32, #tpu.memory_space<vmem_shared>>
      %dma_start3A_1084 = tpu.memref_slice %arg19[%add3A_853] : memref<16384xf32, #tpu.memory_space<vmem_shared>> -> memref<64xf32, #tpu.memory_space<vmem_shared>>
      tpu.enqueue_dma source(%dma_start3A_1084 : memref<64xf32, #tpu.memory_space<vmem_shared>>) target(%arg17 : memref<64xf32, #tpu.memory_space<vmem>>) target_semaphore(%run_scoped3A : memref<!tpu.dma_semaphore, #tpu.memory_space<semaphore_mem>>)
      %dma_wait3A = tpu.memref_slice %arg19[%add3A_853] : memref<16384xf32, #tpu.memory_space<vmem_shared>> -> memref<64xf32, #tpu.memory_space<vmem_shared>>
      %dma_wait3A_1085 = tpu.memref_slice %arg19[%add3A_853] : memref<16384xf32, #tpu.memory_space<vmem_shared>> -> memref<64xf32, #tpu.memory_space<vmem_shared>>
      tpu.wait_dma2 semaphore(%run_scoped3A : memref<!tpu.dma_semaphore, #tpu.memory_space<semaphore_mem>>) src(%dma_wait3A_1085 : memref<64xf32, #tpu.memory_space<vmem_shared>>) dst(%arg17 : memref<64xf32, #tpu.memory_space<vmem>>)
      tpu.yield
    }) : () -> ()
    %get3A_854 = arith.constant 0 : index
    %get3A_855 = tpu.vector_load %arg16[%get3A_854] {strides = array<i32>} : memref<64xf32, #tpu.memory_space<vmem>>, vector<16xf32>,
    %get3A_856 = arith.constant 0 : index
    %get3A_857 = tpu.vector_load %arg17[%get3A_856] {strides = array<i32>} : memref<64xf32, #tpu.memory_space<vmem>>, vector<16xf32>,
    %add3A_858 = arith.addf %get3A_855, %get3A_857 : vector<16xf32>
    %swap3A_859 = arith.constant 0 : index
    %swap3A_860 = tpu.vector_load %arg16[%swap3A_859] {strides = array<i32>} : memref<64xf32, #tpu.memory_space<vmem>>, vector<16xf32>,
    tpu.vector_store %arg16[%swap3A_859], %add3A_858 {strides = array<i32>} : memref<64xf32, #tpu.memory_space<vmem>>, vector<16xf32>,
    %get3A_861 = arith.constant 16 : index
    %get3A_862 = tpu.vector_load %arg16[%get3A_861] {strides = array<i32>} : memref<64xf32, #tpu.memory_space<vmem>>, vector<16xf32>,
    %get3A_863 = arith.constant 16 : index
    %get3A_864 = tpu.vector_load %arg17[%get3A_863] {strides = array<i32>} : memref<64xf32, #tpu.memory_space<vmem>>, vector<16xf32>,
    %add3A_865 = arith.addf %get3A_862, %get3A_864 : vector<16xf32>
    %swap3A_866 = arith.constant 16 : index
    %swap3A_867 = tpu.vector_load %arg16[%swap3A_866] {strides = array<i32>} : memref<64xf32, #tpu.memory_space<vmem>>, vector<16xf32>,
    tpu.vector_store %arg16[%swap3A_866], %add3A_865 {strides = array<i32>} : memref<64xf32, #tpu.memory_space<vmem>>, vector<16xf32>,
    %get3A_868 = arith.constant 32 : index
    %get3A_869 = tpu.vector_load %arg16[%get3A_868] {strides = array<i32>} : memref<64xf32, #tpu.memory_space<vmem>>, vector<16xf32>,
    %get3A_870 = arith.constant 32 : index
    %get3A_871 = tpu.vector_load %arg17[%get3A_870] {strides = array<i32>} : memref<64xf32, #tpu.memory_space<vmem>>, vector<16xf32>,
    %add3A_872 = arith.addf %get3A_869, %get3A_871 : vector<16xf32>
    %swap3A_873 = arith.constant 32 : index
    %swap3A_874 = tpu.vector_load %arg16[%swap3A_873] {strides = array<i32>} : memref<64xf32, #tpu.memory_space<vmem>>, vector<16xf32>,
    tpu.vector_store %arg16[%swap3A_873], %add3A_872 {strides = array<i32>} : memref<64xf32, #tpu.memory_space<vmem>>, vector<16xf32>,
    %get3A_875 = arith.constant 48 : index
    %get3A_876 = tpu.vector_load %arg16[%get3A_875] {strides = array<i32>} : memref<64xf32, #tpu.memory_space<vmem>>, vector<16xf32>,
    %get3A_877 = arith.constant 48 : index
    %get3A_878 = tpu.vector_load %arg17[%get3A_877] {strides = array<i32>} : memref<64xf32, #tpu.memory_space<vmem>>, vector<16xf32>,
    %add3A_879 = arith.addf %get3A_876, %get3A_878 : vector<16xf32>
    %swap3A_880 = arith.constant 48 : index
    %swap3A_881 = tpu.vector_load %arg16[%swap3A_880] {strides = array<i32>} : memref<64xf32, #tpu.memory_space<vmem>>, vector<16xf32>,
    tpu.vector_store %arg16[%swap3A_880], %add3A_879 {strides = array<i32>} : memref<64xf32, #tpu.memory_space<vmem>>, vector<16xf32>,
    %mul3A_882 = arith.constant 64 : i32
    %mul3A_883 = arith.muli %arg1, %mul3A_882 : i32
    %add3A_884 = arith.constant 13312 : i32
    %add3A_885 = arith.addi %add3A_884, %mul3A_883 : i32
    "tpu.region"() ({
      %run_scoped3A = tpu.sem_alloc : memref<!tpu.dma_semaphore, #tpu.memory_space<semaphore_mem>>
      %dma_start3A = tpu.memref_slice %arg18[%add3A_885] : memref<16384xf32, #tpu.memory_space<vmem_shared>> -> memref<64xf32, #tpu.memory_space<vmem_shared>>
      %dma_start3A_1084 = tpu.memref_slice %arg18[%add3A_885] : memref<16384xf32, #tpu.memory_space<vmem_shared>> -> memref<64xf32, #tpu.memory_space<vmem_shared>>
      tpu.enqueue_dma source(%dma_start3A_1084 : memref<64xf32, #tpu.memory_space<vmem_shared>>) target(%arg17 : memref<64xf32, #tpu.memory_space<vmem>>) target_semaphore(%run_scoped3A : memref<!tpu.dma_semaphore, #tpu.memory_space<semaphore_mem>>)
      %dma_wait3A = tpu.memref_slice %arg18[%add3A_885] : memref<16384xf32, #tpu.memory_space<vmem_shared>> -> memref<64xf32, #tpu.memory_space<vmem_shared>>
      %dma_wait3A_1085 = tpu.memref_slice %arg18[%add3A_885] : memref<16384xf32, #tpu.memory_space<vmem_shared>> -> memref<64xf32, #tpu.memory_space<vmem_shared>>
      tpu.wait_dma2 semaphore(%run_scoped3A : memref<!tpu.dma_semaphore, #tpu.memory_space<semaphore_mem>>) src(%dma_wait3A_1085 : memref<64xf32, #tpu.memory_space<vmem_shared>>) dst(%arg17 : memref<64xf32, #tpu.memory_space<vmem>>)
      tpu.yield
    }) : () -> ()
    %get3A_886 = arith.constant 0 : index
    %get3A_887 = tpu.vector_load %arg15[%get3A_886] {strides = array<i32>} : memref<64xf32, #tpu.memory_space<vmem>>, vector<16xf32>,
    %get3A_888 = arith.constant 0 : index
    %get3A_889 = tpu.vector_load %arg17[%get3A_888] {strides = array<i32>} : memref<64xf32, #tpu.memory_space<vmem>>, vector<16xf32>,
    %add3A_890 = arith.addf %get3A_887, %get3A_889 : vector<16xf32>
    %swap3A_891 = arith.constant 0 : index
    %swap3A_892 = tpu.vector_load %arg15[%swap3A_891] {strides = array<i32>} : memref<64xf32, #tpu.memory_space<vmem>>, vector<16xf32>,
    tpu.vector_store %arg15[%swap3A_891], %add3A_890 {strides = array<i32>} : memref<64xf32, #tpu.memory_space<vmem>>, vector<16xf32>,
    %get3A_893 = arith.constant 16 : index
    %get3A_894 = tpu.vector_load %arg15[%get3A_893] {strides = array<i32>} : memref<64xf32, #tpu.memory_space<vmem>>, vector<16xf32>,
    %get3A_895 = arith.constant 16 : index
    %get3A_896 = tpu.vector_load %arg17[%get3A_895] {strides = array<i32>} : memref<64xf32, #tpu.memory_space<vmem>>, vector<16xf32>,
    %add3A_897 = arith.addf %get3A_894, %get3A_896 : vector<16xf32>
    %swap3A_898 = arith.constant 16 : index
    %swap3A_899 = tpu.vector_load %arg15[%swap3A_898] {strides = array<i32>} : memref<64xf32, #tpu.memory_space<vmem>>, vector<16xf32>,
    tpu.vector_store %arg15[%swap3A_898], %add3A_897 {strides = array<i32>} : memref<64xf32, #tpu.memory_space<vmem>>, vector<16xf32>,
    %get3A_900 = arith.constant 32 : index
    %get3A_901 = tpu.vector_load %arg15[%get3A_900] {strides = array<i32>} : memref<64xf32, #tpu.memory_space<vmem>>, vector<16xf32>,
    %get3A_902 = arith.constant 32 : index
    %get3A_903 = tpu.vector_load %arg17[%get3A_902] {strides = array<i32>} : memref<64xf32, #tpu.memory_space<vmem>>, vector<16xf32>,
    %add3A_904 = arith.addf %get3A_901, %get3A_903 : vector<16xf32>
    %swap3A_905 = arith.constant 32 : index
    %swap3A_906 = tpu.vector_load %arg15[%swap3A_905] {strides = array<i32>} : memref<64xf32, #tpu.memory_space<vmem>>, vector<16xf32>,
    tpu.vector_store %arg15[%swap3A_905], %add3A_904 {strides = array<i32>} : memref<64xf32, #tpu.memory_space<vmem>>, vector<16xf32>,
    %get3A_907 = arith.constant 48 : index
    %get3A_908 = tpu.vector_load %arg15[%get3A_907] {strides = array<i32>} : memref<64xf32, #tpu.memory_space<vmem>>, vector<16xf32>,
    %get3A_909 = arith.constant 48 : index
    %get3A_910 = tpu.vector_load %arg17[%get3A_909] {strides = array<i32>} : memref<64xf32, #tpu.memory_space<vmem>>, vector<16xf32>,
    %add3A_911 = arith.addf %get3A_908, %get3A_910 : vector<16xf32>
    %swap3A_912 = arith.constant 48 : index
    %swap3A_913 = tpu.vector_load %arg15[%swap3A_912] {strides = array<i32>} : memref<64xf32, #tpu.memory_space<vmem>>, vector<16xf32>,
    tpu.vector_store %arg15[%swap3A_912], %add3A_911 {strides = array<i32>} : memref<64xf32, #tpu.memory_space<vmem>>, vector<16xf32>,
    %mul3A_914 = arith.constant 64 : i32
    %mul3A_915 = arith.muli %arg1, %mul3A_914 : i32
    %add3A_916 = arith.constant 13312 : i32
    %add3A_917 = arith.addi %add3A_916, %mul3A_915 : i32
    "tpu.region"() ({
      %run_scoped3A = tpu.sem_alloc : memref<!tpu.dma_semaphore, #tpu.memory_space<semaphore_mem>>
      %dma_start3A = tpu.memref_slice %arg19[%add3A_917] : memref<16384xf32, #tpu.memory_space<vmem_shared>> -> memref<64xf32, #tpu.memory_space<vmem_shared>>
      %dma_start3A_1084 = tpu.memref_slice %arg19[%add3A_917] : memref<16384xf32, #tpu.memory_space<vmem_shared>> -> memref<64xf32, #tpu.memory_space<vmem_shared>>
      tpu.enqueue_dma source(%dma_start3A_1084 : memref<64xf32, #tpu.memory_space<vmem_shared>>) target(%arg17 : memref<64xf32, #tpu.memory_space<vmem>>) target_semaphore(%run_scoped3A : memref<!tpu.dma_semaphore, #tpu.memory_space<semaphore_mem>>)
      %dma_wait3A = tpu.memref_slice %arg19[%add3A_917] : memref<16384xf32, #tpu.memory_space<vmem_shared>> -> memref<64xf32, #tpu.memory_space<vmem_shared>>
      %dma_wait3A_1085 = tpu.memref_slice %arg19[%add3A_917] : memref<16384xf32, #tpu.memory_space<vmem_shared>> -> memref<64xf32, #tpu.memory_space<vmem_shared>>
      tpu.wait_dma2 semaphore(%run_scoped3A : memref<!tpu.dma_semaphore, #tpu.memory_space<semaphore_mem>>) src(%dma_wait3A_1085 : memref<64xf32, #tpu.memory_space<vmem_shared>>) dst(%arg17 : memref<64xf32, #tpu.memory_space<vmem>>)
      tpu.yield
    }) : () -> ()
    %get3A_918 = arith.constant 0 : index
    %get3A_919 = tpu.vector_load %arg16[%get3A_918] {strides = array<i32>} : memref<64xf32, #tpu.memory_space<vmem>>, vector<16xf32>,
    %get3A_920 = arith.constant 0 : index
    %get3A_921 = tpu.vector_load %arg17[%get3A_920] {strides = array<i32>} : memref<64xf32, #tpu.memory_space<vmem>>, vector<16xf32>,
    %add3A_922 = arith.addf %get3A_919, %get3A_921 : vector<16xf32>
    %swap3A_923 = arith.constant 0 : index
    %swap3A_924 = tpu.vector_load %arg16[%swap3A_923] {strides = array<i32>} : memref<64xf32, #tpu.memory_space<vmem>>, vector<16xf32>,
    tpu.vector_store %arg16[%swap3A_923], %add3A_922 {strides = array<i32>} : memref<64xf32, #tpu.memory_space<vmem>>, vector<16xf32>,
    %get3A_925 = arith.constant 16 : index
    %get3A_926 = tpu.vector_load %arg16[%get3A_925] {strides = array<i32>} : memref<64xf32, #tpu.memory_space<vmem>>, vector<16xf32>,
    %get3A_927 = arith.constant 16 : index
    %get3A_928 = tpu.vector_load %arg17[%get3A_927] {strides = array<i32>} : memref<64xf32, #tpu.memory_space<vmem>>, vector<16xf32>,
    %add3A_929 = arith.addf %get3A_926, %get3A_928 : vector<16xf32>
    %swap3A_930 = arith.constant 16 : index
    %swap3A_931 = tpu.vector_load %arg16[%swap3A_930] {strides = array<i32>} : memref<64xf32, #tpu.memory_space<vmem>>, vector<16xf32>,
    tpu.vector_store %arg16[%swap3A_930], %add3A_929 {strides = array<i32>} : memref<64xf32, #tpu.memory_space<vmem>>, vector<16xf32>,
    %get3A_932 = arith.constant 32 : index
    %get3A_933 = tpu.vector_load %arg16[%get3A_932] {strides = array<i32>} : memref<64xf32, #tpu.memory_space<vmem>>, vector<16xf32>,
    %get3A_934 = arith.constant 32 : index
    %get3A_935 = tpu.vector_load %arg17[%get3A_934] {strides = array<i32>} : memref<64xf32, #tpu.memory_space<vmem>>, vector<16xf32>,
    %add3A_936 = arith.addf %get3A_933, %get3A_935 : vector<16xf32>
    %swap3A_937 = arith.constant 32 : index
    %swap3A_938 = tpu.vector_load %arg16[%swap3A_937] {strides = array<i32>} : memref<64xf32, #tpu.memory_space<vmem>>, vector<16xf32>,
    tpu.vector_store %arg16[%swap3A_937], %add3A_936 {strides = array<i32>} : memref<64xf32, #tpu.memory_space<vmem>>, vector<16xf32>,
    %get3A_939 = arith.constant 48 : index
    %get3A_940 = tpu.vector_load %arg16[%get3A_939] {strides = array<i32>} : memref<64xf32, #tpu.memory_space<vmem>>, vector<16xf32>,
    %get3A_941 = arith.constant 48 : index
    %get3A_942 = tpu.vector_load %arg17[%get3A_941] {strides = array<i32>} : memref<64xf32, #tpu.memory_space<vmem>>, vector<16xf32>,
    %add3A_943 = arith.addf %get3A_940, %get3A_942 : vector<16xf32>
    %swap3A_944 = arith.constant 48 : index
    %swap3A_945 = tpu.vector_load %arg16[%swap3A_944] {strides = array<i32>} : memref<64xf32, #tpu.memory_space<vmem>>, vector<16xf32>,
    tpu.vector_store %arg16[%swap3A_944], %add3A_943 {strides = array<i32>} : memref<64xf32, #tpu.memory_space<vmem>>, vector<16xf32>,
    %mul3A_946 = arith.constant 64 : i32
    %mul3A_947 = arith.muli %arg1, %mul3A_946 : i32
    %add3A_948 = arith.constant 14336 : i32
    %add3A_949 = arith.addi %add3A_948, %mul3A_947 : i32
    "tpu.region"() ({
      %run_scoped3A = tpu.sem_alloc : memref<!tpu.dma_semaphore, #tpu.memory_space<semaphore_mem>>
      %dma_start3A = tpu.memref_slice %arg18[%add3A_949] : memref<16384xf32, #tpu.memory_space<vmem_shared>> -> memref<64xf32, #tpu.memory_space<vmem_shared>>
      %dma_start3A_1084 = tpu.memref_slice %arg18[%add3A_949] : memref<16384xf32, #tpu.memory_space<vmem_shared>> -> memref<64xf32, #tpu.memory_space<vmem_shared>>
      tpu.enqueue_dma source(%dma_start3A_1084 : memref<64xf32, #tpu.memory_space<vmem_shared>>) target(%arg17 : memref<64xf32, #tpu.memory_space<vmem>>) target_semaphore(%run_scoped3A : memref<!tpu.dma_semaphore, #tpu.memory_space<semaphore_mem>>)
      %dma_wait3A = tpu.memref_slice %arg18[%add3A_949] : memref<16384xf32, #tpu.memory_space<vmem_shared>> -> memref<64xf32, #tpu.memory_space<vmem_shared>>
      %dma_wait3A_1085 = tpu.memref_slice %arg18[%add3A_949] : memref<16384xf32, #tpu.memory_space<vmem_shared>> -> memref<64xf32, #tpu.memory_space<vmem_shared>>
      tpu.wait_dma2 semaphore(%run_scoped3A : memref<!tpu.dma_semaphore, #tpu.memory_space<semaphore_mem>>) src(%dma_wait3A_1085 : memref<64xf32, #tpu.memory_space<vmem_shared>>) dst(%arg17 : memref<64xf32, #tpu.memory_space<vmem>>)
      tpu.yield
    }) : () -> ()
    %get3A_950 = arith.constant 0 : index
    %get3A_951 = tpu.vector_load %arg15[%get3A_950] {strides = array<i32>} : memref<64xf32, #tpu.memory_space<vmem>>, vector<16xf32>,
    %get3A_952 = arith.constant 0 : index
    %get3A_953 = tpu.vector_load %arg17[%get3A_952] {strides = array<i32>} : memref<64xf32, #tpu.memory_space<vmem>>, vector<16xf32>,
    %add3A_954 = arith.addf %get3A_951, %get3A_953 : vector<16xf32>
    %swap3A_955 = arith.constant 0 : index
    %swap3A_956 = tpu.vector_load %arg15[%swap3A_955] {strides = array<i32>} : memref<64xf32, #tpu.memory_space<vmem>>, vector<16xf32>,
    tpu.vector_store %arg15[%swap3A_955], %add3A_954 {strides = array<i32>} : memref<64xf32, #tpu.memory_space<vmem>>, vector<16xf32>,
    %get3A_957 = arith.constant 16 : index
    %get3A_958 = tpu.vector_load %arg15[%get3A_957] {strides = array<i32>} : memref<64xf32, #tpu.memory_space<vmem>>, vector<16xf32>,
    %get3A_959 = arith.constant 16 : index
    %get3A_960 = tpu.vector_load %arg17[%get3A_959] {strides = array<i32>} : memref<64xf32, #tpu.memory_space<vmem>>, vector<16xf32>,
    %add3A_961 = arith.addf %get3A_958, %get3A_960 : vector<16xf32>
    %swap3A_962 = arith.constant 16 : index
    %swap3A_963 = tpu.vector_load %arg15[%swap3A_962] {strides = array<i32>} : memref<64xf32, #tpu.memory_space<vmem>>, vector<16xf32>,
    tpu.vector_store %arg15[%swap3A_962], %add3A_961 {strides = array<i32>} : memref<64xf32, #tpu.memory_space<vmem>>, vector<16xf32>,
    %get3A_964 = arith.constant 32 : index
    %get3A_965 = tpu.vector_load %arg15[%get3A_964] {strides = array<i32>} : memref<64xf32, #tpu.memory_space<vmem>>, vector<16xf32>,
    %get3A_966 = arith.constant 32 : index
    %get3A_967 = tpu.vector_load %arg17[%get3A_966] {strides = array<i32>} : memref<64xf32, #tpu.memory_space<vmem>>, vector<16xf32>,
    %add3A_968 = arith.addf %get3A_965, %get3A_967 : vector<16xf32>
    %swap3A_969 = arith.constant 32 : index
    %swap3A_970 = tpu.vector_load %arg15[%swap3A_969] {strides = array<i32>} : memref<64xf32, #tpu.memory_space<vmem>>, vector<16xf32>,
    tpu.vector_store %arg15[%swap3A_969], %add3A_968 {strides = array<i32>} : memref<64xf32, #tpu.memory_space<vmem>>, vector<16xf32>,
    %get3A_971 = arith.constant 48 : index
    %get3A_972 = tpu.vector_load %arg15[%get3A_971] {strides = array<i32>} : memref<64xf32, #tpu.memory_space<vmem>>, vector<16xf32>,
    %get3A_973 = arith.constant 48 : index
    %get3A_974 = tpu.vector_load %arg17[%get3A_973] {strides = array<i32>} : memref<64xf32, #tpu.memory_space<vmem>>, vector<16xf32>,
    %add3A_975 = arith.addf %get3A_972, %get3A_974 : vector<16xf32>
    %swap3A_976 = arith.constant 48 : index
    %swap3A_977 = tpu.vector_load %arg15[%swap3A_976] {strides = array<i32>} : memref<64xf32, #tpu.memory_space<vmem>>, vector<16xf32>,
    tpu.vector_store %arg15[%swap3A_976], %add3A_975 {strides = array<i32>} : memref<64xf32, #tpu.memory_space<vmem>>, vector<16xf32>,
    %mul3A_978 = arith.constant 64 : i32
    %mul3A_979 = arith.muli %arg1, %mul3A_978 : i32
    %add3A_980 = arith.constant 14336 : i32
    %add3A_981 = arith.addi %add3A_980, %mul3A_979 : i32
    "tpu.region"() ({
      %run_scoped3A = tpu.sem_alloc : memref<!tpu.dma_semaphore, #tpu.memory_space<semaphore_mem>>
      %dma_start3A = tpu.memref_slice %arg19[%add3A_981] : memref<16384xf32, #tpu.memory_space<vmem_shared>> -> memref<64xf32, #tpu.memory_space<vmem_shared>>
      %dma_start3A_1084 = tpu.memref_slice %arg19[%add3A_981] : memref<16384xf32, #tpu.memory_space<vmem_shared>> -> memref<64xf32, #tpu.memory_space<vmem_shared>>
      tpu.enqueue_dma source(%dma_start3A_1084 : memref<64xf32, #tpu.memory_space<vmem_shared>>) target(%arg17 : memref<64xf32, #tpu.memory_space<vmem>>) target_semaphore(%run_scoped3A : memref<!tpu.dma_semaphore, #tpu.memory_space<semaphore_mem>>)
      %dma_wait3A = tpu.memref_slice %arg19[%add3A_981] : memref<16384xf32, #tpu.memory_space<vmem_shared>> -> memref<64xf32, #tpu.memory_space<vmem_shared>>
      %dma_wait3A_1085 = tpu.memref_slice %arg19[%add3A_981] : memref<16384xf32, #tpu.memory_space<vmem_shared>> -> memref<64xf32, #tpu.memory_space<vmem_shared>>
      tpu.wait_dma2 semaphore(%run_scoped3A : memref<!tpu.dma_semaphore, #tpu.memory_space<semaphore_mem>>) src(%dma_wait3A_1085 : memref<64xf32, #tpu.memory_space<vmem_shared>>) dst(%arg17 : memref<64xf32, #tpu.memory_space<vmem>>)
      tpu.yield
    }) : () -> ()
    %get3A_982 = arith.constant 0 : index
    %get3A_983 = tpu.vector_load %arg16[%get3A_982] {strides = array<i32>} : memref<64xf32, #tpu.memory_space<vmem>>, vector<16xf32>,
    %get3A_984 = arith.constant 0 : index
    %get3A_985 = tpu.vector_load %arg17[%get3A_984] {strides = array<i32>} : memref<64xf32, #tpu.memory_space<vmem>>, vector<16xf32>,
    %add3A_986 = arith.addf %get3A_983, %get3A_985 : vector<16xf32>
    %swap3A_987 = arith.constant 0 : index
    %swap3A_988 = tpu.vector_load %arg16[%swap3A_987] {strides = array<i32>} : memref<64xf32, #tpu.memory_space<vmem>>, vector<16xf32>,
    tpu.vector_store %arg16[%swap3A_987], %add3A_986 {strides = array<i32>} : memref<64xf32, #tpu.memory_space<vmem>>, vector<16xf32>,
    %get3A_989 = arith.constant 16 : index
    %get3A_990 = tpu.vector_load %arg16[%get3A_989] {strides = array<i32>} : memref<64xf32, #tpu.memory_space<vmem>>, vector<16xf32>,
    %get3A_991 = arith.constant 16 : index
    %get3A_992 = tpu.vector_load %arg17[%get3A_991] {strides = array<i32>} : memref<64xf32, #tpu.memory_space<vmem>>, vector<16xf32>,
    %add3A_993 = arith.addf %get3A_990, %get3A_992 : vector<16xf32>
    %swap3A_994 = arith.constant 16 : index
    %swap3A_995 = tpu.vector_load %arg16[%swap3A_994] {strides = array<i32>} : memref<64xf32, #tpu.memory_space<vmem>>, vector<16xf32>,
    tpu.vector_store %arg16[%swap3A_994], %add3A_993 {strides = array<i32>} : memref<64xf32, #tpu.memory_space<vmem>>, vector<16xf32>,
    %get3A_996 = arith.constant 32 : index
    %get3A_997 = tpu.vector_load %arg16[%get3A_996] {strides = array<i32>} : memref<64xf32, #tpu.memory_space<vmem>>, vector<16xf32>,
    %get3A_998 = arith.constant 32 : index
    %get3A_999 = tpu.vector_load %arg17[%get3A_998] {strides = array<i32>} : memref<64xf32, #tpu.memory_space<vmem>>, vector<16xf32>,
    %add3A_1000 = arith.addf %get3A_997, %get3A_999 : vector<16xf32>
    %swap3A_1001 = arith.constant 32 : index
    %swap3A_1002 = tpu.vector_load %arg16[%swap3A_1001] {strides = array<i32>} : memref<64xf32, #tpu.memory_space<vmem>>, vector<16xf32>,
    tpu.vector_store %arg16[%swap3A_1001], %add3A_1000 {strides = array<i32>} : memref<64xf32, #tpu.memory_space<vmem>>, vector<16xf32>,
    %get3A_1003 = arith.constant 48 : index
    %get3A_1004 = tpu.vector_load %arg16[%get3A_1003] {strides = array<i32>} : memref<64xf32, #tpu.memory_space<vmem>>, vector<16xf32>,
    %get3A_1005 = arith.constant 48 : index
    %get3A_1006 = tpu.vector_load %arg17[%get3A_1005] {strides = array<i32>} : memref<64xf32, #tpu.memory_space<vmem>>, vector<16xf32>,
    %add3A_1007 = arith.addf %get3A_1004, %get3A_1006 : vector<16xf32>
    %swap3A_1008 = arith.constant 48 : index
    %swap3A_1009 = tpu.vector_load %arg16[%swap3A_1008] {strides = array<i32>} : memref<64xf32, #tpu.memory_space<vmem>>, vector<16xf32>,
    tpu.vector_store %arg16[%swap3A_1008], %add3A_1007 {strides = array<i32>} : memref<64xf32, #tpu.memory_space<vmem>>, vector<16xf32>,
    %mul3A_1010 = arith.constant 64 : i32
    %mul3A_1011 = arith.muli %arg1, %mul3A_1010 : i32
    %add3A_1012 = arith.constant 15360 : i32
    %add3A_1013 = arith.addi %add3A_1012, %mul3A_1011 : i32
    "tpu.region"() ({
      %run_scoped3A = tpu.sem_alloc : memref<!tpu.dma_semaphore, #tpu.memory_space<semaphore_mem>>
      %dma_start3A = tpu.memref_slice %arg18[%add3A_1013] : memref<16384xf32, #tpu.memory_space<vmem_shared>> -> memref<64xf32, #tpu.memory_space<vmem_shared>>
      %dma_start3A_1084 = tpu.memref_slice %arg18[%add3A_1013] : memref<16384xf32, #tpu.memory_space<vmem_shared>> -> memref<64xf32, #tpu.memory_space<vmem_shared>>
      tpu.enqueue_dma source(%dma_start3A_1084 : memref<64xf32, #tpu.memory_space<vmem_shared>>) target(%arg17 : memref<64xf32, #tpu.memory_space<vmem>>) target_semaphore(%run_scoped3A : memref<!tpu.dma_semaphore, #tpu.memory_space<semaphore_mem>>)
      %dma_wait3A = tpu.memref_slice %arg18[%add3A_1013] : memref<16384xf32, #tpu.memory_space<vmem_shared>> -> memref<64xf32, #tpu.memory_space<vmem_shared>>
      %dma_wait3A_1085 = tpu.memref_slice %arg18[%add3A_1013] : memref<16384xf32, #tpu.memory_space<vmem_shared>> -> memref<64xf32, #tpu.memory_space<vmem_shared>>
      tpu.wait_dma2 semaphore(%run_scoped3A : memref<!tpu.dma_semaphore, #tpu.memory_space<semaphore_mem>>) src(%dma_wait3A_1085 : memref<64xf32, #tpu.memory_space<vmem_shared>>) dst(%arg17 : memref<64xf32, #tpu.memory_space<vmem>>)
      tpu.yield
    }) : () -> ()
    %get3A_1014 = arith.constant 0 : index
    %get3A_1015 = tpu.vector_load %arg15[%get3A_1014] {strides = array<i32>} : memref<64xf32, #tpu.memory_space<vmem>>, vector<16xf32>,
    %get3A_1016 = arith.constant 0 : index
    %get3A_1017 = tpu.vector_load %arg17[%get3A_1016] {strides = array<i32>} : memref<64xf32, #tpu.memory_space<vmem>>, vector<16xf32>,
    %add3A_1018 = arith.addf %get3A_1015, %get3A_1017 : vector<16xf32>
    %swap3A_1019 = arith.constant 0 : index
    %swap3A_1020 = tpu.vector_load %arg15[%swap3A_1019] {strides = array<i32>} : memref<64xf32, #tpu.memory_space<vmem>>, vector<16xf32>,
    tpu.vector_store %arg15[%swap3A_1019], %add3A_1018 {strides = array<i32>} : memref<64xf32, #tpu.memory_space<vmem>>, vector<16xf32>,
    %get3A_1021 = arith.constant 16 : index
    %get3A_1022 = tpu.vector_load %arg15[%get3A_1021] {strides = array<i32>} : memref<64xf32, #tpu.memory_space<vmem>>, vector<16xf32>,
    %get3A_1023 = arith.constant 16 : index
    %get3A_1024 = tpu.vector_load %arg17[%get3A_1023] {strides = array<i32>} : memref<64xf32, #tpu.memory_space<vmem>>, vector<16xf32>,
    %add3A_1025 = arith.addf %get3A_1022, %get3A_1024 : vector<16xf32>
    %swap3A_1026 = arith.constant 16 : index
    %swap3A_1027 = tpu.vector_load %arg15[%swap3A_1026] {strides = array<i32>} : memref<64xf32, #tpu.memory_space<vmem>>, vector<16xf32>,
    tpu.vector_store %arg15[%swap3A_1026], %add3A_1025 {strides = array<i32>} : memref<64xf32, #tpu.memory_space<vmem>>, vector<16xf32>,
    %get3A_1028 = arith.constant 32 : index
    %get3A_1029 = tpu.vector_load %arg15[%get3A_1028] {strides = array<i32>} : memref<64xf32, #tpu.memory_space<vmem>>, vector<16xf32>,
    %get3A_1030 = arith.constant 32 : index
    %get3A_1031 = tpu.vector_load %arg17[%get3A_1030] {strides = array<i32>} : memref<64xf32, #tpu.memory_space<vmem>>, vector<16xf32>,
    %add3A_1032 = arith.addf %get3A_1029, %get3A_1031 : vector<16xf32>
    %swap3A_1033 = arith.constant 32 : index
    %swap3A_1034 = tpu.vector_load %arg15[%swap3A_1033] {strides = array<i32>} : memref<64xf32, #tpu.memory_space<vmem>>, vector<16xf32>,
    tpu.vector_store %arg15[%swap3A_1033], %add3A_1032 {strides = array<i32>} : memref<64xf32, #tpu.memory_space<vmem>>, vector<16xf32>,
    %get3A_1035 = arith.constant 48 : index
    %get3A_1036 = tpu.vector_load %arg15[%get3A_1035] {strides = array<i32>} : memref<64xf32, #tpu.memory_space<vmem>>, vector<16xf32>,
    %get3A_1037 = arith.constant 48 : index
    %get3A_1038 = tpu.vector_load %arg17[%get3A_1037] {strides = array<i32>} : memref<64xf32, #tpu.memory_space<vmem>>, vector<16xf32>,
    %add3A_1039 = arith.addf %get3A_1036, %get3A_1038 : vector<16xf32>
    %swap3A_1040 = arith.constant 48 : index
    %swap3A_1041 = tpu.vector_load %arg15[%swap3A_1040] {strides = array<i32>} : memref<64xf32, #tpu.memory_space<vmem>>, vector<16xf32>,
    tpu.vector_store %arg15[%swap3A_1040], %add3A_1039 {strides = array<i32>} : memref<64xf32, #tpu.memory_space<vmem>>, vector<16xf32>,
    %mul3A_1042 = arith.constant 64 : i32
    %mul3A_1043 = arith.muli %arg1, %mul3A_1042 : i32
    %add3A_1044 = arith.constant 15360 : i32
    %add3A_1045 = arith.addi %add3A_1044, %mul3A_1043 : i32
    "tpu.region"() ({
      %run_scoped3A = tpu.sem_alloc : memref<!tpu.dma_semaphore, #tpu.memory_space<semaphore_mem>>
      %dma_start3A = tpu.memref_slice %arg19[%add3A_1045] : memref<16384xf32, #tpu.memory_space<vmem_shared>> -> memref<64xf32, #tpu.memory_space<vmem_shared>>
      %dma_start3A_1084 = tpu.memref_slice %arg19[%add3A_1045] : memref<16384xf32, #tpu.memory_space<vmem_shared>> -> memref<64xf32, #tpu.memory_space<vmem_shared>>
      tpu.enqueue_dma source(%dma_start3A_1084 : memref<64xf32, #tpu.memory_space<vmem_shared>>) target(%arg17 : memref<64xf32, #tpu.memory_space<vmem>>) target_semaphore(%run_scoped3A : memref<!tpu.dma_semaphore, #tpu.memory_space<semaphore_mem>>)
      %dma_wait3A = tpu.memref_slice %arg19[%add3A_1045] : memref<16384xf32, #tpu.memory_space<vmem_shared>> -> memref<64xf32, #tpu.memory_space<vmem_shared>>
      %dma_wait3A_1085 = tpu.memref_slice %arg19[%add3A_1045] : memref<16384xf32, #tpu.memory_space<vmem_shared>> -> memref<64xf32, #tpu.memory_space<vmem_shared>>
      tpu.wait_dma2 semaphore(%run_scoped3A : memref<!tpu.dma_semaphore, #tpu.memory_space<semaphore_mem>>) src(%dma_wait3A_1085 : memref<64xf32, #tpu.memory_space<vmem_shared>>) dst(%arg17 : memref<64xf32, #tpu.memory_space<vmem>>)
      tpu.yield
    }) : () -> ()
    %get3A_1046 = arith.constant 0 : index
    %get3A_1047 = tpu.vector_load %arg16[%get3A_1046] {strides = array<i32>} : memref<64xf32, #tpu.memory_space<vmem>>, vector<16xf32>,
    %get3A_1048 = arith.constant 0 : index
    %get3A_1049 = tpu.vector_load %arg17[%get3A_1048] {strides = array<i32>} : memref<64xf32, #tpu.memory_space<vmem>>, vector<16xf32>,
    %add3A_1050 = arith.addf %get3A_1047, %get3A_1049 : vector<16xf32>
    %swap3A_1051 = arith.constant 0 : index
    %swap3A_1052 = tpu.vector_load %arg16[%swap3A_1051] {strides = array<i32>} : memref<64xf32, #tpu.memory_space<vmem>>, vector<16xf32>,
    tpu.vector_store %arg16[%swap3A_1051], %add3A_1050 {strides = array<i32>} : memref<64xf32, #tpu.memory_space<vmem>>, vector<16xf32>,
    %get3A_1053 = arith.constant 16 : index
    %get3A_1054 = tpu.vector_load %arg16[%get3A_1053] {strides = array<i32>} : memref<64xf32, #tpu.memory_space<vmem>>, vector<16xf32>,
    %get3A_1055 = arith.constant 16 : index
    %get3A_1056 = tpu.vector_load %arg17[%get3A_1055] {strides = array<i32>} : memref<64xf32, #tpu.memory_space<vmem>>, vector<16xf32>,
    %add3A_1057 = arith.addf %get3A_1054, %get3A_1056 : vector<16xf32>
    %swap3A_1058 = arith.constant 16 : index
    %swap3A_1059 = tpu.vector_load %arg16[%swap3A_1058] {strides = array<i32>} : memref<64xf32, #tpu.memory_space<vmem>>, vector<16xf32>,
    tpu.vector_store %arg16[%swap3A_1058], %add3A_1057 {strides = array<i32>} : memref<64xf32, #tpu.memory_space<vmem>>, vector<16xf32>,
    %get3A_1060 = arith.constant 32 : index
    %get3A_1061 = tpu.vector_load %arg16[%get3A_1060] {strides = array<i32>} : memref<64xf32, #tpu.memory_space<vmem>>, vector<16xf32>,
    %get3A_1062 = arith.constant 32 : index
    %get3A_1063 = tpu.vector_load %arg17[%get3A_1062] {strides = array<i32>} : memref<64xf32, #tpu.memory_space<vmem>>, vector<16xf32>,
    %add3A_1064 = arith.addf %get3A_1061, %get3A_1063 : vector<16xf32>
    %swap3A_1065 = arith.constant 32 : index
    %swap3A_1066 = tpu.vector_load %arg16[%swap3A_1065] {strides = array<i32>} : memref<64xf32, #tpu.memory_space<vmem>>, vector<16xf32>,
    tpu.vector_store %arg16[%swap3A_1065], %add3A_1064 {strides = array<i32>} : memref<64xf32, #tpu.memory_space<vmem>>, vector<16xf32>,
    %get3A_1067 = arith.constant 48 : index
    %get3A_1068 = tpu.vector_load %arg16[%get3A_1067] {strides = array<i32>} : memref<64xf32, #tpu.memory_space<vmem>>, vector<16xf32>,
    %get3A_1069 = arith.constant 48 : index
    %get3A_1070 = tpu.vector_load %arg17[%get3A_1069] {strides = array<i32>} : memref<64xf32, #tpu.memory_space<vmem>>, vector<16xf32>,
    %add3A_1071 = arith.addf %get3A_1068, %get3A_1070 : vector<16xf32>
    %swap3A_1072 = arith.constant 48 : index
    %swap3A_1073 = tpu.vector_load %arg16[%swap3A_1072] {strides = array<i32>} : memref<64xf32, #tpu.memory_space<vmem>>, vector<16xf32>,
    tpu.vector_store %arg16[%swap3A_1072], %add3A_1071 {strides = array<i32>} : memref<64xf32, #tpu.memory_space<vmem>>, vector<16xf32>,
    %mul3A_1074 = arith.constant 1024 : i32
    %mul3A_1075 = arith.muli %arg0, %mul3A_1074 : i32
    %mul3A_1076 = arith.constant 64 : i32
    %mul3A_1077 = arith.muli %arg1, %mul3A_1076 : i32
    %add3A_1078 = arith.addi %mul3A_1075, %mul3A_1077 : i32
    "tpu.region"() ({
      %run_scoped3A = tpu.sem_alloc : memref<!tpu.dma_semaphore, #tpu.memory_space<semaphore_mem>>
      %dma_start3A = tpu.memref_slice %arg6[%add3A_1078] : memref<2048xf32, #tpu.memory_space<hbm>> -> memref<64xf32, #tpu.memory_space<hbm>>
      %dma_start3A_1084 = tpu.memref_slice %arg6[%add3A_1078] : memref<2048xf32, #tpu.memory_space<hbm>> -> memref<64xf32, #tpu.memory_space<hbm>>
      tpu.enqueue_dma source(%arg15 : memref<64xf32, #tpu.memory_space<vmem>>) target(%dma_start3A_1084 : memref<64xf32, #tpu.memory_space<hbm>>) target_semaphore(%run_scoped3A : memref<!tpu.dma_semaphore, #tpu.memory_space<semaphore_mem>>)
      %dma_wait3A = tpu.memref_slice %arg6[%add3A_1078] : memref<2048xf32, #tpu.memory_space<hbm>> -> memref<64xf32, #tpu.memory_space<hbm>>
      %dma_wait3A_1085 = tpu.memref_slice %arg6[%add3A_1078] : memref<2048xf32, #tpu.memory_space<hbm>> -> memref<64xf32, #tpu.memory_space<hbm>>
      tpu.wait_dma2 semaphore(%run_scoped3A : memref<!tpu.dma_semaphore, #tpu.memory_space<semaphore_mem>>) src(%arg15 : memref<64xf32, #tpu.memory_space<vmem>>) dst(%dma_wait3A_1085 : memref<64xf32, #tpu.memory_space<hbm>>)
      tpu.yield
    }) : () -> ()
    %mul3A_1079 = arith.constant 1024 : i32
    %mul3A_1080 = arith.muli %arg0, %mul3A_1079 : i32
    %mul3A_1081 = arith.constant 64 : i32
    %mul3A_1082 = arith.muli %arg1, %mul3A_1081 : i32
    %add3A_1083 = arith.addi %mul3A_1080, %mul3A_1082 : i32
    "tpu.region"() ({
      %run_scoped3A = tpu.sem_alloc : memref<!tpu.dma_semaphore, #tpu.memory_space<semaphore_mem>>
      %dma_start3A = tpu.memref_slice %arg7[%add3A_1083] : memref<2048xf32, #tpu.memory_space<hbm>> -> memref<64xf32, #tpu.memory_space<hbm>>
      %dma_start3A_1084 = tpu.memref_slice %arg7[%add3A_1083] : memref<2048xf32, #tpu.memory_space<hbm>> -> memref<64xf32, #tpu.memory_space<hbm>>
      tpu.enqueue_dma source(%arg16 : memref<64xf32, #tpu.memory_space<vmem>>) target(%dma_start3A_1084 : memref<64xf32, #tpu.memory_space<hbm>>) target_semaphore(%run_scoped3A : memref<!tpu.dma_semaphore, #tpu.memory_space<semaphore_mem>>)
      %dma_wait3A = tpu.memref_slice %arg7[%add3A_1083] : memref<2048xf32, #tpu.memory_space<hbm>> -> memref<64xf32, #tpu.memory_space<hbm>>
      %dma_wait3A_1085 = tpu.memref_slice %arg7[%add3A_1083] : memref<2048xf32, #tpu.memory_space<hbm>> -> memref<64xf32, #tpu.memory_space<hbm>>
      tpu.wait_dma2 semaphore(%run_scoped3A : memref<!tpu.dma_semaphore, #tpu.memory_space<semaphore_mem>>) src(%arg16 : memref<64xf32, #tpu.memory_space<vmem>>) dst(%dma_wait3A_1085 : memref<64xf32, #tpu.memory_space<hbm>>)
      tpu.yield
    }) : () -> ()
    return
  }
}

module attributes {stable_mosaic.version = 14 : i64} {
  func.func @body(%arg0: i32, %arg1: memref<400x75xf32, #tpu.memory_space<vmem>>, %arg2: memref<75x128xf32, #tpu.memory_space<vmem>>, %arg3: memref<128x1xf32, #tpu.memory_space<vmem>>, %arg4: memref<400x1xf32, #tpu.memory_space<vmem>>) attributes {dimension_semantics = [#tpu.dimension_semantics<arbitrary>], iteration_bounds = array<i64: 125>, scalar_prefetch = 0 : i64, scratch_operands = 0 : i64, tpu.core_type = #tpu.core_type<tc>, window_params = [{transform_indices = @transform_0, window_bounds = array<i64: 400, 75>}, {pipeline_mode = #tpu.pipeline_mode<synchronous>, transform_indices = @transform_1, window_bounds = array<i64: 75, 128>}, {pipeline_mode = #tpu.pipeline_mode<synchronous>, transform_indices = @transform_2, window_bounds = array<i64: 128, 1>}, {transform_indices = @transform_3, window_bounds = array<i64: 400, 1>}]} {
    %get3A = arith.constant 0 : index
    %get3A_0 = arith.constant 0 : index
    %get3A_1 = vector.load %arg2[%get3A, %get3A_0] : memref<75x128xf32, #tpu.memory_space<vmem>>, vector<75x128xf32>
    %get3A_2 = arith.constant 0 : index
    %get3A_3 = arith.constant 0 : index
    %get3A_4 = vector.load %arg3[%get3A_2, %get3A_3] : memref<128x1xf32, #tpu.memory_space<vmem>>, vector<128x1xf32>
    %dot_general3A = arith.constant dense<0.000000e+00> : vector<75x1xf32>
    %dot_general3A_5 = tpu.matmul %get3A_1, %get3A_4, %dot_general3A {dimension_numbers = #tpu.dot_dimension_numbers<[1], [0], [0], [1], [0, 0, 1, 1], [], []>, transpose_lhs_hint = false} : vector<75x128xf32>, vector<128x1xf32>, vector<75x1xf32> -> vector<75x1xf32>
    %get3A_6 = arith.constant 0 : index
    %get3A_7 = arith.constant 0 : index
    %get3A_8 = vector.load %arg1[%get3A_6, %get3A_7] : memref<400x75xf32, #tpu.memory_space<vmem>>, vector<400x75xf32>
    %dot_general3A_9 = arith.constant dense<0.000000e+00> : vector<400x1xf32>
    %dot_general3A_10 = tpu.matmul %get3A_8, %dot_general3A_5, %dot_general3A_9 {dimension_numbers = #tpu.dot_dimension_numbers<[1], [0], [0], [1], [0, 0, 1, 1], [], []>, transpose_lhs_hint = false} : vector<400x75xf32>, vector<75x1xf32>, vector<400x1xf32> -> vector<400x1xf32>
    %swap3A = arith.constant 0 : index
    %swap3A_11 = arith.constant 0 : index
    %swap3A_12 = vector.load %arg4[%swap3A, %swap3A_11] : memref<400x1xf32, #tpu.memory_space<vmem>>, vector<400x1xf32>
    tpu.vector_store %arg4[%swap3A, %swap3A_11], %dot_general3A_10 {strides = array<i32>} : memref<400x1xf32, #tpu.memory_space<vmem>>, vector<400x1xf32>,
    return
  }
  func.func @transform_0(%arg0: i32) -> (i32, i32) {
    %c0_i32 = arith.constant 0 : i32
    %c0_i32_0 = arith.constant 0 : i32
    return %arg0, %c0_i32 : i32, i32
  }
  func.func @transform_1(%arg0: i32) -> (i32, i32) {
    %c0_i32 = arith.constant 0 : i32
    %c0_i32_0 = arith.constant 0 : i32
    %c0_i32_1 = arith.constant 0 : i32
    return %c0_i32, %c0_i32_0 : i32, i32
  }
  func.func @transform_2(%arg0: i32) -> (i32, i32) {
    %c0_i32 = arith.constant 0 : i32
    %c0_i32_0 = arith.constant 0 : i32
    %c0_i32_1 = arith.constant 0 : i32
    return %c0_i32, %c0_i32_0 : i32, i32
  }
  func.func @transform_3(%arg0: i32) -> (i32, i32) {
    %c0_i32 = arith.constant 0 : i32
    %c0_i32_0 = arith.constant 0 : i32
    return %arg0, %c0_i32 : i32, i32
  }
}

module attributes {stable_mosaic.version = 14 : i64} {
  func.func @body(%arg0: memref<2x512x128xf32, #tpu.memory_space<vmem>>, %arg1: memref<512x128xf32, #tpu.memory_space<vmem>>, %arg2: memref<512x128xf32, #tpu.memory_space<vmem>>, %arg3: memref<512x128xf32, #tpu.memory_space<vmem>>) attributes {dimension_semantics = [], scalar_prefetch = 0 : i64, scratch_operands = 0 : i64, tpu.core_type = #tpu.core_type<tc>} {
    %get3A = arith.constant 0 : index
    %get3A_0 = arith.constant 0 : index
    %get3A_1 = vector.load %arg2[%get3A, %get3A_0] : memref<512x128xf32, #tpu.memory_space<vmem>>, vector<512x128xf32>
    %mul3A = arith.mulf %get3A_1, %get3A_1 : vector<512x128xf32>
    %get3A_2 = arith.constant 0 : index
    %get3A_3 = arith.constant 0 : index
    %get3A_4 = arith.constant 0 : index
    %get3A_5 = vector.load %arg0[%get3A_2, %get3A_3, %get3A_4] : memref<2x512x128xf32, #tpu.memory_space<vmem>>, vector<1x512x128xf32>
    %get3A_6 = vector.shape_cast %get3A_5 : vector<1x512x128xf32> to vector<512x128xf32>
    %get3A_7 = arith.constant 1 : index
    %get3A_8 = arith.constant 0 : index
    %get3A_9 = arith.constant 0 : index
    %get3A_10 = vector.load %arg0[%get3A_7, %get3A_8, %get3A_9] : memref<2x512x128xf32, #tpu.memory_space<vmem>>, vector<1x512x128xf32>
    %get3A_11 = vector.shape_cast %get3A_10 : vector<1x512x128xf32> to vector<512x128xf32>
    %add3A = arith.addf %get3A_6, %get3A_11 : vector<512x128xf32>
    %get3A_12 = arith.constant 0 : index
    %get3A_13 = arith.constant 0 : index
    %get3A_14 = vector.load %arg1[%get3A_12, %get3A_13] : memref<512x128xf32, #tpu.memory_space<vmem>>, vector<512x128xf32>
    %add3A_15 = arith.addf %add3A, %get3A_14 : vector<512x128xf32>
    %mul3A_16 = arith.mulf %mul3A, %add3A_15 : vector<512x128xf32>
    %swap3A = arith.constant 0 : index
    %swap3A_17 = arith.constant 0 : index
    %swap3A_18 = vector.load %arg3[%swap3A, %swap3A_17] : memref<512x128xf32, #tpu.memory_space<vmem>>, vector<512x128xf32>
    tpu.vector_store %arg3[%swap3A, %swap3A_17], %mul3A_16 {strides = array<i32>} : memref<512x128xf32, #tpu.memory_space<vmem>>, vector<512x128xf32>,
    return
  }
}

module attributes {stable_mosaic.version = 14 : i64} {
  func.func @body(%arg0: memref<2x512x128xf32, #tpu.memory_space<vmem>>, %arg1: memref<512x128xf32, #tpu.memory_space<vmem>>, %arg2: memref<512x128xf32, #tpu.memory_space<vmem>>, %arg3: memref<512x128xf32, #tpu.memory_space<vmem>>) attributes {dimension_semantics = [], scalar_prefetch = 0 : i64, scratch_operands = 0 : i64, tpu.core_type = #tpu.core_type<tc>} {
    %get3A = arith.constant 0 : index
    %get3A_0 = arith.constant 0 : index
    %get3A_1 = arith.constant 0 : index
    %get3A_2 = vector.load %arg0[%get3A, %get3A_0, %get3A_1] : memref<2x512x128xf32, #tpu.memory_space<vmem>>, vector<1x512x128xf32>
    %get3A_3 = vector.shape_cast %get3A_2 : vector<1x512x128xf32> to vector<512x128xf32>
    %get3A_4 = arith.constant 1 : index
    %get3A_5 = arith.constant 0 : index
    %get3A_6 = arith.constant 0 : index
    %get3A_7 = vector.load %arg0[%get3A_4, %get3A_5, %get3A_6] : memref<2x512x128xf32, #tpu.memory_space<vmem>>, vector<1x512x128xf32>
    %get3A_8 = vector.shape_cast %get3A_7 : vector<1x512x128xf32> to vector<512x128xf32>
    %add3A = arith.addf %get3A_3, %get3A_8 : vector<512x128xf32>
    %add3A_9 = arith.constant 1.000000e+00 : f32
    %add3A_10 = vector.broadcast %add3A_9 : f32 to vector<512x128xf32>
    %add3A_11 = arith.addf %add3A, %add3A_10 : vector<512x128xf32>
    %rsqrt3A = math.rsqrt %add3A_11 : vector<512x128xf32>
    %swap3A = arith.constant 0 : index
    %swap3A_12 = arith.constant 0 : index
    %swap3A_13 = vector.load %arg2[%swap3A, %swap3A_12] : memref<512x128xf32, #tpu.memory_space<vmem>>, vector<512x128xf32>
    tpu.vector_store %arg2[%swap3A, %swap3A_12], %rsqrt3A {strides = array<i32>} : memref<512x128xf32, #tpu.memory_space<vmem>>, vector<512x128xf32>,
    %get3A_14 = arith.constant 0 : index
    %get3A_15 = arith.constant 0 : index
    %get3A_16 = vector.load %arg1[%get3A_14, %get3A_15] : memref<512x128xf32, #tpu.memory_space<vmem>>, vector<512x128xf32>
    %mul3A = arith.mulf %rsqrt3A, %get3A_16 : vector<512x128xf32>
    %swap3A_17 = arith.constant 0 : index
    %swap3A_18 = arith.constant 0 : index
    %swap3A_19 = vector.load %arg3[%swap3A_17, %swap3A_18] : memref<512x128xf32, #tpu.memory_space<vmem>>, vector<512x128xf32>
    tpu.vector_store %arg3[%swap3A_17, %swap3A_18], %mul3A {strides = array<i32>} : memref<512x128xf32, #tpu.memory_space<vmem>>, vector<512x128xf32>,
    return
  }
}

module attributes {stable_mosaic.version = 14 : i64} {
  func.func @body(%arg0: memref<2x8x128xf32, #tpu.memory_space<vmem>>, %arg1: memref<2x8x128xf32, #tpu.memory_space<vmem>>, %arg2: memref<1x128xf32, #tpu.memory_space<vmem>>, %arg3: memref<1x128xf32, #tpu.memory_space<vmem>>, %arg4: memref<1x1xf32, #tpu.memory_space<vmem>>, %arg5: memref<8x128xf32, #tpu.memory_space<vmem>>) attributes {dimension_semantics = [], scalar_prefetch = 0 : i64, scratch_operands = 0 : i64, tpu.core_type = #tpu.core_type<tc>} {
    %get3A = arith.constant 0 : index
    %get3A_0 = arith.constant 0 : index
    %get3A_1 = vector.load %arg2[%get3A, %get3A_0] : memref<1x128xf32, #tpu.memory_space<vmem>>, vector<1x128xf32>
    %get3A_2 = arith.constant 0 : index
    %get3A_3 = arith.constant 0 : index
    %get3A_4 = vector.load %arg3[%get3A_2, %get3A_3] : memref<1x128xf32, #tpu.memory_space<vmem>>, vector<1x128xf32>
    %mul3A = arith.mulf %get3A_1, %get3A_4 : vector<1x128xf32>
    %reduce_sum3A = vector.shape_cast %mul3A : vector<1x128xf32> to vector<1x1x128xf32>
    %reduce_sum3A_5 = arith.constant dense<0.000000e+00> : vector<1xf32>
    %reduce_sum3A_6 = vector.multi_reduction <add>, %reduce_sum3A, %reduce_sum3A_5 [1, 2] : vector<1x1x128xf32> to vector<1xf32>
    %reduce_sum3A_7 = vector.shape_cast %reduce_sum3A_6 : vector<1xf32> to vector<1x1x1xf32>
    %reduce_sum3A_8 = vector.extract %reduce_sum3A_7[0, 0, 0] : f32 from vector<1x1x1xf32>
    %get3A_9 = arith.constant 0 : index
    %get3A_10 = arith.constant 0 : index
    %get3A_11 = arith.constant 0 : index
    %get3A_12 = vector.load %arg0[%get3A_9, %get3A_10, %get3A_11] : memref<2x8x128xf32, #tpu.memory_space<vmem>>, vector<1x8x128xf32>
    %get3A_13 = vector.shape_cast %get3A_12 : vector<1x8x128xf32> to vector<8x128xf32>
    %get3A_14 = arith.constant 1 : index
    %get3A_15 = arith.constant 0 : index
    %get3A_16 = arith.constant 0 : index
    %get3A_17 = vector.load %arg0[%get3A_14, %get3A_15, %get3A_16] : memref<2x8x128xf32, #tpu.memory_space<vmem>>, vector<1x8x128xf32>
    %get3A_18 = vector.shape_cast %get3A_17 : vector<1x8x128xf32> to vector<8x128xf32>
    %add3A = arith.addf %get3A_13, %get3A_18 : vector<8x128xf32>
    %get3A_19 = arith.constant 0 : index
    %get3A_20 = arith.constant 0 : index
    %get3A_21 = arith.constant 0 : index
    %get3A_22 = vector.load %arg1[%get3A_19, %get3A_20, %get3A_21] : memref<2x8x128xf32, #tpu.memory_space<vmem>>, vector<1x8x128xf32>
    %get3A_23 = vector.shape_cast %get3A_22 : vector<1x8x128xf32> to vector<8x128xf32>
    %get3A_24 = arith.constant 1 : index
    %get3A_25 = arith.constant 0 : index
    %get3A_26 = arith.constant 0 : index
    %get3A_27 = vector.load %arg1[%get3A_24, %get3A_25, %get3A_26] : memref<2x8x128xf32, #tpu.memory_space<vmem>>, vector<1x8x128xf32>
    %get3A_28 = vector.shape_cast %get3A_27 : vector<1x8x128xf32> to vector<8x128xf32>
    %add3A_29 = arith.addf %get3A_23, %get3A_28 : vector<8x128xf32>
    %mul3A_30 = vector.broadcast %reduce_sum3A_8 : f32 to vector<8x128xf32>
    %mul3A_31 = arith.mulf %add3A_29, %mul3A_30 : vector<8x128xf32>
    %add3A_32 = arith.addf %add3A, %mul3A_31 : vector<8x128xf32>
    %get3A_33 = arith.constant 0 : index
    %get3A_34 = arith.constant 0 : index
    %get3A_35 = vector.load %arg4[%get3A_33, %get3A_34] : memref<1x1xf32, #tpu.memory_space<vmem>>, vector<1x1xf32>
    %get3A_36 = vector.extract %get3A_35[0, 0] : f32 from vector<1x1xf32>
    %add3A_37 = vector.broadcast %get3A_36 : f32 to vector<8x128xf32>
    %add3A_38 = arith.addf %add3A_32, %add3A_37 : vector<8x128xf32>
    %swap3A = arith.constant 0 : index
    %swap3A_39 = arith.constant 0 : index
    %swap3A_40 = vector.load %arg5[%swap3A, %swap3A_39] : memref<8x128xf32, #tpu.memory_space<vmem>>, vector<8x128xf32>
    tpu.vector_store %arg5[%swap3A, %swap3A_39], %add3A_38 {strides = array<i32>} : memref<8x128xf32, #tpu.memory_space<vmem>>, vector<8x128xf32>,
    return
  }
}

</mosaic_0001>

<sc_bundles>
// kernel: kernel.10.cloned.1.call-start
scs
__scs_entry_jumppad:
0x0: {  	(pc) =	sbr.rel $0x88, $3  }
0x1: {  	(tag) =	ssettag $0x0;
	lr =	simm.s32 $0x1  }
0x2: {  	[smem:$0x3F9A] =	sst lr;
	_ =	strace $0xD0000000  }
0x3: {  	_ = 	snop  }
0x4: {  	_ = 	snop  }
0x5: {  	_ = 	snop  }
0x6: {  	_ = 	snop  }
0x7: {  	_ = 	snop  }
__scs_overlays_trampoline_lowered:
0x8: {  	[smem:$0x3FA9] =	sst s0  }
0x9: {  	[smem:$0x3FAA] =	sst s1  }
0xa: {  	[smem:$0x3FAB] =	sst s2  }
0xb: {  	[smem:$0x3FAC] =	sst s3  }
0xc: {  	[smem:$0x3FAD] =	sst s4  }
0xd: {  	[smem:$0x3FAE] =	sst s5  }
0xe: {  	[smem:$0x3FAF] =	sst s6  }
0xf: {  	[smem:$0x3FB0] =	sst s7  }
0x10: {  	[smem:$0x3FB1] =	sst s8  }
0x11: {  	[smem:$0x3FB2] =	sst s9;
	s0 =	simm.s32 @!p0 $0x0  }
0x12: {  	s1 =	sld [smem:$0x3F98];
	s0 =	simm.s32 @p0 $0x1  }
0x13: {  	[smem:$0x3FB3] =	sst s0;
	s0 =	simm.s32 @!p1 $0x0  }
0x14: {  	s2 =	sld [smem:$0x3F97];
	s0 =	simm.s32 @p1 $0x1  }
0x15: {  	[smem:$0x3FB4] =	sst s0;
	s0 =	simm.s32 @!p2 $0x0  }
0x16: {  	s3 =	sld [smem:$0x3FDB];
	s0 =	simm.s32 @p2 $0x1  }
0x17: {  	s4 =	simm.s32 $0x1BF5;
	[smem:$0x3FB6] =	sst s0  }
0x18: {  	s0 =	sld [smem:$0x3F99];
	_ =	swait.ge [sflag:s4], $0x0  }
0x19: {  	s7 =	sld [smem:$0x3F9A]  }
0x1a: {  	s8 =	sadd.s32 $0xFFFFE003, lr  }
0x1b: {  	s9 =	sadd.s32 $0xFFFFFEF7, lr;
	s5 =	simm.s32 $0xFFFFFFFF;
	p2 =	slt.u32 s8, $0xFFFFF086  }
0x1c: {  	p1 =	slt.u32 s9, $0xF7A;
	s5 =	simm.s32 @!p2 $0x0  }
0x1d: {  	s5 =	simm.s32 @p1 $0x1;
	p0 =	seq.s32 s7, s2  }
0x1e: {  	s7 =	smul.u32 @!p0 $0xF7A, s2;
	p2 =	seq.s32 @!p0 s5, $0x0  }
0x1f: {  	s9 =	smul.u32 $0xF7A, s1;
	s8 =	simm.s32 @!p0 $0x1BF5;
	p2 =	por !p2, p0  }
0x20: {  	[sflag:s8] =	ssyncset.s32 @!p0 $0xFFFFF086;
	s6 =	sadd.s32 @!p0 s3, s7;
	s7 =	simm.s32 @!p0 $0x108  }
0x21: {  	s3 =	sadd.s32 s3, s9;
	s6 =	sadd.s32 @!p0 $0x88, s6;
	s7 =	simm.s32 @p2 $0x1082  }
0x22: {  	[simem:s7], [sflag:s8] =	dma.local @!p0 [hbm:s6], $0xF7A  }
0x23: {  	s9 =	sor.u32 $0xD0000000, s2;
	s6 =	simm.s32 $0x108;
	_ =	swait.ge @!p0 [sflag:s8], $0x0  }
0x24: {  	s3 =	sadd.s32 $0x88, s3;
	s6 =	simm.s32 @!p1 $0x1082;
	[sflag:s4] =	ssyncset.s32 $0xFFFFF086  }
0x25: {  	[simem:s6], [sflag:s4] =	dma.local [hbm:s3], $0xF7A  }
0x26: {  	[smem:$0x3F9A] =	sst s1;
	(tag) =	ssettag s2;
	_ =	strace s9  }
0x27: {  	s1 =	sld [smem:$0x3FAA]  }
0x28: {  	s2 =	sld [smem:$0x3FAB]  }
0x29: {  	s4 =	sld [smem:$0x3FAD]  }
0x2a: {  	p0 =	seq.s32 s5, $0x0;
	s5 =	sld [smem:$0x3FAE]  }
0x2b: {  	s6 =	sld [smem:$0x3FAF]  }
0x2c: {  	s7 =	sld [smem:$0x3FB0]  }
0x2d: {  	s3 =	simm.s32 $0x108;
	s8 =	sld [smem:$0x3FB1]  }
0x2e: {  	s3 =	simm.s32 @!p0 $0x1082;
	s9 =	sld [smem:$0x3FB2]  }
0x2f: {  	lr =	sadd.s32 s0, s3;
	s0 =	sld [smem:$0x3FA9]  }
0x30: {  	s3 =	sld [smem:$0x3FAC]  }
0x31: {  	[smem:$0x3FB5] =	sst s10  }
0x32: {  	s10 =	sld [smem:$0x3FB3];
	_ =	sdelay $0x3  }
0x33: {  	p0 =	seq.s32 s10, $0x1;
	s10 =	sld [smem:$0x3FB5];
	_ =	sdelay $0x3  }
0x34: {  	[smem:$0x3FB5] =	sst s10  }
0x35: {  	s10 =	sld [smem:$0x3FB4];
	_ =	sdelay $0x3  }
0x36: {  	p1 =	seq.s32 s10, $0x1;
	s10 =	sld [smem:$0x3FB5];
	_ =	sdelay $0x3  }
0x37: {  	[smem:$0x3FB5] =	sst s10  }
0x38: {  	s10 =	sld [smem:$0x3FB6]  }
0x39: {  	_ = 	snop;
	(pc) =	sbr.ind lr, $3  }
0x3a: {  	_ = 	snop  }
0x3b: {  	_ = 	snop  }
0x3c: {  	p2 =	seq.s32 s10, $0x1;
	s10 =	sld [smem:$0x3FB5]  }
0x3d: {  	_ =	shalt  }
0x3e: {  	_ =	shalt  }
0x3f: {  	_ =	shalt  }
0x40: {  	_ =	shalt  }
0x41: {  	_ =	shalt  }
0x42: {  	_ =	shalt  }
0x43: {  	_ =	shalt  }
0x44: {  	_ =	shalt  }
0x45: {  	_ =	shalt  }
0x46: {  	_ =	shalt  }
0x47: {  	_ =	shalt  }
0x48: {  	_ =	shalt  }
0x49: {  	_ =	shalt  }
0x4a: {  	_ =	shalt  }
0x4b: {  	_ =	shalt  }
0x4c: {  	_ =	shalt  }
0x4d: {  	_ =	shalt  }
0x4e: {  	_ =	shalt  }
0x4f: {  	_ =	shalt  }
0x50: {  	_ =	shalt  }
0x51: {  	_ =	shalt  }
0x52: {  	_ =	shalt  }
0x53: {  	_ =	shalt  }
0x54: {  	_ =	shalt  }
0x55: {  	_ =	shalt  }
0x56: {  	_ =	shalt  }
0x57: {  	_ =	shalt  }
0x58: {  	_ =	shalt  }
0x59: {  	_ =	shalt  }
0x5a: {  	_ =	shalt  }
0x5b: {  	_ =	shalt  }
0x5c: {  	_ =	shalt  }
0x5d: {  	_ =	shalt  }
0x5e: {  	_ =	shalt  }
0x5f: {  	_ =	shalt  }
0x60: {  	_ =	shalt  }
0x61: {  	_ =	shalt  }
0x62: {  	_ =	shalt  }
0x63: {  	_ =	shalt  }
0x64: {  	_ =	shalt  }
0x65: {  	_ =	shalt  }
0x66: {  	_ =	shalt  }
0x67: {  	_ =	shalt  }
0x68: {  	_ =	shalt  }
0x69: {  	_ =	shalt  }
0x6a: {  	_ =	shalt  }
0x6b: {  	_ =	shalt  }
0x6c: {  	_ =	shalt  }
0x6d: {  	_ =	shalt  }
0x6e: {  	_ =	shalt  }
0x6f: {  	_ =	shalt  }
0x70: {  	_ =	shalt  }
0x71: {  	_ =	shalt  }
0x72: {  	_ =	shalt  }
0x73: {  	_ =	shalt  }
0x74: {  	_ =	shalt  }
0x75: {  	_ =	shalt  }
0x76: {  	_ =	shalt  }
0x77: {  	_ =	shalt  }
0x78: {  	_ =	shalt  }
0x79: {  	_ =	shalt  }
0x7a: {  	_ =	shalt  }
0x7b: {  	_ =	shalt  }
0x7c: {  	_ =	shalt  }
0x7d: {  	_ =	shalt  }
0x7e: {  	_ =	shalt  }
0x7f: {  	_ =	shalt  }
0x80: {  	_ =	shalt  }
0x81: {  	_ =	shalt  }
0x82: {  	_ =	shalt  }
0x83: {  	_ =	shalt  }
0x84: {  	_ =	shalt  }
0x85: {  	_ =	shalt  }
0x86: {  	_ =	shalt  }
0x87: {  	_ =	shalt  }
.Lfunc_end0:
.L_simem_size_0:
called_computation_lowered:
.L_overlay_start_0:
0x88: {  	s2 =	sld [smem:$0x3FD9]  }
0x89: {  	s3 =	sld [smem:$0x3FFE];
	_ =	sdelay $0x1  }
0x8a: {  	s1 =	srdreg.scid  }
0x8b: {  	s0 =	sand.u32 $0x1, s1  }
0x8c: {  	s16 =	sshll.u32 s0, $0xA;
	s2 =	sadd.s32 s3, s2  }
0x8d: {  	s2 =	sadd.s32 s2, s16  }
0x8e: {  	[smem:$0x3FC1] =	sst s2  }
0x8f: {  	_ = 	snop  }
0x90: {  	(tm) =	ssettm $0x1  }
0x91: {  	s17 =	sld [smem:$0x3FFB];
	_ =	sdelay $0x3  }
0x92: {  	_ =	strace s17  }
0x93: {  	s2 =	sld [smem:$0x3FFC];
	_ =	sdelay $0x3  }
0x94: {  	_ =	strace s2  }
0x95: {  	s2 =	sld [smem:$0x3FFD];
	_ =	sdelay $0x3  }
0x96: {  	_ =	strace s2  }
0x97: {  	_ =	strace $0x8FFFFFFF  }
0x98: {  	s18 =	sld [smem:$0x3FDB];
	_ =	sdelay $0x1  }
0x99: {  	s19 =	simm.s32 $_scs_section_size  }
0x9a: {  	s4 =	simm.s32 $_size__tile_overlayer_lowered;
	s5 =	simm.s32 $_tile_overlayer_lowered  }
0x9b: {  	s22 =	simm.s32 $0x1BFF;
	s21 =	sshll.u32 s5, $0x1;
	s2 =	sadd.s32 s19, s18  }
0x9c: {  	s6 =	simm.s32 $0x0;
	s20 =	sshll.u32 s4, $0x1;
	s4 =	sadd.s32 s21, s2  }
0x9d: {  	[timem:s6], [sflag:s22] =	dma.local [hbm:s4], s20  }
0x9e: {  	_ =	swait.ge [sflag:s22], s20  }
0x9f: {  	s3 =	ssub.s32 $0x0, s20;
	[sflag:s22] =	ssyncset.done $0x0  }
0xa0: {  	[sflag:s22] =	ssyncadd.s32 s3;
	_ =	sdelay $0x1  }
0xa1: {  	s23 =	simm.s32 $0x1B8B  }
0xa2: {  	_ =	swait.ge [sflag:s23], $0x1  }
0xa3: {  	[sflag:s23] =	ssyncset.done $0x0  }
0xa4: {  	s25 =	simm.s32 $0x1B8E;
	s24 =	sld [smem:$0x3FFE];
	[sflag:s23] =	ssyncadd.s32 $0xFFFFFFFF  }
0xa5: {  	s26 =	simm.s32 $execute0_lowered;
	[smem:$0x3FD2] =	sst s25  }
0xa6: {  	s4 =	sshll.u32 s26, $0x1;
	_ =	strace $0x80000046;
	[dreg:$0x1] =	wrdreg $0xFFFFFFFF  }
0xa7: {  	s28 =	simm.s32 $_size_execute0_lowered;
	s2 =	sadd.s32 s2, s4;
	[dreg:$0x0] =	wrdreg $0x0  }
0xa8: {  	s4 =	sshll.u32 s28, $0x1;
	[dreg:$0x2] =	wrdreg s2  }
0xa9: {  	[dreg:$0x3] =	wrdreg s4  }
0xaa: {  	[dreg:$0x4] =	wrdreg $0xC0  }
0xab: {  	_ =	task [dreg:s6], $0x5FFFF  }
0xac: {  	[dreg:$0x1] =	wrdreg $0xFFFFFFFF  }
0xad: {  	[dreg:$0x0] =	wrdreg $0x60  }
0xae: {  	[dreg:$0x2] =	wrdreg s24  }
0xaf: {  	[dreg:$0x3] =	wrdreg $0xD8000  }
0xb0: {  	[dreg:$0x4] =	wrdreg $0x9  }
0xb1: {  	_ =	task.clear_ibuf [dreg:s6], $0x5FFFF;
	_ =	strace $0x90000046  }
0xb2: {  	s29 =	simm.s32 $0x9;
	_ =	strace $0x80000048  }
0xb3: {  	_ =	swait.ge [sflag:s29], $0x1  }
0xb4: {  	[sflag:s29] =	ssyncadd.s32 $0xFFFFFFFF  }
0xb5: {  	_ =	strace $0x90000048  }
0xb6: {  	_ =	sfence  }
0xb7: {  	s30 =	sld [smem:$0x0];
	_ =	sdelay $0x2  }
0xb8: {  	s31 =	sshll.u32 s1, $0xD;
	s1 =	sshrl.u32 s1, $0x2  }
0xb9: {  	s3 =	sand.u32 $0x4000, s31;
	s1 =	sadd.s32 s1, s30  }
0xba: {  	s0 =	sor.u32 s3, s0;
	s1 =	sshll.u32 s1, $0x11  }
0xbb: {  	s0 =	sor.u32 s1, s0  }
0xbc: {  	s0 =	sadd.s32 $0x8F2B, s0  }
0xbd: {  	[sflag:s0] =	ssyncadd.remote.s32 $0x1  }
0xbe: {  	_ =	sfence.sel $0xFFFF  }
0xbf: {  	[dreg:$0x0] =	wrdreg $0xFFFFFFFF;
	(pc) =	sbr.abs _section_cstart, $3  }
0xc0: {  	[dreg:$0x1] =	wrdreg $0xFFFFFFFF  }
0xc1: {  	_ =	task.clear_ibuf [dreg:s6], $0x2FFFF;
	_ =	strace $0x9FFFFFFF  }
0xc2: {  	(tm) =	ssettm $0x7FFFFFFF  }
0xc3: {  	_ =	shalt  }
tec
execute0_lowered:
.L_overlay_start_1:
0x0: {  	(tag) =	ssettag $0x1  }
0x1: {  	s4 =	rddreg [dreg:$0x0]  }
0x2: {  	s1 =	rddreg [dreg:$0x1]  }
0x3: {  	s2 =	srdreg.scid;
	s0 =	rddreg [dreg:$0x2];
	s3 =	simm.s32 $0x0  }
0x4: {  	s10 =	simm.s32 $0x6400;
	s11 =	simm.s32 $0x0;
	s5 =	sand.u32 $0x1, s2  }
0x5: {  	s2 =	stileid.u32;
	[smem:$0x7FF] =	sst s3;
	s6 =	sshll.u32 s5, $0x4  }
0x6: {  	s7 =	sshll.u32 s2, $0xC;
	s8 =	sshll.u32 s5, $0x10;
	s6 =	sor.u32 s2, s6  }
0x7: {  	s5 =	ssub.s32 $0x2, s5;
	s8 =	sor.u32 s7, s8;
	s6 =	smul.u32 $0xC80, s6  }
0x8: {  	_ =	strace $0x80000047;
	s31 =	sshrl.u32 s5, $0x1;
	s8 =	sshrl.u32 s8, $0x3  }
0x9: {  	s9 =	ssub.s32 s5, s31;
	s8 =	sadd.s32 s8, s4;
	s6 =	sadd.s32 s6, s4  }
0xa: {  	s4 =	sadd.s32 s7, s1;
	s7 =	smax.u32 s9, $0x1;
	s9 =	simm.s32 $0x1  }
0xb: {  	v0 =	vimm.f32 $0.0e+00;
	v1 =	vimm.f32 $1.000000000e+00;
	s5 =	sadd.s32 $0x3000, s6;
	s6 =	sadd.s32 $0x1C000, s8;
	s8 =	simm.s32 $0xC800  }
.LBB2_1:
0xc: {  	s12 =	simm.s32 $0x0;
	s13 =	simm.s32 $0x200  }
.LBB2_2:
0xd: {  	p0 =	sne.s32 s13, $0x3E00;
	[tilespmem:s12+$0xC870] =	vst v0  }
0xe: {  	[tilespmem:s12+$0xC800] =	vst v0  }
0xf: {  	[tilespmem:s12+$0xC810] =	vst v0  }
.Ltmp0:
0x10: {  	[tilespmem:s12+$0xC820] =	vst v0;
	(pc) =	sbr.rel @p0 .LBB2_2-.Ltmp0, $4  }
0x11: {  	[tilespmem:s12+$0xC830] =	vst v0  }
0x12: {  	[tilespmem:s12+$0xC840] =	vst v0  }
0x13: {  	[tilespmem:s12+$0xC850] =	vst v0  }
0x14: {  	[tilespmem:s12+$0xC860] =	vst v0;
	s12 =	sshra.s32 s13, $0x2;
	s13 =	sadd.s32 $0x200, s13  }
0x15: {  	[tilespmem:s12+$0xC870] =	vst v0  }
0x16: {  	[tilespmem:s12+$0xC800] =	vst v0  }
0x17: {  	[tilespmem:s12+$0xC810] =	vst v0  }
0x18: {  	[tilespmem:s12+$0xC820] =	vst v0  }
0x19: {  	[tilespmem:s12+$0xC830] =	vst v0  }
0x1a: {  	[tilespmem:s12+$0xC840] =	vst v0  }
0x1b: {  	[tilespmem:s12+$0xC850] =	vst v0  }
0x1c: {  	[tilespmem:s12+$0xC860] =	vst v0;
	s12 =	simm.s32 $0x0;
	s13 =	simm.s32 $0x200  }
.LBB2_4:
0x1d: {  	p0 =	sne.s32 s13, $0x18E00;
	[tilespmem:s12+$0x6470] =	vst v1  }
0x1e: {  	[tilespmem:s12+$0x6400] =	vst v1  }
0x1f: {  	[tilespmem:s12+$0x6410] =	vst v1  }
.Ltmp1:
0x20: {  	[tilespmem:s12+$0x6420] =	vst v1;
	(pc) =	sbr.rel @p0 .LBB2_4-.Ltmp1, $4  }
0x21: {  	[tilespmem:s12+$0x6430] =	vst v1  }
0x22: {  	[tilespmem:s12+$0x6440] =	vst v1  }
0x23: {  	[tilespmem:s12+$0x6450] =	vst v1  }
0x24: {  	[tilespmem:s12+$0x6460] =	vst v1;
	s12 =	sshra.s32 s13, $0x2;
	s13 =	sadd.s32 $0x200, s13  }
0x25: {  	[tilespmem:s12+$0x6470] =	vst v1  }
0x26: {  	[tilespmem:s12+$0x6400] =	vst v1  }
0x27: {  	[tilespmem:s12+$0x6410] =	vst v1  }
0x28: {  	[tilespmem:s12+$0x6420] =	vst v1  }
0x29: {  	[tilespmem:s12+$0x6430] =	vst v1  }
0x2a: {  	[tilespmem:s12+$0x6440] =	vst v1  }
0x2b: {  	[tilespmem:s12+$0x6450] =	vst v1  }
0x2c: {  	[tilespmem:s12+$0x6460] =	vst v1  }
0x2d: {  	[spmem:s4] =	stream.linear.scatter [tilespmem:s8], [sflag:$0x1], $0x1000, $0x38;
	[tilespmem:$0xE800] =	vst v63  }
0x2e: {  	_ =	swait.ge [sflag:s9], $0x1000  }
0x2f: {  	[sflag:s9] =	ssyncset.done $0x0  }
0x30: {  	[sflag:s9] =	ssyncadd.s32 $0xFFFFF000  }
0x31: {  	[bflag:$0x0] =	sbarrier.arrive $0xFFFF  }
0x32: {  	[tilespmem:s3], [sflag:$0x1] =	stream.linear.gather [hbm4b:s5+s3], $0x6400, $0x38;
	[tilespmem:$0xE800] =	vst v63  }
0x33: {  	_ =	swait.ge [sflag:s9], $0x6400  }
0x34: {  	[sflag:s9] =	ssyncset.done $0x0  }
0x35: {  	[sflag:s9] =	ssyncadd.s32 $0xFFFF9C00  }
0x36: {  	[spmem:s1] =	stream.indirect.scatter.add.f32 [tilespmem:s10], [sflag:$0x1], $0x1, s3, s10, $0xb8;
	[tilespmem:$0xE800] =	vst v63  }
0x37: {  	_ =	swait.ge [sflag:s9], $0x6400  }
0x38: {  	[sflag:s9] =	ssyncset.done $0x0  }
0x39: {  	[sflag:s9] =	ssyncadd.s32 $0xFFFF9C00  }
0x3a: {  	[bflag:$0x0] =	sbarrier.arrive $0xFFFF  }
0x3b: {  	[tilespmem:s8], [sflag:$0x1] =	stream.linear.gather [spmem:s4], $0x1000, $0x38;
	[tilespmem:$0xE800] =	vst v63  }
0x3c: {  	s11 =	sadd.s32 $0x1, s11;
	_ =	swait.ge [sflag:s9], $0x1000  }
0x3d: {  	p0 =	sne.s32 s11, s7;
	[sflag:s9] =	ssyncset.done $0x0  }
.Ltmp2:
0x3e: {  	[sflag:s9] =	ssyncadd.s32 $0xFFFFF000;
	(pc) =	sbr.rel @p0 .LBB2_1-.Ltmp2, $4  }
0x3f: {  	[hbm4b:s6+s3] =	stream.linear.scatter [tilespmem:s8], [sflag:$0x1], $0x1000, $0x38;
	[tilespmem:$0xE800] =	vst v63  }
0x40: {  	_ =	swait.ge [sflag:s9], $0x1000  }
0x41: {  	[sflag:s9] =	ssyncset.done $0x0  }
0x42: {  	[sflag:s9] =	ssyncadd.s32 $0xFFFFF000  }
0x43: {  	_ =	sfence.sel $0x180000  }
0x44: {  	[bflag:$0x0] =	sbarrier.arrive $0xFFFF  }
0x45: {  	p0 =	sne.s32 s2, $0x0;
	_ =	strace $0x90000047  }
0x46: {  	s0 =	sadd.s32 @!p0 $0x100000, s0;
	[bflag:$0x2] =	sbarrier.arrive $0xFFFF  }
0x47: {  	[sflag:s0] =	ssyncadd.tile.s32 @!p0 $0x1;
	_ =	shalt  }
.Lfunc_end2:
_tile_overlayer_lowered:
.L_overlay_start_2:
0x48: {  	(tag) =	ssettag $0x2  }
0x49: {  	s0 =	rddreg [dreg:$0x0];
	s2 =	stileid.u32  }
0x4a: {  	s1 =	rddreg [dreg:$0x1];
	p0 =	sne.s32 s2, $0x0  }
0x4b: {  	s3 =	rddreg [dreg:$0x2];
	[bflag:$0x3] =	sbarrier.arrive $0xFFFF;
	s2 =	simm.s32 @!p0 $0x1C01  }
0x4c: {  	[timem:s3], [sflag:s2] =	dma.local @!p0 [hbm:s0], s1  }
0x4d: {  	s0 =	simm.s32 @!p0 $0x1  }
0x4e: {  	_ =	swait.ge @!p0 [sflag:s0], s1  }
0x4f: {  	s1 =	ssub.s32 @!p0 $0x0, s1;
	[sflag:s0] =	ssyncset.done @!p0 $0x0  }
0x50: {  	[sflag:s0] =	ssyncadd.s32 @!p0 s1  }
0x51: {  	[bflag:$0x3] =	sbarrier.arrive $0xFFFF  }
0x52: {  	_ =	shalt  }

// kernel: kernel.13.cloned.1.call-start
scs
__scs_entry_jumppad:
0x0: {  	(pc) =	sbr.rel $0x88, $3  }
0x1: {  	(tag) =	ssettag $0x0;
	lr =	simm.s32 $0x1  }
0x2: {  	[smem:$0x3F9A] =	sst lr;
	_ =	strace $0xD0000000  }
0x3: {  	_ = 	snop  }
0x4: {  	_ = 	snop  }
0x5: {  	_ = 	snop  }
0x6: {  	_ = 	snop  }
0x7: {  	_ = 	snop  }
__scs_overlays_trampoline_lowered:
0x8: {  	[smem:$0x3FA9] =	sst s0  }
0x9: {  	[smem:$0x3FAA] =	sst s1  }
0xa: {  	[smem:$0x3FAB] =	sst s2  }
0xb: {  	[smem:$0x3FAC] =	sst s3  }
0xc: {  	[smem:$0x3FAD] =	sst s4  }
0xd: {  	[smem:$0x3FAE] =	sst s5  }
0xe: {  	[smem:$0x3FAF] =	sst s6  }
0xf: {  	[smem:$0x3FB0] =	sst s7  }
0x10: {  	[smem:$0x3FB1] =	sst s8  }
0x11: {  	[smem:$0x3FB2] =	sst s9;
	s0 =	simm.s32 @!p0 $0x0  }
0x12: {  	s1 =	sld [smem:$0x3F98];
	s0 =	simm.s32 @p0 $0x1  }
0x13: {  	[smem:$0x3FB3] =	sst s0;
	s0 =	simm.s32 @!p1 $0x0  }
0x14: {  	s2 =	sld [smem:$0x3F97];
	s0 =	simm.s32 @p1 $0x1  }
0x15: {  	[smem:$0x3FB4] =	sst s0;
	s0 =	simm.s32 @!p2 $0x0  }
0x16: {  	s3 =	sld [smem:$0x3FDB];
	s0 =	simm.s32 @p2 $0x1  }
0x17: {  	s4 =	simm.s32 $0x1BF5;
	[smem:$0x3FB6] =	sst s0  }
0x18: {  	s0 =	sld [smem:$0x3F99];
	_ =	swait.ge [sflag:s4], $0x0  }
0x19: {  	s7 =	sld [smem:$0x3F9A]  }
0x1a: {  	s8 =	sadd.s32 $0xFFFFE003, lr  }
0x1b: {  	s9 =	sadd.s32 $0xFFFFFEF7, lr;
	s5 =	simm.s32 $0xFFFFFFFF;
	p2 =	slt.u32 s8, $0xFFFFF086  }
0x1c: {  	p1 =	slt.u32 s9, $0xF7A;
	s5 =	simm.s32 @!p2 $0x0  }
0x1d: {  	s5 =	simm.s32 @p1 $0x1;
	p0 =	seq.s32 s7, s2  }
0x1e: {  	s7 =	smul.u32 @!p0 $0xF7A, s2;
	p2 =	seq.s32 @!p0 s5, $0x0  }
0x1f: {  	s9 =	smul.u32 $0xF7A, s1;
	s8 =	simm.s32 @!p0 $0x1BF5;
	p2 =	por !p2, p0  }
0x20: {  	[sflag:s8] =	ssyncset.s32 @!p0 $0xFFFFF086;
	s6 =	sadd.s32 @!p0 s3, s7;
	s7 =	simm.s32 @!p0 $0x108  }
0x21: {  	s3 =	sadd.s32 s3, s9;
	s6 =	sadd.s32 @!p0 $0x88, s6;
	s7 =	simm.s32 @p2 $0x1082  }
0x22: {  	[simem:s7], [sflag:s8] =	dma.local @!p0 [hbm:s6], $0xF7A  }
0x23: {  	s9 =	sor.u32 $0xD0000000, s2;
	s6 =	simm.s32 $0x108;
	_ =	swait.ge @!p0 [sflag:s8], $0x0  }
0x24: {  	s3 =	sadd.s32 $0x88, s3;
	s6 =	simm.s32 @!p1 $0x1082;
	[sflag:s4] =	ssyncset.s32 $0xFFFFF086  }
0x25: {  	[simem:s6], [sflag:s4] =	dma.local [hbm:s3], $0xF7A  }
0x26: {  	[smem:$0x3F9A] =	sst s1;
	(tag) =	ssettag s2;
	_ =	strace s9  }
0x27: {  	s1 =	sld [smem:$0x3FAA]  }
0x28: {  	s2 =	sld [smem:$0x3FAB]  }
0x29: {  	s4 =	sld [smem:$0x3FAD]  }
0x2a: {  	p0 =	seq.s32 s5, $0x0;
	s5 =	sld [smem:$0x3FAE]  }
0x2b: {  	s6 =	sld [smem:$0x3FAF]  }
0x2c: {  	s7 =	sld [smem:$0x3FB0]  }
0x2d: {  	s3 =	simm.s32 $0x108;
	s8 =	sld [smem:$0x3FB1]  }
0x2e: {  	s3 =	simm.s32 @!p0 $0x1082;
	s9 =	sld [smem:$0x3FB2]  }
0x2f: {  	lr =	sadd.s32 s0, s3;
	s0 =	sld [smem:$0x3FA9]  }
0x30: {  	s3 =	sld [smem:$0x3FAC]  }
0x31: {  	[smem:$0x3FB5] =	sst s10  }
0x32: {  	s10 =	sld [smem:$0x3FB3];
	_ =	sdelay $0x3  }
0x33: {  	p0 =	seq.s32 s10, $0x1;
	s10 =	sld [smem:$0x3FB5];
	_ =	sdelay $0x3  }
0x34: {  	[smem:$0x3FB5] =	sst s10  }
0x35: {  	s10 =	sld [smem:$0x3FB4];
	_ =	sdelay $0x3  }
0x36: {  	p1 =	seq.s32 s10, $0x1;
	s10 =	sld [smem:$0x3FB5];
	_ =	sdelay $0x3  }
0x37: {  	[smem:$0x3FB5] =	sst s10  }
0x38: {  	s10 =	sld [smem:$0x3FB6]  }
0x39: {  	_ = 	snop;
	(pc) =	sbr.ind lr, $3  }
0x3a: {  	_ = 	snop  }
0x3b: {  	_ = 	snop  }
0x3c: {  	p2 =	seq.s32 s10, $0x1;
	s10 =	sld [smem:$0x3FB5]  }
0x3d: {  	_ =	shalt  }
0x3e: {  	_ =	shalt  }
0x3f: {  	_ =	shalt  }
0x40: {  	_ =	shalt  }
0x41: {  	_ =	shalt  }
0x42: {  	_ =	shalt  }
0x43: {  	_ =	shalt  }
0x44: {  	_ =	shalt  }
0x45: {  	_ =	shalt  }
0x46: {  	_ =	shalt  }
0x47: {  	_ =	shalt  }
0x48: {  	_ =	shalt  }
0x49: {  	_ =	shalt  }
0x4a: {  	_ =	shalt  }
0x4b: {  	_ =	shalt  }
0x4c: {  	_ =	shalt  }
0x4d: {  	_ =	shalt  }
0x4e: {  	_ =	shalt  }
0x4f: {  	_ =	shalt  }
0x50: {  	_ =	shalt  }
0x51: {  	_ =	shalt  }
0x52: {  	_ =	shalt  }
0x53: {  	_ =	shalt  }
0x54: {  	_ =	shalt  }
0x55: {  	_ =	shalt  }
0x56: {  	_ =	shalt  }
0x57: {  	_ =	shalt  }
0x58: {  	_ =	shalt  }
0x59: {  	_ =	shalt  }
0x5a: {  	_ =	shalt  }
0x5b: {  	_ =	shalt  }
0x5c: {  	_ =	shalt  }
0x5d: {  	_ =	shalt  }
0x5e: {  	_ =	shalt  }
0x5f: {  	_ =	shalt  }
0x60: {  	_ =	shalt  }
0x61: {  	_ =	shalt  }
0x62: {  	_ =	shalt  }
0x63: {  	_ =	shalt  }
0x64: {  	_ =	shalt  }
0x65: {  	_ =	shalt  }
0x66: {  	_ =	shalt  }
0x67: {  	_ =	shalt  }
0x68: {  	_ =	shalt  }
0x69: {  	_ =	shalt  }
0x6a: {  	_ =	shalt  }
0x6b: {  	_ =	shalt  }
0x6c: {  	_ =	shalt  }
0x6d: {  	_ =	shalt  }
0x6e: {  	_ =	shalt  }
0x6f: {  	_ =	shalt  }
0x70: {  	_ =	shalt  }
0x71: {  	_ =	shalt  }
0x72: {  	_ =	shalt  }
0x73: {  	_ =	shalt  }
0x74: {  	_ =	shalt  }
0x75: {  	_ =	shalt  }
0x76: {  	_ =	shalt  }
0x77: {  	_ =	shalt  }
0x78: {  	_ =	shalt  }
0x79: {  	_ =	shalt  }
0x7a: {  	_ =	shalt  }
0x7b: {  	_ =	shalt  }
0x7c: {  	_ =	shalt  }
0x7d: {  	_ =	shalt  }
0x7e: {  	_ =	shalt  }
0x7f: {  	_ =	shalt  }
0x80: {  	_ =	shalt  }
0x81: {  	_ =	shalt  }
0x82: {  	_ =	shalt  }
0x83: {  	_ =	shalt  }
0x84: {  	_ =	shalt  }
0x85: {  	_ =	shalt  }
0x86: {  	_ =	shalt  }
0x87: {  	_ =	shalt  }
.Lfunc_end0:
.L_simem_size_0:
called_computation.1_lowered:
.L_overlay_start_0:
0x88: {  	s2 =	sld [smem:$0x3FD9]  }
0x89: {  	s3 =	sld [smem:$0x3FFE];
	_ =	sdelay $0x1  }
0x8a: {  	s1 =	srdreg.scid  }
0x8b: {  	s0 =	sand.u32 $0x1, s1  }
0x8c: {  	s16 =	sshll.u32 s0, $0xA;
	s2 =	sadd.s32 s3, s2  }
0x8d: {  	s2 =	sadd.s32 s2, s16  }
0x8e: {  	[smem:$0x3FC1] =	sst s2  }
0x8f: {  	_ = 	snop  }
0x90: {  	(tm) =	ssettm $0x1  }
0x91: {  	s17 =	sld [smem:$0x3FFB];
	_ =	sdelay $0x3  }
0x92: {  	_ =	strace s17  }
0x93: {  	s2 =	sld [smem:$0x3FFC];
	_ =	sdelay $0x3  }
0x94: {  	_ =	strace s2  }
0x95: {  	s2 =	sld [smem:$0x3FFD];
	_ =	sdelay $0x3  }
0x96: {  	_ =	strace s2  }
0x97: {  	_ =	strace $0x8FFFFFFF  }
0x98: {  	s18 =	sld [smem:$0x3FDB];
	_ =	sdelay $0x1  }
0x99: {  	s19 =	simm.s32 $_scs_section_size  }
0x9a: {  	s4 =	simm.s32 $_size__tile_overlayer_lowered;
	s5 =	simm.s32 $_tile_overlayer_lowered  }
0x9b: {  	s22 =	simm.s32 $0x1BFF;
	s21 =	sshll.u32 s5, $0x1;
	s2 =	sadd.s32 s19, s18  }
0x9c: {  	s6 =	simm.s32 $0x0;
	s20 =	sshll.u32 s4, $0x1;
	s4 =	sadd.s32 s21, s2  }
0x9d: {  	[timem:s6], [sflag:s22] =	dma.local [hbm:s4], s20  }
0x9e: {  	_ =	swait.ge [sflag:s22], s20  }
0x9f: {  	s3 =	ssub.s32 $0x0, s20;
	[sflag:s22] =	ssyncset.done $0x0  }
0xa0: {  	[sflag:s22] =	ssyncadd.s32 s3;
	_ =	sdelay $0x1  }
0xa1: {  	s23 =	simm.s32 $0x1B8B  }
0xa2: {  	_ =	swait.ge [sflag:s23], $0x1  }
0xa3: {  	[sflag:s23] =	ssyncset.done $0x0  }
0xa4: {  	s25 =	simm.s32 $0x1B8E;
	s24 =	sld [smem:$0x3FFE];
	[sflag:s23] =	ssyncadd.s32 $0xFFFFFFFF  }
0xa5: {  	s26 =	simm.s32 $execute0_lowered;
	[smem:$0x3FD2] =	sst s25  }
0xa6: {  	s4 =	sshll.u32 s26, $0x1;
	_ =	strace $0x80000049;
	[dreg:$0x1] =	wrdreg $0xFFFFFFFF  }
0xa7: {  	s28 =	simm.s32 $_size_execute0_lowered;
	s2 =	sadd.s32 s2, s4;
	[dreg:$0x0] =	wrdreg $0x0  }
0xa8: {  	s4 =	sshll.u32 s28, $0x1;
	[dreg:$0x2] =	wrdreg s2  }
0xa9: {  	[dreg:$0x3] =	wrdreg s4  }
0xaa: {  	[dreg:$0x4] =	wrdreg $0xC0  }
0xab: {  	_ =	task [dreg:s6], $0x5FFFF  }
0xac: {  	[dreg:$0x1] =	wrdreg $0xFFFFFFFF  }
0xad: {  	[dreg:$0x0] =	wrdreg $0x60  }
0xae: {  	[dreg:$0x2] =	wrdreg s24  }
0xaf: {  	[dreg:$0x3] =	wrdreg $0x18D000  }
0xb0: {  	[dreg:$0x4] =	wrdreg $0x9  }
0xb1: {  	_ =	task.clear_ibuf [dreg:s6], $0x5FFFF;
	_ =	strace $0x90000049  }
0xb2: {  	s29 =	simm.s32 $0x9;
	_ =	strace $0x8000004B  }
0xb3: {  	_ =	swait.ge [sflag:s29], $0x1  }
0xb4: {  	[sflag:s29] =	ssyncadd.s32 $0xFFFFFFFF  }
0xb5: {  	_ =	strace $0x9000004B  }
0xb6: {  	_ =	sfence  }
0xb7: {  	s30 =	sld [smem:$0x0];
	_ =	sdelay $0x2  }
0xb8: {  	s31 =	sshll.u32 s1, $0xD;
	s1 =	sshrl.u32 s1, $0x2  }
0xb9: {  	s3 =	sand.u32 $0x4000, s31;
	s1 =	sadd.s32 s1, s30  }
0xba: {  	s0 =	sor.u32 s3, s0;
	s1 =	sshll.u32 s1, $0x11  }
0xbb: {  	s0 =	sor.u32 s1, s0  }
0xbc: {  	s0 =	sadd.s32 $0x8F2B, s0  }
0xbd: {  	[sflag:s0] =	ssyncadd.remote.s32 $0x1  }
0xbe: {  	_ =	sfence.sel $0xFFFF  }
0xbf: {  	[dreg:$0x0] =	wrdreg $0xFFFFFFFF;
	(pc) =	sbr.abs _section_cstart, $3  }
0xc0: {  	[dreg:$0x1] =	wrdreg $0xFFFFFFFF  }
0xc1: {  	_ =	task.clear_ibuf [dreg:s6], $0x2FFFF;
	_ =	strace $0x9FFFFFFF  }
0xc2: {  	(tm) =	ssettm $0x7FFFFFFF  }
0xc3: {  	_ =	shalt  }
tec
execute0_lowered:
.L_overlay_start_1:
0x0: {  	(tag) =	ssettag $0x1  }
0x1: {  	s5 =	rddreg [dreg:$0x0]  }
0x2: {  	s1 =	rddreg [dreg:$0x1]  }
0x3: {  	s0 =	rddreg [dreg:$0x2];
	s2 =	simm.s32 $0x0;
	s3 =	srdreg.scid  }
0x4: {  	s17 =	simm.s32 $0x4;
	s18 =	simm.s32 $0x1;
	s19 =	simm.s32 $0x10000  }
0x5: {  	s20 =	simm.s32 $0x11900;
	s21 =	simm.s32 $0x1900;
	s22 =	simm.s32 $0x14B00  }
0x6: {  	s23 =	simm.s32 $0x13200;
	s24 =	simm.s32 $0x16400;
	s25 =	simm.s32 $0x2  }
0x7: {  	s26 =	simm.s32 $0x3;
	s28 =	simm.s32 $0x0;
	[smem:$0x7FF] =	sst s2  }
0x8: {  	s6 =	sand.u32 $0x1, s3;
	s12 =	sadd.s32 $0x20000, s5;
	s3 =	stileid.u32  }
0x9: {  	s13 =	sadd.s32 $0x3000, s5;
	_ =	strace $0x8000004A;
	s4 =	sshll.u32 s6, $0x4  }
0xa: {  	s7 =	sshll.u32 s3, $0xC;
	s8 =	sshll.u32 s6, $0x10;
	s6 =	ssub.s32 $0x2, s6  }
0xb: {  	s4 =	sor.u32 s3, s4;
	s8 =	sor.u32 s7, s8;
	s31 =	sshrl.u32 s6, $0x1  }
0xc: {  	s9 =	smul.u32 $0x6400, s4;
	s4 =	sadd.s32 $0x1C000, s5;
	s8 =	sshrl.u32 s8, $0x3  }
0xd: {  	s15 =	ssub.s32 s6, s31;
	s14 =	sadd.s32 s8, s5;
	s5 =	sadd.s32 s7, s1  }
0xe: {  	s15 =	smax.u32 s15, $0x1;
	s10 =	sshrl.u32 s9, $0x3;
	s14 =	sadd.s32 $0x39000, s14  }
0xf: {  	s9 =	sadd.s32 $0x320, s10;
	s6 =	sadd.s32 s12, s10;
	s7 =	sadd.s32 s13, s10  }
0x10: {  	s11 =	sadd.s32 $0x640, s10;
	s16 =	sadd.s32 $0x960, s10;
	s8 =	sadd.s32 s12, s9  }
0x11: {  	s9 =	sadd.s32 s13, s9;
	s10 =	sadd.s32 s12, s11;
	s11 =	sadd.s32 s13, s11  }
0x12: {  	v0 =	vimm.f32 $0.0e+00;
	s12 =	sadd.s32 s12, s16;
	s13 =	sadd.s32 s13, s16;
	s16 =	simm.s32 $0x17D00  }
.LBB2_1:
0x13: {  	[tilespmem:s2], [sflag:$0x1] =	stream.linear.gather [hbm4b:s4+s2], $0x10000, $0x38;
	[tilespmem:$0x19D00] =	vst v63  }
0x14: {  	s29 =	simm.s32 $0x0;
	s30 =	simm.s32 $0x200  }
.LBB2_2:
0x15: {  	p0 =	sne.s32 s30, $0x3E00;
	[tilespmem:s29+$0x17D70] =	vst v0  }
0x16: {  	[tilespmem:s29+$0x17D00] =	vst v0  }
0x17: {  	[tilespmem:s29+$0x17D10] =	vst v0  }
.Ltmp0:
0x18: {  	[tilespmem:s29+$0x17D20] =	vst v0;
	(pc) =	sbr.rel @p0 .LBB2_2-.Ltmp0, $4  }
0x19: {  	[tilespmem:s29+$0x17D30] =	vst v0  }
0x1a: {  	[tilespmem:s29+$0x17D40] =	vst v0  }
0x1b: {  	[tilespmem:s29+$0x17D50] =	vst v0  }
0x1c: {  	[tilespmem:s29+$0x17D60] =	vst v0;
	s29 =	sshra.s32 s30, $0x2;
	s30 =	sadd.s32 $0x200, s30  }
0x1d: {  	[tilespmem:s29+$0x17D70] =	vst v0  }
0x1e: {  	[tilespmem:s29+$0x17D00] =	vst v0  }
0x1f: {  	[tilespmem:s29+$0x17D10] =	vst v0  }
0x20: {  	[tilespmem:s29+$0x17D20] =	vst v0  }
0x21: {  	[tilespmem:s29+$0x17D30] =	vst v0  }
0x22: {  	[tilespmem:s29+$0x17D40] =	vst v0  }
0x23: {  	[tilespmem:s29+$0x17D50] =	vst v0  }
0x24: {  	[tilespmem:s29+$0x17D60] =	vst v0  }
0x25: {  	[spmem:s5] =	stream.linear.scatter [tilespmem:s16], [sflag:$0x4], $0x1000, $0x38;
	[tilespmem:$0x19D00] =	vst v63  }
0x26: {  	_ =	swait.ge [sflag:s17], $0x1000  }
0x27: {  	[sflag:s17] =	ssyncset.done $0x0  }
0x28: {  	[sflag:s17] =	ssyncadd.s32 $0xFFFFF000  }
0x29: {  	_ =	swait.ge [sflag:s18], $0x10000  }
0x2a: {  	[sflag:s18] =	ssyncset.done $0x0  }
0x2b: {  	[sflag:s18] =	ssyncadd.s32 $0xFFFF0000  }
0x2c: {  	s29 =	simm.s32 $0x0;
	[bflag:$0x0] =	sbarrier.arrive $0xFFFF  }
0x2d: {  	[tilespmem:s19], [sflag:$0x4] =	stream.linear.gather [hbm4b:s6+s29], $0x1900, $0x38;
	[tilespmem:$0x19D00] =	vst v63  }
0x2e: {  	_ =	swait.ge [sflag:s17], $0x1900  }
0x2f: {  	[sflag:s17] =	ssyncset.done $0x0  }
0x30: {  	[sflag:s17] =	ssyncadd.s32 $0xFFFFE700  }
0x31: {  	[tilespmem:s20], [sflag:$0x4] =	stream.linear.gather [hbm4b:s7+s29], $0x1900, $0x38;
	[tilespmem:$0x19D00] =	vst v63  }
0x32: {  	_ =	swait.ge [sflag:s17], $0x1900  }
0x33: {  	[sflag:s17] =	ssyncset.done $0x0  }
0x34: {  	s29 =	simm.s32 $0x0;
	[sflag:s17] =	ssyncadd.s32 $0xFFFFE700  }
0x35: {  	v1 =	vld [tilespmem:s29+$0x10000];
	_ =	sdelay $0x5  }
0x36: {  	v2 =	vld [tilespmem:s29+$0x10010];
	_ =	sdelay $0x1  }
0x37: {  	v1 =	vld.idx.msk [tilespmem:v1+s2+$0x0], $0xffff;
	_ =	sdelay $0x4  }
0x38: {  	[tilespmem:s29+$0x14B00] =	vst v1;
	v1 =	vld [tilespmem:s29+$0x10020]  }
0x39: {  	v2 =	vld.idx.msk [tilespmem:v2+s2+$0x0], $0xffff;
	_ =	sdelay $0x4  }
0x3a: {  	[tilespmem:s29+$0x14B10] =	vst v2;
	v2 =	vld [tilespmem:s29+$0x10030];
	_ =	sdelay $0x1  }
0x3b: {  	v1 =	vld.idx.msk [tilespmem:v1+s2+$0x0], $0xffff;
	_ =	sdelay $0x4  }
0x3c: {  	[tilespmem:s29+$0x14B20] =	vst v1;
	v1 =	vld [tilespmem:s29+$0x10040]  }
0x3d: {  	v2 =	vld.idx.msk [tilespmem:v2+s2+$0x0], $0xffff;
	_ =	sdelay $0x4  }
0x3e: {  	[tilespmem:s29+$0x14B30] =	vst v2;
	v2 =	vld [tilespmem:s29+$0x10050];
	_ =	sdelay $0x1  }
0x3f: {  	v1 =	vld.idx.msk [tilespmem:v1+s2+$0x0], $0xffff;
	_ =	sdelay $0x4  }
0x40: {  	v3 =	vld [tilespmem:s29+$0x10060];
	[tilespmem:s29+$0x14B40] =	vst v1  }
0x41: {  	v1 =	vld.idx.msk [tilespmem:v2+s2+$0x0], $0xffff;
	_ =	sdelay $0x4  }
0x42: {  	[tilespmem:s29+$0x14B50] =	vst v1;
	v1 =	vld [tilespmem:s29+$0x10070];
	_ =	sdelay $0x1  }
0x43: {  	v2 =	vld.idx.msk [tilespmem:v3+s2+$0x0], $0xffff;
	_ =	sdelay $0x3  }
0x44: {  	s31 =	simm.s32 $0x80;
	s30 =	simm.s32 $0x400  }
.LBB2_4:
0x45: {  	p0 =	sne.s32 s30, $0x6200;
	v3 =	vld [tilespmem:s31+$0x10000];
	[tilespmem:s29+$0x14B60] =	vst v2  }
0x46: {  	v1 =	vld.idx.msk [tilespmem:v1+s2+$0x0], $0xffff;
	_ =	sdelay $0x5  }
0x47: {  	v2 =	vld [tilespmem:s31+$0x10010];
	[tilespmem:s29+$0x14B70] =	vst v1;
	s29 =	smov.u32 s31  }
0x48: {  	v1 =	vld.idx.msk [tilespmem:v3+s2+$0x0], $0xffff;
	_ =	sdelay $0x5  }
0x49: {  	[tilespmem:s29+$0x14B00] =	vst v1;
	v1 =	vld [tilespmem:s29+$0x10020]  }
0x4a: {  	v2 =	vld.idx.msk [tilespmem:v2+s2+$0x0], $0xffff;
	_ =	sdelay $0x5  }
0x4b: {  	[tilespmem:s29+$0x14B10] =	vst v2;
	v2 =	vld [tilespmem:s29+$0x10030]  }
0x4c: {  	v1 =	vld.idx.msk [tilespmem:v1+s2+$0x0], $0xffff;
	_ =	sdelay $0x5  }
0x4d: {  	[tilespmem:s29+$0x14B20] =	vst v1;
	v1 =	vld [tilespmem:s29+$0x10040]  }
0x4e: {  	v2 =	vld.idx.msk [tilespmem:v2+s2+$0x0], $0xffff;
	_ =	sdelay $0x5  }
0x4f: {  	[tilespmem:s29+$0x14B30] =	vst v2;
	v2 =	vld [tilespmem:s29+$0x10050]  }
0x50: {  	v1 =	vld.idx.msk [tilespmem:v1+s2+$0x0], $0xffff;
	_ =	sdelay $0x5  }
0x51: {  	[tilespmem:s29+$0x14B40] =	vst v1;
	v3 =	vld [tilespmem:s29+$0x10060]  }
0x52: {  	v1 =	vld.idx.msk [tilespmem:v2+s2+$0x0], $0xffff;
	_ =	sdelay $0x5  }
0x53: {  	[tilespmem:s29+$0x14B50] =	vst v1;
	v1 =	vld [tilespmem:s29+$0x10070]  }
0x54: {  	v2 =	vld.idx.msk [tilespmem:v3+s2+$0x0], $0xffff  }
.Ltmp1:
0x55: {  	(pc) =	sbr.rel @p0 .LBB2_4-.Ltmp1, $2  }
0x56: {  	_ =	sdelay $0x2  }
0x57: {  	s31 =	sshra.s32 s30, $0x2;
	s30 =	sadd.s32 $0x200, s30  }
0x58: {  	_ =	sdelay $0x1  }
0x59: {  	v3 =	vld [tilespmem:s31+$0x10000]  }
0x5a: {  	[tilespmem:s29+$0x14B60] =	vst v2  }
0x5b: {  	v1 =	vld.idx.msk [tilespmem:v1+s2+$0x0], $0xffff;
	_ =	sdelay $0x3  }
0x5c: {  	v2 =	vld [tilespmem:s31+$0x10010]  }
0x5d: {  	[tilespmem:s29+$0x14B70] =	vst v1  }
0x5e: {  	v1 =	vld.idx.msk [tilespmem:v3+s2+$0x0], $0xffff;
	_ =	sdelay $0x4  }
0x5f: {  	[tilespmem:s31+$0x14B00] =	vst v1;
	v1 =	vld [tilespmem:s31+$0x10020]  }
0x60: {  	v2 =	vld.idx.msk [tilespmem:v2+s2+$0x0], $0xffff;
	_ =	sdelay $0x4  }
0x61: {  	[tilespmem:s31+$0x14B10] =	vst v2;
	v2 =	vld [tilespmem:s31+$0x10030];
	_ =	sdelay $0x1  }
0x62: {  	v1 =	vld.idx.msk [tilespmem:v1+s2+$0x0], $0xffff;
	_ =	sdelay $0x4  }
0x63: {  	[tilespmem:s31+$0x14B20] =	vst v1;
	v1 =	vld [tilespmem:s31+$0x10040]  }
0x64: {  	v2 =	vld.idx.msk [tilespmem:v2+s2+$0x0], $0xffff;
	_ =	sdelay $0x4  }
0x65: {  	[tilespmem:s31+$0x14B30] =	vst v2;
	v2 =	vld [tilespmem:s31+$0x10050];
	_ =	sdelay $0x1  }
0x66: {  	v1 =	vld.idx.msk [tilespmem:v1+s2+$0x0], $0xffff;
	_ =	sdelay $0x4  }
0x67: {  	[tilespmem:s31+$0x14B40] =	vst v1;
	v1 =	vld [tilespmem:s31+$0x10060]  }
0x68: {  	v2 =	vld.idx.msk [tilespmem:v2+s2+$0x0], $0xffff;
	_ =	sdelay $0x4  }
0x69: {  	[tilespmem:s31+$0x14B50] =	vst v2;
	v2 =	vld [tilespmem:s31+$0x10070];
	_ =	sdelay $0x1  }
0x6a: {  	v1 =	vld.idx.msk [tilespmem:v1+s2+$0x0], $0xffff;
	_ =	sdelay $0x4  }
0x6b: {  	[tilespmem:s31+$0x14B60] =	vst v1  }
0x6c: {  	v1 =	vld.idx.msk [tilespmem:v2+s2+$0x0], $0xffff;
	_ =	sdelay $0x4  }
0x6d: {  	[tilespmem:s31+$0x14B70] =	vst v1  }
0x6e: {  	[spmem:s1] =	stream.indirect.scatter.add.f32 [tilespmem:s22], [sflag:$0x2], $0x1, s20, s21, $0xb8;
	[tilespmem:$0x19D00] =	vst v63  }
0x6f: {  	s29 =	simm.s32 $0x0  }
0x70: {  	[tilespmem:s19], [sflag:$0x4] =	stream.linear.gather [hbm4b:s8+s29], $0x1900, $0x38;
	[tilespmem:$0x19D00] =	vst v63  }
0x71: {  	_ =	swait.ge [sflag:s17], $0x1900  }
0x72: {  	[sflag:s17] =	ssyncset.done $0x0  }
0x73: {  	[sflag:s17] =	ssyncadd.s32 $0xFFFFE700  }
0x74: {  	[tilespmem:s23], [sflag:$0x4] =	stream.linear.gather [hbm4b:s9+s29], $0x1900, $0x38;
	[tilespmem:$0x19D00] =	vst v63  }
0x75: {  	_ =	swait.ge [sflag:s17], $0x1900  }
0x76: {  	[sflag:s17] =	ssyncset.done $0x0  }
0x77: {  	s29 =	simm.s32 $0x0;
	[sflag:s17] =	ssyncadd.s32 $0xFFFFE700  }
0x78: {  	v1 =	vld [tilespmem:s29+$0x10000];
	_ =	sdelay $0x5  }
0x79: {  	v2 =	vld [tilespmem:s29+$0x10010];
	_ =	sdelay $0x1  }
0x7a: {  	v1 =	vld.idx.msk [tilespmem:v1+s2+$0x0], $0xffff;
	_ =	sdelay $0x4  }
0x7b: {  	[tilespmem:s29+$0x16400] =	vst v1;
	v1 =	vld [tilespmem:s29+$0x10020]  }
0x7c: {  	v2 =	vld.idx.msk [tilespmem:v2+s2+$0x0], $0xffff;
	_ =	sdelay $0x4  }
0x7d: {  	[tilespmem:s29+$0x16410] =	vst v2;
	v2 =	vld [tilespmem:s29+$0x10030];
	_ =	sdelay $0x1  }
0x7e: {  	v1 =	vld.idx.msk [tilespmem:v1+s2+$0x0], $0xffff;
	_ =	sdelay $0x4  }
0x7f: {  	[tilespmem:s29+$0x16420] =	vst v1;
	v1 =	vld [tilespmem:s29+$0x10040]  }
0x80: {  	v2 =	vld.idx.msk [tilespmem:v2+s2+$0x0], $0xffff;
	_ =	sdelay $0x4  }
0x81: {  	[tilespmem:s29+$0x16430] =	vst v2;
	v2 =	vld [tilespmem:s29+$0x10050];
	_ =	sdelay $0x1  }
0x82: {  	v1 =	vld.idx.msk [tilespmem:v1+s2+$0x0], $0xffff;
	_ =	sdelay $0x4  }
0x83: {  	v3 =	vld [tilespmem:s29+$0x10060];
	[tilespmem:s29+$0x16440] =	vst v1  }
0x84: {  	v1 =	vld.idx.msk [tilespmem:v2+s2+$0x0], $0xffff;
	_ =	sdelay $0x4  }
0x85: {  	[tilespmem:s29+$0x16450] =	vst v1;
	v1 =	vld [tilespmem:s29+$0x10070];
	_ =	sdelay $0x1  }
0x86: {  	v2 =	vld.idx.msk [tilespmem:v3+s2+$0x0], $0xffff;
	_ =	sdelay $0x3  }
0x87: {  	s30 =	simm.s32 $0x400;
	s31 =	simm.s32 $0x80  }
.LBB2_6:
0x88: {  	p0 =	sne.s32 s30, $0x6200;
	v3 =	vld [tilespmem:s31+$0x10000];
	[tilespmem:s29+$0x16460] =	vst v2  }
0x89: {  	v1 =	vld.idx.msk [tilespmem:v1+s2+$0x0], $0xffff;
	_ =	sdelay $0x5  }
0x8a: {  	v2 =	vld [tilespmem:s31+$0x10010];
	[tilespmem:s29+$0x16470] =	vst v1;
	s29 =	smov.u32 s31  }
0x8b: {  	v1 =	vld.idx.msk [tilespmem:v3+s2+$0x0], $0xffff;
	_ =	sdelay $0x5  }
0x8c: {  	[tilespmem:s29+$0x16400] =	vst v1;
	v1 =	vld [tilespmem:s29+$0x10020]  }
0x8d: {  	v2 =	vld.idx.msk [tilespmem:v2+s2+$0x0], $0xffff;
	_ =	sdelay $0x5  }
0x8e: {  	[tilespmem:s29+$0x16410] =	vst v2;
	v2 =	vld [tilespmem:s29+$0x10030]  }
0x8f: {  	v1 =	vld.idx.msk [tilespmem:v1+s2+$0x0], $0xffff;
	_ =	sdelay $0x5  }
0x90: {  	[tilespmem:s29+$0x16420] =	vst v1;
	v1 =	vld [tilespmem:s29+$0x10040]  }
0x91: {  	v2 =	vld.idx.msk [tilespmem:v2+s2+$0x0], $0xffff;
	_ =	sdelay $0x5  }
0x92: {  	[tilespmem:s29+$0x16430] =	vst v2;
	v2 =	vld [tilespmem:s29+$0x10050]  }
0x93: {  	v1 =	vld.idx.msk [tilespmem:v1+s2+$0x0], $0xffff;
	_ =	sdelay $0x5  }
0x94: {  	[tilespmem:s29+$0x16440] =	vst v1;
	v3 =	vld [tilespmem:s29+$0x10060]  }
0x95: {  	v1 =	vld.idx.msk [tilespmem:v2+s2+$0x0], $0xffff;
	_ =	sdelay $0x5  }
0x96: {  	[tilespmem:s29+$0x16450] =	vst v1;
	v1 =	vld [tilespmem:s29+$0x10070]  }
0x97: {  	v2 =	vld.idx.msk [tilespmem:v3+s2+$0x0], $0xffff  }
.Ltmp2:
0x98: {  	(pc) =	sbr.rel @p0 .LBB2_6-.Ltmp2, $2  }
0x99: {  	_ =	sdelay $0x2  }
0x9a: {  	s31 =	sshra.s32 s30, $0x2;
	s30 =	sadd.s32 $0x200, s30  }
0x9b: {  	_ =	sdelay $0x1  }
0x9c: {  	v3 =	vld [tilespmem:s31+$0x10000]  }
0x9d: {  	[tilespmem:s29+$0x16460] =	vst v2  }
0x9e: {  	v1 =	vld.idx.msk [tilespmem:v1+s2+$0x0], $0xffff;
	_ =	sdelay $0x3  }
0x9f: {  	v2 =	vld [tilespmem:s31+$0x10010]  }
0xa0: {  	[tilespmem:s29+$0x16470] =	vst v1  }
0xa1: {  	v1 =	vld.idx.msk [tilespmem:v3+s2+$0x0], $0xffff;
	_ =	sdelay $0x4  }
0xa2: {  	[tilespmem:s31+$0x16400] =	vst v1;
	v1 =	vld [tilespmem:s31+$0x10020]  }
0xa3: {  	v2 =	vld.idx.msk [tilespmem:v2+s2+$0x0], $0xffff;
	_ =	sdelay $0x4  }
0xa4: {  	[tilespmem:s31+$0x16410] =	vst v2;
	v2 =	vld [tilespmem:s31+$0x10030];
	_ =	sdelay $0x1  }
0xa5: {  	v1 =	vld.idx.msk [tilespmem:v1+s2+$0x0], $0xffff;
	_ =	sdelay $0x4  }
0xa6: {  	[tilespmem:s31+$0x16420] =	vst v1;
	v1 =	vld [tilespmem:s31+$0x10040]  }
0xa7: {  	v2 =	vld.idx.msk [tilespmem:v2+s2+$0x0], $0xffff;
	_ =	sdelay $0x4  }
0xa8: {  	[tilespmem:s31+$0x16430] =	vst v2;
	v2 =	vld [tilespmem:s31+$0x10050];
	_ =	sdelay $0x1  }
0xa9: {  	v1 =	vld.idx.msk [tilespmem:v1+s2+$0x0], $0xffff;
	_ =	sdelay $0x4  }
0xaa: {  	[tilespmem:s31+$0x16440] =	vst v1;
	v1 =	vld [tilespmem:s31+$0x10060]  }
0xab: {  	v2 =	vld.idx.msk [tilespmem:v2+s2+$0x0], $0xffff;
	_ =	sdelay $0x4  }
0xac: {  	[tilespmem:s31+$0x16450] =	vst v2;
	v2 =	vld [tilespmem:s31+$0x10070];
	_ =	sdelay $0x1  }
0xad: {  	v1 =	vld.idx.msk [tilespmem:v1+s2+$0x0], $0xffff;
	_ =	sdelay $0x4  }
0xae: {  	[tilespmem:s31+$0x16460] =	vst v1  }
0xaf: {  	v1 =	vld.idx.msk [tilespmem:v2+s2+$0x0], $0xffff;
	_ =	sdelay $0x4  }
0xb0: {  	[tilespmem:s31+$0x16470] =	vst v1  }
0xb1: {  	[spmem:s1] =	stream.indirect.scatter.add.f32 [tilespmem:s24], [sflag:$0x3], $0x1, s23, s21, $0xb8;
	[tilespmem:$0x19D00] =	vst v63  }
0xb2: {  	_ =	swait.ge [sflag:s25], $0x1900  }
0xb3: {  	[sflag:s25] =	ssyncset.done $0x0  }
0xb4: {  	s29 =	simm.s32 $0x0;
	[sflag:s25] =	ssyncadd.s32 $0xFFFFE700  }
0xb5: {  	[tilespmem:s19], [sflag:$0x4] =	stream.linear.gather [hbm4b:s10+s29], $0x1900, $0x38;
	[tilespmem:$0x19D00] =	vst v63  }
0xb6: {  	_ =	swait.ge [sflag:s17], $0x1900  }
0xb7: {  	[sflag:s17] =	ssyncset.done $0x0  }
0xb8: {  	[sflag:s17] =	ssyncadd.s32 $0xFFFFE700  }
0xb9: {  	[tilespmem:s20], [sflag:$0x4] =	stream.linear.gather [hbm4b:s11+s29], $0x1900, $0x38;
	[tilespmem:$0x19D00] =	vst v63  }
0xba: {  	_ =	swait.ge [sflag:s17], $0x1900  }
0xbb: {  	[sflag:s17] =	ssyncset.done $0x0  }
0xbc: {  	s29 =	simm.s32 $0x0;
	[sflag:s17] =	ssyncadd.s32 $0xFFFFE700  }
0xbd: {  	v1 =	vld [tilespmem:s29+$0x10000];
	_ =	sdelay $0x5  }
0xbe: {  	v2 =	vld [tilespmem:s29+$0x10010];
	_ =	sdelay $0x1  }
0xbf: {  	v1 =	vld.idx.msk [tilespmem:v1+s2+$0x0], $0xffff;
	_ =	sdelay $0x4  }
0xc0: {  	[tilespmem:s29+$0x14B00] =	vst v1;
	v1 =	vld [tilespmem:s29+$0x10020]  }
0xc1: {  	v2 =	vld.idx.msk [tilespmem:v2+s2+$0x0], $0xffff;
	_ =	sdelay $0x4  }
0xc2: {  	[tilespmem:s29+$0x14B10] =	vst v2;
	v2 =	vld [tilespmem:s29+$0x10030];
	_ =	sdelay $0x1  }
0xc3: {  	v1 =	vld.idx.msk [tilespmem:v1+s2+$0x0], $0xffff;
	_ =	sdelay $0x4  }
0xc4: {  	[tilespmem:s29+$0x14B20] =	vst v1;
	v1 =	vld [tilespmem:s29+$0x10040]  }
0xc5: {  	v2 =	vld.idx.msk [tilespmem:v2+s2+$0x0], $0xffff;
	_ =	sdelay $0x4  }
0xc6: {  	[tilespmem:s29+$0x14B30] =	vst v2;
	v2 =	vld [tilespmem:s29+$0x10050];
	_ =	sdelay $0x1  }
0xc7: {  	v1 =	vld.idx.msk [tilespmem:v1+s2+$0x0], $0xffff;
	_ =	sdelay $0x4  }
0xc8: {  	v3 =	vld [tilespmem:s29+$0x10060];
	[tilespmem:s29+$0x14B40] =	vst v1  }
0xc9: {  	v1 =	vld.idx.msk [tilespmem:v2+s2+$0x0], $0xffff;
	_ =	sdelay $0x4  }
0xca: {  	[tilespmem:s29+$0x14B50] =	vst v1;
	v1 =	vld [tilespmem:s29+$0x10070];
	_ =	sdelay $0x1  }
0xcb: {  	v2 =	vld.idx.msk [tilespmem:v3+s2+$0x0], $0xffff;
	_ =	sdelay $0x3  }
0xcc: {  	s30 =	simm.s32 $0x400;
	s31 =	simm.s32 $0x80  }
.LBB2_8:
0xcd: {  	p0 =	sne.s32 s30, $0x6200;
	v3 =	vld [tilespmem:s31+$0x10000];
	[tilespmem:s29+$0x14B60] =	vst v2  }
0xce: {  	v1 =	vld.idx.msk [tilespmem:v1+s2+$0x0], $0xffff;
	_ =	sdelay $0x5  }
0xcf: {  	v2 =	vld [tilespmem:s31+$0x10010];
	[tilespmem:s29+$0x14B70] =	vst v1;
	s29 =	smov.u32 s31  }
0xd0: {  	v1 =	vld.idx.msk [tilespmem:v3+s2+$0x0], $0xffff;
	_ =	sdelay $0x5  }
0xd1: {  	[tilespmem:s29+$0x14B00] =	vst v1;
	v1 =	vld [tilespmem:s29+$0x10020]  }
0xd2: {  	v2 =	vld.idx.msk [tilespmem:v2+s2+$0x0], $0xffff;
	_ =	sdelay $0x5  }
0xd3: {  	[tilespmem:s29+$0x14B10] =	vst v2;
	v2 =	vld [tilespmem:s29+$0x10030]  }
0xd4: {  	v1 =	vld.idx.msk [tilespmem:v1+s2+$0x0], $0xffff;
	_ =	sdelay $0x5  }
0xd5: {  	[tilespmem:s29+$0x14B20] =	vst v1;
	v1 =	vld [tilespmem:s29+$0x10040]  }
0xd6: {  	v2 =	vld.idx.msk [tilespmem:v2+s2+$0x0], $0xffff;
	_ =	sdelay $0x5  }
0xd7: {  	[tilespmem:s29+$0x14B30] =	vst v2;
	v2 =	vld [tilespmem:s29+$0x10050]  }
0xd8: {  	v1 =	vld.idx.msk [tilespmem:v1+s2+$0x0], $0xffff;
	_ =	sdelay $0x5  }
0xd9: {  	[tilespmem:s29+$0x14B40] =	vst v1;
	v3 =	vld [tilespmem:s29+$0x10060]  }
0xda: {  	v1 =	vld.idx.msk [tilespmem:v2+s2+$0x0], $0xffff;
	_ =	sdelay $0x5  }
0xdb: {  	[tilespmem:s29+$0x14B50] =	vst v1;
	v1 =	vld [tilespmem:s29+$0x10070]  }
0xdc: {  	v2 =	vld.idx.msk [tilespmem:v3+s2+$0x0], $0xffff  }
.Ltmp3:
0xdd: {  	(pc) =	sbr.rel @p0 .LBB2_8-.Ltmp3, $2  }
0xde: {  	_ =	sdelay $0x2  }
0xdf: {  	s31 =	sshra.s32 s30, $0x2;
	s30 =	sadd.s32 $0x200, s30  }
0xe0: {  	_ =	sdelay $0x1  }
0xe1: {  	v3 =	vld [tilespmem:s31+$0x10000]  }
0xe2: {  	[tilespmem:s29+$0x14B60] =	vst v2  }
0xe3: {  	v1 =	vld.idx.msk [tilespmem:v1+s2+$0x0], $0xffff;
	_ =	sdelay $0x3  }
0xe4: {  	v2 =	vld [tilespmem:s31+$0x10010]  }
0xe5: {  	[tilespmem:s29+$0x14B70] =	vst v1  }
0xe6: {  	v1 =	vld.idx.msk [tilespmem:v3+s2+$0x0], $0xffff;
	_ =	sdelay $0x4  }
0xe7: {  	[tilespmem:s31+$0x14B00] =	vst v1;
	v1 =	vld [tilespmem:s31+$0x10020]  }
0xe8: {  	v2 =	vld.idx.msk [tilespmem:v2+s2+$0x0], $0xffff;
	_ =	sdelay $0x4  }
0xe9: {  	[tilespmem:s31+$0x14B10] =	vst v2;
	v2 =	vld [tilespmem:s31+$0x10030];
	_ =	sdelay $0x1  }
0xea: {  	v1 =	vld.idx.msk [tilespmem:v1+s2+$0x0], $0xffff;
	_ =	sdelay $0x4  }
0xeb: {  	[tilespmem:s31+$0x14B20] =	vst v1;
	v1 =	vld [tilespmem:s31+$0x10040]  }
0xec: {  	v2 =	vld.idx.msk [tilespmem:v2+s2+$0x0], $0xffff;
	_ =	sdelay $0x4  }
0xed: {  	[tilespmem:s31+$0x14B30] =	vst v2;
	v2 =	vld [tilespmem:s31+$0x10050];
	_ =	sdelay $0x1  }
0xee: {  	v1 =	vld.idx.msk [tilespmem:v1+s2+$0x0], $0xffff;
	_ =	sdelay $0x4  }
0xef: {  	[tilespmem:s31+$0x14B40] =	vst v1;
	v1 =	vld [tilespmem:s31+$0x10060]  }
0xf0: {  	v2 =	vld.idx.msk [tilespmem:v2+s2+$0x0], $0xffff;
	_ =	sdelay $0x4  }
0xf1: {  	[tilespmem:s31+$0x14B50] =	vst v2;
	v2 =	vld [tilespmem:s31+$0x10070];
	_ =	sdelay $0x1  }
0xf2: {  	v1 =	vld.idx.msk [tilespmem:v1+s2+$0x0], $0xffff;
	_ =	sdelay $0x4  }
0xf3: {  	[tilespmem:s31+$0x14B60] =	vst v1  }
0xf4: {  	v1 =	vld.idx.msk [tilespmem:v2+s2+$0x0], $0xffff;
	_ =	sdelay $0x4  }
0xf5: {  	[tilespmem:s31+$0x14B70] =	vst v1  }
0xf6: {  	[spmem:s1] =	stream.indirect.scatter.add.f32 [tilespmem:s22], [sflag:$0x2], $0x1, s20, s21, $0xb8;
	[tilespmem:$0x19D00] =	vst v63  }
0xf7: {  	_ =	swait.ge [sflag:s26], $0x1900  }
0xf8: {  	[sflag:s26] =	ssyncset.done $0x0  }
0xf9: {  	s29 =	simm.s32 $0x0;
	[sflag:s26] =	ssyncadd.s32 $0xFFFFE700  }
0xfa: {  	[tilespmem:s19], [sflag:$0x4] =	stream.linear.gather [hbm4b:s12+s29], $0x1900, $0x38;
	[tilespmem:$0x19D00] =	vst v63  }
0xfb: {  	_ =	swait.ge [sflag:s17], $0x1900  }
0xfc: {  	[sflag:s17] =	ssyncset.done $0x0  }
0xfd: {  	[sflag:s17] =	ssyncadd.s32 $0xFFFFE700  }
0xfe: {  	[tilespmem:s23], [sflag:$0x4] =	stream.linear.gather [hbm4b:s13+s29], $0x1900, $0x38;
	[tilespmem:$0x19D00] =	vst v63  }
0xff: {  	_ =	swait.ge [sflag:s17], $0x1900  }
0x100: {  	[sflag:s17] =	ssyncset.done $0x0  }
0x101: {  	s29 =	simm.s32 $0x0;
	[sflag:s17] =	ssyncadd.s32 $0xFFFFE700  }
0x102: {  	v1 =	vld [tilespmem:s29+$0x10000];
	_ =	sdelay $0x5  }
0x103: {  	v2 =	vld [tilespmem:s29+$0x10010];
	_ =	sdelay $0x1  }
0x104: {  	v1 =	vld.idx.msk [tilespmem:v1+s2+$0x0], $0xffff;
	_ =	sdelay $0x4  }
0x105: {  	[tilespmem:s29+$0x16400] =	vst v1;
	v1 =	vld [tilespmem:s29+$0x10020]  }
0x106: {  	v2 =	vld.idx.msk [tilespmem:v2+s2+$0x0], $0xffff;
	_ =	sdelay $0x4  }
0x107: {  	[tilespmem:s29+$0x16410] =	vst v2;
	v2 =	vld [tilespmem:s29+$0x10030];
	_ =	sdelay $0x1  }
0x108: {  	v1 =	vld.idx.msk [tilespmem:v1+s2+$0x0], $0xffff;
	_ =	sdelay $0x4  }
0x109: {  	[tilespmem:s29+$0x16420] =	vst v1;
	v1 =	vld [tilespmem:s29+$0x10040]  }
0x10a: {  	v2 =	vld.idx.msk [tilespmem:v2+s2+$0x0], $0xffff;
	_ =	sdelay $0x4  }
0x10b: {  	[tilespmem:s29+$0x16430] =	vst v2;
	v2 =	vld [tilespmem:s29+$0x10050];
	_ =	sdelay $0x1  }
0x10c: {  	v1 =	vld.idx.msk [tilespmem:v1+s2+$0x0], $0xffff;
	_ =	sdelay $0x4  }
0x10d: {  	v3 =	vld [tilespmem:s29+$0x10060];
	[tilespmem:s29+$0x16440] =	vst v1  }
0x10e: {  	v1 =	vld.idx.msk [tilespmem:v2+s2+$0x0], $0xffff;
	_ =	sdelay $0x4  }
0x10f: {  	[tilespmem:s29+$0x16450] =	vst v1;
	v1 =	vld [tilespmem:s29+$0x10070];
	_ =	sdelay $0x1  }
0x110: {  	v2 =	vld.idx.msk [tilespmem:v3+s2+$0x0], $0xffff;
	_ =	sdelay $0x3  }
0x111: {  	s30 =	simm.s32 $0x400;
	s31 =	simm.s32 $0x80  }
.LBB2_10:
0x112: {  	p0 =	sne.s32 s30, $0x6200;
	v3 =	vld [tilespmem:s31+$0x10000];
	[tilespmem:s29+$0x16460] =	vst v2  }
0x113: {  	v1 =	vld.idx.msk [tilespmem:v1+s2+$0x0], $0xffff;
	_ =	sdelay $0x5  }
0x114: {  	v2 =	vld [tilespmem:s31+$0x10010];
	[tilespmem:s29+$0x16470] =	vst v1;
	s29 =	smov.u32 s31  }
0x115: {  	v1 =	vld.idx.msk [tilespmem:v3+s2+$0x0], $0xffff;
	_ =	sdelay $0x5  }
0x116: {  	[tilespmem:s29+$0x16400] =	vst v1;
	v1 =	vld [tilespmem:s29+$0x10020]  }
0x117: {  	v2 =	vld.idx.msk [tilespmem:v2+s2+$0x0], $0xffff;
	_ =	sdelay $0x5  }
0x118: {  	[tilespmem:s29+$0x16410] =	vst v2;
	v2 =	vld [tilespmem:s29+$0x10030]  }
0x119: {  	v1 =	vld.idx.msk [tilespmem:v1+s2+$0x0], $0xffff;
	_ =	sdelay $0x5  }
0x11a: {  	[tilespmem:s29+$0x16420] =	vst v1;
	v1 =	vld [tilespmem:s29+$0x10040]  }
0x11b: {  	v2 =	vld.idx.msk [tilespmem:v2+s2+$0x0], $0xffff;
	_ =	sdelay $0x5  }
0x11c: {  	[tilespmem:s29+$0x16430] =	vst v2;
	v2 =	vld [tilespmem:s29+$0x10050]  }
0x11d: {  	v1 =	vld.idx.msk [tilespmem:v1+s2+$0x0], $0xffff;
	_ =	sdelay $0x5  }
0x11e: {  	[tilespmem:s29+$0x16440] =	vst v1;
	v3 =	vld [tilespmem:s29+$0x10060]  }
0x11f: {  	v1 =	vld.idx.msk [tilespmem:v2+s2+$0x0], $0xffff;
	_ =	sdelay $0x5  }
0x120: {  	[tilespmem:s29+$0x16450] =	vst v1;
	v1 =	vld [tilespmem:s29+$0x10070]  }
0x121: {  	v2 =	vld.idx.msk [tilespmem:v3+s2+$0x0], $0xffff  }
.Ltmp4:
0x122: {  	(pc) =	sbr.rel @p0 .LBB2_10-.Ltmp4, $2  }
0x123: {  	_ =	sdelay $0x2  }
0x124: {  	s31 =	sshra.s32 s30, $0x2;
	s30 =	sadd.s32 $0x200, s30  }
0x125: {  	_ =	sdelay $0x1  }
0x126: {  	v3 =	vld [tilespmem:s31+$0x10000]  }
0x127: {  	[tilespmem:s29+$0x16460] =	vst v2  }
0x128: {  	v1 =	vld.idx.msk [tilespmem:v1+s2+$0x0], $0xffff;
	_ =	sdelay $0x3  }
0x129: {  	v2 =	vld [tilespmem:s31+$0x10010]  }
0x12a: {  	[tilespmem:s29+$0x16470] =	vst v1  }
0x12b: {  	v1 =	vld.idx.msk [tilespmem:v3+s2+$0x0], $0xffff;
	_ =	sdelay $0x4  }
0x12c: {  	[tilespmem:s31+$0x16400] =	vst v1;
	v1 =	vld [tilespmem:s31+$0x10020]  }
0x12d: {  	v2 =	vld.idx.msk [tilespmem:v2+s2+$0x0], $0xffff;
	_ =	sdelay $0x4  }
0x12e: {  	[tilespmem:s31+$0x16410] =	vst v2;
	v2 =	vld [tilespmem:s31+$0x10030];
	_ =	sdelay $0x1  }
0x12f: {  	v1 =	vld.idx.msk [tilespmem:v1+s2+$0x0], $0xffff;
	_ =	sdelay $0x4  }
0x130: {  	[tilespmem:s31+$0x16420] =	vst v1;
	v1 =	vld [tilespmem:s31+$0x10040]  }
0x131: {  	v2 =	vld.idx.msk [tilespmem:v2+s2+$0x0], $0xffff;
	_ =	sdelay $0x4  }
0x132: {  	[tilespmem:s31+$0x16430] =	vst v2;
	v2 =	vld [tilespmem:s31+$0x10050];
	_ =	sdelay $0x1  }
0x133: {  	v1 =	vld.idx.msk [tilespmem:v1+s2+$0x0], $0xffff;
	_ =	sdelay $0x4  }
0x134: {  	[tilespmem:s31+$0x16440] =	vst v1;
	v1 =	vld [tilespmem:s31+$0x10060]  }
0x135: {  	v2 =	vld.idx.msk [tilespmem:v2+s2+$0x0], $0xffff;
	_ =	sdelay $0x4  }
0x136: {  	[tilespmem:s31+$0x16450] =	vst v2;
	v2 =	vld [tilespmem:s31+$0x10070];
	_ =	sdelay $0x1  }
0x137: {  	v1 =	vld.idx.msk [tilespmem:v1+s2+$0x0], $0xffff;
	_ =	sdelay $0x4  }
0x138: {  	[tilespmem:s31+$0x16460] =	vst v1  }
0x139: {  	v1 =	vld.idx.msk [tilespmem:v2+s2+$0x0], $0xffff;
	_ =	sdelay $0x4  }
0x13a: {  	[tilespmem:s31+$0x16470] =	vst v1  }
0x13b: {  	[spmem:s1] =	stream.indirect.scatter.add.f32 [tilespmem:s24], [sflag:$0x3], $0x1, s23, s21, $0xb8;
	[tilespmem:$0x19D00] =	vst v63  }
0x13c: {  	_ =	swait.ge [sflag:s25], $0x1900  }
0x13d: {  	[sflag:s25] =	ssyncset.done $0x0  }
0x13e: {  	[sflag:s25] =	ssyncadd.s32 $0xFFFFE700  }
0x13f: {  	_ =	swait.ge [sflag:s26], $0x1900  }
0x140: {  	[sflag:s26] =	ssyncset.done $0x0  }
0x141: {  	[sflag:s26] =	ssyncadd.s32 $0xFFFFE700  }
0x142: {  	[bflag:$0x0] =	sbarrier.arrive $0xFFFF  }
0x143: {  	[tilespmem:s16], [sflag:$0x4] =	stream.linear.gather [spmem:s5], $0x1000, $0x38;
	[tilespmem:$0x19D00] =	vst v63  }
0x144: {  	s28 =	sadd.s32 $0x1, s28;
	_ =	swait.ge [sflag:s17], $0x1000  }
0x145: {  	p0 =	sne.s32 s28, s15;
	[sflag:s17] =	ssyncset.done $0x0  }
.Ltmp5:
0x146: {  	[sflag:s17] =	ssyncadd.s32 $0xFFFFF000;
	(pc) =	sbr.rel @p0 .LBB2_1-.Ltmp5, $4  }
0x147: {  	[hbm4b:s14+s2] =	stream.linear.scatter [tilespmem:s16], [sflag:$0x4], $0x1000, $0x38;
	[tilespmem:$0x19D00] =	vst v63  }
0x148: {  	_ =	swait.ge [sflag:s17], $0x1000  }
0x149: {  	[sflag:s17] =	ssyncset.done $0x0  }
0x14a: {  	[sflag:s17] =	ssyncadd.s32 $0xFFFFF000  }
0x14b: {  	_ =	sfence.sel $0x180000  }
0x14c: {  	[bflag:$0x0] =	sbarrier.arrive $0xFFFF  }
0x14d: {  	p0 =	sne.s32 s3, $0x0;
	_ =	strace $0x9000004A  }
0x14e: {  	s0 =	sadd.s32 @!p0 $0x100000, s0;
	[bflag:$0x2] =	sbarrier.arrive $0xFFFF  }
0x14f: {  	[sflag:s0] =	ssyncadd.tile.s32 @!p0 $0x1;
	_ =	shalt  }
.Lfunc_end2:
_tile_overlayer_lowered:
.L_overlay_start_2:
0x150: {  	(tag) =	ssettag $0x2  }
0x151: {  	s0 =	rddreg [dreg:$0x0];
	s2 =	stileid.u32  }
0x152: {  	s1 =	rddreg [dreg:$0x1];
	p0 =	sne.s32 s2, $0x0  }
0x153: {  	s3 =	rddreg [dreg:$0x2];
	[bflag:$0x3] =	sbarrier.arrive $0xFFFF;
	s2 =	simm.s32 @!p0 $0x1C04  }
0x154: {  	[timem:s3], [sflag:s2] =	dma.local @!p0 [hbm:s0], s1  }
0x155: {  	s0 =	simm.s32 @!p0 $0x4  }
0x156: {  	_ =	swait.ge @!p0 [sflag:s0], s1  }
0x157: {  	s1 =	ssub.s32 @!p0 $0x0, s1;
	[sflag:s0] =	ssyncset.done @!p0 $0x0  }
0x158: {  	[sflag:s0] =	ssyncadd.s32 @!p0 s1  }
0x159: {  	[bflag:$0x3] =	sbarrier.arrive $0xFFFF  }
0x15a: {  	_ =	shalt  }

// kernel: kernel.16.cloned.1.call-start
scs
__scs_entry_jumppad:
0x0: {  	(pc) =	sbr.rel $0x88, $3  }
0x1: {  	(tag) =	ssettag $0x0;
	lr =	simm.s32 $0x1  }
0x2: {  	[smem:$0x3F9A] =	sst lr;
	_ =	strace $0xD0000000  }
0x3: {  	_ = 	snop  }
0x4: {  	_ = 	snop  }
0x5: {  	_ = 	snop  }
0x6: {  	_ = 	snop  }
0x7: {  	_ = 	snop  }
__scs_overlays_trampoline_lowered:
0x8: {  	[smem:$0x3FA9] =	sst s0  }
0x9: {  	[smem:$0x3FAA] =	sst s1  }
0xa: {  	[smem:$0x3FAB] =	sst s2  }
0xb: {  	[smem:$0x3FAC] =	sst s3  }
0xc: {  	[smem:$0x3FAD] =	sst s4  }
0xd: {  	[smem:$0x3FAE] =	sst s5  }
0xe: {  	[smem:$0x3FAF] =	sst s6  }
0xf: {  	[smem:$0x3FB0] =	sst s7  }
0x10: {  	[smem:$0x3FB1] =	sst s8  }
0x11: {  	[smem:$0x3FB2] =	sst s9;
	s0 =	simm.s32 @!p0 $0x0  }
0x12: {  	s1 =	sld [smem:$0x3F98];
	s0 =	simm.s32 @p0 $0x1  }
0x13: {  	[smem:$0x3FB3] =	sst s0;
	s0 =	simm.s32 @!p1 $0x0  }
0x14: {  	s2 =	sld [smem:$0x3F97];
	s0 =	simm.s32 @p1 $0x1  }
0x15: {  	[smem:$0x3FB4] =	sst s0;
	s0 =	simm.s32 @!p2 $0x0  }
0x16: {  	s3 =	sld [smem:$0x3FDB];
	s0 =	simm.s32 @p2 $0x1  }
0x17: {  	s4 =	simm.s32 $0x1BF5;
	[smem:$0x3FB6] =	sst s0  }
0x18: {  	s0 =	sld [smem:$0x3F99];
	_ =	swait.ge [sflag:s4], $0x0  }
0x19: {  	s7 =	sld [smem:$0x3F9A]  }
0x1a: {  	s8 =	sadd.s32 $0xFFFFE003, lr  }
0x1b: {  	s9 =	sadd.s32 $0xFFFFFEF7, lr;
	s5 =	simm.s32 $0xFFFFFFFF;
	p2 =	slt.u32 s8, $0xFFFFF086  }
0x1c: {  	p1 =	slt.u32 s9, $0xF7A;
	s5 =	simm.s32 @!p2 $0x0  }
0x1d: {  	s5 =	simm.s32 @p1 $0x1;
	p0 =	seq.s32 s7, s2  }
0x1e: {  	s7 =	smul.u32 @!p0 $0xF7A, s2;
	p2 =	seq.s32 @!p0 s5, $0x0  }
0x1f: {  	s9 =	smul.u32 $0xF7A, s1;
	s8 =	simm.s32 @!p0 $0x1BF5;
	p2 =	por !p2, p0  }
0x20: {  	[sflag:s8] =	ssyncset.s32 @!p0 $0xFFFFF086;
	s6 =	sadd.s32 @!p0 s3, s7;
	s7 =	simm.s32 @!p0 $0x108  }
0x21: {  	s3 =	sadd.s32 s3, s9;
	s6 =	sadd.s32 @!p0 $0x88, s6;
	s7 =	simm.s32 @p2 $0x1082  }
0x22: {  	[simem:s7], [sflag:s8] =	dma.local @!p0 [hbm:s6], $0xF7A  }
0x23: {  	s9 =	sor.u32 $0xD0000000, s2;
	s6 =	simm.s32 $0x108;
	_ =	swait.ge @!p0 [sflag:s8], $0x0  }
0x24: {  	s3 =	sadd.s32 $0x88, s3;
	s6 =	simm.s32 @!p1 $0x1082;
	[sflag:s4] =	ssyncset.s32 $0xFFFFF086  }
0x25: {  	[simem:s6], [sflag:s4] =	dma.local [hbm:s3], $0xF7A  }
0x26: {  	[smem:$0x3F9A] =	sst s1;
	(tag) =	ssettag s2;
	_ =	strace s9  }
0x27: {  	s1 =	sld [smem:$0x3FAA]  }
0x28: {  	s2 =	sld [smem:$0x3FAB]  }
0x29: {  	s4 =	sld [smem:$0x3FAD]  }
0x2a: {  	p0 =	seq.s32 s5, $0x0;
	s5 =	sld [smem:$0x3FAE]  }
0x2b: {  	s6 =	sld [smem:$0x3FAF]  }
0x2c: {  	s7 =	sld [smem:$0x3FB0]  }
0x2d: {  	s3 =	simm.s32 $0x108;
	s8 =	sld [smem:$0x3FB1]  }
0x2e: {  	s3 =	simm.s32 @!p0 $0x1082;
	s9 =	sld [smem:$0x3FB2]  }
0x2f: {  	lr =	sadd.s32 s0, s3;
	s0 =	sld [smem:$0x3FA9]  }
0x30: {  	s3 =	sld [smem:$0x3FAC]  }
0x31: {  	[smem:$0x3FB5] =	sst s10  }
0x32: {  	s10 =	sld [smem:$0x3FB3];
	_ =	sdelay $0x3  }
0x33: {  	p0 =	seq.s32 s10, $0x1;
	s10 =	sld [smem:$0x3FB5];
	_ =	sdelay $0x3  }
0x34: {  	[smem:$0x3FB5] =	sst s10  }
0x35: {  	s10 =	sld [smem:$0x3FB4];
	_ =	sdelay $0x3  }
0x36: {  	p1 =	seq.s32 s10, $0x1;
	s10 =	sld [smem:$0x3FB5];
	_ =	sdelay $0x3  }
0x37: {  	[smem:$0x3FB5] =	sst s10  }
0x38: {  	s10 =	sld [smem:$0x3FB6]  }
0x39: {  	_ = 	snop;
	(pc) =	sbr.ind lr, $3  }
0x3a: {  	_ = 	snop  }
0x3b: {  	_ = 	snop  }
0x3c: {  	p2 =	seq.s32 s10, $0x1;
	s10 =	sld [smem:$0x3FB5]  }
0x3d: {  	_ =	shalt  }
0x3e: {  	_ =	shalt  }
0x3f: {  	_ =	shalt  }
0x40: {  	_ =	shalt  }
0x41: {  	_ =	shalt  }
0x42: {  	_ =	shalt  }
0x43: {  	_ =	shalt  }
0x44: {  	_ =	shalt  }
0x45: {  	_ =	shalt  }
0x46: {  	_ =	shalt  }
0x47: {  	_ =	shalt  }
0x48: {  	_ =	shalt  }
0x49: {  	_ =	shalt  }
0x4a: {  	_ =	shalt  }
0x4b: {  	_ =	shalt  }
0x4c: {  	_ =	shalt  }
0x4d: {  	_ =	shalt  }
0x4e: {  	_ =	shalt  }
0x4f: {  	_ =	shalt  }
0x50: {  	_ =	shalt  }
0x51: {  	_ =	shalt  }
0x52: {  	_ =	shalt  }
0x53: {  	_ =	shalt  }
0x54: {  	_ =	shalt  }
0x55: {  	_ =	shalt  }
0x56: {  	_ =	shalt  }
0x57: {  	_ =	shalt  }
0x58: {  	_ =	shalt  }
0x59: {  	_ =	shalt  }
0x5a: {  	_ =	shalt  }
0x5b: {  	_ =	shalt  }
0x5c: {  	_ =	shalt  }
0x5d: {  	_ =	shalt  }
0x5e: {  	_ =	shalt  }
0x5f: {  	_ =	shalt  }
0x60: {  	_ =	shalt  }
0x61: {  	_ =	shalt  }
0x62: {  	_ =	shalt  }
0x63: {  	_ =	shalt  }
0x64: {  	_ =	shalt  }
0x65: {  	_ =	shalt  }
0x66: {  	_ =	shalt  }
0x67: {  	_ =	shalt  }
0x68: {  	_ =	shalt  }
0x69: {  	_ =	shalt  }
0x6a: {  	_ =	shalt  }
0x6b: {  	_ =	shalt  }
0x6c: {  	_ =	shalt  }
0x6d: {  	_ =	shalt  }
0x6e: {  	_ =	shalt  }
0x6f: {  	_ =	shalt  }
0x70: {  	_ =	shalt  }
0x71: {  	_ =	shalt  }
0x72: {  	_ =	shalt  }
0x73: {  	_ =	shalt  }
0x74: {  	_ =	shalt  }
0x75: {  	_ =	shalt  }
0x76: {  	_ =	shalt  }
0x77: {  	_ =	shalt  }
0x78: {  	_ =	shalt  }
0x79: {  	_ =	shalt  }
0x7a: {  	_ =	shalt  }
0x7b: {  	_ =	shalt  }
0x7c: {  	_ =	shalt  }
0x7d: {  	_ =	shalt  }
0x7e: {  	_ =	shalt  }
0x7f: {  	_ =	shalt  }
0x80: {  	_ =	shalt  }
0x81: {  	_ =	shalt  }
0x82: {  	_ =	shalt  }
0x83: {  	_ =	shalt  }
0x84: {  	_ =	shalt  }
0x85: {  	_ =	shalt  }
0x86: {  	_ =	shalt  }
0x87: {  	_ =	shalt  }
.Lfunc_end0:
.L_simem_size_0:
called_computation.2_lowered:
.L_overlay_start_0:
0x88: {  	s2 =	sld [smem:$0x3FD9]  }
0x89: {  	s3 =	sld [smem:$0x3FFE];
	_ =	sdelay $0x1  }
0x8a: {  	s1 =	srdreg.scid  }
0x8b: {  	s0 =	sand.u32 $0x1, s1  }
0x8c: {  	s16 =	sshll.u32 s0, $0xA;
	s2 =	sadd.s32 s3, s2  }
0x8d: {  	s2 =	sadd.s32 s2, s16  }
0x8e: {  	[smem:$0x3FC1] =	sst s2  }
0x8f: {  	_ = 	snop  }
0x90: {  	(tm) =	ssettm $0x1  }
0x91: {  	s17 =	sld [smem:$0x3FFB];
	_ =	sdelay $0x3  }
0x92: {  	_ =	strace s17  }
0x93: {  	s2 =	sld [smem:$0x3FFC];
	_ =	sdelay $0x3  }
0x94: {  	_ =	strace s2  }
0x95: {  	s2 =	sld [smem:$0x3FFD];
	_ =	sdelay $0x3  }
0x96: {  	_ =	strace s2  }
0x97: {  	_ =	strace $0x8FFFFFFF  }
0x98: {  	s18 =	sld [smem:$0x3FDB];
	_ =	sdelay $0x1  }
0x99: {  	s19 =	simm.s32 $_scs_section_size  }
0x9a: {  	s4 =	simm.s32 $_size__tile_overlayer_lowered;
	s5 =	simm.s32 $_tile_overlayer_lowered  }
0x9b: {  	s22 =	simm.s32 $0x1BFF;
	s21 =	sshll.u32 s5, $0x1;
	s2 =	sadd.s32 s19, s18  }
0x9c: {  	s6 =	simm.s32 $0x0;
	s20 =	sshll.u32 s4, $0x1;
	s4 =	sadd.s32 s21, s2  }
0x9d: {  	[timem:s6], [sflag:s22] =	dma.local [hbm:s4], s20  }
0x9e: {  	_ =	swait.ge [sflag:s22], s20  }
0x9f: {  	s3 =	ssub.s32 $0x0, s20;
	[sflag:s22] =	ssyncset.done $0x0  }
0xa0: {  	[sflag:s22] =	ssyncadd.s32 s3;
	_ =	sdelay $0x1  }
0xa1: {  	s23 =	simm.s32 $0x1B8B  }
0xa2: {  	_ =	swait.ge [sflag:s23], $0x1  }
0xa3: {  	[sflag:s23] =	ssyncset.done $0x0  }
0xa4: {  	s25 =	simm.s32 $0x1B8E;
	s24 =	sld [smem:$0x3FFE];
	[sflag:s23] =	ssyncadd.s32 $0xFFFFFFFF  }
0xa5: {  	s26 =	simm.s32 $execute0_lowered;
	[smem:$0x3FD2] =	sst s25  }
0xa6: {  	s4 =	sshll.u32 s26, $0x1;
	_ =	strace $0x8000004C;
	[dreg:$0x1] =	wrdreg $0xFFFFFFFF  }
0xa7: {  	s28 =	simm.s32 $_size_execute0_lowered;
	s2 =	sadd.s32 s2, s4;
	[dreg:$0x0] =	wrdreg $0x0  }
0xa8: {  	s4 =	sshll.u32 s28, $0x1;
	[dreg:$0x2] =	wrdreg s2  }
0xa9: {  	[dreg:$0x3] =	wrdreg s4  }
0xaa: {  	[dreg:$0x4] =	wrdreg $0xC0  }
0xab: {  	_ =	task [dreg:s6], $0x5FFFF  }
0xac: {  	[dreg:$0x1] =	wrdreg $0xFFFFFFFF  }
0xad: {  	[dreg:$0x0] =	wrdreg $0x60  }
0xae: {  	[dreg:$0x2] =	wrdreg s24  }
0xaf: {  	[dreg:$0x3] =	wrdreg $0x18D000  }
0xb0: {  	[dreg:$0x4] =	wrdreg $0x9  }
0xb1: {  	_ =	task.clear_ibuf [dreg:s6], $0x5FFFF;
	_ =	strace $0x9000004C  }
0xb2: {  	s29 =	simm.s32 $0x9;
	_ =	strace $0x8000004E  }
0xb3: {  	_ =	swait.ge [sflag:s29], $0x1  }
0xb4: {  	[sflag:s29] =	ssyncadd.s32 $0xFFFFFFFF  }
0xb5: {  	_ =	strace $0x9000004E  }
0xb6: {  	_ =	sfence  }
0xb7: {  	s30 =	sld [smem:$0x0];
	_ =	sdelay $0x2  }
0xb8: {  	s31 =	sshll.u32 s1, $0xD;
	s1 =	sshrl.u32 s1, $0x2  }
0xb9: {  	s3 =	sand.u32 $0x4000, s31;
	s1 =	sadd.s32 s1, s30  }
0xba: {  	s0 =	sor.u32 s3, s0;
	s1 =	sshll.u32 s1, $0x11  }
0xbb: {  	s0 =	sor.u32 s1, s0  }
0xbc: {  	s0 =	sadd.s32 $0x8F2B, s0  }
0xbd: {  	[sflag:s0] =	ssyncadd.remote.s32 $0x1  }
0xbe: {  	_ =	sfence.sel $0xFFFF  }
0xbf: {  	[dreg:$0x0] =	wrdreg $0xFFFFFFFF;
	(pc) =	sbr.abs _section_cstart, $3  }
0xc0: {  	[dreg:$0x1] =	wrdreg $0xFFFFFFFF  }
0xc1: {  	_ =	task.clear_ibuf [dreg:s6], $0x2FFFF;
	_ =	strace $0x9FFFFFFF  }
0xc2: {  	(tm) =	ssettm $0x7FFFFFFF  }
0xc3: {  	_ =	shalt  }
tec
execute0_lowered:
.L_overlay_start_1:
0x0: {  	(tag) =	ssettag $0x1  }
0x1: {  	s5 =	rddreg [dreg:$0x0]  }
0x2: {  	s1 =	rddreg [dreg:$0x1]  }
0x3: {  	s0 =	rddreg [dreg:$0x2];
	s2 =	simm.s32 $0x0;
	s3 =	srdreg.scid  }
0x4: {  	s17 =	simm.s32 $0x4;
	s18 =	simm.s32 $0x1;
	s19 =	simm.s32 $0x10000  }
0x5: {  	s20 =	simm.s32 $0x11900;
	s21 =	simm.s32 $0x1900;
	s22 =	simm.s32 $0x14B00  }
0x6: {  	s23 =	simm.s32 $0x13200;
	s24 =	simm.s32 $0x16400;
	s25 =	simm.s32 $0x2  }
0x7: {  	s26 =	simm.s32 $0x3;
	s28 =	simm.s32 $0x0;
	[smem:$0x7FF] =	sst s2  }
0x8: {  	s6 =	sand.u32 $0x1, s3;
	s12 =	sadd.s32 $0x20000, s5;
	s3 =	stileid.u32  }
0x9: {  	s13 =	sadd.s32 $0x3000, s5;
	_ =	strace $0x8000004D;
	s4 =	sshll.u32 s6, $0x4  }
0xa: {  	s7 =	sshll.u32 s3, $0xC;
	s8 =	sshll.u32 s6, $0x10;
	s6 =	ssub.s32 $0x2, s6  }
0xb: {  	s4 =	sor.u32 s3, s4;
	s8 =	sor.u32 s7, s8;
	s31 =	sshrl.u32 s6, $0x1  }
0xc: {  	s9 =	smul.u32 $0x6400, s4;
	s4 =	sadd.s32 $0x1C000, s5;
	s8 =	sshrl.u32 s8, $0x3  }
0xd: {  	s15 =	ssub.s32 s6, s31;
	s14 =	sadd.s32 s8, s5;
	s5 =	sadd.s32 s7, s1  }
0xe: {  	s15 =	smax.u32 s15, $0x1;
	s10 =	sshrl.u32 s9, $0x3;
	s14 =	sadd.s32 $0x39000, s14  }
0xf: {  	s9 =	sadd.s32 $0x320, s10;
	s6 =	sadd.s32 s12, s10;
	s7 =	sadd.s32 s13, s10  }
0x10: {  	s11 =	sadd.s32 $0x640, s10;
	s16 =	sadd.s32 $0x960, s10;
	s8 =	sadd.s32 s12, s9  }
0x11: {  	s9 =	sadd.s32 s13, s9;
	s10 =	sadd.s32 s12, s11;
	s11 =	sadd.s32 s13, s11  }
0x12: {  	v0 =	vimm.f32 $0.0e+00;
	s12 =	sadd.s32 s12, s16;
	s13 =	sadd.s32 s13, s16;
	s16 =	simm.s32 $0x17D00  }
.LBB2_1:
0x13: {  	[tilespmem:s2], [sflag:$0x1] =	stream.linear.gather [hbm4b:s4+s2], $0x10000, $0x38;
	[tilespmem:$0x19D00] =	vst v63  }
0x14: {  	s29 =	simm.s32 $0x0;
	s30 =	simm.s32 $0x200  }
.LBB2_2:
0x15: {  	p0 =	sne.s32 s30, $0x3E00;
	[tilespmem:s29+$0x17D70] =	vst v0  }
0x16: {  	[tilespmem:s29+$0x17D00] =	vst v0  }
0x17: {  	[tilespmem:s29+$0x17D10] =	vst v0  }
.Ltmp0:
0x18: {  	[tilespmem:s29+$0x17D20] =	vst v0;
	(pc) =	sbr.rel @p0 .LBB2_2-.Ltmp0, $4  }
0x19: {  	[tilespmem:s29+$0x17D30] =	vst v0  }
0x1a: {  	[tilespmem:s29+$0x17D40] =	vst v0  }
0x1b: {  	[tilespmem:s29+$0x17D50] =	vst v0  }
0x1c: {  	[tilespmem:s29+$0x17D60] =	vst v0;
	s29 =	sshra.s32 s30, $0x2;
	s30 =	sadd.s32 $0x200, s30  }
0x1d: {  	[tilespmem:s29+$0x17D70] =	vst v0  }
0x1e: {  	[tilespmem:s29+$0x17D00] =	vst v0  }
0x1f: {  	[tilespmem:s29+$0x17D10] =	vst v0  }
0x20: {  	[tilespmem:s29+$0x17D20] =	vst v0  }
0x21: {  	[tilespmem:s29+$0x17D30] =	vst v0  }
0x22: {  	[tilespmem:s29+$0x17D40] =	vst v0  }
0x23: {  	[tilespmem:s29+$0x17D50] =	vst v0  }
0x24: {  	[tilespmem:s29+$0x17D60] =	vst v0  }
0x25: {  	[spmem:s5] =	stream.linear.scatter [tilespmem:s16], [sflag:$0x4], $0x1000, $0x38;
	[tilespmem:$0x19D00] =	vst v63  }
0x26: {  	_ =	swait.ge [sflag:s17], $0x1000  }
0x27: {  	[sflag:s17] =	ssyncset.done $0x0  }
0x28: {  	[sflag:s17] =	ssyncadd.s32 $0xFFFFF000  }
0x29: {  	_ =	swait.ge [sflag:s18], $0x10000  }
0x2a: {  	[sflag:s18] =	ssyncset.done $0x0  }
0x2b: {  	[sflag:s18] =	ssyncadd.s32 $0xFFFF0000  }
0x2c: {  	s29 =	simm.s32 $0x0;
	[bflag:$0x0] =	sbarrier.arrive $0xFFFF  }
0x2d: {  	[tilespmem:s19], [sflag:$0x4] =	stream.linear.gather [hbm4b:s6+s29], $0x1900, $0x38;
	[tilespmem:$0x19D00] =	vst v63  }
0x2e: {  	_ =	swait.ge [sflag:s17], $0x1900  }
0x2f: {  	[sflag:s17] =	ssyncset.done $0x0  }
0x30: {  	[sflag:s17] =	ssyncadd.s32 $0xFFFFE700  }
0x31: {  	[tilespmem:s20], [sflag:$0x4] =	stream.linear.gather [hbm4b:s7+s29], $0x1900, $0x38;
	[tilespmem:$0x19D00] =	vst v63  }
0x32: {  	_ =	swait.ge [sflag:s17], $0x1900  }
0x33: {  	[sflag:s17] =	ssyncset.done $0x0  }
0x34: {  	s29 =	simm.s32 $0x0;
	[sflag:s17] =	ssyncadd.s32 $0xFFFFE700  }
0x35: {  	v1 =	vld [tilespmem:s29+$0x10000];
	_ =	sdelay $0x5  }
0x36: {  	v2 =	vld [tilespmem:s29+$0x10010];
	_ =	sdelay $0x1  }
0x37: {  	v1 =	vld.idx.msk [tilespmem:v1+s2+$0x0], $0xffff;
	_ =	sdelay $0x4  }
0x38: {  	[tilespmem:s29+$0x14B00] =	vst v1;
	v1 =	vld [tilespmem:s29+$0x10020]  }
0x39: {  	v2 =	vld.idx.msk [tilespmem:v2+s2+$0x0], $0xffff;
	_ =	sdelay $0x4  }
0x3a: {  	[tilespmem:s29+$0x14B10] =	vst v2;
	v2 =	vld [tilespmem:s29+$0x10030];
	_ =	sdelay $0x1  }
0x3b: {  	v1 =	vld.idx.msk [tilespmem:v1+s2+$0x0], $0xffff;
	_ =	sdelay $0x4  }
0x3c: {  	[tilespmem:s29+$0x14B20] =	vst v1;
	v1 =	vld [tilespmem:s29+$0x10040]  }
0x3d: {  	v2 =	vld.idx.msk [tilespmem:v2+s2+$0x0], $0xffff;
	_ =	sdelay $0x4  }
0x3e: {  	[tilespmem:s29+$0x14B30] =	vst v2;
	v2 =	vld [tilespmem:s29+$0x10050];
	_ =	sdelay $0x1  }
0x3f: {  	v1 =	vld.idx.msk [tilespmem:v1+s2+$0x0], $0xffff;
	_ =	sdelay $0x4  }
0x40: {  	v3 =	vld [tilespmem:s29+$0x10060];
	[tilespmem:s29+$0x14B40] =	vst v1  }
0x41: {  	v1 =	vld.idx.msk [tilespmem:v2+s2+$0x0], $0xffff;
	_ =	sdelay $0x4  }
0x42: {  	[tilespmem:s29+$0x14B50] =	vst v1;
	v1 =	vld [tilespmem:s29+$0x10070];
	_ =	sdelay $0x1  }
0x43: {  	v2 =	vld.idx.msk [tilespmem:v3+s2+$0x0], $0xffff;
	_ =	sdelay $0x3  }
0x44: {  	s31 =	simm.s32 $0x80;
	s30 =	simm.s32 $0x400  }
.LBB2_4:
0x45: {  	p0 =	sne.s32 s30, $0x6200;
	v3 =	vld [tilespmem:s31+$0x10000];
	[tilespmem:s29+$0x14B60] =	vst v2  }
0x46: {  	v1 =	vld.idx.msk [tilespmem:v1+s2+$0x0], $0xffff;
	_ =	sdelay $0x5  }
0x47: {  	v2 =	vld [tilespmem:s31+$0x10010];
	[tilespmem:s29+$0x14B70] =	vst v1;
	s29 =	smov.u32 s31  }
0x48: {  	v1 =	vld.idx.msk [tilespmem:v3+s2+$0x0], $0xffff;
	_ =	sdelay $0x5  }
0x49: {  	[tilespmem:s29+$0x14B00] =	vst v1;
	v1 =	vld [tilespmem:s29+$0x10020]  }
0x4a: {  	v2 =	vld.idx.msk [tilespmem:v2+s2+$0x0], $0xffff;
	_ =	sdelay $0x5  }
0x4b: {  	[tilespmem:s29+$0x14B10] =	vst v2;
	v2 =	vld [tilespmem:s29+$0x10030]  }
0x4c: {  	v1 =	vld.idx.msk [tilespmem:v1+s2+$0x0], $0xffff;
	_ =	sdelay $0x5  }
0x4d: {  	[tilespmem:s29+$0x14B20] =	vst v1;
	v1 =	vld [tilespmem:s29+$0x10040]  }
0x4e: {  	v2 =	vld.idx.msk [tilespmem:v2+s2+$0x0], $0xffff;
	_ =	sdelay $0x5  }
0x4f: {  	[tilespmem:s29+$0x14B30] =	vst v2;
	v2 =	vld [tilespmem:s29+$0x10050]  }
0x50: {  	v1 =	vld.idx.msk [tilespmem:v1+s2+$0x0], $0xffff;
	_ =	sdelay $0x5  }
0x51: {  	[tilespmem:s29+$0x14B40] =	vst v1;
	v3 =	vld [tilespmem:s29+$0x10060]  }
0x52: {  	v1 =	vld.idx.msk [tilespmem:v2+s2+$0x0], $0xffff;
	_ =	sdelay $0x5  }
0x53: {  	[tilespmem:s29+$0x14B50] =	vst v1;
	v1 =	vld [tilespmem:s29+$0x10070]  }
0x54: {  	v2 =	vld.idx.msk [tilespmem:v3+s2+$0x0], $0xffff  }
.Ltmp1:
0x55: {  	(pc) =	sbr.rel @p0 .LBB2_4-.Ltmp1, $2  }
0x56: {  	_ =	sdelay $0x2  }
0x57: {  	s31 =	sshra.s32 s30, $0x2;
	s30 =	sadd.s32 $0x200, s30  }
0x58: {  	_ =	sdelay $0x1  }
0x59: {  	v3 =	vld [tilespmem:s31+$0x10000]  }
0x5a: {  	[tilespmem:s29+$0x14B60] =	vst v2  }
0x5b: {  	v1 =	vld.idx.msk [tilespmem:v1+s2+$0x0], $0xffff;
	_ =	sdelay $0x3  }
0x5c: {  	v2 =	vld [tilespmem:s31+$0x10010]  }
0x5d: {  	[tilespmem:s29+$0x14B70] =	vst v1  }
0x5e: {  	v1 =	vld.idx.msk [tilespmem:v3+s2+$0x0], $0xffff;
	_ =	sdelay $0x4  }
0x5f: {  	[tilespmem:s31+$0x14B00] =	vst v1;
	v1 =	vld [tilespmem:s31+$0x10020]  }
0x60: {  	v2 =	vld.idx.msk [tilespmem:v2+s2+$0x0], $0xffff;
	_ =	sdelay $0x4  }
0x61: {  	[tilespmem:s31+$0x14B10] =	vst v2;
	v2 =	vld [tilespmem:s31+$0x10030];
	_ =	sdelay $0x1  }
0x62: {  	v1 =	vld.idx.msk [tilespmem:v1+s2+$0x0], $0xffff;
	_ =	sdelay $0x4  }
0x63: {  	[tilespmem:s31+$0x14B20] =	vst v1;
	v1 =	vld [tilespmem:s31+$0x10040]  }
0x64: {  	v2 =	vld.idx.msk [tilespmem:v2+s2+$0x0], $0xffff;
	_ =	sdelay $0x4  }
0x65: {  	[tilespmem:s31+$0x14B30] =	vst v2;
	v2 =	vld [tilespmem:s31+$0x10050];
	_ =	sdelay $0x1  }
0x66: {  	v1 =	vld.idx.msk [tilespmem:v1+s2+$0x0], $0xffff;
	_ =	sdelay $0x4  }
0x67: {  	[tilespmem:s31+$0x14B40] =	vst v1;
	v1 =	vld [tilespmem:s31+$0x10060]  }
0x68: {  	v2 =	vld.idx.msk [tilespmem:v2+s2+$0x0], $0xffff;
	_ =	sdelay $0x4  }
0x69: {  	[tilespmem:s31+$0x14B50] =	vst v2;
	v2 =	vld [tilespmem:s31+$0x10070];
	_ =	sdelay $0x1  }
0x6a: {  	v1 =	vld.idx.msk [tilespmem:v1+s2+$0x0], $0xffff;
	_ =	sdelay $0x4  }
0x6b: {  	[tilespmem:s31+$0x14B60] =	vst v1  }
0x6c: {  	v1 =	vld.idx.msk [tilespmem:v2+s2+$0x0], $0xffff;
	_ =	sdelay $0x4  }
0x6d: {  	[tilespmem:s31+$0x14B70] =	vst v1  }
0x6e: {  	[spmem:s1] =	stream.indirect.scatter.add.f32 [tilespmem:s22], [sflag:$0x2], $0x1, s20, s21, $0xb8;
	[tilespmem:$0x19D00] =	vst v63  }
0x6f: {  	s29 =	simm.s32 $0x0  }
0x70: {  	[tilespmem:s19], [sflag:$0x4] =	stream.linear.gather [hbm4b:s8+s29], $0x1900, $0x38;
	[tilespmem:$0x19D00] =	vst v63  }
0x71: {  	_ =	swait.ge [sflag:s17], $0x1900  }
0x72: {  	[sflag:s17] =	ssyncset.done $0x0  }
0x73: {  	[sflag:s17] =	ssyncadd.s32 $0xFFFFE700  }
0x74: {  	[tilespmem:s23], [sflag:$0x4] =	stream.linear.gather [hbm4b:s9+s29], $0x1900, $0x38;
	[tilespmem:$0x19D00] =	vst v63  }
0x75: {  	_ =	swait.ge [sflag:s17], $0x1900  }
0x76: {  	[sflag:s17] =	ssyncset.done $0x0  }
0x77: {  	s29 =	simm.s32 $0x0;
	[sflag:s17] =	ssyncadd.s32 $0xFFFFE700  }
0x78: {  	v1 =	vld [tilespmem:s29+$0x10000];
	_ =	sdelay $0x5  }
0x79: {  	v2 =	vld [tilespmem:s29+$0x10010];
	_ =	sdelay $0x1  }
0x7a: {  	v1 =	vld.idx.msk [tilespmem:v1+s2+$0x0], $0xffff;
	_ =	sdelay $0x4  }
0x7b: {  	[tilespmem:s29+$0x16400] =	vst v1;
	v1 =	vld [tilespmem:s29+$0x10020]  }
0x7c: {  	v2 =	vld.idx.msk [tilespmem:v2+s2+$0x0], $0xffff;
	_ =	sdelay $0x4  }
0x7d: {  	[tilespmem:s29+$0x16410] =	vst v2;
	v2 =	vld [tilespmem:s29+$0x10030];
	_ =	sdelay $0x1  }
0x7e: {  	v1 =	vld.idx.msk [tilespmem:v1+s2+$0x0], $0xffff;
	_ =	sdelay $0x4  }
0x7f: {  	[tilespmem:s29+$0x16420] =	vst v1;
	v1 =	vld [tilespmem:s29+$0x10040]  }
0x80: {  	v2 =	vld.idx.msk [tilespmem:v2+s2+$0x0], $0xffff;
	_ =	sdelay $0x4  }
0x81: {  	[tilespmem:s29+$0x16430] =	vst v2;
	v2 =	vld [tilespmem:s29+$0x10050];
	_ =	sdelay $0x1  }
0x82: {  	v1 =	vld.idx.msk [tilespmem:v1+s2+$0x0], $0xffff;
	_ =	sdelay $0x4  }
0x83: {  	v3 =	vld [tilespmem:s29+$0x10060];
	[tilespmem:s29+$0x16440] =	vst v1  }
0x84: {  	v1 =	vld.idx.msk [tilespmem:v2+s2+$0x0], $0xffff;
	_ =	sdelay $0x4  }
0x85: {  	[tilespmem:s29+$0x16450] =	vst v1;
	v1 =	vld [tilespmem:s29+$0x10070];
	_ =	sdelay $0x1  }
0x86: {  	v2 =	vld.idx.msk [tilespmem:v3+s2+$0x0], $0xffff;
	_ =	sdelay $0x3  }
0x87: {  	s30 =	simm.s32 $0x400;
	s31 =	simm.s32 $0x80  }
.LBB2_6:
0x88: {  	p0 =	sne.s32 s30, $0x6200;
	v3 =	vld [tilespmem:s31+$0x10000];
	[tilespmem:s29+$0x16460] =	vst v2  }
0x89: {  	v1 =	vld.idx.msk [tilespmem:v1+s2+$0x0], $0xffff;
	_ =	sdelay $0x5  }
0x8a: {  	v2 =	vld [tilespmem:s31+$0x10010];
	[tilespmem:s29+$0x16470] =	vst v1;
	s29 =	smov.u32 s31  }
0x8b: {  	v1 =	vld.idx.msk [tilespmem:v3+s2+$0x0], $0xffff;
	_ =	sdelay $0x5  }
0x8c: {  	[tilespmem:s29+$0x16400] =	vst v1;
	v1 =	vld [tilespmem:s29+$0x10020]  }
0x8d: {  	v2 =	vld.idx.msk [tilespmem:v2+s2+$0x0], $0xffff;
	_ =	sdelay $0x5  }
0x8e: {  	[tilespmem:s29+$0x16410] =	vst v2;
	v2 =	vld [tilespmem:s29+$0x10030]  }
0x8f: {  	v1 =	vld.idx.msk [tilespmem:v1+s2+$0x0], $0xffff;
	_ =	sdelay $0x5  }
0x90: {  	[tilespmem:s29+$0x16420] =	vst v1;
	v1 =	vld [tilespmem:s29+$0x10040]  }
0x91: {  	v2 =	vld.idx.msk [tilespmem:v2+s2+$0x0], $0xffff;
	_ =	sdelay $0x5  }
0x92: {  	[tilespmem:s29+$0x16430] =	vst v2;
	v2 =	vld [tilespmem:s29+$0x10050]  }
0x93: {  	v1 =	vld.idx.msk [tilespmem:v1+s2+$0x0], $0xffff;
	_ =	sdelay $0x5  }
0x94: {  	[tilespmem:s29+$0x16440] =	vst v1;
	v3 =	vld [tilespmem:s29+$0x10060]  }
0x95: {  	v1 =	vld.idx.msk [tilespmem:v2+s2+$0x0], $0xffff;
	_ =	sdelay $0x5  }
0x96: {  	[tilespmem:s29+$0x16450] =	vst v1;
	v1 =	vld [tilespmem:s29+$0x10070]  }
0x97: {  	v2 =	vld.idx.msk [tilespmem:v3+s2+$0x0], $0xffff  }
.Ltmp2:
0x98: {  	(pc) =	sbr.rel @p0 .LBB2_6-.Ltmp2, $2  }
0x99: {  	_ =	sdelay $0x2  }
0x9a: {  	s31 =	sshra.s32 s30, $0x2;
	s30 =	sadd.s32 $0x200, s30  }
0x9b: {  	_ =	sdelay $0x1  }
0x9c: {  	v3 =	vld [tilespmem:s31+$0x10000]  }
0x9d: {  	[tilespmem:s29+$0x16460] =	vst v2  }
0x9e: {  	v1 =	vld.idx.msk [tilespmem:v1+s2+$0x0], $0xffff;
	_ =	sdelay $0x3  }
0x9f: {  	v2 =	vld [tilespmem:s31+$0x10010]  }
0xa0: {  	[tilespmem:s29+$0x16470] =	vst v1  }
0xa1: {  	v1 =	vld.idx.msk [tilespmem:v3+s2+$0x0], $0xffff;
	_ =	sdelay $0x4  }
0xa2: {  	[tilespmem:s31+$0x16400] =	vst v1;
	v1 =	vld [tilespmem:s31+$0x10020]  }
0xa3: {  	v2 =	vld.idx.msk [tilespmem:v2+s2+$0x0], $0xffff;
	_ =	sdelay $0x4  }
0xa4: {  	[tilespmem:s31+$0x16410] =	vst v2;
	v2 =	vld [tilespmem:s31+$0x10030];
	_ =	sdelay $0x1  }
0xa5: {  	v1 =	vld.idx.msk [tilespmem:v1+s2+$0x0], $0xffff;
	_ =	sdelay $0x4  }
0xa6: {  	[tilespmem:s31+$0x16420] =	vst v1;
	v1 =	vld [tilespmem:s31+$0x10040]  }
0xa7: {  	v2 =	vld.idx.msk [tilespmem:v2+s2+$0x0], $0xffff;
	_ =	sdelay $0x4  }
0xa8: {  	[tilespmem:s31+$0x16430] =	vst v2;
	v2 =	vld [tilespmem:s31+$0x10050];
	_ =	sdelay $0x1  }
0xa9: {  	v1 =	vld.idx.msk [tilespmem:v1+s2+$0x0], $0xffff;
	_ =	sdelay $0x4  }
0xaa: {  	[tilespmem:s31+$0x16440] =	vst v1;
	v1 =	vld [tilespmem:s31+$0x10060]  }
0xab: {  	v2 =	vld.idx.msk [tilespmem:v2+s2+$0x0], $0xffff;
	_ =	sdelay $0x4  }
0xac: {  	[tilespmem:s31+$0x16450] =	vst v2;
	v2 =	vld [tilespmem:s31+$0x10070];
	_ =	sdelay $0x1  }
0xad: {  	v1 =	vld.idx.msk [tilespmem:v1+s2+$0x0], $0xffff;
	_ =	sdelay $0x4  }
0xae: {  	[tilespmem:s31+$0x16460] =	vst v1  }
0xaf: {  	v1 =	vld.idx.msk [tilespmem:v2+s2+$0x0], $0xffff;
	_ =	sdelay $0x4  }
0xb0: {  	[tilespmem:s31+$0x16470] =	vst v1  }
0xb1: {  	[spmem:s1] =	stream.indirect.scatter.add.f32 [tilespmem:s24], [sflag:$0x3], $0x1, s23, s21, $0xb8;
	[tilespmem:$0x19D00] =	vst v63  }
0xb2: {  	_ =	swait.ge [sflag:s25], $0x1900  }
0xb3: {  	[sflag:s25] =	ssyncset.done $0x0  }
0xb4: {  	s29 =	simm.s32 $0x0;
	[sflag:s25] =	ssyncadd.s32 $0xFFFFE700  }
0xb5: {  	[tilespmem:s19], [sflag:$0x4] =	stream.linear.gather [hbm4b:s10+s29], $0x1900, $0x38;
	[tilespmem:$0x19D00] =	vst v63  }
0xb6: {  	_ =	swait.ge [sflag:s17], $0x1900  }
0xb7: {  	[sflag:s17] =	ssyncset.done $0x0  }
0xb8: {  	[sflag:s17] =	ssyncadd.s32 $0xFFFFE700  }
0xb9: {  	[tilespmem:s20], [sflag:$0x4] =	stream.linear.gather [hbm4b:s11+s29], $0x1900, $0x38;
	[tilespmem:$0x19D00] =	vst v63  }
0xba: {  	_ =	swait.ge [sflag:s17], $0x1900  }
0xbb: {  	[sflag:s17] =	ssyncset.done $0x0  }
0xbc: {  	s29 =	simm.s32 $0x0;
	[sflag:s17] =	ssyncadd.s32 $0xFFFFE700  }
0xbd: {  	v1 =	vld [tilespmem:s29+$0x10000];
	_ =	sdelay $0x5  }
0xbe: {  	v2 =	vld [tilespmem:s29+$0x10010];
	_ =	sdelay $0x1  }
0xbf: {  	v1 =	vld.idx.msk [tilespmem:v1+s2+$0x0], $0xffff;
	_ =	sdelay $0x4  }
0xc0: {  	[tilespmem:s29+$0x14B00] =	vst v1;
	v1 =	vld [tilespmem:s29+$0x10020]  }
0xc1: {  	v2 =	vld.idx.msk [tilespmem:v2+s2+$0x0], $0xffff;
	_ =	sdelay $0x4  }
0xc2: {  	[tilespmem:s29+$0x14B10] =	vst v2;
	v2 =	vld [tilespmem:s29+$0x10030];
	_ =	sdelay $0x1  }
0xc3: {  	v1 =	vld.idx.msk [tilespmem:v1+s2+$0x0], $0xffff;
	_ =	sdelay $0x4  }
0xc4: {  	[tilespmem:s29+$0x14B20] =	vst v1;
	v1 =	vld [tilespmem:s29+$0x10040]  }
0xc5: {  	v2 =	vld.idx.msk [tilespmem:v2+s2+$0x0], $0xffff;
	_ =	sdelay $0x4  }
0xc6: {  	[tilespmem:s29+$0x14B30] =	vst v2;
	v2 =	vld [tilespmem:s29+$0x10050];
	_ =	sdelay $0x1  }
0xc7: {  	v1 =	vld.idx.msk [tilespmem:v1+s2+$0x0], $0xffff;
	_ =	sdelay $0x4  }
0xc8: {  	v3 =	vld [tilespmem:s29+$0x10060];
	[tilespmem:s29+$0x14B40] =	vst v1  }
0xc9: {  	v1 =	vld.idx.msk [tilespmem:v2+s2+$0x0], $0xffff;
	_ =	sdelay $0x4  }
0xca: {  	[tilespmem:s29+$0x14B50] =	vst v1;
	v1 =	vld [tilespmem:s29+$0x10070];
	_ =	sdelay $0x1  }
0xcb: {  	v2 =	vld.idx.msk [tilespmem:v3+s2+$0x0], $0xffff;
	_ =	sdelay $0x3  }
0xcc: {  	s30 =	simm.s32 $0x400;
	s31 =	simm.s32 $0x80  }
.LBB2_8:
0xcd: {  	p0 =	sne.s32 s30, $0x6200;
	v3 =	vld [tilespmem:s31+$0x10000];
	[tilespmem:s29+$0x14B60] =	vst v2  }
0xce: {  	v1 =	vld.idx.msk [tilespmem:v1+s2+$0x0], $0xffff;
	_ =	sdelay $0x5  }
0xcf: {  	v2 =	vld [tilespmem:s31+$0x10010];
	[tilespmem:s29+$0x14B70] =	vst v1;
	s29 =	smov.u32 s31  }
0xd0: {  	v1 =	vld.idx.msk [tilespmem:v3+s2+$0x0], $0xffff;
	_ =	sdelay $0x5  }
0xd1: {  	[tilespmem:s29+$0x14B00] =	vst v1;
	v1 =	vld [tilespmem:s29+$0x10020]  }
0xd2: {  	v2 =	vld.idx.msk [tilespmem:v2+s2+$0x0], $0xffff;
	_ =	sdelay $0x5  }
0xd3: {  	[tilespmem:s29+$0x14B10] =	vst v2;
	v2 =	vld [tilespmem:s29+$0x10030]  }
0xd4: {  	v1 =	vld.idx.msk [tilespmem:v1+s2+$0x0], $0xffff;
	_ =	sdelay $0x5  }
0xd5: {  	[tilespmem:s29+$0x14B20] =	vst v1;
	v1 =	vld [tilespmem:s29+$0x10040]  }
0xd6: {  	v2 =	vld.idx.msk [tilespmem:v2+s2+$0x0], $0xffff;
	_ =	sdelay $0x5  }
0xd7: {  	[tilespmem:s29+$0x14B30] =	vst v2;
	v2 =	vld [tilespmem:s29+$0x10050]  }
0xd8: {  	v1 =	vld.idx.msk [tilespmem:v1+s2+$0x0], $0xffff;
	_ =	sdelay $0x5  }
0xd9: {  	[tilespmem:s29+$0x14B40] =	vst v1;
	v3 =	vld [tilespmem:s29+$0x10060]  }
0xda: {  	v1 =	vld.idx.msk [tilespmem:v2+s2+$0x0], $0xffff;
	_ =	sdelay $0x5  }
0xdb: {  	[tilespmem:s29+$0x14B50] =	vst v1;
	v1 =	vld [tilespmem:s29+$0x10070]  }
0xdc: {  	v2 =	vld.idx.msk [tilespmem:v3+s2+$0x0], $0xffff  }
.Ltmp3:
0xdd: {  	(pc) =	sbr.rel @p0 .LBB2_8-.Ltmp3, $2  }
0xde: {  	_ =	sdelay $0x2  }
0xdf: {  	s31 =	sshra.s32 s30, $0x2;
	s30 =	sadd.s32 $0x200, s30  }
0xe0: {  	_ =	sdelay $0x1  }
0xe1: {  	v3 =	vld [tilespmem:s31+$0x10000]  }
0xe2: {  	[tilespmem:s29+$0x14B60] =	vst v2  }
0xe3: {  	v1 =	vld.idx.msk [tilespmem:v1+s2+$0x0], $0xffff;
	_ =	sdelay $0x3  }
0xe4: {  	v2 =	vld [tilespmem:s31+$0x10010]  }
0xe5: {  	[tilespmem:s29+$0x14B70] =	vst v1  }
0xe6: {  	v1 =	vld.idx.msk [tilespmem:v3+s2+$0x0], $0xffff;
	_ =	sdelay $0x4  }
0xe7: {  	[tilespmem:s31+$0x14B00] =	vst v1;
	v1 =	vld [tilespmem:s31+$0x10020]  }
0xe8: {  	v2 =	vld.idx.msk [tilespmem:v2+s2+$0x0], $0xffff;
	_ =	sdelay $0x4  }
0xe9: {  	[tilespmem:s31+$0x14B10] =	vst v2;
	v2 =	vld [tilespmem:s31+$0x10030];
	_ =	sdelay $0x1  }
0xea: {  	v1 =	vld.idx.msk [tilespmem:v1+s2+$0x0], $0xffff;
	_ =	sdelay $0x4  }
0xeb: {  	[tilespmem:s31+$0x14B20] =	vst v1;
	v1 =	vld [tilespmem:s31+$0x10040]  }
0xec: {  	v2 =	vld.idx.msk [tilespmem:v2+s2+$0x0], $0xffff;
	_ =	sdelay $0x4  }
0xed: {  	[tilespmem:s31+$0x14B30] =	vst v2;
	v2 =	vld [tilespmem:s31+$0x10050];
	_ =	sdelay $0x1  }
0xee: {  	v1 =	vld.idx.msk [tilespmem:v1+s2+$0x0], $0xffff;
	_ =	sdelay $0x4  }
0xef: {  	[tilespmem:s31+$0x14B40] =	vst v1;
	v1 =	vld [tilespmem:s31+$0x10060]  }
0xf0: {  	v2 =	vld.idx.msk [tilespmem:v2+s2+$0x0], $0xffff;
	_ =	sdelay $0x4  }
0xf1: {  	[tilespmem:s31+$0x14B50] =	vst v2;
	v2 =	vld [tilespmem:s31+$0x10070];
	_ =	sdelay $0x1  }
0xf2: {  	v1 =	vld.idx.msk [tilespmem:v1+s2+$0x0], $0xffff;
	_ =	sdelay $0x4  }
0xf3: {  	[tilespmem:s31+$0x14B60] =	vst v1  }
0xf4: {  	v1 =	vld.idx.msk [tilespmem:v2+s2+$0x0], $0xffff;
	_ =	sdelay $0x4  }
0xf5: {  	[tilespmem:s31+$0x14B70] =	vst v1  }
0xf6: {  	[spmem:s1] =	stream.indirect.scatter.add.f32 [tilespmem:s22], [sflag:$0x2], $0x1, s20, s21, $0xb8;
	[tilespmem:$0x19D00] =	vst v63  }
0xf7: {  	_ =	swait.ge [sflag:s26], $0x1900  }
0xf8: {  	[sflag:s26] =	ssyncset.done $0x0  }
0xf9: {  	s29 =	simm.s32 $0x0;
	[sflag:s26] =	ssyncadd.s32 $0xFFFFE700  }
0xfa: {  	[tilespmem:s19], [sflag:$0x4] =	stream.linear.gather [hbm4b:s12+s29], $0x1900, $0x38;
	[tilespmem:$0x19D00] =	vst v63  }
0xfb: {  	_ =	swait.ge [sflag:s17], $0x1900  }
0xfc: {  	[sflag:s17] =	ssyncset.done $0x0  }
0xfd: {  	[sflag:s17] =	ssyncadd.s32 $0xFFFFE700  }
0xfe: {  	[tilespmem:s23], [sflag:$0x4] =	stream.linear.gather [hbm4b:s13+s29], $0x1900, $0x38;
	[tilespmem:$0x19D00] =	vst v63  }
0xff: {  	_ =	swait.ge [sflag:s17], $0x1900  }
0x100: {  	[sflag:s17] =	ssyncset.done $0x0  }
0x101: {  	s29 =	simm.s32 $0x0;
	[sflag:s17] =	ssyncadd.s32 $0xFFFFE700  }
0x102: {  	v1 =	vld [tilespmem:s29+$0x10000];
	_ =	sdelay $0x5  }
0x103: {  	v2 =	vld [tilespmem:s29+$0x10010];
	_ =	sdelay $0x1  }
0x104: {  	v1 =	vld.idx.msk [tilespmem:v1+s2+$0x0], $0xffff;
	_ =	sdelay $0x4  }
0x105: {  	[tilespmem:s29+$0x16400] =	vst v1;
	v1 =	vld [tilespmem:s29+$0x10020]  }
0x106: {  	v2 =	vld.idx.msk [tilespmem:v2+s2+$0x0], $0xffff;
	_ =	sdelay $0x4  }
0x107: {  	[tilespmem:s29+$0x16410] =	vst v2;
	v2 =	vld [tilespmem:s29+$0x10030];
	_ =	sdelay $0x1  }
0x108: {  	v1 =	vld.idx.msk [tilespmem:v1+s2+$0x0], $0xffff;
	_ =	sdelay $0x4  }
0x109: {  	[tilespmem:s29+$0x16420] =	vst v1;
	v1 =	vld [tilespmem:s29+$0x10040]  }
0x10a: {  	v2 =	vld.idx.msk [tilespmem:v2+s2+$0x0], $0xffff;
	_ =	sdelay $0x4  }
0x10b: {  	[tilespmem:s29+$0x16430] =	vst v2;
	v2 =	vld [tilespmem:s29+$0x10050];
	_ =	sdelay $0x1  }
0x10c: {  	v1 =	vld.idx.msk [tilespmem:v1+s2+$0x0], $0xffff;
	_ =	sdelay $0x4  }
0x10d: {  	v3 =	vld [tilespmem:s29+$0x10060];
	[tilespmem:s29+$0x16440] =	vst v1  }
0x10e: {  	v1 =	vld.idx.msk [tilespmem:v2+s2+$0x0], $0xffff;
	_ =	sdelay $0x4  }
0x10f: {  	[tilespmem:s29+$0x16450] =	vst v1;
	v1 =	vld [tilespmem:s29+$0x10070];
	_ =	sdelay $0x1  }
0x110: {  	v2 =	vld.idx.msk [tilespmem:v3+s2+$0x0], $0xffff;
	_ =	sdelay $0x3  }
0x111: {  	s30 =	simm.s32 $0x400;
	s31 =	simm.s32 $0x80  }
.LBB2_10:
0x112: {  	p0 =	sne.s32 s30, $0x6200;
	v3 =	vld [tilespmem:s31+$0x10000];
	[tilespmem:s29+$0x16460] =	vst v2  }
0x113: {  	v1 =	vld.idx.msk [tilespmem:v1+s2+$0x0], $0xffff;
	_ =	sdelay $0x5  }
0x114: {  	v2 =	vld [tilespmem:s31+$0x10010];
	[tilespmem:s29+$0x16470] =	vst v1;
	s29 =	smov.u32 s31  }
0x115: {  	v1 =	vld.idx.msk [tilespmem:v3+s2+$0x0], $0xffff;
	_ =	sdelay $0x5  }
0x116: {  	[tilespmem:s29+$0x16400] =	vst v1;
	v1 =	vld [tilespmem:s29+$0x10020]  }
0x117: {  	v2 =	vld.idx.msk [tilespmem:v2+s2+$0x0], $0xffff;
	_ =	sdelay $0x5  }
0x118: {  	[tilespmem:s29+$0x16410] =	vst v2;
	v2 =	vld [tilespmem:s29+$0x10030]  }
0x119: {  	v1 =	vld.idx.msk [tilespmem:v1+s2+$0x0], $0xffff;
	_ =	sdelay $0x5  }
0x11a: {  	[tilespmem:s29+$0x16420] =	vst v1;
	v1 =	vld [tilespmem:s29+$0x10040]  }
0x11b: {  	v2 =	vld.idx.msk [tilespmem:v2+s2+$0x0], $0xffff;
	_ =	sdelay $0x5  }
0x11c: {  	[tilespmem:s29+$0x16430] =	vst v2;
	v2 =	vld [tilespmem:s29+$0x10050]  }
0x11d: {  	v1 =	vld.idx.msk [tilespmem:v1+s2+$0x0], $0xffff;
	_ =	sdelay $0x5  }
0x11e: {  	[tilespmem:s29+$0x16440] =	vst v1;
	v3 =	vld [tilespmem:s29+$0x10060]  }
0x11f: {  	v1 =	vld.idx.msk [tilespmem:v2+s2+$0x0], $0xffff;
	_ =	sdelay $0x5  }
0x120: {  	[tilespmem:s29+$0x16450] =	vst v1;
	v1 =	vld [tilespmem:s29+$0x10070]  }
0x121: {  	v2 =	vld.idx.msk [tilespmem:v3+s2+$0x0], $0xffff  }
.Ltmp4:
0x122: {  	(pc) =	sbr.rel @p0 .LBB2_10-.Ltmp4, $2  }
0x123: {  	_ =	sdelay $0x2  }
0x124: {  	s31 =	sshra.s32 s30, $0x2;
	s30 =	sadd.s32 $0x200, s30  }
0x125: {  	_ =	sdelay $0x1  }
0x126: {  	v3 =	vld [tilespmem:s31+$0x10000]  }
0x127: {  	[tilespmem:s29+$0x16460] =	vst v2  }
0x128: {  	v1 =	vld.idx.msk [tilespmem:v1+s2+$0x0], $0xffff;
	_ =	sdelay $0x3  }
0x129: {  	v2 =	vld [tilespmem:s31+$0x10010]  }
0x12a: {  	[tilespmem:s29+$0x16470] =	vst v1  }
0x12b: {  	v1 =	vld.idx.msk [tilespmem:v3+s2+$0x0], $0xffff;
	_ =	sdelay $0x4  }
0x12c: {  	[tilespmem:s31+$0x16400] =	vst v1;
	v1 =	vld [tilespmem:s31+$0x10020]  }
0x12d: {  	v2 =	vld.idx.msk [tilespmem:v2+s2+$0x0], $0xffff;
	_ =	sdelay $0x4  }
0x12e: {  	[tilespmem:s31+$0x16410] =	vst v2;
	v2 =	vld [tilespmem:s31+$0x10030];
	_ =	sdelay $0x1  }
0x12f: {  	v1 =	vld.idx.msk [tilespmem:v1+s2+$0x0], $0xffff;
	_ =	sdelay $0x4  }
0x130: {  	[tilespmem:s31+$0x16420] =	vst v1;
	v1 =	vld [tilespmem:s31+$0x10040]  }
0x131: {  	v2 =	vld.idx.msk [tilespmem:v2+s2+$0x0], $0xffff;
	_ =	sdelay $0x4  }
0x132: {  	[tilespmem:s31+$0x16430] =	vst v2;
	v2 =	vld [tilespmem:s31+$0x10050];
	_ =	sdelay $0x1  }
0x133: {  	v1 =	vld.idx.msk [tilespmem:v1+s2+$0x0], $0xffff;
	_ =	sdelay $0x4  }
0x134: {  	[tilespmem:s31+$0x16440] =	vst v1;
	v1 =	vld [tilespmem:s31+$0x10060]  }
0x135: {  	v2 =	vld.idx.msk [tilespmem:v2+s2+$0x0], $0xffff;
	_ =	sdelay $0x4  }
0x136: {  	[tilespmem:s31+$0x16450] =	vst v2;
	v2 =	vld [tilespmem:s31+$0x10070];
	_ =	sdelay $0x1  }
0x137: {  	v1 =	vld.idx.msk [tilespmem:v1+s2+$0x0], $0xffff;
	_ =	sdelay $0x4  }
0x138: {  	[tilespmem:s31+$0x16460] =	vst v1  }
0x139: {  	v1 =	vld.idx.msk [tilespmem:v2+s2+$0x0], $0xffff;
	_ =	sdelay $0x4  }
0x13a: {  	[tilespmem:s31+$0x16470] =	vst v1  }
0x13b: {  	[spmem:s1] =	stream.indirect.scatter.add.f32 [tilespmem:s24], [sflag:$0x3], $0x1, s23, s21, $0xb8;
	[tilespmem:$0x19D00] =	vst v63  }
0x13c: {  	_ =	swait.ge [sflag:s25], $0x1900  }
0x13d: {  	[sflag:s25] =	ssyncset.done $0x0  }
0x13e: {  	[sflag:s25] =	ssyncadd.s32 $0xFFFFE700  }
0x13f: {  	_ =	swait.ge [sflag:s26], $0x1900  }
0x140: {  	[sflag:s26] =	ssyncset.done $0x0  }
0x141: {  	[sflag:s26] =	ssyncadd.s32 $0xFFFFE700  }
0x142: {  	[bflag:$0x0] =	sbarrier.arrive $0xFFFF  }
0x143: {  	[tilespmem:s16], [sflag:$0x4] =	stream.linear.gather [spmem:s5], $0x1000, $0x38;
	[tilespmem:$0x19D00] =	vst v63  }
0x144: {  	s28 =	sadd.s32 $0x1, s28;
	_ =	swait.ge [sflag:s17], $0x1000  }
0x145: {  	p0 =	sne.s32 s28, s15;
	[sflag:s17] =	ssyncset.done $0x0  }
.Ltmp5:
0x146: {  	[sflag:s17] =	ssyncadd.s32 $0xFFFFF000;
	(pc) =	sbr.rel @p0 .LBB2_1-.Ltmp5, $4  }
0x147: {  	[hbm4b:s14+s2] =	stream.linear.scatter [tilespmem:s16], [sflag:$0x4], $0x1000, $0x38;
	[tilespmem:$0x19D00] =	vst v63  }
0x148: {  	_ =	swait.ge [sflag:s17], $0x1000  }
0x149: {  	[sflag:s17] =	ssyncset.done $0x0  }
0x14a: {  	[sflag:s17] =	ssyncadd.s32 $0xFFFFF000  }
0x14b: {  	_ =	sfence.sel $0x180000  }
0x14c: {  	[bflag:$0x0] =	sbarrier.arrive $0xFFFF  }
0x14d: {  	p0 =	sne.s32 s3, $0x0;
	_ =	strace $0x9000004D  }
0x14e: {  	s0 =	sadd.s32 @!p0 $0x100000, s0;
	[bflag:$0x2] =	sbarrier.arrive $0xFFFF  }
0x14f: {  	[sflag:s0] =	ssyncadd.tile.s32 @!p0 $0x1;
	_ =	shalt  }
.Lfunc_end2:
_tile_overlayer_lowered:
.L_overlay_start_2:
0x150: {  	(tag) =	ssettag $0x2  }
0x151: {  	s0 =	rddreg [dreg:$0x0];
	s2 =	stileid.u32  }
0x152: {  	s1 =	rddreg [dreg:$0x1];
	p0 =	sne.s32 s2, $0x0  }
0x153: {  	s3 =	rddreg [dreg:$0x2];
	[bflag:$0x3] =	sbarrier.arrive $0xFFFF;
	s2 =	simm.s32 @!p0 $0x1C04  }
0x154: {  	[timem:s3], [sflag:s2] =	dma.local @!p0 [hbm:s0], s1  }
0x155: {  	s0 =	simm.s32 @!p0 $0x4  }
0x156: {  	_ =	swait.ge @!p0 [sflag:s0], s1  }
0x157: {  	s1 =	ssub.s32 @!p0 $0x0, s1;
	[sflag:s0] =	ssyncset.done @!p0 $0x0  }
0x158: {  	[sflag:s0] =	ssyncadd.s32 @!p0 s1  }
0x159: {  	[bflag:$0x3] =	sbarrier.arrive $0xFFFF  }
0x15a: {  	_ =	shalt  }

// kernel: kernel.19.cloned.1.call-start
scs
__scs_entry_jumppad:
0x0: {  	(pc) =	sbr.rel $0x88, $3  }
0x1: {  	(tag) =	ssettag $0x0;
	lr =	simm.s32 $0x1  }
0x2: {  	[smem:$0x3F9A] =	sst lr;
	_ =	strace $0xD0000000  }
0x3: {  	_ = 	snop  }
0x4: {  	_ = 	snop  }
0x5: {  	_ = 	snop  }
0x6: {  	_ = 	snop  }
0x7: {  	_ = 	snop  }
__scs_overlays_trampoline_lowered:
0x8: {  	[smem:$0x3FA9] =	sst s0  }
0x9: {  	[smem:$0x3FAA] =	sst s1  }
0xa: {  	[smem:$0x3FAB] =	sst s2  }
0xb: {  	[smem:$0x3FAC] =	sst s3  }
0xc: {  	[smem:$0x3FAD] =	sst s4  }
0xd: {  	[smem:$0x3FAE] =	sst s5  }
0xe: {  	[smem:$0x3FAF] =	sst s6  }
0xf: {  	[smem:$0x3FB0] =	sst s7  }
0x10: {  	[smem:$0x3FB1] =	sst s8  }
0x11: {  	[smem:$0x3FB2] =	sst s9;
	s0 =	simm.s32 @!p0 $0x0  }
0x12: {  	s1 =	sld [smem:$0x3F98];
	s0 =	simm.s32 @p0 $0x1  }
0x13: {  	[smem:$0x3FB3] =	sst s0;
	s0 =	simm.s32 @!p1 $0x0  }
0x14: {  	s2 =	sld [smem:$0x3F97];
	s0 =	simm.s32 @p1 $0x1  }
0x15: {  	[smem:$0x3FB4] =	sst s0;
	s0 =	simm.s32 @!p2 $0x0  }
0x16: {  	s3 =	sld [smem:$0x3FDB];
	s0 =	simm.s32 @p2 $0x1  }
0x17: {  	s4 =	simm.s32 $0x1BF5;
	[smem:$0x3FB6] =	sst s0  }
0x18: {  	s0 =	sld [smem:$0x3F99];
	_ =	swait.ge [sflag:s4], $0x0  }
0x19: {  	s7 =	sld [smem:$0x3F9A]  }
0x1a: {  	s8 =	sadd.s32 $0xFFFFE003, lr  }
0x1b: {  	s9 =	sadd.s32 $0xFFFFFEF7, lr;
	s5 =	simm.s32 $0xFFFFFFFF;
	p2 =	slt.u32 s8, $0xFFFFF086  }
0x1c: {  	p1 =	slt.u32 s9, $0xF7A;
	s5 =	simm.s32 @!p2 $0x0  }
0x1d: {  	s5 =	simm.s32 @p1 $0x1;
	p0 =	seq.s32 s7, s2  }
0x1e: {  	s7 =	smul.u32 @!p0 $0xF7A, s2;
	p2 =	seq.s32 @!p0 s5, $0x0  }
0x1f: {  	s9 =	smul.u32 $0xF7A, s1;
	s8 =	simm.s32 @!p0 $0x1BF5;
	p2 =	por !p2, p0  }
0x20: {  	[sflag:s8] =	ssyncset.s32 @!p0 $0xFFFFF086;
	s6 =	sadd.s32 @!p0 s3, s7;
	s7 =	simm.s32 @!p0 $0x108  }
0x21: {  	s3 =	sadd.s32 s3, s9;
	s6 =	sadd.s32 @!p0 $0x88, s6;
	s7 =	simm.s32 @p2 $0x1082  }
0x22: {  	[simem:s7], [sflag:s8] =	dma.local @!p0 [hbm:s6], $0xF7A  }
0x23: {  	s9 =	sor.u32 $0xD0000000, s2;
	s6 =	simm.s32 $0x108;
	_ =	swait.ge @!p0 [sflag:s8], $0x0  }
0x24: {  	s3 =	sadd.s32 $0x88, s3;
	s6 =	simm.s32 @!p1 $0x1082;
	[sflag:s4] =	ssyncset.s32 $0xFFFFF086  }
0x25: {  	[simem:s6], [sflag:s4] =	dma.local [hbm:s3], $0xF7A  }
0x26: {  	[smem:$0x3F9A] =	sst s1;
	(tag) =	ssettag s2;
	_ =	strace s9  }
0x27: {  	s1 =	sld [smem:$0x3FAA]  }
0x28: {  	s2 =	sld [smem:$0x3FAB]  }
0x29: {  	s4 =	sld [smem:$0x3FAD]  }
0x2a: {  	p0 =	seq.s32 s5, $0x0;
	s5 =	sld [smem:$0x3FAE]  }
0x2b: {  	s6 =	sld [smem:$0x3FAF]  }
0x2c: {  	s7 =	sld [smem:$0x3FB0]  }
0x2d: {  	s3 =	simm.s32 $0x108;
	s8 =	sld [smem:$0x3FB1]  }
0x2e: {  	s3 =	simm.s32 @!p0 $0x1082;
	s9 =	sld [smem:$0x3FB2]  }
0x2f: {  	lr =	sadd.s32 s0, s3;
	s0 =	sld [smem:$0x3FA9]  }
0x30: {  	s3 =	sld [smem:$0x3FAC]  }
0x31: {  	[smem:$0x3FB5] =	sst s10  }
0x32: {  	s10 =	sld [smem:$0x3FB3];
	_ =	sdelay $0x3  }
0x33: {  	p0 =	seq.s32 s10, $0x1;
	s10 =	sld [smem:$0x3FB5];
	_ =	sdelay $0x3  }
0x34: {  	[smem:$0x3FB5] =	sst s10  }
0x35: {  	s10 =	sld [smem:$0x3FB4];
	_ =	sdelay $0x3  }
0x36: {  	p1 =	seq.s32 s10, $0x1;
	s10 =	sld [smem:$0x3FB5];
	_ =	sdelay $0x3  }
0x37: {  	[smem:$0x3FB5] =	sst s10  }
0x38: {  	s10 =	sld [smem:$0x3FB6]  }
0x39: {  	_ = 	snop;
	(pc) =	sbr.ind lr, $3  }
0x3a: {  	_ = 	snop  }
0x3b: {  	_ = 	snop  }
0x3c: {  	p2 =	seq.s32 s10, $0x1;
	s10 =	sld [smem:$0x3FB5]  }
0x3d: {  	_ =	shalt  }
0x3e: {  	_ =	shalt  }
0x3f: {  	_ =	shalt  }
0x40: {  	_ =	shalt  }
0x41: {  	_ =	shalt  }
0x42: {  	_ =	shalt  }
0x43: {  	_ =	shalt  }
0x44: {  	_ =	shalt  }
0x45: {  	_ =	shalt  }
0x46: {  	_ =	shalt  }
0x47: {  	_ =	shalt  }
0x48: {  	_ =	shalt  }
0x49: {  	_ =	shalt  }
0x4a: {  	_ =	shalt  }
0x4b: {  	_ =	shalt  }
0x4c: {  	_ =	shalt  }
0x4d: {  	_ =	shalt  }
0x4e: {  	_ =	shalt  }
0x4f: {  	_ =	shalt  }
0x50: {  	_ =	shalt  }
0x51: {  	_ =	shalt  }
0x52: {  	_ =	shalt  }
0x53: {  	_ =	shalt  }
0x54: {  	_ =	shalt  }
0x55: {  	_ =	shalt  }
0x56: {  	_ =	shalt  }
0x57: {  	_ =	shalt  }
0x58: {  	_ =	shalt  }
0x59: {  	_ =	shalt  }
0x5a: {  	_ =	shalt  }
0x5b: {  	_ =	shalt  }
0x5c: {  	_ =	shalt  }
0x5d: {  	_ =	shalt  }
0x5e: {  	_ =	shalt  }
0x5f: {  	_ =	shalt  }
0x60: {  	_ =	shalt  }
0x61: {  	_ =	shalt  }
0x62: {  	_ =	shalt  }
0x63: {  	_ =	shalt  }
0x64: {  	_ =	shalt  }
0x65: {  	_ =	shalt  }
0x66: {  	_ =	shalt  }
0x67: {  	_ =	shalt  }
0x68: {  	_ =	shalt  }
0x69: {  	_ =	shalt  }
0x6a: {  	_ =	shalt  }
0x6b: {  	_ =	shalt  }
0x6c: {  	_ =	shalt  }
0x6d: {  	_ =	shalt  }
0x6e: {  	_ =	shalt  }
0x6f: {  	_ =	shalt  }
0x70: {  	_ =	shalt  }
0x71: {  	_ =	shalt  }
0x72: {  	_ =	shalt  }
0x73: {  	_ =	shalt  }
0x74: {  	_ =	shalt  }
0x75: {  	_ =	shalt  }
0x76: {  	_ =	shalt  }
0x77: {  	_ =	shalt  }
0x78: {  	_ =	shalt  }
0x79: {  	_ =	shalt  }
0x7a: {  	_ =	shalt  }
0x7b: {  	_ =	shalt  }
0x7c: {  	_ =	shalt  }
0x7d: {  	_ =	shalt  }
0x7e: {  	_ =	shalt  }
0x7f: {  	_ =	shalt  }
0x80: {  	_ =	shalt  }
0x81: {  	_ =	shalt  }
0x82: {  	_ =	shalt  }
0x83: {  	_ =	shalt  }
0x84: {  	_ =	shalt  }
0x85: {  	_ =	shalt  }
0x86: {  	_ =	shalt  }
0x87: {  	_ =	shalt  }
.Lfunc_end0:
.L_simem_size_0:
called_computation.3_lowered:
.L_overlay_start_0:
0x88: {  	s2 =	sld [smem:$0x3FD9]  }
0x89: {  	s3 =	sld [smem:$0x3FFE];
	_ =	sdelay $0x1  }
0x8a: {  	s1 =	srdreg.scid  }
0x8b: {  	s0 =	sand.u32 $0x1, s1  }
0x8c: {  	s16 =	sshll.u32 s0, $0xA;
	s2 =	sadd.s32 s3, s2  }
0x8d: {  	s2 =	sadd.s32 s2, s16  }
0x8e: {  	[smem:$0x3FC1] =	sst s2  }
0x8f: {  	_ = 	snop  }
0x90: {  	(tm) =	ssettm $0x1  }
0x91: {  	s17 =	sld [smem:$0x3FFB];
	_ =	sdelay $0x3  }
0x92: {  	_ =	strace s17  }
0x93: {  	s2 =	sld [smem:$0x3FFC];
	_ =	sdelay $0x3  }
0x94: {  	_ =	strace s2  }
0x95: {  	s2 =	sld [smem:$0x3FFD];
	_ =	sdelay $0x3  }
0x96: {  	_ =	strace s2  }
0x97: {  	_ =	strace $0x8FFFFFFF  }
0x98: {  	s18 =	sld [smem:$0x3FDB];
	_ =	sdelay $0x1  }
0x99: {  	s19 =	simm.s32 $_scs_section_size  }
0x9a: {  	s4 =	simm.s32 $_size__tile_overlayer_lowered;
	s5 =	simm.s32 $_tile_overlayer_lowered  }
0x9b: {  	s22 =	simm.s32 $0x1BFF;
	s21 =	sshll.u32 s5, $0x1;
	s2 =	sadd.s32 s19, s18  }
0x9c: {  	s6 =	simm.s32 $0x0;
	s20 =	sshll.u32 s4, $0x1;
	s4 =	sadd.s32 s21, s2  }
0x9d: {  	[timem:s6], [sflag:s22] =	dma.local [hbm:s4], s20  }
0x9e: {  	_ =	swait.ge [sflag:s22], s20  }
0x9f: {  	s3 =	ssub.s32 $0x0, s20;
	[sflag:s22] =	ssyncset.done $0x0  }
0xa0: {  	[sflag:s22] =	ssyncadd.s32 s3;
	_ =	sdelay $0x1  }
0xa1: {  	s23 =	simm.s32 $0x1B8B  }
0xa2: {  	_ =	swait.ge [sflag:s23], $0x1  }
0xa3: {  	[sflag:s23] =	ssyncset.done $0x0  }
0xa4: {  	s25 =	simm.s32 $0x1B8E;
	s24 =	sld [smem:$0x3FFE];
	[sflag:s23] =	ssyncadd.s32 $0xFFFFFFFF  }
0xa5: {  	s26 =	simm.s32 $execute0_lowered;
	[smem:$0x3FD2] =	sst s25  }
0xa6: {  	s4 =	sshll.u32 s26, $0x1;
	_ =	strace $0x8000004F;
	[dreg:$0x1] =	wrdreg $0xFFFFFFFF  }
0xa7: {  	s28 =	simm.s32 $_size_execute0_lowered;
	s2 =	sadd.s32 s2, s4;
	[dreg:$0x0] =	wrdreg $0x0  }
0xa8: {  	s4 =	sshll.u32 s28, $0x1;
	[dreg:$0x2] =	wrdreg s2  }
0xa9: {  	[dreg:$0x3] =	wrdreg s4  }
0xaa: {  	[dreg:$0x4] =	wrdreg $0xC0  }
0xab: {  	_ =	task [dreg:s6], $0x5FFFF  }
0xac: {  	[dreg:$0x1] =	wrdreg $0xFFFFFFFF  }
0xad: {  	[dreg:$0x0] =	wrdreg $0x60  }
0xae: {  	[dreg:$0x2] =	wrdreg s24  }
0xaf: {  	[dreg:$0x3] =	wrdreg $0x31800  }
0xb0: {  	[dreg:$0x4] =	wrdreg $0x35800  }
0xb1: {  	[dreg:$0x5] =	wrdreg $0x9  }
0xb2: {  	_ =	task.clear_ibuf [dreg:s6], $0x6FFFF;
	_ =	strace $0x9000004F  }
0xb3: {  	s29 =	simm.s32 $0x9;
	_ =	strace $0x80000051  }
0xb4: {  	_ =	swait.ge [sflag:s29], $0x1  }
0xb5: {  	[sflag:s29] =	ssyncadd.s32 $0xFFFFFFFF  }
0xb6: {  	_ =	strace $0x90000051  }
0xb7: {  	_ =	sfence  }
0xb8: {  	s30 =	sld [smem:$0x0];
	_ =	sdelay $0x2  }
0xb9: {  	s31 =	sshll.u32 s1, $0xD;
	s1 =	sshrl.u32 s1, $0x2  }
0xba: {  	s3 =	sand.u32 $0x4000, s31;
	s1 =	sadd.s32 s1, s30  }
0xbb: {  	s0 =	sor.u32 s3, s0;
	s1 =	sshll.u32 s1, $0x11  }
0xbc: {  	s0 =	sor.u32 s1, s0  }
0xbd: {  	s0 =	sadd.s32 $0x8F2B, s0  }
0xbe: {  	[sflag:s0] =	ssyncadd.remote.s32 $0x1  }
0xbf: {  	_ =	sfence.sel $0xFFFF  }
0xc0: {  	[dreg:$0x0] =	wrdreg $0xFFFFFFFF;
	(pc) =	sbr.abs _section_cstart, $3  }
0xc1: {  	[dreg:$0x1] =	wrdreg $0xFFFFFFFF  }
0xc2: {  	_ =	task.clear_ibuf [dreg:s6], $0x2FFFF;
	_ =	strace $0x9FFFFFFF  }
0xc3: {  	(tm) =	ssettm $0x7FFFFFFF  }
tec
execute0_lowered:
.L_overlay_start_1:
0x0: {  	(tag) =	ssettag $0x1  }
0x1: {  	s0 =	rddreg [dreg:$0x0]  }
0x2: {  	s4 =	rddreg [dreg:$0x1]  }
0x3: {  	s5 =	rddreg [dreg:$0x2];
	s2 =	srdreg.scid  }
0x4: {  	s1 =	simm.s32 $0x0;
	s9 =	stileid.u32;
	s2 =	sand.u32 $0x1, s2  }
0x5: {  	[smem:$0x7FF] =	sst s1;
	s3 =	sshll.u32 s9, $0x6;
	s8 =	sshll.u32 s9, $0x8  }
0x6: {  	s6 =	sshll.u32 s2, $0xA;
	s7 =	sshll.u32 s2, $0xC;
	s2 =	ssub.s32 $0x2, s2  }
0x7: {  	s14 =	sor.u32 $0x800, s3;
	s15 =	sor.u32 $0xC00, s3;
	s19 =	sor.u32 $0x1000, s3  }
0x8: {  	s20 =	sor.u32 $0x1400, s3;
	s24 =	sor.u32 $0x1800, s3;
	s25 =	sor.u32 $0x1C00, s3  }
0x9: {  	s31 =	sadd.s32 s3, s4;
	s6 =	sor.u32 s3, s6;
	s7 =	sor.u32 s8, s7  }
0xa: {  	s26 =	sshrl.u32 s2, $0x1;
	s16 =	sadd.s32 s14, s4;
	s17 =	sadd.s32 s15, s4  }
0xb: {  	s18 =	sadd.s32 s15, s5;
	s21 =	sadd.s32 s19, s4;
	[dreg:$0x8] =	wrdreg s16  }
0xc: {  	s22 =	sadd.s32 s20, s4;
	s23 =	sadd.s32 s20, s5;
	[dreg:$0xa] =	wrdreg s17  }
0xd: {  	s15 =	sor.u32 $0x2800, s3;
	s20 =	sor.u32 $0x3C00, s3;
	[dreg:$0xb] =	wrdreg s18  }
0xe: {  	s6 =	sshrl.u32 s6, $0x3;
	s10 =	sadd.s32 s7, s0;
	[dreg:$0xc] =	wrdreg s21  }
0xf: {  	s13 =	ssub.s32 s2, s26;
	s2 =	sshll.u32 s9, $0xA;
	[dreg:$0xe] =	wrdreg s22  }
0x10: {  	s7 =	sor.u32 $0x400, s3;
	[dreg:$0xf] =	wrdreg s23;
	s26 =	sadd.s32 s24, s4  }
0x11: {  	s16 =	sor.u32 $0x2C00, s3;
	s22 =	sadd.s32 s15, s4;
	s23 =	sadd.s32 s15, s5  }
0x12: {  	s17 =	sor.u32 $0x3000, s3;
	s18 =	sor.u32 $0x3400, s3;
	s15 =	simm.s32 $0x2800  }
0x13: {  	s12 =	sadd.s32 s6, s0;
	s8 =	sadd.s32 s2, s4;
	s0 =	sadd.s32 s2, s5  }
0x14: {  	s9 =	sadd.s32 s7, s4;
	s11 =	sadd.s32 s7, s5;
	[dreg:$0x10] =	wrdreg s26  }
0x15: {  	s6 =	sadd.s32 s25, s4;
	s7 =	sadd.s32 s25, s5;
	[dreg:$0x4] =	wrdreg s8  }
0x16: {  	s25 =	sadd.s32 s16, s5;
	s26 =	sadd.s32 s17, s4;
	[dreg:$0x5] =	wrdreg s0  }
0x17: {  	s28 =	sadd.s32 s17, s5;
	s29 =	sadd.s32 s18, s4;
	[dreg:$0x6] =	wrdreg s9  }
0x18: {  	s30 =	sadd.s32 s18, s5;
	s13 =	smax.u32 s13, $0x1;
	[dreg:$0x7] =	wrdreg s11  }
0x19: {  	s17 =	simm.s32 $0x3100;
	s18 =	simm.s32 $0x0;
	[dreg:$0x12] =	wrdreg s6  }
0x1a: {  	s0 =	sadd.s32 s14, s5;
	[dreg:$0x13] =	wrdreg s7;
	s8 =	sor.u32 $0x2000, s3  }
0x1b: {  	s9 =	sor.u32 $0x2400, s3;
	s6 =	sadd.s32 $0x39000, s10;
	s7 =	sadd.s32 $0x3B000, s10  }
0x1c: {  	[dreg:$0x9] =	wrdreg s0;
	s0 =	sadd.s32 s19, s5;
	s11 =	sadd.s32 s8, s4  }
0x1d: {  	s14 =	sadd.s32 s9, s4;
	s21 =	sadd.s32 s9, s5;
	[dreg:$0xd] =	wrdreg s0  }
0x1e: {  	s19 =	sor.u32 $0x3800, s3;
	s9 =	sadd.s32 $0x1E000, s10;
	[dreg:$0x14] =	wrdreg s11  }
0x1f: {  	s0 =	sadd.s32 s24, s5;
	[dreg:$0x16] =	wrdreg s14;
	s24 =	sadd.s32 s16, s4  }
0x20: {  	s2 =	sadd.s32 s19, s4;
	s4 =	sadd.s32 s20, s4;
	s11 =	sadd.s32 $0x3000, s12  }
0x21: {  	s12 =	sadd.s32 $0x3200, s12;
	s14 =	simm.s32 $0x1;
	s16 =	simm.s32 $0x2C00  }
0x22: {  	[dreg:$0x11] =	wrdreg s0;
	s0 =	sadd.s32 s8, s5;
	s8 =	sadd.s32 $0x1C000, s10  }
0x23: {  	s10 =	sadd.s32 $0x3D000, s10;
	[dreg:$0x15] =	wrdreg s0;
	s0 =	sadd.s32 s3, s5  }
0x24: {  	v0 =	vimm.f32 $0.0e+00;
	v1 =	vimm.f32 $1.000000000e+00;
	s3 =	sadd.s32 s19, s5;
	s5 =	sadd.s32 s20, s5;
	_ =	strace $0x80000050  }
.LBB2_1:
0x25: {  	[tilespmem:$0x2800] =	vst v0  }
0x26: {  	[tilespmem:$0x2810] =	vst v0  }
0x27: {  	[tilespmem:$0x2820] =	vst v0  }
0x28: {  	[tilespmem:$0x2830] =	vst v0  }
0x29: {  	[tilespmem:$0x2840] =	vst v0  }
0x2a: {  	[tilespmem:$0x2850] =	vst v0  }
0x2b: {  	[tilespmem:$0x2860] =	vst v0  }
0x2c: {  	[tilespmem:$0x2870] =	vst v0  }
0x2d: {  	[tilespmem:$0x2880] =	vst v0  }
0x2e: {  	[tilespmem:$0x2890] =	vst v0  }
0x2f: {  	[tilespmem:$0x28A0] =	vst v0  }
0x30: {  	[tilespmem:$0x28B0] =	vst v0  }
0x31: {  	[tilespmem:$0x28C0] =	vst v0  }
0x32: {  	[tilespmem:$0x28D0] =	vst v0  }
0x33: {  	[tilespmem:$0x28E0] =	vst v0  }
0x34: {  	[tilespmem:$0x28F0] =	vst v0  }
0x35: {  	[tilespmem:$0x2900] =	vst v0  }
0x36: {  	[tilespmem:$0x2910] =	vst v0  }
0x37: {  	[tilespmem:$0x2920] =	vst v0  }
0x38: {  	[tilespmem:$0x2930] =	vst v0  }
0x39: {  	[tilespmem:$0x2940] =	vst v0  }
0x3a: {  	[tilespmem:$0x2950] =	vst v0  }
0x3b: {  	[tilespmem:$0x2960] =	vst v0  }
0x3c: {  	[tilespmem:$0x2970] =	vst v0  }
0x3d: {  	[tilespmem:$0x2980] =	vst v0  }
0x3e: {  	[tilespmem:$0x2990] =	vst v0  }
0x3f: {  	[tilespmem:$0x29A0] =	vst v0  }
0x40: {  	[tilespmem:$0x29B0] =	vst v0  }
0x41: {  	[tilespmem:$0x29C0] =	vst v0  }
0x42: {  	[tilespmem:$0x29D0] =	vst v0  }
0x43: {  	[tilespmem:$0x29E0] =	vst v0  }
0x44: {  	[tilespmem:$0x29F0] =	vst v0  }
0x45: {  	[tilespmem:$0x2A00] =	vst v0  }
0x46: {  	[tilespmem:$0x2A10] =	vst v0  }
0x47: {  	[tilespmem:$0x2A20] =	vst v0  }
0x48: {  	[tilespmem:$0x2A30] =	vst v0  }
0x49: {  	[tilespmem:$0x2A40] =	vst v0  }
0x4a: {  	[tilespmem:$0x2A50] =	vst v0  }
0x4b: {  	[tilespmem:$0x2A60] =	vst v0  }
0x4c: {  	[tilespmem:$0x2A70] =	vst v0  }
0x4d: {  	[tilespmem:$0x2A80] =	vst v0  }
0x4e: {  	[tilespmem:$0x2A90] =	vst v0  }
0x4f: {  	[tilespmem:$0x2AA0] =	vst v0  }
0x50: {  	[tilespmem:$0x2AB0] =	vst v0  }
0x51: {  	[tilespmem:$0x2AC0] =	vst v0  }
0x52: {  	[tilespmem:$0x2AD0] =	vst v0  }
0x53: {  	[tilespmem:$0x2AE0] =	vst v0  }
0x54: {  	[tilespmem:$0x2AF0] =	vst v0  }
0x55: {  	[tilespmem:$0x2B00] =	vst v0  }
0x56: {  	[tilespmem:$0x2B10] =	vst v0  }
0x57: {  	[tilespmem:$0x2B20] =	vst v0  }
0x58: {  	[tilespmem:$0x2B30] =	vst v0  }
0x59: {  	[tilespmem:$0x2B40] =	vst v0  }
0x5a: {  	[tilespmem:$0x2B50] =	vst v0  }
0x5b: {  	[tilespmem:$0x2B60] =	vst v0  }
0x5c: {  	[tilespmem:$0x2B70] =	vst v0  }
0x5d: {  	[tilespmem:$0x2B80] =	vst v0  }
0x5e: {  	[tilespmem:$0x2B90] =	vst v0  }
0x5f: {  	[tilespmem:$0x2BA0] =	vst v0  }
0x60: {  	[tilespmem:$0x2BB0] =	vst v0  }
0x61: {  	[tilespmem:$0x2BC0] =	vst v0  }
0x62: {  	[tilespmem:$0x2BD0] =	vst v0  }
0x63: {  	[tilespmem:$0x2BE0] =	vst v0  }
0x64: {  	[tilespmem:$0x2BF0] =	vst v0  }
0x65: {  	[tilespmem:$0x2C00] =	vst v0  }
0x66: {  	[tilespmem:$0x2C10] =	vst v0  }
0x67: {  	[tilespmem:$0x2C20] =	vst v0  }
0x68: {  	[tilespmem:$0x2C30] =	vst v0  }
0x69: {  	[tilespmem:$0x2C40] =	vst v0  }
0x6a: {  	[tilespmem:$0x2C50] =	vst v0  }
0x6b: {  	[tilespmem:$0x2C60] =	vst v0  }
0x6c: {  	[tilespmem:$0x2C70] =	vst v0  }
0x6d: {  	[tilespmem:$0x2C80] =	vst v0  }
0x6e: {  	[tilespmem:$0x2C90] =	vst v0  }
0x6f: {  	[tilespmem:$0x2CA0] =	vst v0  }
0x70: {  	[tilespmem:$0x2CB0] =	vst v0  }
0x71: {  	[tilespmem:$0x2CC0] =	vst v0  }
0x72: {  	[tilespmem:$0x2CD0] =	vst v0  }
0x73: {  	[tilespmem:$0x2CE0] =	vst v0  }
0x74: {  	[tilespmem:$0x2CF0] =	vst v0  }
0x75: {  	[tilespmem:$0x2D00] =	vst v0  }
0x76: {  	[tilespmem:$0x2D10] =	vst v0  }
0x77: {  	[tilespmem:$0x2D20] =	vst v0  }
0x78: {  	[tilespmem:$0x2D30] =	vst v0  }
0x79: {  	[tilespmem:$0x2D40] =	vst v0  }
0x7a: {  	[tilespmem:$0x2D50] =	vst v0  }
0x7b: {  	[tilespmem:$0x2D60] =	vst v0  }
0x7c: {  	[tilespmem:$0x2D70] =	vst v0  }
0x7d: {  	[tilespmem:$0x2D80] =	vst v0  }
0x7e: {  	[tilespmem:$0x2D90] =	vst v0  }
0x7f: {  	[tilespmem:$0x2DA0] =	vst v0  }
0x80: {  	[tilespmem:$0x2DB0] =	vst v0  }
0x81: {  	[tilespmem:$0x2DC0] =	vst v0  }
0x82: {  	[tilespmem:$0x2DD0] =	vst v0  }
0x83: {  	[tilespmem:$0x2DE0] =	vst v0  }
0x84: {  	[tilespmem:$0x2DF0] =	vst v0  }
0x85: {  	[tilespmem:$0x2E00] =	vst v0  }
0x86: {  	[tilespmem:$0x2E10] =	vst v0  }
0x87: {  	[tilespmem:$0x2E20] =	vst v0  }
0x88: {  	[tilespmem:$0x2E30] =	vst v0  }
0x89: {  	[tilespmem:$0x2E40] =	vst v0  }
0x8a: {  	[tilespmem:$0x2E50] =	vst v0  }
0x8b: {  	[tilespmem:$0x2E60] =	vst v0  }
0x8c: {  	[tilespmem:$0x2E70] =	vst v0  }
0x8d: {  	[tilespmem:$0x2E80] =	vst v0  }
0x8e: {  	[tilespmem:$0x2E90] =	vst v0  }
0x8f: {  	[tilespmem:$0x2EA0] =	vst v0  }
0x90: {  	[tilespmem:$0x2EB0] =	vst v0  }
0x91: {  	[tilespmem:$0x2EC0] =	vst v0  }
0x92: {  	[tilespmem:$0x2ED0] =	vst v0  }
0x93: {  	[tilespmem:$0x2EE0] =	vst v0  }
0x94: {  	[tilespmem:$0x2EF0] =	vst v0  }
0x95: {  	[tilespmem:$0x2F00] =	vst v0  }
0x96: {  	[tilespmem:$0x2F10] =	vst v0  }
0x97: {  	[tilespmem:$0x2F20] =	vst v0  }
0x98: {  	[tilespmem:$0x2F30] =	vst v0  }
0x99: {  	[tilespmem:$0x2F40] =	vst v0  }
0x9a: {  	[tilespmem:$0x2F50] =	vst v0  }
0x9b: {  	[tilespmem:$0x2F60] =	vst v0  }
0x9c: {  	[tilespmem:$0x2F70] =	vst v0  }
0x9d: {  	[tilespmem:$0x2F80] =	vst v0  }
0x9e: {  	[tilespmem:$0x2F90] =	vst v0  }
0x9f: {  	[tilespmem:$0x2FA0] =	vst v0  }
0xa0: {  	[tilespmem:$0x2FB0] =	vst v0  }
0xa1: {  	[tilespmem:$0x2FC0] =	vst v0  }
0xa2: {  	[tilespmem:$0x2FD0] =	vst v0  }
0xa3: {  	[tilespmem:$0x2FE0] =	vst v0  }
0xa4: {  	[tilespmem:$0x2FF0] =	vst v0  }
0xa5: {  	[tilespmem:s1], [sflag:$0x1] =	stream.linear.gather [hbm4b:s6+s1], $0x800, $0x38;
	[tilespmem:$0x3980] =	vst v63  }
0xa6: {  	_ =	swait.ge [sflag:s14], $0x800  }
0xa7: {  	[sflag:s14] =	ssyncset.done $0x0  }
0xa8: {  	s19 =	simm.s32 $0x800;
	[sflag:s14] =	ssyncadd.s32 $0xFFFFF800  }
0xa9: {  	[tilespmem:s19], [sflag:$0x1] =	stream.linear.gather [hbm4b:s7+s1], $0x800, $0x38;
	[tilespmem:$0x3980] =	vst v63  }
0xaa: {  	_ =	swait.ge [sflag:s14], $0x800  }
0xab: {  	[sflag:s14] =	ssyncset.done $0x0  }
0xac: {  	s20 =	simm.s32 $0x1000;
	[sflag:s14] =	ssyncadd.s32 $0xFFFFF800  }
0xad: {  	[tilespmem:s20], [sflag:$0x1] =	stream.linear.gather [hbm4b:s8+s1], $0x800, $0x38;
	[tilespmem:$0x3980] =	vst v63  }
0xae: {  	_ =	swait.ge [sflag:s14], $0x800  }
0xaf: {  	[sflag:s14] =	ssyncset.done $0x0  }
0xb0: {  	s20 =	simm.s32 $0x1800;
	[sflag:s14] =	ssyncadd.s32 $0xFFFFF800  }
0xb1: {  	[tilespmem:s20], [sflag:$0x1] =	stream.linear.gather [hbm4b:s9+s1], $0x800, $0x38;
	[tilespmem:$0x3980] =	vst v63  }
0xb2: {  	_ =	swait.ge [sflag:s14], $0x800  }
0xb3: {  	[sflag:s14] =	ssyncset.done $0x0  }
0xb4: {  	s20 =	simm.s32 $0x2000;
	[sflag:s14] =	ssyncadd.s32 $0xFFFFF800  }
0xb5: {  	[tilespmem:s20], [sflag:$0x1] =	stream.linear.gather [hbm4b:s10+s1], $0x800, $0x38;
	[tilespmem:$0x3980] =	vst v63  }
0xb6: {  	_ =	swait.ge [sflag:s14], $0x800  }
0xb7: {  	[sflag:s14] =	ssyncset.done $0x0  }
0xb8: {  	s20 =	simm.s32 $0x0;
	[sflag:s14] =	ssyncadd.s32 $0xFFFFF800  }
0xb9: {  	v2 =	vld [tilespmem:s20+$0x0]  }
0xba: {  	s19 =	simm.s32 $0x40;
	v3 =	vld [tilespmem:s20+$0x800]  }
.LBB2_2:
0xbb: {  	p0 =	sne.s32 s19, $0x1FC0  }
0xbc: {  	v4 =	vld [tilespmem:s20+$0x1000]  }
0xbd: {  	v5 =	vld [tilespmem:s20+$0x2000]  }
0xbe: {  	v6 =	vld [tilespmem:s20+$0x1800]  }
0xbf: {  	v2 =	vadd.f32 v3, v2;
	_ =	sdelay $0x1  }
0xc0: {  	v2 =	vadd.f32 v4, v2;
	_ =	sdelay $0x1  }
0xc1: {  	v2 =	vmul.f32 v2, v6  }
.Ltmp0:
0xc2: {  	(pc) =	sbr.rel @p0 .LBB2_2-.Ltmp0, $4  }
0xc3: {  	[tilespmem:v5+s15+$0x0] =	vst.idx.add.f32.msk $0xffff, v2  }
0xc4: {  	s20 =	sshra.s32 s19, $0x2;
	[tilespmem:v5+s16+$0x0] =	vst.idx.add.f32.msk $0xffff, v1  }
0xc5: {  	v2 =	vld [tilespmem:s20+$0x0]  }
0xc6: {  	s19 =	sadd.s32 $0x40, s19;
	v3 =	vld [tilespmem:s20+$0x800]  }
0xc7: {  	_ = 	snop  }
0xc8: {  	v4 =	vld [tilespmem:s20+$0x1000]  }
0xc9: {  	v5 =	vld [tilespmem:s20+$0x2000]  }
0xca: {  	v6 =	vld [tilespmem:s20+$0x1800]  }
0xcb: {  	v2 =	vadd.f32 v3, v2;
	_ =	sdelay $0x1  }
0xcc: {  	v2 =	vadd.f32 v4, v2;
	_ =	sdelay $0x1  }
0xcd: {  	v2 =	vmul.f32 v2, v6;
	_ =	sdelay $0x1  }
0xce: {  	[tilespmem:v5+s15+$0x0] =	vst.idx.add.f32.msk $0xffff, v2  }
0xcf: {  	s19 =	rddreg [dreg:$0x4];
	[tilespmem:v5+s16+$0x0] =	vst.idx.add.f32.msk $0xffff, v1  }
0xd0: {  	[spmem:s19] =	stream.linear.scatter [tilespmem:s15], [sflag:$0x1], $0x400, $0x38;
	[tilespmem:$0x3980] =	vst v63  }
0xd1: {  	_ =	swait.ge [sflag:s14], $0x400  }
0xd2: {  	[sflag:s14] =	ssyncset.done $0x0  }
0xd3: {  	s20 =	rddreg [dreg:$0x5];
	[sflag:s14] =	ssyncadd.s32 $0xFFFFFC00  }
0xd4: {  	[spmem:s20] =	stream.linear.scatter [tilespmem:s16], [sflag:$0x1], $0x400, $0x38;
	[tilespmem:$0x3980] =	vst v63  }
0xd5: {  	_ =	swait.ge [sflag:s14], $0x400  }
0xd6: {  	[sflag:s14] =	ssyncset.done $0x0  }
0xd7: {  	[sflag:s14] =	ssyncadd.s32 $0xFFFFFC00  }
0xd8: {  	[bflag:$0x0] =	sbarrier.arrive $0xFFFF  }
0xd9: {  	[tilespmem:$0x3000] =	vst v0  }
0xda: {  	[tilespmem:$0x3010] =	vst v0  }
0xdb: {  	[tilespmem:$0x3020] =	vst v0  }
0xdc: {  	[tilespmem:$0x3030] =	vst v0  }
0xdd: {  	[tilespmem:$0x3080] =	vst v0  }
0xde: {  	[tilespmem:$0x3090] =	vst v0  }
0xdf: {  	[tilespmem:$0x30A0] =	vst v0  }
0xe0: {  	[tilespmem:$0x30B0] =	vst v0  }
0xe1: {  	[tilespmem:s17], [sflag:$0x1] =	stream.linear.gather [spmem:s31], $0x40, $0x38;
	[tilespmem:$0x3980] =	vst v63  }
0xe2: {  	_ =	swait.ge [sflag:s14], $0x40  }
0xe3: {  	[sflag:s14] =	ssyncset.done $0x0  }
0xe4: {  	[sflag:s14] =	ssyncadd.s32 $0xFFFFFFC0  }
0xe5: {  	v2 =	vld [tilespmem:$0x3000]  }
0xe6: {  	v3 =	vld [tilespmem:$0x3100]  }
0xe7: {  	v31 =	vld [tilespmem:$0x3010]  }
0xe8: {  	v32 =	vld [tilespmem:$0x3110]  }
0xe9: {  	v33 =	vld [tilespmem:$0x3020]  }
0xea: {  	v7 =	vld [tilespmem:$0x3120]  }
0xeb: {  	v8 =	vld [tilespmem:$0x3030]  }
0xec: {  	v9 =	vld [tilespmem:$0x3130];
	_ =	sdelay $0x1  }
0xed: {  	v2 =	vadd.f32 v3, v2  }
0xee: {  	v3 =	vadd.f32 v32, v31  }
0xef: {  	[tilespmem:$0x3000] =	vst v2;
	v2 =	vadd.f32 v7, v33  }
0xf0: {  	[tilespmem:$0x3010] =	vst v3;
	v3 =	vadd.f32 v9, v8  }
0xf1: {  	[tilespmem:$0x3020] =	vst v2  }
0xf2: {  	[tilespmem:$0x3030] =	vst v3  }
0xf3: {  	[tilespmem:s17], [sflag:$0x1] =	stream.linear.gather [spmem:s0], $0x40, $0x38;
	[tilespmem:$0x3980] =	vst v63  }
0xf4: {  	_ =	swait.ge [sflag:s14], $0x40  }
0xf5: {  	[sflag:s14] =	ssyncset.done $0x0  }
0xf6: {  	[sflag:s14] =	ssyncadd.s32 $0xFFFFFFC0  }
0xf7: {  	v2 =	vld [tilespmem:$0x3080]  }
0xf8: {  	v3 =	vld [tilespmem:$0x3100]  }
0xf9: {  	v34 =	vld [tilespmem:$0x3090]  }
0xfa: {  	v35 =	vld [tilespmem:$0x3110]  }
0xfb: {  	v36 =	vld [tilespmem:$0x30A0]  }
0xfc: {  	v37 =	vld [tilespmem:$0x3120]  }
0xfd: {  	v38 =	vld [tilespmem:$0x30B0]  }
0xfe: {  	v39 =	vld [tilespmem:$0x3130];
	_ =	sdelay $0x1  }
0xff: {  	v2 =	vadd.f32 v3, v2  }
0x100: {  	v3 =	vadd.f32 v35, v34  }
0x101: {  	[tilespmem:$0x3080] =	vst v2;
	v2 =	vadd.f32 v37, v36  }
0x102: {  	[tilespmem:$0x3090] =	vst v3;
	v3 =	vadd.f32 v39, v38  }
0x103: {  	[tilespmem:$0x30A0] =	vst v2  }
0x104: {  	s20 =	rddreg [dreg:$0x6];
	[tilespmem:$0x30B0] =	vst v3  }
0x105: {  	[tilespmem:s17], [sflag:$0x1] =	stream.linear.gather [spmem:s20], $0x40, $0x38;
	[tilespmem:$0x3980] =	vst v63  }
0x106: {  	_ =	swait.ge [sflag:s14], $0x40  }
0x107: {  	[sflag:s14] =	ssyncset.done $0x0  }
0x108: {  	[sflag:s14] =	ssyncadd.s32 $0xFFFFFFC0  }
0x109: {  	v2 =	vld [tilespmem:$0x3000]  }
0x10a: {  	v3 =	vld [tilespmem:$0x3100]  }
0x10b: {  	v40 =	vld [tilespmem:$0x3010]  }
0x10c: {  	v41 =	vld [tilespmem:$0x3110]  }
0x10d: {  	v42 =	vld [tilespmem:$0x3020]  }
0x10e: {  	v43 =	vld [tilespmem:$0x3120]  }
0x10f: {  	v44 =	vld [tilespmem:$0x3030]  }
0x110: {  	v45 =	vld [tilespmem:$0x3130];
	_ =	sdelay $0x1  }
0x111: {  	v2 =	vadd.f32 v3, v2  }
0x112: {  	v3 =	vadd.f32 v41, v40  }
0x113: {  	[tilespmem:$0x3000] =	vst v2;
	v2 =	vadd.f32 v43, v42  }
0x114: {  	[tilespmem:$0x3010] =	vst v3;
	v3 =	vadd.f32 v45, v44  }
0x115: {  	[tilespmem:$0x3020] =	vst v2  }
0x116: {  	s20 =	rddreg [dreg:$0x7];
	[tilespmem:$0x3030] =	vst v3  }
0x117: {  	[tilespmem:s17], [sflag:$0x1] =	stream.linear.gather [spmem:s20], $0x40, $0x38;
	[tilespmem:$0x3980] =	vst v63  }
0x118: {  	_ =	swait.ge [sflag:s14], $0x40  }
0x119: {  	[sflag:s14] =	ssyncset.done $0x0  }
0x11a: {  	[sflag:s14] =	ssyncadd.s32 $0xFFFFFFC0  }
0x11b: {  	v2 =	vld [tilespmem:$0x3080]  }
0x11c: {  	v3 =	vld [tilespmem:$0x3100]  }
0x11d: {  	v46 =	vld [tilespmem:$0x3090]  }
0x11e: {  	v47 =	vld [tilespmem:$0x3110]  }
0x11f: {  	v48 =	vld [tilespmem:$0x30A0]  }
0x120: {  	v49 =	vld [tilespmem:$0x3120]  }
0x121: {  	v50 =	vld [tilespmem:$0x30B0]  }
0x122: {  	v51 =	vld [tilespmem:$0x3130];
	_ =	sdelay $0x1  }
0x123: {  	v2 =	vadd.f32 v3, v2  }
0x124: {  	v3 =	vadd.f32 v47, v46  }
0x125: {  	[tilespmem:$0x3080] =	vst v2;
	v2 =	vadd.f32 v49, v48  }
0x126: {  	[tilespmem:$0x3090] =	vst v3;
	v3 =	vadd.f32 v51, v50  }
0x127: {  	[tilespmem:$0x30A0] =	vst v2  }
0x128: {  	s20 =	rddreg [dreg:$0x8];
	[tilespmem:$0x30B0] =	vst v3  }
0x129: {  	[tilespmem:s17], [sflag:$0x1] =	stream.linear.gather [spmem:s20], $0x40, $0x38;
	[tilespmem:$0x3980] =	vst v63  }
0x12a: {  	_ =	swait.ge [sflag:s14], $0x40  }
0x12b: {  	[sflag:s14] =	ssyncset.done $0x0  }
0x12c: {  	[sflag:s14] =	ssyncadd.s32 $0xFFFFFFC0  }
0x12d: {  	v2 =	vld [tilespmem:$0x3000]  }
0x12e: {  	v3 =	vld [tilespmem:$0x3100]  }
0x12f: {  	v52 =	vld [tilespmem:$0x3010]  }
0x130: {  	v53 =	vld [tilespmem:$0x3110]  }
0x131: {  	v54 =	vld [tilespmem:$0x3020]  }
0x132: {  	v55 =	vld [tilespmem:$0x3120]  }
0x133: {  	v56 =	vld [tilespmem:$0x3030]  }
0x134: {  	v57 =	vld [tilespmem:$0x3130];
	_ =	sdelay $0x1  }
0x135: {  	v2 =	vadd.f32 v3, v2  }
0x136: {  	v3 =	vadd.f32 v53, v52  }
0x137: {  	[tilespmem:$0x3000] =	vst v2;
	v2 =	vadd.f32 v55, v54  }
0x138: {  	[tilespmem:$0x3010] =	vst v3;
	v3 =	vadd.f32 v57, v56  }
0x139: {  	[tilespmem:$0x3020] =	vst v2  }
0x13a: {  	s20 =	rddreg [dreg:$0x9];
	[tilespmem:$0x3030] =	vst v3  }
0x13b: {  	[tilespmem:s17], [sflag:$0x1] =	stream.linear.gather [spmem:s20], $0x40, $0x38;
	[tilespmem:$0x3980] =	vst v63  }
0x13c: {  	_ =	swait.ge [sflag:s14], $0x40  }
0x13d: {  	[sflag:s14] =	ssyncset.done $0x0  }
0x13e: {  	[sflag:s14] =	ssyncadd.s32 $0xFFFFFFC0  }
0x13f: {  	v2 =	vld [tilespmem:$0x3080]  }
0x140: {  	v3 =	vld [tilespmem:$0x3100]  }
0x141: {  	v58 =	vld [tilespmem:$0x3090]  }
0x142: {  	v59 =	vld [tilespmem:$0x3110]  }
0x143: {  	v60 =	vld [tilespmem:$0x30A0]  }
0x144: {  	v61 =	vld [tilespmem:$0x3120]  }
0x145: {  	v62 =	vld [tilespmem:$0x30B0]  }
0x146: {  	v63 =	vld [tilespmem:$0x3130];
	_ =	sdelay $0x1  }
0x147: {  	v2 =	vadd.f32 v3, v2  }
0x148: {  	v3 =	vadd.f32 v59, v58  }
0x149: {  	[tilespmem:$0x3080] =	vst v2;
	v2 =	vadd.f32 v61, v60  }
0x14a: {  	[tilespmem:$0x3090] =	vst v3;
	v3 =	vadd.f32 v63, v62  }
0x14b: {  	[tilespmem:$0x30A0] =	vst v2  }
0x14c: {  	s20 =	rddreg [dreg:$0xa];
	[tilespmem:$0x30B0] =	vst v3  }
0x14d: {  	[tilespmem:s17], [sflag:$0x1] =	stream.linear.gather [spmem:s20], $0x40, $0x38;
	[tilespmem:$0x3980] =	vst v63  }
0x14e: {  	_ =	swait.ge [sflag:s14], $0x40  }
0x14f: {  	[sflag:s14] =	ssyncset.done $0x0  }
0x150: {  	[sflag:s14] =	ssyncadd.s32 $0xFFFFFFC0  }
0x151: {  	v2 =	vld [tilespmem:$0x3000]  }
0x152: {  	v3 =	vld [tilespmem:$0x3100]  }
0x153: {  	v12 =	vld [tilespmem:$0x3010]  }
0x154: {  	v13 =	vld [tilespmem:$0x3110]  }
0x155: {  	v14 =	vld [tilespmem:$0x3020]  }
0x156: {  	v15 =	vld [tilespmem:$0x3120]  }
0x157: {  	v16 =	vld [tilespmem:$0x3030]  }
0x158: {  	v17 =	vld [tilespmem:$0x3130];
	_ =	sdelay $0x1  }
0x159: {  	v2 =	vadd.f32 v3, v2  }
0x15a: {  	v3 =	vadd.f32 v13, v12  }
0x15b: {  	[tilespmem:$0x3000] =	vst v2;
	v2 =	vadd.f32 v15, v14  }
0x15c: {  	[tilespmem:$0x3010] =	vst v3;
	v3 =	vadd.f32 v17, v16  }
0x15d: {  	[tilespmem:$0x3020] =	vst v2  }
0x15e: {  	s20 =	rddreg [dreg:$0xb];
	[tilespmem:$0x3030] =	vst v3  }
0x15f: {  	[tilespmem:s17], [sflag:$0x1] =	stream.linear.gather [spmem:s20], $0x40, $0x38;
	[tilespmem:$0x3980] =	vst v63  }
0x160: {  	_ =	swait.ge [sflag:s14], $0x40  }
0x161: {  	[sflag:s14] =	ssyncset.done $0x0  }
0x162: {  	[sflag:s14] =	ssyncadd.s32 $0xFFFFFFC0  }
0x163: {  	v2 =	vld [tilespmem:$0x3080]  }
0x164: {  	v3 =	vld [tilespmem:$0x3100]  }
0x165: {  	v18 =	vld [tilespmem:$0x3090]  }
0x166: {  	v19 =	vld [tilespmem:$0x3110]  }
0x167: {  	v20 =	vld [tilespmem:$0x30A0]  }
0x168: {  	v21 =	vld [tilespmem:$0x3120]  }
0x169: {  	v22 =	vld [tilespmem:$0x30B0]  }
0x16a: {  	v23 =	vld [tilespmem:$0x3130];
	_ =	sdelay $0x1  }
0x16b: {  	v2 =	vadd.f32 v3, v2  }
0x16c: {  	v3 =	vadd.f32 v19, v18  }
0x16d: {  	[tilespmem:$0x3080] =	vst v2;
	v2 =	vadd.f32 v21, v20  }
0x16e: {  	[tilespmem:$0x3090] =	vst v3;
	v3 =	vadd.f32 v23, v22  }
0x16f: {  	[tilespmem:$0x30A0] =	vst v2  }
0x170: {  	s20 =	rddreg [dreg:$0xc];
	[tilespmem:$0x30B0] =	vst v3  }
0x171: {  	[tilespmem:s17], [sflag:$0x1] =	stream.linear.gather [spmem:s20], $0x40, $0x38;
	[tilespmem:$0x3980] =	vst v63  }
0x172: {  	_ =	swait.ge [sflag:s14], $0x40  }
0x173: {  	[sflag:s14] =	ssyncset.done $0x0  }
0x174: {  	[sflag:s14] =	ssyncadd.s32 $0xFFFFFFC0  }
0x175: {  	v2 =	vld [tilespmem:$0x3000]  }
0x176: {  	v3 =	vld [tilespmem:$0x3100]  }
0x177: {  	v24 =	vld [tilespmem:$0x3010]  }
0x178: {  	v25 =	vld [tilespmem:$0x3110]  }
0x179: {  	v26 =	vld [tilespmem:$0x3020]  }
0x17a: {  	v27 =	vld [tilespmem:$0x3120]  }
0x17b: {  	v28 =	vld [tilespmem:$0x3030]  }
0x17c: {  	v29 =	vld [tilespmem:$0x3130];
	_ =	sdelay $0x1  }
0x17d: {  	v2 =	vadd.f32 v3, v2  }
0x17e: {  	v3 =	vadd.f32 v25, v24  }
0x17f: {  	[tilespmem:$0x3000] =	vst v2;
	v2 =	vadd.f32 v27, v26  }
0x180: {  	[tilespmem:$0x3010] =	vst v3;
	v3 =	vadd.f32 v29, v28  }
0x181: {  	[tilespmem:$0x3020] =	vst v2  }
0x182: {  	s20 =	rddreg [dreg:$0xd];
	[tilespmem:$0x3030] =	vst v3  }
0x183: {  	[tilespmem:s17], [sflag:$0x1] =	stream.linear.gather [spmem:s20], $0x40, $0x38;
	[tilespmem:$0x3980] =	vst v63  }
0x184: {  	_ =	swait.ge [sflag:s14], $0x40  }
0x185: {  	[sflag:s14] =	ssyncset.done $0x0  }
0x186: {  	[sflag:s14] =	ssyncadd.s32 $0xFFFFFFC0  }
0x187: {  	v2 =	vld [tilespmem:$0x3080]  }
0x188: {  	v3 =	vld [tilespmem:$0x3100]  }
0x189: {  	v30 =	vld [tilespmem:$0x3090]  }
0x18a: {  	v31 =	vld [tilespmem:$0x3110]  }
0x18b: {  	v32 =	vld [tilespmem:$0x30A0]  }
0x18c: {  	v33 =	vld [tilespmem:$0x3120]  }
0x18d: {  	v34 =	vld [tilespmem:$0x30B0]  }
0x18e: {  	v35 =	vld [tilespmem:$0x3130];
	_ =	sdelay $0x1  }
0x18f: {  	v2 =	vadd.f32 v3, v2  }
0x190: {  	v3 =	vadd.f32 v31, v30  }
0x191: {  	[tilespmem:$0x3080] =	vst v2;
	v2 =	vadd.f32 v33, v32  }
0x192: {  	[tilespmem:$0x3090] =	vst v3;
	v3 =	vadd.f32 v35, v34  }
0x193: {  	[tilespmem:$0x30A0] =	vst v2  }
0x194: {  	s20 =	rddreg [dreg:$0xe];
	[tilespmem:$0x30B0] =	vst v3  }
0x195: {  	[tilespmem:s17], [sflag:$0x1] =	stream.linear.gather [spmem:s20], $0x40, $0x38;
	[tilespmem:$0x3980] =	vst v63  }
0x196: {  	_ =	swait.ge [sflag:s14], $0x40  }
0x197: {  	[sflag:s14] =	ssyncset.done $0x0  }
0x198: {  	[sflag:s14] =	ssyncadd.s32 $0xFFFFFFC0  }
0x199: {  	v2 =	vld [tilespmem:$0x3000]  }
0x19a: {  	v3 =	vld [tilespmem:$0x3100]  }
0x19b: {  	v36 =	vld [tilespmem:$0x3010]  }
0x19c: {  	v37 =	vld [tilespmem:$0x3110]  }
0x19d: {  	v38 =	vld [tilespmem:$0x3020]  }
0x19e: {  	v39 =	vld [tilespmem:$0x3120]  }
0x19f: {  	v40 =	vld [tilespmem:$0x3030]  }
0x1a0: {  	v41 =	vld [tilespmem:$0x3130];
	_ =	sdelay $0x1  }
0x1a1: {  	v2 =	vadd.f32 v3, v2  }
0x1a2: {  	v3 =	vadd.f32 v37, v36  }
0x1a3: {  	[tilespmem:$0x3000] =	vst v2;
	v2 =	vadd.f32 v39, v38  }
0x1a4: {  	[tilespmem:$0x3010] =	vst v3;
	v3 =	vadd.f32 v41, v40  }
0x1a5: {  	[tilespmem:$0x3020] =	vst v2  }
0x1a6: {  	s20 =	rddreg [dreg:$0xf];
	[tilespmem:$0x3030] =	vst v3  }
0x1a7: {  	[tilespmem:s17], [sflag:$0x1] =	stream.linear.gather [spmem:s20], $0x40, $0x38;
	[tilespmem:$0x3980] =	vst v63  }
0x1a8: {  	_ =	swait.ge [sflag:s14], $0x40  }
0x1a9: {  	[sflag:s14] =	ssyncset.done $0x0  }
0x1aa: {  	[sflag:s14] =	ssyncadd.s32 $0xFFFFFFC0  }
0x1ab: {  	v2 =	vld [tilespmem:$0x3080]  }
0x1ac: {  	v3 =	vld [tilespmem:$0x3100]  }
0x1ad: {  	v42 =	vld [tilespmem:$0x3090]  }
0x1ae: {  	v43 =	vld [tilespmem:$0x3110]  }
0x1af: {  	v44 =	vld [tilespmem:$0x30A0]  }
0x1b0: {  	v45 =	vld [tilespmem:$0x3120]  }
0x1b1: {  	v46 =	vld [tilespmem:$0x30B0]  }
0x1b2: {  	v47 =	vld [tilespmem:$0x3130];
	_ =	sdelay $0x1  }
0x1b3: {  	v2 =	vadd.f32 v3, v2  }
0x1b4: {  	v3 =	vadd.f32 v43, v42  }
0x1b5: {  	[tilespmem:$0x3080] =	vst v2;
	v2 =	vadd.f32 v45, v44  }
0x1b6: {  	[tilespmem:$0x3090] =	vst v3;
	v3 =	vadd.f32 v47, v46  }
0x1b7: {  	[tilespmem:$0x30A0] =	vst v2  }
0x1b8: {  	s20 =	rddreg [dreg:$0x10];
	[tilespmem:$0x30B0] =	vst v3  }
0x1b9: {  	[tilespmem:s17], [sflag:$0x1] =	stream.linear.gather [spmem:s20], $0x40, $0x38;
	[tilespmem:$0x3980] =	vst v63  }
0x1ba: {  	_ =	swait.ge [sflag:s14], $0x40  }
0x1bb: {  	[sflag:s14] =	ssyncset.done $0x0  }
0x1bc: {  	[sflag:s14] =	ssyncadd.s32 $0xFFFFFFC0  }
0x1bd: {  	v2 =	vld [tilespmem:$0x3000]  }
0x1be: {  	v3 =	vld [tilespmem:$0x3100]  }
0x1bf: {  	v48 =	vld [tilespmem:$0x3010]  }
0x1c0: {  	v49 =	vld [tilespmem:$0x3110]  }
0x1c1: {  	v50 =	vld [tilespmem:$0x3020]  }
0x1c2: {  	v51 =	vld [tilespmem:$0x3120]  }
0x1c3: {  	v52 =	vld [tilespmem:$0x3030]  }
0x1c4: {  	v53 =	vld [tilespmem:$0x3130];
	_ =	sdelay $0x1  }
0x1c5: {  	v2 =	vadd.f32 v3, v2  }
0x1c6: {  	v3 =	vadd.f32 v49, v48  }
0x1c7: {  	[tilespmem:$0x3000] =	vst v2;
	v2 =	vadd.f32 v51, v50  }
0x1c8: {  	[tilespmem:$0x3010] =	vst v3;
	v3 =	vadd.f32 v53, v52  }
0x1c9: {  	[tilespmem:$0x3020] =	vst v2  }
0x1ca: {  	s20 =	rddreg [dreg:$0x11];
	[tilespmem:$0x3030] =	vst v3  }
0x1cb: {  	[tilespmem:s17], [sflag:$0x1] =	stream.linear.gather [spmem:s20], $0x40, $0x38;
	[tilespmem:$0x3980] =	vst v63  }
0x1cc: {  	_ =	swait.ge [sflag:s14], $0x40  }
0x1cd: {  	[sflag:s14] =	ssyncset.done $0x0  }
0x1ce: {  	[sflag:s14] =	ssyncadd.s32 $0xFFFFFFC0  }
0x1cf: {  	v2 =	vld [tilespmem:$0x3080]  }
0x1d0: {  	v3 =	vld [tilespmem:$0x3100]  }
0x1d1: {  	v54 =	vld [tilespmem:$0x3090]  }
0x1d2: {  	v55 =	vld [tilespmem:$0x3110]  }
0x1d3: {  	v56 =	vld [tilespmem:$0x30A0]  }
0x1d4: {  	v57 =	vld [tilespmem:$0x3120]  }
0x1d5: {  	v58 =	vld [tilespmem:$0x30B0]  }
0x1d6: {  	v59 =	vld [tilespmem:$0x3130];
	_ =	sdelay $0x1  }
0x1d7: {  	v2 =	vadd.f32 v3, v2  }
0x1d8: {  	v3 =	vadd.f32 v55, v54  }
0x1d9: {  	[tilespmem:$0x3080] =	vst v2;
	v2 =	vadd.f32 v57, v56  }
0x1da: {  	[tilespmem:$0x3090] =	vst v3;
	v3 =	vadd.f32 v59, v58  }
0x1db: {  	[tilespmem:$0x30A0] =	vst v2  }
0x1dc: {  	s20 =	rddreg [dreg:$0x12];
	[tilespmem:$0x30B0] =	vst v3  }
0x1dd: {  	[tilespmem:s17], [sflag:$0x1] =	stream.linear.gather [spmem:s20], $0x40, $0x38;
	[tilespmem:$0x3980] =	vst v63  }
0x1de: {  	_ =	swait.ge [sflag:s14], $0x40  }
0x1df: {  	[sflag:s14] =	ssyncset.done $0x0  }
0x1e0: {  	[sflag:s14] =	ssyncadd.s32 $0xFFFFFFC0  }
0x1e1: {  	v2 =	vld [tilespmem:$0x3000]  }
0x1e2: {  	v3 =	vld [tilespmem:$0x3100]  }
0x1e3: {  	v60 =	vld [tilespmem:$0x3010]  }
0x1e4: {  	v61 =	vld [tilespmem:$0x3110]  }
0x1e5: {  	v62 =	vld [tilespmem:$0x3020]  }
0x1e6: {  	v63 =	vld [tilespmem:$0x3120]  }
0x1e7: {  	v12 =	vld [tilespmem:$0x3030]  }
0x1e8: {  	v13 =	vld [tilespmem:$0x3130];
	_ =	sdelay $0x1  }
0x1e9: {  	v2 =	vadd.f32 v3, v2  }
0x1ea: {  	v3 =	vadd.f32 v61, v60  }
0x1eb: {  	[tilespmem:$0x3000] =	vst v2;
	v2 =	vadd.f32 v63, v62  }
0x1ec: {  	[tilespmem:$0x3010] =	vst v3;
	v3 =	vadd.f32 v13, v12  }
0x1ed: {  	[tilespmem:$0x3020] =	vst v2  }
0x1ee: {  	s20 =	rddreg [dreg:$0x13];
	[tilespmem:$0x3030] =	vst v3  }
0x1ef: {  	[tilespmem:s17], [sflag:$0x1] =	stream.linear.gather [spmem:s20], $0x40, $0x38;
	[tilespmem:$0x3980] =	vst v63  }
0x1f0: {  	_ =	swait.ge [sflag:s14], $0x40  }
0x1f1: {  	[sflag:s14] =	ssyncset.done $0x0  }
0x1f2: {  	[sflag:s14] =	ssyncadd.s32 $0xFFFFFFC0  }
0x1f3: {  	v2 =	vld [tilespmem:$0x3080]  }
0x1f4: {  	v3 =	vld [tilespmem:$0x3100]  }
0x1f5: {  	v14 =	vld [tilespmem:$0x3090]  }
0x1f6: {  	v15 =	vld [tilespmem:$0x3110]  }
0x1f7: {  	v16 =	vld [tilespmem:$0x30A0]  }
0x1f8: {  	v17 =	vld [tilespmem:$0x3120]  }
0x1f9: {  	v18 =	vld [tilespmem:$0x30B0]  }
0x1fa: {  	v19 =	vld [tilespmem:$0x3130];
	_ =	sdelay $0x1  }
0x1fb: {  	v2 =	vadd.f32 v3, v2  }
0x1fc: {  	v3 =	vadd.f32 v15, v14  }
0x1fd: {  	[tilespmem:$0x3080] =	vst v2;
	v2 =	vadd.f32 v17, v16  }
0x1fe: {  	[tilespmem:$0x3090] =	vst v3;
	v3 =	vadd.f32 v19, v18  }
0x1ff: {  	[tilespmem:$0x30A0] =	vst v2  }
0x200: {  	s20 =	rddreg [dreg:$0x14];
	[tilespmem:$0x30B0] =	vst v3  }
0x201: {  	[tilespmem:s17], [sflag:$0x1] =	stream.linear.gather [spmem:s20], $0x40, $0x38;
	[tilespmem:$0x3980] =	vst v63  }
0x202: {  	_ =	swait.ge [sflag:s14], $0x40  }
0x203: {  	[sflag:s14] =	ssyncset.done $0x0  }
0x204: {  	[sflag:s14] =	ssyncadd.s32 $0xFFFFFFC0  }
0x205: {  	v2 =	vld [tilespmem:$0x3000]  }
0x206: {  	v3 =	vld [tilespmem:$0x3100]  }
0x207: {  	v20 =	vld [tilespmem:$0x3010]  }
0x208: {  	v21 =	vld [tilespmem:$0x3110]  }
0x209: {  	v22 =	vld [tilespmem:$0x3020]  }
0x20a: {  	v23 =	vld [tilespmem:$0x3120]  }
0x20b: {  	v24 =	vld [tilespmem:$0x3030]  }
0x20c: {  	v25 =	vld [tilespmem:$0x3130];
	_ =	sdelay $0x1  }
0x20d: {  	v2 =	vadd.f32 v3, v2  }
0x20e: {  	v3 =	vadd.f32 v21, v20  }
0x20f: {  	[tilespmem:$0x3000] =	vst v2;
	v2 =	vadd.f32 v23, v22  }
0x210: {  	[tilespmem:$0x3010] =	vst v3;
	v3 =	vadd.f32 v25, v24  }
0x211: {  	[tilespmem:$0x3020] =	vst v2  }
0x212: {  	s20 =	rddreg [dreg:$0x15];
	[tilespmem:$0x3030] =	vst v3  }
0x213: {  	[tilespmem:s17], [sflag:$0x1] =	stream.linear.gather [spmem:s20], $0x40, $0x38;
	[tilespmem:$0x3980] =	vst v63  }
0x214: {  	_ =	swait.ge [sflag:s14], $0x40  }
0x215: {  	[sflag:s14] =	ssyncset.done $0x0  }
0x216: {  	[sflag:s14] =	ssyncadd.s32 $0xFFFFFFC0  }
0x217: {  	v2 =	vld [tilespmem:$0x3080]  }
0x218: {  	v3 =	vld [tilespmem:$0x3100]  }
0x219: {  	v26 =	vld [tilespmem:$0x3090]  }
0x21a: {  	v27 =	vld [tilespmem:$0x3110]  }
0x21b: {  	v28 =	vld [tilespmem:$0x30A0]  }
0x21c: {  	v29 =	vld [tilespmem:$0x3120]  }
0x21d: {  	v30 =	vld [tilespmem:$0x30B0]  }
0x21e: {  	v31 =	vld [tilespmem:$0x3130];
	_ =	sdelay $0x1  }
0x21f: {  	v2 =	vadd.f32 v3, v2  }
0x220: {  	v3 =	vadd.f32 v27, v26  }
0x221: {  	[tilespmem:$0x3080] =	vst v2;
	v2 =	vadd.f32 v29, v28  }
0x222: {  	[tilespmem:$0x3090] =	vst v3;
	v3 =	vadd.f32 v31, v30  }
0x223: {  	[tilespmem:$0x30A0] =	vst v2  }
0x224: {  	s20 =	rddreg [dreg:$0x16];
	[tilespmem:$0x30B0] =	vst v3  }
0x225: {  	[tilespmem:s17], [sflag:$0x1] =	stream.linear.gather [spmem:s20], $0x40, $0x38;
	[tilespmem:$0x3980] =	vst v63  }
0x226: {  	_ =	swait.ge [sflag:s14], $0x40  }
0x227: {  	[sflag:s14] =	ssyncset.done $0x0  }
0x228: {  	[sflag:s14] =	ssyncadd.s32 $0xFFFFFFC0  }
0x229: {  	v2 =	vld [tilespmem:$0x3000]  }
0x22a: {  	v3 =	vld [tilespmem:$0x3100]  }
0x22b: {  	v32 =	vld [tilespmem:$0x3010]  }
0x22c: {  	v33 =	vld [tilespmem:$0x3110]  }
0x22d: {  	v34 =	vld [tilespmem:$0x3020]  }
0x22e: {  	v35 =	vld [tilespmem:$0x3120]  }
0x22f: {  	v36 =	vld [tilespmem:$0x3030]  }
0x230: {  	v37 =	vld [tilespmem:$0x3130];
	_ =	sdelay $0x1  }
0x231: {  	v2 =	vadd.f32 v3, v2  }
0x232: {  	v3 =	vadd.f32 v33, v32  }
0x233: {  	[tilespmem:$0x3000] =	vst v2;
	v2 =	vadd.f32 v35, v34  }
0x234: {  	[tilespmem:$0x3010] =	vst v3;
	v3 =	vadd.f32 v37, v36  }
0x235: {  	[tilespmem:$0x3020] =	vst v2  }
0x236: {  	[tilespmem:$0x3030] =	vst v3  }
0x237: {  	[tilespmem:s17], [sflag:$0x1] =	stream.linear.gather [spmem:s21], $0x40, $0x38;
	[tilespmem:$0x3980] =	vst v63  }
0x238: {  	_ =	swait.ge [sflag:s14], $0x40  }
0x239: {  	[sflag:s14] =	ssyncset.done $0x0  }
0x23a: {  	[sflag:s14] =	ssyncadd.s32 $0xFFFFFFC0  }
0x23b: {  	v2 =	vld [tilespmem:$0x3080]  }
0x23c: {  	v3 =	vld [tilespmem:$0x3100]  }
0x23d: {  	v38 =	vld [tilespmem:$0x3090]  }
0x23e: {  	v39 =	vld [tilespmem:$0x3110]  }
0x23f: {  	v40 =	vld [tilespmem:$0x30A0]  }
0x240: {  	v41 =	vld [tilespmem:$0x3120]  }
0x241: {  	v42 =	vld [tilespmem:$0x30B0]  }
0x242: {  	v43 =	vld [tilespmem:$0x3130];
	_ =	sdelay $0x1  }
0x243: {  	v2 =	vadd.f32 v3, v2  }
0x244: {  	v3 =	vadd.f32 v39, v38  }
0x245: {  	[tilespmem:$0x3080] =	vst v2;
	v2 =	vadd.f32 v41, v40  }
0x246: {  	[tilespmem:$0x3090] =	vst v3;
	v3 =	vadd.f32 v43, v42  }
0x247: {  	[tilespmem:$0x30A0] =	vst v2  }
0x248: {  	[tilespmem:$0x30B0] =	vst v3  }
0x249: {  	[tilespmem:s17], [sflag:$0x1] =	stream.linear.gather [spmem:s22], $0x40, $0x38;
	[tilespmem:$0x3980] =	vst v63  }
0x24a: {  	_ =	swait.ge [sflag:s14], $0x40  }
0x24b: {  	[sflag:s14] =	ssyncset.done $0x0  }
0x24c: {  	[sflag:s14] =	ssyncadd.s32 $0xFFFFFFC0  }
0x24d: {  	v2 =	vld [tilespmem:$0x3000]  }
0x24e: {  	v3 =	vld [tilespmem:$0x3100]  }
0x24f: {  	v44 =	vld [tilespmem:$0x3010]  }
0x250: {  	v45 =	vld [tilespmem:$0x3110]  }
0x251: {  	v46 =	vld [tilespmem:$0x3020]  }
0x252: {  	v47 =	vld [tilespmem:$0x3120]  }
0x253: {  	v48 =	vld [tilespmem:$0x3030]  }
0x254: {  	v49 =	vld [tilespmem:$0x3130];
	_ =	sdelay $0x1  }
0x255: {  	v2 =	vadd.f32 v3, v2  }
0x256: {  	v3 =	vadd.f32 v45, v44  }
0x257: {  	[tilespmem:$0x3000] =	vst v2;
	v2 =	vadd.f32 v47, v46  }
0x258: {  	[tilespmem:$0x3010] =	vst v3;
	v3 =	vadd.f32 v49, v48  }
0x259: {  	[tilespmem:$0x3020] =	vst v2  }
0x25a: {  	[tilespmem:$0x3030] =	vst v3  }
0x25b: {  	[tilespmem:s17], [sflag:$0x1] =	stream.linear.gather [spmem:s23], $0x40, $0x38;
	[tilespmem:$0x3980] =	vst v63  }
0x25c: {  	_ =	swait.ge [sflag:s14], $0x40  }
0x25d: {  	[sflag:s14] =	ssyncset.done $0x0  }
0x25e: {  	[sflag:s14] =	ssyncadd.s32 $0xFFFFFFC0  }
0x25f: {  	v2 =	vld [tilespmem:$0x3080]  }
0x260: {  	v3 =	vld [tilespmem:$0x3100]  }
0x261: {  	v50 =	vld [tilespmem:$0x3090]  }
0x262: {  	v51 =	vld [tilespmem:$0x3110]  }
0x263: {  	v52 =	vld [tilespmem:$0x30A0]  }
0x264: {  	v53 =	vld [tilespmem:$0x3120]  }
0x265: {  	v54 =	vld [tilespmem:$0x30B0]  }
0x266: {  	v55 =	vld [tilespmem:$0x3130];
	_ =	sdelay $0x1  }
0x267: {  	v2 =	vadd.f32 v3, v2  }
0x268: {  	v3 =	vadd.f32 v51, v50  }
0x269: {  	[tilespmem:$0x3080] =	vst v2;
	v2 =	vadd.f32 v53, v52  }
0x26a: {  	[tilespmem:$0x3090] =	vst v3;
	v3 =	vadd.f32 v55, v54  }
0x26b: {  	[tilespmem:$0x30A0] =	vst v2  }
0x26c: {  	[tilespmem:$0x30B0] =	vst v3  }
0x26d: {  	[tilespmem:s17], [sflag:$0x1] =	stream.linear.gather [spmem:s24], $0x40, $0x38;
	[tilespmem:$0x3980] =	vst v63  }
0x26e: {  	_ =	swait.ge [sflag:s14], $0x40  }
0x26f: {  	[sflag:s14] =	ssyncset.done $0x0  }
0x270: {  	[sflag:s14] =	ssyncadd.s32 $0xFFFFFFC0  }
0x271: {  	v2 =	vld [tilespmem:$0x3000]  }
0x272: {  	v3 =	vld [tilespmem:$0x3100]  }
0x273: {  	v56 =	vld [tilespmem:$0x3010]  }
0x274: {  	v57 =	vld [tilespmem:$0x3110]  }
0x275: {  	v58 =	vld [tilespmem:$0x3020]  }
0x276: {  	v59 =	vld [tilespmem:$0x3120]  }
0x277: {  	v60 =	vld [tilespmem:$0x3030]  }
0x278: {  	v61 =	vld [tilespmem:$0x3130];
	_ =	sdelay $0x1  }
0x279: {  	v2 =	vadd.f32 v3, v2  }
0x27a: {  	v3 =	vadd.f32 v57, v56  }
0x27b: {  	[tilespmem:$0x3000] =	vst v2;
	v2 =	vadd.f32 v59, v58  }
0x27c: {  	[tilespmem:$0x3010] =	vst v3;
	v3 =	vadd.f32 v61, v60  }
0x27d: {  	[tilespmem:$0x3020] =	vst v2  }
0x27e: {  	[tilespmem:$0x3030] =	vst v3  }
0x27f: {  	[tilespmem:s17], [sflag:$0x1] =	stream.linear.gather [spmem:s25], $0x40, $0x38;
	[tilespmem:$0x3980] =	vst v63  }
0x280: {  	_ =	swait.ge [sflag:s14], $0x40  }
0x281: {  	[sflag:s14] =	ssyncset.done $0x0  }
0x282: {  	[sflag:s14] =	ssyncadd.s32 $0xFFFFFFC0  }
0x283: {  	v2 =	vld [tilespmem:$0x3080]  }
0x284: {  	v3 =	vld [tilespmem:$0x3100]  }
0x285: {  	v62 =	vld [tilespmem:$0x3090]  }
0x286: {  	v63 =	vld [tilespmem:$0x3110]  }
0x287: {  	v12 =	vld [tilespmem:$0x30A0]  }
0x288: {  	v13 =	vld [tilespmem:$0x3120]  }
0x289: {  	v14 =	vld [tilespmem:$0x30B0]  }
0x28a: {  	v15 =	vld [tilespmem:$0x3130];
	_ =	sdelay $0x1  }
0x28b: {  	v2 =	vadd.f32 v3, v2  }
0x28c: {  	v3 =	vadd.f32 v63, v62  }
0x28d: {  	[tilespmem:$0x3080] =	vst v2;
	v2 =	vadd.f32 v13, v12  }
0x28e: {  	[tilespmem:$0x3090] =	vst v3;
	v3 =	vadd.f32 v15, v14  }
0x28f: {  	[tilespmem:$0x30A0] =	vst v2  }
0x290: {  	[tilespmem:$0x30B0] =	vst v3  }
0x291: {  	[tilespmem:s17], [sflag:$0x1] =	stream.linear.gather [spmem:s26], $0x40, $0x38;
	[tilespmem:$0x3980] =	vst v63  }
0x292: {  	_ =	swait.ge [sflag:s14], $0x40  }
0x293: {  	[sflag:s14] =	ssyncset.done $0x0  }
0x294: {  	[sflag:s14] =	ssyncadd.s32 $0xFFFFFFC0  }
0x295: {  	v2 =	vld [tilespmem:$0x3000]  }
0x296: {  	v3 =	vld [tilespmem:$0x3100]  }
0x297: {  	v16 =	vld [tilespmem:$0x3010]  }
0x298: {  	v17 =	vld [tilespmem:$0x3110]  }
0x299: {  	v18 =	vld [tilespmem:$0x3020]  }
0x29a: {  	v19 =	vld [tilespmem:$0x3120]  }
0x29b: {  	v20 =	vld [tilespmem:$0x3030]  }
0x29c: {  	v21 =	vld [tilespmem:$0x3130];
	_ =	sdelay $0x1  }
0x29d: {  	v2 =	vadd.f32 v3, v2  }
0x29e: {  	v3 =	vadd.f32 v17, v16  }
0x29f: {  	[tilespmem:$0x3000] =	vst v2;
	v2 =	vadd.f32 v19, v18  }
0x2a0: {  	[tilespmem:$0x3010] =	vst v3;
	v3 =	vadd.f32 v21, v20  }
0x2a1: {  	[tilespmem:$0x3020] =	vst v2  }
0x2a2: {  	[tilespmem:$0x3030] =	vst v3  }
0x2a3: {  	[tilespmem:s17], [sflag:$0x1] =	stream.linear.gather [spmem:s28], $0x40, $0x38;
	[tilespmem:$0x3980] =	vst v63  }
0x2a4: {  	_ =	swait.ge [sflag:s14], $0x40  }
0x2a5: {  	[sflag:s14] =	ssyncset.done $0x0  }
0x2a6: {  	[sflag:s14] =	ssyncadd.s32 $0xFFFFFFC0  }
0x2a7: {  	v2 =	vld [tilespmem:$0x3080]  }
0x2a8: {  	v3 =	vld [tilespmem:$0x3100]  }
0x2a9: {  	v22 =	vld [tilespmem:$0x3090]  }
0x2aa: {  	v23 =	vld [tilespmem:$0x3110]  }
0x2ab: {  	v24 =	vld [tilespmem:$0x30A0]  }
0x2ac: {  	v25 =	vld [tilespmem:$0x3120]  }
0x2ad: {  	v26 =	vld [tilespmem:$0x30B0]  }
0x2ae: {  	v27 =	vld [tilespmem:$0x3130];
	_ =	sdelay $0x1  }
0x2af: {  	v2 =	vadd.f32 v3, v2  }
0x2b0: {  	v3 =	vadd.f32 v23, v22  }
0x2b1: {  	[tilespmem:$0x3080] =	vst v2;
	v2 =	vadd.f32 v25, v24  }
0x2b2: {  	[tilespmem:$0x3090] =	vst v3;
	v3 =	vadd.f32 v27, v26  }
0x2b3: {  	[tilespmem:$0x30A0] =	vst v2  }
0x2b4: {  	[tilespmem:$0x30B0] =	vst v3  }
0x2b5: {  	[tilespmem:s17], [sflag:$0x1] =	stream.linear.gather [spmem:s29], $0x40, $0x38;
	[tilespmem:$0x3980] =	vst v63  }
0x2b6: {  	_ =	swait.ge [sflag:s14], $0x40  }
0x2b7: {  	[sflag:s14] =	ssyncset.done $0x0  }
0x2b8: {  	[sflag:s14] =	ssyncadd.s32 $0xFFFFFFC0  }
0x2b9: {  	v2 =	vld [tilespmem:$0x3000]  }
0x2ba: {  	v3 =	vld [tilespmem:$0x3100]  }
0x2bb: {  	v28 =	vld [tilespmem:$0x3010]  }
0x2bc: {  	v29 =	vld [tilespmem:$0x3110]  }
0x2bd: {  	v30 =	vld [tilespmem:$0x3020]  }
0x2be: {  	v31 =	vld [tilespmem:$0x3120]  }
0x2bf: {  	v32 =	vld [tilespmem:$0x3030]  }
0x2c0: {  	v33 =	vld [tilespmem:$0x3130];
	_ =	sdelay $0x1  }
0x2c1: {  	v2 =	vadd.f32 v3, v2  }
0x2c2: {  	v3 =	vadd.f32 v29, v28  }
0x2c3: {  	[tilespmem:$0x3000] =	vst v2;
	v2 =	vadd.f32 v31, v30  }
0x2c4: {  	[tilespmem:$0x3010] =	vst v3;
	v3 =	vadd.f32 v33, v32  }
0x2c5: {  	[tilespmem:$0x3020] =	vst v2  }
0x2c6: {  	[tilespmem:$0x3030] =	vst v3  }
0x2c7: {  	[tilespmem:s17], [sflag:$0x1] =	stream.linear.gather [spmem:s30], $0x40, $0x38;
	[tilespmem:$0x3980] =	vst v63  }
0x2c8: {  	_ =	swait.ge [sflag:s14], $0x40  }
0x2c9: {  	[sflag:s14] =	ssyncset.done $0x0  }
0x2ca: {  	[sflag:s14] =	ssyncadd.s32 $0xFFFFFFC0  }
0x2cb: {  	v2 =	vld [tilespmem:$0x3080]  }
0x2cc: {  	v3 =	vld [tilespmem:$0x3100]  }
0x2cd: {  	v34 =	vld [tilespmem:$0x3090]  }
0x2ce: {  	v35 =	vld [tilespmem:$0x3110]  }
0x2cf: {  	v36 =	vld [tilespmem:$0x30A0]  }
0x2d0: {  	v37 =	vld [tilespmem:$0x3120]  }
0x2d1: {  	v38 =	vld [tilespmem:$0x30B0]  }
0x2d2: {  	v39 =	vld [tilespmem:$0x3130];
	_ =	sdelay $0x1  }
0x2d3: {  	v2 =	vadd.f32 v3, v2  }
0x2d4: {  	v3 =	vadd.f32 v35, v34  }
0x2d5: {  	[tilespmem:$0x3080] =	vst v2;
	v2 =	vadd.f32 v37, v36  }
0x2d6: {  	[tilespmem:$0x3090] =	vst v3;
	v3 =	vadd.f32 v39, v38  }
0x2d7: {  	[tilespmem:$0x30A0] =	vst v2  }
0x2d8: {  	[tilespmem:$0x30B0] =	vst v3  }
0x2d9: {  	[tilespmem:s17], [sflag:$0x1] =	stream.linear.gather [spmem:s2], $0x40, $0x38;
	[tilespmem:$0x3980] =	vst v63  }
0x2da: {  	_ =	swait.ge [sflag:s14], $0x40  }
0x2db: {  	[sflag:s14] =	ssyncset.done $0x0  }
0x2dc: {  	[sflag:s14] =	ssyncadd.s32 $0xFFFFFFC0  }
0x2dd: {  	v2 =	vld [tilespmem:$0x3000]  }
0x2de: {  	v3 =	vld [tilespmem:$0x3100]  }
0x2df: {  	v40 =	vld [tilespmem:$0x3010]  }
0x2e0: {  	v41 =	vld [tilespmem:$0x3110]  }
0x2e1: {  	v42 =	vld [tilespmem:$0x3020]  }
0x2e2: {  	v43 =	vld [tilespmem:$0x3120]  }
0x2e3: {  	v44 =	vld [tilespmem:$0x3030]  }
0x2e4: {  	v45 =	vld [tilespmem:$0x3130];
	_ =	sdelay $0x1  }
0x2e5: {  	v2 =	vadd.f32 v3, v2  }
0x2e6: {  	v3 =	vadd.f32 v41, v40  }
0x2e7: {  	[tilespmem:$0x3000] =	vst v2;
	v2 =	vadd.f32 v43, v42  }
0x2e8: {  	[tilespmem:$0x3010] =	vst v3;
	v3 =	vadd.f32 v45, v44  }
0x2e9: {  	[tilespmem:$0x3020] =	vst v2  }
0x2ea: {  	[tilespmem:$0x3030] =	vst v3  }
0x2eb: {  	[tilespmem:s17], [sflag:$0x1] =	stream.linear.gather [spmem:s3], $0x40, $0x38;
	[tilespmem:$0x3980] =	vst v63  }
0x2ec: {  	_ =	swait.ge [sflag:s14], $0x40  }
0x2ed: {  	[sflag:s14] =	ssyncset.done $0x0  }
0x2ee: {  	[sflag:s14] =	ssyncadd.s32 $0xFFFFFFC0  }
0x2ef: {  	v2 =	vld [tilespmem:$0x3080]  }
0x2f0: {  	v3 =	vld [tilespmem:$0x3100]  }
0x2f1: {  	v46 =	vld [tilespmem:$0x3090]  }
0x2f2: {  	v47 =	vld [tilespmem:$0x3110]  }
0x2f3: {  	v48 =	vld [tilespmem:$0x30A0]  }
0x2f4: {  	v49 =	vld [tilespmem:$0x3120]  }
0x2f5: {  	v50 =	vld [tilespmem:$0x30B0]  }
0x2f6: {  	v51 =	vld [tilespmem:$0x3130];
	_ =	sdelay $0x1  }
0x2f7: {  	v2 =	vadd.f32 v3, v2  }
0x2f8: {  	v3 =	vadd.f32 v47, v46  }
0x2f9: {  	[tilespmem:$0x3080] =	vst v2;
	v2 =	vadd.f32 v49, v48  }
0x2fa: {  	[tilespmem:$0x3090] =	vst v3;
	v3 =	vadd.f32 v51, v50  }
0x2fb: {  	[tilespmem:$0x30A0] =	vst v2  }
0x2fc: {  	[tilespmem:$0x30B0] =	vst v3  }
0x2fd: {  	[tilespmem:s17], [sflag:$0x1] =	stream.linear.gather [spmem:s4], $0x40, $0x38;
	[tilespmem:$0x3980] =	vst v63  }
0x2fe: {  	_ =	swait.ge [sflag:s14], $0x40  }
0x2ff: {  	[sflag:s14] =	ssyncset.done $0x0  }
0x300: {  	[sflag:s14] =	ssyncadd.s32 $0xFFFFFFC0  }
0x301: {  	v2 =	vld [tilespmem:$0x3000]  }
0x302: {  	v3 =	vld [tilespmem:$0x3100]  }
0x303: {  	v52 =	vld [tilespmem:$0x3010]  }
0x304: {  	v53 =	vld [tilespmem:$0x3110]  }
0x305: {  	v54 =	vld [tilespmem:$0x3020]  }
0x306: {  	v55 =	vld [tilespmem:$0x3120]  }
0x307: {  	v56 =	vld [tilespmem:$0x3030]  }
0x308: {  	v57 =	vld [tilespmem:$0x3130];
	_ =	sdelay $0x1  }
0x309: {  	v2 =	vadd.f32 v3, v2  }
0x30a: {  	v3 =	vadd.f32 v53, v52  }
0x30b: {  	[tilespmem:$0x3000] =	vst v2;
	v2 =	vadd.f32 v55, v54  }
0x30c: {  	[tilespmem:$0x3010] =	vst v3;
	v3 =	vadd.f32 v57, v56  }
0x30d: {  	[tilespmem:$0x3020] =	vst v2  }
0x30e: {  	[tilespmem:$0x3030] =	vst v3  }
0x30f: {  	[tilespmem:s17], [sflag:$0x1] =	stream.linear.gather [spmem:s5], $0x40, $0x38;
	[tilespmem:$0x3980] =	vst v63  }
0x310: {  	_ =	swait.ge [sflag:s14], $0x40  }
0x311: {  	[sflag:s14] =	ssyncset.done $0x0  }
0x312: {  	[sflag:s14] =	ssyncadd.s32 $0xFFFFFFC0  }
0x313: {  	v2 =	vld [tilespmem:$0x3080]  }
0x314: {  	v3 =	vld [tilespmem:$0x3100]  }
0x315: {  	v58 =	vld [tilespmem:$0x3090]  }
0x316: {  	v59 =	vld [tilespmem:$0x3110]  }
0x317: {  	v60 =	vld [tilespmem:$0x30A0]  }
0x318: {  	v61 =	vld [tilespmem:$0x3120]  }
0x319: {  	v62 =	vld [tilespmem:$0x30B0]  }
0x31a: {  	v63 =	vld [tilespmem:$0x3130];
	_ =	sdelay $0x1  }
0x31b: {  	v2 =	vadd.f32 v3, v2  }
0x31c: {  	v3 =	vadd.f32 v59, v58  }
0x31d: {  	[tilespmem:$0x3080] =	vst v2;
	v2 =	vadd.f32 v61, v60  }
0x31e: {  	[tilespmem:$0x3090] =	vst v3;
	v3 =	vadd.f32 v63, v62  }
0x31f: {  	[tilespmem:$0x30A0] =	vst v2  }
0x320: {  	s20 =	simm.s32 $0x3000;
	[tilespmem:$0x30B0] =	vst v3  }
0x321: {  	[hbm4b:s11+s1] =	stream.linear.scatter [tilespmem:s20], [sflag:$0x1], $0x40, $0x38;
	[tilespmem:$0x3980] =	vst v63  }
0x322: {  	s18 =	sadd.s32 $0x1, s18;
	_ =	swait.ge [sflag:s14], $0x40  }
0x323: {  	p0 =	sne.s32 s18, s13;
	[sflag:s14] =	ssyncset.done $0x0  }
.Ltmp1:
0x324: {  	s20 =	simm.s32 $0x3080;
	[sflag:s14] =	ssyncadd.s32 $0xFFFFFFC0;
	(pc) =	sbr.rel @p0 .LBB2_1-.Ltmp1, $4  }
0x325: {  	[hbm4b:s12+s1] =	stream.linear.scatter [tilespmem:s20], [sflag:$0x1], $0x40, $0x38;
	[tilespmem:$0x3980] =	vst v63  }
0x326: {  	_ =	swait.ge [sflag:s14], $0x40  }
0x327: {  	[sflag:s14] =	ssyncset.done $0x0  }
0x328: {  	[sflag:s14] =	ssyncadd.s32 $0xFFFFFFC0  }
0x329: {  	_ =	sfence.sel $0x180000  }
0x32a: {  	[bflag:$0x0] =	sbarrier.arrive $0xFFFF  }
0x32b: {  	_ =	strace $0x90000050  }
0x32c: {  	s0 =	stileid.u32;
	[bflag:$0x2] =	sbarrier.arrive $0xFFFF  }
0x32d: {  	p0 =	sne.s32 s0, $0x0;
	s0 =	rddreg [dreg:$0x3]  }
0x32e: {  	s0 =	sadd.s32 @!p0 $0x100000, s0  }
0x32f: {  	[sflag:s0] =	ssyncadd.tile.s32 @!p0 $0x1;
	_ =	shalt  }
.Lfunc_end2:
_tile_overlayer_lowered:
.L_overlay_start_2:
0x330: {  	(tag) =	ssettag $0x2  }
0x331: {  	s0 =	rddreg [dreg:$0x0];
	s2 =	stileid.u32  }
0x332: {  	s1 =	rddreg [dreg:$0x1];
	p0 =	sne.s32 s2, $0x0  }
0x333: {  	s3 =	rddreg [dreg:$0x2];
	[bflag:$0x3] =	sbarrier.arrive $0xFFFF;
	s2 =	simm.s32 @!p0 $0x1C01  }
0x334: {  	[timem:s3], [sflag:s2] =	dma.local @!p0 [hbm:s0], s1  }
0x335: {  	s0 =	simm.s32 @!p0 $0x1  }
0x336: {  	_ =	swait.ge @!p0 [sflag:s0], s1  }
0x337: {  	s1 =	ssub.s32 @!p0 $0x0, s1;
	[sflag:s0] =	ssyncset.done @!p0 $0x0  }
0x338: {  	[sflag:s0] =	ssyncadd.s32 @!p0 s1  }
0x339: {  	[bflag:$0x3] =	sbarrier.arrive $0xFFFF  }
0x33a: {  	_ =	shalt  }

</sc_bundles>
